<compile_context>
chip_gen: v7x
topology: tpu7x:2x2x1
jax: 0.10.2.dev20260603
libtpu: 0.0.44.dev20260713+nightly
codegen_flags: <defaults>
</compile_context>

<pallas_src>
import functools

import jax
import jax.numpy as jnp
from jax import lax
from jax.experimental import pallas as pl
from jax.experimental.pallas import tpu as pltpu
from jax.experimental.pallas import tpu_sc as plsc

VOCAB = 100000
DIM = 128
SEQ = 200
BATCH = 1024

NC = 2
NS = 16
NW = NC * NS

BLOCK = 64
N_FLAT = SEQ * BATCH
NUM_BLOCKS = N_FLAT // BLOCK
BLOCKS_PER_W = NUM_BLOCKS // NW
BLOCKS_PER_L = BATCH // BLOCK
NBUF = 10
NGROUPS = BLOCKS_PER_W // NBUF
LANES = 16
NVEC = DIM // LANES
ROW_UNROLL = 2


def _emb_body(src_hbm, table_hbm, pe_hbm, out_hbm, idx_v, pe_v, rows_v, *sems):
    gsems = sems[:NBUF]
    ssems = sems[NBUF:]
    c = lax.axis_index("c")
    s = lax.axis_index("s")
    w = s * NC + c

    pltpu.sync_copy(src_hbm.at[w], idx_v)
    pltpu.sync_copy(pe_hbm, pe_v)

    first_blk = w * BLOCKS_PER_W

    def gather_descr(j, b):
        return pltpu.make_async_copy(
            table_hbm.at[idx_v.at[j]], rows_v.at[b], gsems[b])

    def scatter_descr(j, b):
        out_base = (first_blk + j) * BLOCK
        return pltpu.make_async_copy(
            rows_v.at[b], out_hbm.at[pl.ds(out_base, BLOCK)], ssems[b])

    def group(g, carry):
        base = g * NBUF
        for b in range(NBUF):
            j = base + b

            @pl.when(g > 0)
            def _wait_prev_scatter():
                scatter_descr(j - NBUF, b).wait()

            gather_descr(j, b).start()

        for b in range(NBUF):
            j = base + b
            gather_descr(j, b).wait()

            l = (first_blk + j) // BLOCKS_PER_L
            pe_vecs = [pe_v[l, pl.ds(d * LANES, LANES)] for d in range(NVEC)]

            def row_body(r, acc, b=b, pe_vecs=pe_vecs):
                for u in range(ROW_UNROLL):
                    for d in range(NVEC):
                        plsc.addupdate(
                            rows_v.at[b, r * ROW_UNROLL + u,
                                      pl.ds(d * LANES, LANES)], pe_vecs[d])
                return acc

            lax.fori_loop(0, BLOCK // ROW_UNROLL, row_body, 0)
            scatter_descr(j, b).start()
        return carry

    lax.fori_loop(0, NGROUPS, group, 0)
    for b in range(NBUF):
        scatter_descr((NGROUPS - 1) * NBUF + b, b).wait()


def _positional_encoding_const():
    positions = jnp.arange(SEQ, dtype=jnp.float32)[:, None]
    i = jnp.arange(DIM, dtype=jnp.float32)
    div_term = 1.0 / jnp.power(10000.0, (2.0 * i) / DIM)
    angles = positions * div_term[None, :]
    even_mask = (jnp.arange(DIM) % 2 == 0)
    return jnp.where(even_mask[None, :], jnp.sin(angles), jnp.cos(angles))


@functools.partial(
    pl.kernel,
    out_type=jax.ShapeDtypeStruct((N_FLAT, DIM), jnp.float32),
    mesh=plsc.VectorSubcoreMesh(core_axis_name="c", subcore_axis_name="s"),
    scratch_types=[
        pltpu.VMEM((BLOCKS_PER_W, BLOCK), jnp.int32),
        pltpu.VMEM((SEQ, DIM), jnp.float32),
        pltpu.VMEM((NBUF, BLOCK, DIM), jnp.float32),
    ] + [pltpu.SemaphoreType.DMA] * (2 * NBUF),
)
def _emb_sc_kernel(src_hbm, table_hbm, pe_hbm, out_hbm, *scratch):
    _emb_body(src_hbm, table_hbm, pe_hbm, out_hbm, *scratch)


def kernel(src, table):
    idx = src.reshape(NW, BLOCKS_PER_W, BLOCK)
    pe = _positional_encoding_const()
    out = _emb_sc_kernel(idx, table, pe)
    return out.reshape(SEQ, BATCH, DIM)

# --- scband reference (transcript-rebuilt; emitter-appended) ---
"""Pipeline reference for scband-embeddings-64982855188564 (READ-ONLY COPY).

The authoritative reference and input builder live on the scoring server;
editing this copy changes nothing except your own understanding.
"""

import jax, jax.numpy as jnp
import numpy as np

VOCAB = 100000
DIM = 128
SEQ = 200
BATCH = 1024


def _positional_encoding(L, dim):
    # Faithful to the module's PositionalEncoding construction:
    # pe[pos, i] = pos * (1 / 10000**((2*i)/dim)), then sin on even i, cos on odd i
    positions = jnp.arange(L, dtype=jnp.float32)[:, None]            # [L, 1]
    i = jnp.arange(dim, dtype=jnp.float32)                            # [dim]
    div_term = 1.0 / jnp.power(10000.0, (2.0 * i) / dim)              # [dim]
    angles = positions * div_term[None, :]                            # [L, dim]
    even_mask = (jnp.arange(dim) % 2 == 0)
    pe = jnp.where(even_mask[None, :], jnp.sin(angles), jnp.cos(angles))
    return pe                                                          # [L, dim]


def setup_inputs(seed: int = 0) -> dict:
    key = jax.random.key(seed)
    k1, k2 = jax.random.split(key)
    src = jax.random.randint(k1, (SEQ, BATCH, 1), 0, VOCAB, dtype=jnp.int32)
    table = jax.random.normal(k2, (VOCAB, DIM), dtype=jnp.float32)
    # padding_idx=0 -> row 0 is zeros at init (nn.Embedding behavior)
    table = table.at[0].set(0.0)
    return {"src": src, "table": table}


def reference(src, table):
    # Elementwise('concat', [emb]) on [L, B, 1]: split last dim, squeeze, lookup -> [L, B, dim]
    idx = src[..., 0]                       # [L, B]
    emb = jnp.take(table, idx, axis=0)      # [L, B, dim] (gather)
    L = emb.shape[0]
    pe = _positional_encoding(L, DIM)       # [L, dim]
    # pe[:L, :1, :dim] broadcast-add over batch; dropout p=0 is identity
    emb = emb + pe[:, None, :]
    return emb

if __name__ == "__main__":
    import jax
    _d = setup_inputs()
    print(jax.jit(kernel)(*tuple(_d.values())))

</pallas_src>

<mosaic_0001>
#map = affine_map<(d0, d1) -> (0, 0, 0)>
#map1 = affine_map<(d0, d1) -> (0, 0)>
module attributes {stable_mosaic.version = 14 : i64} {
  func.func @_emb_sc_kernel(%arg0: i32, %arg1: i32, %arg2: memref<32x100x64xi32, #tpu.memory_space<hbm>>, %arg3: memref<100000x128xf32, #tpu.memory_space<hbm>>, %arg4: memref<200x128xf32, #tpu.memory_space<hbm>>, %arg5: memref<204800x128xf32, #tpu.memory_space<hbm>>, %arg6: memref<100x64xi32, #tpu.memory_space<vmem>>, %arg7: memref<200x128xf32, #tpu.memory_space<vmem>>, %arg8: memref<10x64x128xf32, #tpu.memory_space<vmem>>, %arg9: memref<!tpu.dma_semaphore, #tpu.memory_space<semaphore_mem>>, %arg10: memref<!tpu.dma_semaphore, #tpu.memory_space<semaphore_mem>>, %arg11: memref<!tpu.dma_semaphore, #tpu.memory_space<semaphore_mem>>, %arg12: memref<!tpu.dma_semaphore, #tpu.memory_space<semaphore_mem>>, %arg13: memref<!tpu.dma_semaphore, #tpu.memory_space<semaphore_mem>>, %arg14: memref<!tpu.dma_semaphore, #tpu.memory_space<semaphore_mem>>, %arg15: memref<!tpu.dma_semaphore, #tpu.memory_space<semaphore_mem>>, %arg16: memref<!tpu.dma_semaphore, #tpu.memory_space<semaphore_mem>>, %arg17: memref<!tpu.dma_semaphore, #tpu.memory_space<semaphore_mem>>, %arg18: memref<!tpu.dma_semaphore, #tpu.memory_space<semaphore_mem>>, %arg19: memref<!tpu.dma_semaphore, #tpu.memory_space<semaphore_mem>>, %arg20: memref<!tpu.dma_semaphore, #tpu.memory_space<semaphore_mem>>, %arg21: memref<!tpu.dma_semaphore, #tpu.memory_space<semaphore_mem>>, %arg22: memref<!tpu.dma_semaphore, #tpu.memory_space<semaphore_mem>>, %arg23: memref<!tpu.dma_semaphore, #tpu.memory_space<semaphore_mem>>, %arg24: memref<!tpu.dma_semaphore, #tpu.memory_space<semaphore_mem>>, %arg25: memref<!tpu.dma_semaphore, #tpu.memory_space<semaphore_mem>>, %arg26: memref<!tpu.dma_semaphore, #tpu.memory_space<semaphore_mem>>, %arg27: memref<!tpu.dma_semaphore, #tpu.memory_space<semaphore_mem>>, %arg28: memref<!tpu.dma_semaphore, #tpu.memory_space<semaphore_mem>>) attributes {dimension_semantics = [#tpu.dimension_semantics<core_parallel>, #tpu.dimension_semantics<subcore_parallel>], iteration_bounds = array<i64: 2, 16>, scalar_prefetch = 0 : i64, scratch_operands = 23 : i64, tpu.core_type = #tpu.core_type<sc_vector_subcore>, window_params = [{transform_indices = #map}, {transform_indices = #map1}, {transform_indices = #map1}, {transform_indices = #map1}]} {
    %mul3A = arith.constant 2 : i32
    %mul3A_0 = arith.muli %arg1, %mul3A : i32
    %add3A = arith.addi %mul3A_0, %arg0 : i32
    "tpu.region"() ({
      %run_scoped3A = tpu.sem_alloc : memref<!tpu.dma_semaphore, #tpu.memory_space<semaphore_mem>>
      %dma_start3A = arith.constant 0 : i32
      %dma_start3A_177 = arith.constant 0 : i32
      %dma_start3A_178 = tpu.memref_slice %arg2[%add3A, %dma_start3A, %dma_start3A_177] : memref<32x100x64xi32, #tpu.memory_space<hbm>> -> memref<1x100x64xi32, #tpu.memory_space<hbm>>
      %dma_start3A_179 = tpu.memref_squeeze %dma_start3A_178 : memref<1x100x64xi32, #tpu.memory_space<hbm>> -> memref<100x64xi32, #tpu.memory_space<hbm>>
      %dma_start3A_180 = arith.constant 0 : i32
      %dma_start3A_181 = arith.constant 0 : i32
      %dma_start3A_182 = tpu.memref_slice %arg2[%add3A, %dma_start3A_180, %dma_start3A_181] : memref<32x100x64xi32, #tpu.memory_space<hbm>> -> memref<1x100x64xi32, #tpu.memory_space<hbm>>
      %dma_start3A_183 = tpu.memref_squeeze %dma_start3A_182 : memref<1x100x64xi32, #tpu.memory_space<hbm>> -> memref<100x64xi32, #tpu.memory_space<hbm>>
      tpu.enqueue_dma source(%dma_start3A_183 : memref<100x64xi32, #tpu.memory_space<hbm>>) target(%arg6 : memref<100x64xi32, #tpu.memory_space<vmem>>) target_semaphore(%run_scoped3A : memref<!tpu.dma_semaphore, #tpu.memory_space<semaphore_mem>>)
      %dma_wait3A_184 = arith.constant 0 : i32
      %dma_wait3A_185 = arith.constant 0 : i32
      %dma_wait3A_186 = tpu.memref_slice %arg2[%add3A, %dma_wait3A_184, %dma_wait3A_185] : memref<32x100x64xi32, #tpu.memory_space<hbm>> -> memref<1x100x64xi32, #tpu.memory_space<hbm>>
      %dma_wait3A_187 = tpu.memref_squeeze %dma_wait3A_186 : memref<1x100x64xi32, #tpu.memory_space<hbm>> -> memref<100x64xi32, #tpu.memory_space<hbm>>
      %dma_wait3A_188 = arith.constant 0 : i32
      %dma_wait3A_189 = arith.constant 0 : i32
      %dma_wait3A_190 = tpu.memref_slice %arg2[%add3A, %dma_wait3A_188, %dma_wait3A_189] : memref<32x100x64xi32, #tpu.memory_space<hbm>> -> memref<1x100x64xi32, #tpu.memory_space<hbm>>
      %dma_wait3A_191 = tpu.memref_squeeze %dma_wait3A_190 : memref<1x100x64xi32, #tpu.memory_space<hbm>> -> memref<100x64xi32, #tpu.memory_space<hbm>>
      tpu.wait_dma2 semaphore(%run_scoped3A : memref<!tpu.dma_semaphore, #tpu.memory_space<semaphore_mem>>) src(%dma_wait3A_191 : memref<100x64xi32, #tpu.memory_space<hbm>>) dst(%arg6 : memref<100x64xi32, #tpu.memory_space<vmem>>)
      tpu.yield
    }) : () -> ()
    "tpu.region"() ({
      %run_scoped3A = tpu.sem_alloc : memref<!tpu.dma_semaphore, #tpu.memory_space<semaphore_mem>>
      tpu.enqueue_dma source(%arg4 : memref<200x128xf32, #tpu.memory_space<hbm>>) target(%arg7 : memref<200x128xf32, #tpu.memory_space<vmem>>) target_semaphore(%run_scoped3A : memref<!tpu.dma_semaphore, #tpu.memory_space<semaphore_mem>>)
      tpu.wait_dma2 semaphore(%run_scoped3A : memref<!tpu.dma_semaphore, #tpu.memory_space<semaphore_mem>>) src(%arg4 : memref<200x128xf32, #tpu.memory_space<hbm>>) dst(%arg7 : memref<200x128xf32, #tpu.memory_space<vmem>>)
      tpu.yield
    }) : () -> ()
    %mul3A_1 = arith.constant 100 : i32
    %mul3A_2 = arith.muli %add3A, %mul3A_1 : i32
    %scan3A = arith.constant 0 : i32
    %scan3A_3 = arith.constant 0 : i32
    %scan3A_4 = arith.constant 10 : i32
    %scan3A_5 = arith.addi %scan3A_3, %scan3A_4 : i32
    %scan3A_6 = arith.constant 1 : i32
    scf.for %scan3A_177 = %scan3A_3 to %scan3A_5 step %scan3A_6  : i32 {
      %mul3A_178 = arith.constant 10 : i32
      %mul3A_179 = arith.muli %scan3A_177, %mul3A_178 : i32
      %add3A_180 = arith.constant 0 : i32
      %add3A_181 = arith.addi %mul3A_179, %add3A_180 : i32
      %gt3A = arith.constant 0 : i32
      %gt3A_182 = arith.cmpi sgt, %scan3A_177, %gt3A : i32
      %convert_element_type3A = arith.extui %gt3A_182 : i1 to i32
      %cond3A = arith.constant 0 : i32
      %cond3A_183 = arith.cmpi ne, %convert_element_type3A, %cond3A : i32
      scf.if %cond3A_183 {
        %sub3A_1267 = arith.constant 10 : i32
        %sub3A_1268 = arith.subi %add3A_181, %sub3A_1267 : i32
        %add3A_1269 = arith.addi %mul3A_2, %sub3A_1268 : i32
        %mul3A_1270 = arith.constant 64 : i32
        %mul3A_1271 = arith.muli %add3A_1269, %mul3A_1270 : i32
        %dma_wait3A_1272 = arith.constant 0 : i32
        %dma_wait3A_1273 = arith.constant 0 : i32
        %dma_wait3A_1274 = arith.constant 0 : i32
        %dma_wait3A_1275 = tpu.memref_slice %arg8[%dma_wait3A_1272, %dma_wait3A_1273, %dma_wait3A_1274] : memref<10x64x128xf32, #tpu.memory_space<vmem>> -> memref<1x64x128xf32, #tpu.memory_space<vmem>>
        %dma_wait3A_1276 = tpu.memref_squeeze %dma_wait3A_1275 : memref<1x64x128xf32, #tpu.memory_space<vmem>> -> memref<64x128xf32, #tpu.memory_space<vmem>>
        %dma_wait3A_1277 = arith.constant 0 : i32
        %dma_wait3A_1278 = tpu.memref_slice %arg5[%mul3A_1271, %dma_wait3A_1277] : memref<204800x128xf32, #tpu.memory_space<hbm>> -> memref<64x128xf32, #tpu.memory_space<hbm>>
        %dma_wait3A_1279 = arith.constant 0 : i32
        %dma_wait3A_1280 = tpu.memref_slice %arg5[%mul3A_1271, %dma_wait3A_1279] : memref<204800x128xf32, #tpu.memory_space<hbm>> -> memref<64x128xf32, #tpu.memory_space<hbm>>
        %dma_wait3A_1281 = arith.constant 0 : i32
        %dma_wait3A_1282 = arith.constant 0 : i32
        %dma_wait3A_1283 = tpu.memref_slice %arg8[%dma_wait3A_1272, %dma_wait3A_1281, %dma_wait3A_1282] : memref<10x64x128xf32, #tpu.memory_space<vmem>> -> memref<1x64x128xf32, #tpu.memory_space<vmem>>
        %dma_wait3A_1284 = tpu.memref_squeeze %dma_wait3A_1283 : memref<1x64x128xf32, #tpu.memory_space<vmem>> -> memref<64x128xf32, #tpu.memory_space<vmem>>
        tpu.wait_dma2 semaphore(%arg19 : memref<!tpu.dma_semaphore, #tpu.memory_space<semaphore_mem>>) src(%dma_wait3A_1284 : memref<64x128xf32, #tpu.memory_space<vmem>>) dst(%dma_wait3A_1280 : memref<64x128xf32, #tpu.memory_space<hbm>>)
      } else {
      }
      %dma_start3A = arith.constant 0 : i32
      %dma_start3A_184 = arith.constant 0 : i32
      %dma_start3A_185 = arith.constant 0 : i32
      %dma_start3A_186 = tpu.memref_slice %arg8[%dma_start3A, %dma_start3A_184, %dma_start3A_185] : memref<10x64x128xf32, #tpu.memory_space<vmem>> -> memref<1x64x128xf32, #tpu.memory_space<vmem>>
      %dma_start3A_187 = tpu.memref_squeeze %dma_start3A_186 : memref<1x64x128xf32, #tpu.memory_space<vmem>> -> memref<64x128xf32, #tpu.memory_space<vmem>>
      %dma_start3A_188 = arith.constant 0 : i32
      %dma_start3A_189 = tpu.memref_slice %arg6[%add3A_181, %dma_start3A_188] : memref<100x64xi32, #tpu.memory_space<vmem>> -> memref<1x64xi32, #tpu.memory_space<vmem>>
      %dma_start3A_190 = tpu.memref_squeeze %dma_start3A_189 : memref<1x64xi32, #tpu.memory_space<vmem>> -> memref<64xi32, #tpu.memory_space<vmem>>
      %dma_start3A_191 = arith.constant 0 : i32
      %dma_start3A_192 = arith.constant 0 : i32
      %dma_start3A_193 = tpu.memref_slice %arg3[%dma_start3A_191, %dma_start3A_192] : memref<100000x128xf32, #tpu.memory_space<hbm>> -> memref<100000x128xf32, #tpu.memory_space<hbm>>
      tpu.enqueue_indirect_dma source(%dma_start3A_193 : memref<100000x128xf32, #tpu.memory_space<hbm>>) target(%dma_start3A_187 : memref<64x128xf32, #tpu.memory_space<vmem>>) offsets(%dma_start3A_190 : memref<64xi32, #tpu.memory_space<vmem>>) semaphore(%arg9 : memref<!tpu.dma_semaphore, #tpu.memory_space<semaphore_mem>>)
      %add3A_194 = arith.constant 1 : i32
      %add3A_195 = arith.addi %mul3A_179, %add3A_194 : i32
      %gt3A_196 = arith.constant 0 : i32
      %gt3A_197 = arith.cmpi sgt, %scan3A_177, %gt3A_196 : i32
      %convert_element_type3A_198 = arith.extui %gt3A_197 : i1 to i32
      %cond3A_199 = arith.constant 0 : i32
      %cond3A_200 = arith.cmpi ne, %convert_element_type3A_198, %cond3A_199 : i32
      scf.if %cond3A_200 {
        %sub3A_1267 = arith.constant 10 : i32
        %sub3A_1268 = arith.subi %add3A_195, %sub3A_1267 : i32
        %add3A_1269 = arith.addi %mul3A_2, %sub3A_1268 : i32
        %mul3A_1270 = arith.constant 64 : i32
        %mul3A_1271 = arith.muli %add3A_1269, %mul3A_1270 : i32
        %dma_wait3A_1272 = arith.constant 1 : i32
        %dma_wait3A_1273 = arith.constant 0 : i32
        %dma_wait3A_1274 = arith.constant 0 : i32
        %dma_wait3A_1275 = tpu.memref_slice %arg8[%dma_wait3A_1272, %dma_wait3A_1273, %dma_wait3A_1274] : memref<10x64x128xf32, #tpu.memory_space<vmem>> -> memref<1x64x128xf32, #tpu.memory_space<vmem>>
        %dma_wait3A_1276 = tpu.memref_squeeze %dma_wait3A_1275 : memref<1x64x128xf32, #tpu.memory_space<vmem>> -> memref<64x128xf32, #tpu.memory_space<vmem>>
        %dma_wait3A_1277 = arith.constant 0 : i32
        %dma_wait3A_1278 = tpu.memref_slice %arg5[%mul3A_1271, %dma_wait3A_1277] : memref<204800x128xf32, #tpu.memory_space<hbm>> -> memref<64x128xf32, #tpu.memory_space<hbm>>
        %dma_wait3A_1279 = arith.constant 0 : i32
        %dma_wait3A_1280 = tpu.memref_slice %arg5[%mul3A_1271, %dma_wait3A_1279] : memref<204800x128xf32, #tpu.memory_space<hbm>> -> memref<64x128xf32, #tpu.memory_space<hbm>>
        %dma_wait3A_1281 = arith.constant 0 : i32
        %dma_wait3A_1282 = arith.constant 0 : i32
        %dma_wait3A_1283 = tpu.memref_slice %arg8[%dma_wait3A_1272, %dma_wait3A_1281, %dma_wait3A_1282] : memref<10x64x128xf32, #tpu.memory_space<vmem>> -> memref<1x64x128xf32, #tpu.memory_space<vmem>>
        %dma_wait3A_1284 = tpu.memref_squeeze %dma_wait3A_1283 : memref<1x64x128xf32, #tpu.memory_space<vmem>> -> memref<64x128xf32, #tpu.memory_space<vmem>>
        tpu.wait_dma2 semaphore(%arg20 : memref<!tpu.dma_semaphore, #tpu.memory_space<semaphore_mem>>) src(%dma_wait3A_1284 : memref<64x128xf32, #tpu.memory_space<vmem>>) dst(%dma_wait3A_1280 : memref<64x128xf32, #tpu.memory_space<hbm>>)
      } else {
      }
      %dma_start3A_201 = arith.constant 1 : i32
      %dma_start3A_202 = arith.constant 0 : i32
      %dma_start3A_203 = arith.constant 0 : i32
      %dma_start3A_204 = tpu.memref_slice %arg8[%dma_start3A_201, %dma_start3A_202, %dma_start3A_203] : memref<10x64x128xf32, #tpu.memory_space<vmem>> -> memref<1x64x128xf32, #tpu.memory_space<vmem>>
      %dma_start3A_205 = tpu.memref_squeeze %dma_start3A_204 : memref<1x64x128xf32, #tpu.memory_space<vmem>> -> memref<64x128xf32, #tpu.memory_space<vmem>>
      %dma_start3A_206 = arith.constant 0 : i32
      %dma_start3A_207 = tpu.memref_slice %arg6[%add3A_195, %dma_start3A_206] : memref<100x64xi32, #tpu.memory_space<vmem>> -> memref<1x64xi32, #tpu.memory_space<vmem>>
      %dma_start3A_208 = tpu.memref_squeeze %dma_start3A_207 : memref<1x64xi32, #tpu.memory_space<vmem>> -> memref<64xi32, #tpu.memory_space<vmem>>
      %dma_start3A_209 = arith.constant 0 : i32
      %dma_start3A_210 = arith.constant 0 : i32
      %dma_start3A_211 = tpu.memref_slice %arg3[%dma_start3A_209, %dma_start3A_210] : memref<100000x128xf32, #tpu.memory_space<hbm>> -> memref<100000x128xf32, #tpu.memory_space<hbm>>
      tpu.enqueue_indirect_dma source(%dma_start3A_211 : memref<100000x128xf32, #tpu.memory_space<hbm>>) target(%dma_start3A_205 : memref<64x128xf32, #tpu.memory_space<vmem>>) offsets(%dma_start3A_208 : memref<64xi32, #tpu.memory_space<vmem>>) semaphore(%arg10 : memref<!tpu.dma_semaphore, #tpu.memory_space<semaphore_mem>>)
      %add3A_212 = arith.constant 2 : i32
      %add3A_213 = arith.addi %mul3A_179, %add3A_212 : i32
      %gt3A_214 = arith.constant 0 : i32
      %gt3A_215 = arith.cmpi sgt, %scan3A_177, %gt3A_214 : i32
      %convert_element_type3A_216 = arith.extui %gt3A_215 : i1 to i32
      %cond3A_217 = arith.constant 0 : i32
      %cond3A_218 = arith.cmpi ne, %convert_element_type3A_216, %cond3A_217 : i32
      scf.if %cond3A_218 {
        %sub3A_1267 = arith.constant 10 : i32
        %sub3A_1268 = arith.subi %add3A_213, %sub3A_1267 : i32
        %add3A_1269 = arith.addi %mul3A_2, %sub3A_1268 : i32
        %mul3A_1270 = arith.constant 64 : i32
        %mul3A_1271 = arith.muli %add3A_1269, %mul3A_1270 : i32
        %dma_wait3A_1272 = arith.constant 2 : i32
        %dma_wait3A_1273 = arith.constant 0 : i32
        %dma_wait3A_1274 = arith.constant 0 : i32
        %dma_wait3A_1275 = tpu.memref_slice %arg8[%dma_wait3A_1272, %dma_wait3A_1273, %dma_wait3A_1274] : memref<10x64x128xf32, #tpu.memory_space<vmem>> -> memref<1x64x128xf32, #tpu.memory_space<vmem>>
        %dma_wait3A_1276 = tpu.memref_squeeze %dma_wait3A_1275 : memref<1x64x128xf32, #tpu.memory_space<vmem>> -> memref<64x128xf32, #tpu.memory_space<vmem>>
        %dma_wait3A_1277 = arith.constant 0 : i32
        %dma_wait3A_1278 = tpu.memref_slice %arg5[%mul3A_1271, %dma_wait3A_1277] : memref<204800x128xf32, #tpu.memory_space<hbm>> -> memref<64x128xf32, #tpu.memory_space<hbm>>
        %dma_wait3A_1279 = arith.constant 0 : i32
        %dma_wait3A_1280 = tpu.memref_slice %arg5[%mul3A_1271, %dma_wait3A_1279] : memref<204800x128xf32, #tpu.memory_space<hbm>> -> memref<64x128xf32, #tpu.memory_space<hbm>>
        %dma_wait3A_1281 = arith.constant 0 : i32
        %dma_wait3A_1282 = arith.constant 0 : i32
        %dma_wait3A_1283 = tpu.memref_slice %arg8[%dma_wait3A_1272, %dma_wait3A_1281, %dma_wait3A_1282] : memref<10x64x128xf32, #tpu.memory_space<vmem>> -> memref<1x64x128xf32, #tpu.memory_space<vmem>>
        %dma_wait3A_1284 = tpu.memref_squeeze %dma_wait3A_1283 : memref<1x64x128xf32, #tpu.memory_space<vmem>> -> memref<64x128xf32, #tpu.memory_space<vmem>>
        tpu.wait_dma2 semaphore(%arg21 : memref<!tpu.dma_semaphore, #tpu.memory_space<semaphore_mem>>) src(%dma_wait3A_1284 : memref<64x128xf32, #tpu.memory_space<vmem>>) dst(%dma_wait3A_1280 : memref<64x128xf32, #tpu.memory_space<hbm>>)
      } else {
      }
      %dma_start3A_219 = arith.constant 2 : i32
      %dma_start3A_220 = arith.constant 0 : i32
      %dma_start3A_221 = arith.constant 0 : i32
      %dma_start3A_222 = tpu.memref_slice %arg8[%dma_start3A_219, %dma_start3A_220, %dma_start3A_221] : memref<10x64x128xf32, #tpu.memory_space<vmem>> -> memref<1x64x128xf32, #tpu.memory_space<vmem>>
      %dma_start3A_223 = tpu.memref_squeeze %dma_start3A_222 : memref<1x64x128xf32, #tpu.memory_space<vmem>> -> memref<64x128xf32, #tpu.memory_space<vmem>>
      %dma_start3A_224 = arith.constant 0 : i32
      %dma_start3A_225 = tpu.memref_slice %arg6[%add3A_213, %dma_start3A_224] : memref<100x64xi32, #tpu.memory_space<vmem>> -> memref<1x64xi32, #tpu.memory_space<vmem>>
      %dma_start3A_226 = tpu.memref_squeeze %dma_start3A_225 : memref<1x64xi32, #tpu.memory_space<vmem>> -> memref<64xi32, #tpu.memory_space<vmem>>
      %dma_start3A_227 = arith.constant 0 : i32
      %dma_start3A_228 = arith.constant 0 : i32
      %dma_start3A_229 = tpu.memref_slice %arg3[%dma_start3A_227, %dma_start3A_228] : memref<100000x128xf32, #tpu.memory_space<hbm>> -> memref<100000x128xf32, #tpu.memory_space<hbm>>
      tpu.enqueue_indirect_dma source(%dma_start3A_229 : memref<100000x128xf32, #tpu.memory_space<hbm>>) target(%dma_start3A_223 : memref<64x128xf32, #tpu.memory_space<vmem>>) offsets(%dma_start3A_226 : memref<64xi32, #tpu.memory_space<vmem>>) semaphore(%arg11 : memref<!tpu.dma_semaphore, #tpu.memory_space<semaphore_mem>>)
      %add3A_230 = arith.constant 3 : i32
      %add3A_231 = arith.addi %mul3A_179, %add3A_230 : i32
      %gt3A_232 = arith.constant 0 : i32
      %gt3A_233 = arith.cmpi sgt, %scan3A_177, %gt3A_232 : i32
      %convert_element_type3A_234 = arith.extui %gt3A_233 : i1 to i32
      %cond3A_235 = arith.constant 0 : i32
      %cond3A_236 = arith.cmpi ne, %convert_element_type3A_234, %cond3A_235 : i32
      scf.if %cond3A_236 {
        %sub3A_1267 = arith.constant 10 : i32
        %sub3A_1268 = arith.subi %add3A_231, %sub3A_1267 : i32
        %add3A_1269 = arith.addi %mul3A_2, %sub3A_1268 : i32
        %mul3A_1270 = arith.constant 64 : i32
        %mul3A_1271 = arith.muli %add3A_1269, %mul3A_1270 : i32
        %dma_wait3A_1272 = arith.constant 3 : i32
        %dma_wait3A_1273 = arith.constant 0 : i32
        %dma_wait3A_1274 = arith.constant 0 : i32
        %dma_wait3A_1275 = tpu.memref_slice %arg8[%dma_wait3A_1272, %dma_wait3A_1273, %dma_wait3A_1274] : memref<10x64x128xf32, #tpu.memory_space<vmem>> -> memref<1x64x128xf32, #tpu.memory_space<vmem>>
        %dma_wait3A_1276 = tpu.memref_squeeze %dma_wait3A_1275 : memref<1x64x128xf32, #tpu.memory_space<vmem>> -> memref<64x128xf32, #tpu.memory_space<vmem>>
        %dma_wait3A_1277 = arith.constant 0 : i32
        %dma_wait3A_1278 = tpu.memref_slice %arg5[%mul3A_1271, %dma_wait3A_1277] : memref<204800x128xf32, #tpu.memory_space<hbm>> -> memref<64x128xf32, #tpu.memory_space<hbm>>
        %dma_wait3A_1279 = arith.constant 0 : i32
        %dma_wait3A_1280 = tpu.memref_slice %arg5[%mul3A_1271, %dma_wait3A_1279] : memref<204800x128xf32, #tpu.memory_space<hbm>> -> memref<64x128xf32, #tpu.memory_space<hbm>>
        %dma_wait3A_1281 = arith.constant 0 : i32
        %dma_wait3A_1282 = arith.constant 0 : i32
        %dma_wait3A_1283 = tpu.memref_slice %arg8[%dma_wait3A_1272, %dma_wait3A_1281, %dma_wait3A_1282] : memref<10x64x128xf32, #tpu.memory_space<vmem>> -> memref<1x64x128xf32, #tpu.memory_space<vmem>>
        %dma_wait3A_1284 = tpu.memref_squeeze %dma_wait3A_1283 : memref<1x64x128xf32, #tpu.memory_space<vmem>> -> memref<64x128xf32, #tpu.memory_space<vmem>>
        tpu.wait_dma2 semaphore(%arg22 : memref<!tpu.dma_semaphore, #tpu.memory_space<semaphore_mem>>) src(%dma_wait3A_1284 : memref<64x128xf32, #tpu.memory_space<vmem>>) dst(%dma_wait3A_1280 : memref<64x128xf32, #tpu.memory_space<hbm>>)
      } else {
      }
      %dma_start3A_237 = arith.constant 3 : i32
      %dma_start3A_238 = arith.constant 0 : i32
      %dma_start3A_239 = arith.constant 0 : i32
      %dma_start3A_240 = tpu.memref_slice %arg8[%dma_start3A_237, %dma_start3A_238, %dma_start3A_239] : memref<10x64x128xf32, #tpu.memory_space<vmem>> -> memref<1x64x128xf32, #tpu.memory_space<vmem>>
      %dma_start3A_241 = tpu.memref_squeeze %dma_start3A_240 : memref<1x64x128xf32, #tpu.memory_space<vmem>> -> memref<64x128xf32, #tpu.memory_space<vmem>>
      %dma_start3A_242 = arith.constant 0 : i32
      %dma_start3A_243 = tpu.memref_slice %arg6[%add3A_231, %dma_start3A_242] : memref<100x64xi32, #tpu.memory_space<vmem>> -> memref<1x64xi32, #tpu.memory_space<vmem>>
      %dma_start3A_244 = tpu.memref_squeeze %dma_start3A_243 : memref<1x64xi32, #tpu.memory_space<vmem>> -> memref<64xi32, #tpu.memory_space<vmem>>
      %dma_start3A_245 = arith.constant 0 : i32
      %dma_start3A_246 = arith.constant 0 : i32
      %dma_start3A_247 = tpu.memref_slice %arg3[%dma_start3A_245, %dma_start3A_246] : memref<100000x128xf32, #tpu.memory_space<hbm>> -> memref<100000x128xf32, #tpu.memory_space<hbm>>
      tpu.enqueue_indirect_dma source(%dma_start3A_247 : memref<100000x128xf32, #tpu.memory_space<hbm>>) target(%dma_start3A_241 : memref<64x128xf32, #tpu.memory_space<vmem>>) offsets(%dma_start3A_244 : memref<64xi32, #tpu.memory_space<vmem>>) semaphore(%arg12 : memref<!tpu.dma_semaphore, #tpu.memory_space<semaphore_mem>>)
      %add3A_248 = arith.constant 4 : i32
      %add3A_249 = arith.addi %mul3A_179, %add3A_248 : i32
      %gt3A_250 = arith.constant 0 : i32
      %gt3A_251 = arith.cmpi sgt, %scan3A_177, %gt3A_250 : i32
      %convert_element_type3A_252 = arith.extui %gt3A_251 : i1 to i32
      %cond3A_253 = arith.constant 0 : i32
      %cond3A_254 = arith.cmpi ne, %convert_element_type3A_252, %cond3A_253 : i32
      scf.if %cond3A_254 {
        %sub3A_1267 = arith.constant 10 : i32
        %sub3A_1268 = arith.subi %add3A_249, %sub3A_1267 : i32
        %add3A_1269 = arith.addi %mul3A_2, %sub3A_1268 : i32
        %mul3A_1270 = arith.constant 64 : i32
        %mul3A_1271 = arith.muli %add3A_1269, %mul3A_1270 : i32
        %dma_wait3A_1272 = arith.constant 4 : i32
        %dma_wait3A_1273 = arith.constant 0 : i32
        %dma_wait3A_1274 = arith.constant 0 : i32
        %dma_wait3A_1275 = tpu.memref_slice %arg8[%dma_wait3A_1272, %dma_wait3A_1273, %dma_wait3A_1274] : memref<10x64x128xf32, #tpu.memory_space<vmem>> -> memref<1x64x128xf32, #tpu.memory_space<vmem>>
        %dma_wait3A_1276 = tpu.memref_squeeze %dma_wait3A_1275 : memref<1x64x128xf32, #tpu.memory_space<vmem>> -> memref<64x128xf32, #tpu.memory_space<vmem>>
        %dma_wait3A_1277 = arith.constant 0 : i32
        %dma_wait3A_1278 = tpu.memref_slice %arg5[%mul3A_1271, %dma_wait3A_1277] : memref<204800x128xf32, #tpu.memory_space<hbm>> -> memref<64x128xf32, #tpu.memory_space<hbm>>
        %dma_wait3A_1279 = arith.constant 0 : i32
        %dma_wait3A_1280 = tpu.memref_slice %arg5[%mul3A_1271, %dma_wait3A_1279] : memref<204800x128xf32, #tpu.memory_space<hbm>> -> memref<64x128xf32, #tpu.memory_space<hbm>>
        %dma_wait3A_1281 = arith.constant 0 : i32
        %dma_wait3A_1282 = arith.constant 0 : i32
        %dma_wait3A_1283 = tpu.memref_slice %arg8[%dma_wait3A_1272, %dma_wait3A_1281, %dma_wait3A_1282] : memref<10x64x128xf32, #tpu.memory_space<vmem>> -> memref<1x64x128xf32, #tpu.memory_space<vmem>>
        %dma_wait3A_1284 = tpu.memref_squeeze %dma_wait3A_1283 : memref<1x64x128xf32, #tpu.memory_space<vmem>> -> memref<64x128xf32, #tpu.memory_space<vmem>>
        tpu.wait_dma2 semaphore(%arg23 : memref<!tpu.dma_semaphore, #tpu.memory_space<semaphore_mem>>) src(%dma_wait3A_1284 : memref<64x128xf32, #tpu.memory_space<vmem>>) dst(%dma_wait3A_1280 : memref<64x128xf32, #tpu.memory_space<hbm>>)
      } else {
      }
      %dma_start3A_255 = arith.constant 4 : i32
      %dma_start3A_256 = arith.constant 0 : i32
      %dma_start3A_257 = arith.constant 0 : i32
      %dma_start3A_258 = tpu.memref_slice %arg8[%dma_start3A_255, %dma_start3A_256, %dma_start3A_257] : memref<10x64x128xf32, #tpu.memory_space<vmem>> -> memref<1x64x128xf32, #tpu.memory_space<vmem>>
      %dma_start3A_259 = tpu.memref_squeeze %dma_start3A_258 : memref<1x64x128xf32, #tpu.memory_space<vmem>> -> memref<64x128xf32, #tpu.memory_space<vmem>>
      %dma_start3A_260 = arith.constant 0 : i32
      %dma_start3A_261 = tpu.memref_slice %arg6[%add3A_249, %dma_start3A_260] : memref<100x64xi32, #tpu.memory_space<vmem>> -> memref<1x64xi32, #tpu.memory_space<vmem>>
      %dma_start3A_262 = tpu.memref_squeeze %dma_start3A_261 : memref<1x64xi32, #tpu.memory_space<vmem>> -> memref<64xi32, #tpu.memory_space<vmem>>
      %dma_start3A_263 = arith.constant 0 : i32
      %dma_start3A_264 = arith.constant 0 : i32
      %dma_start3A_265 = tpu.memref_slice %arg3[%dma_start3A_263, %dma_start3A_264] : memref<100000x128xf32, #tpu.memory_space<hbm>> -> memref<100000x128xf32, #tpu.memory_space<hbm>>
      tpu.enqueue_indirect_dma source(%dma_start3A_265 : memref<100000x128xf32, #tpu.memory_space<hbm>>) target(%dma_start3A_259 : memref<64x128xf32, #tpu.memory_space<vmem>>) offsets(%dma_start3A_262 : memref<64xi32, #tpu.memory_space<vmem>>) semaphore(%arg13 : memref<!tpu.dma_semaphore, #tpu.memory_space<semaphore_mem>>)
      %add3A_266 = arith.constant 5 : i32
      %add3A_267 = arith.addi %mul3A_179, %add3A_266 : i32
      %gt3A_268 = arith.constant 0 : i32
      %gt3A_269 = arith.cmpi sgt, %scan3A_177, %gt3A_268 : i32
      %convert_element_type3A_270 = arith.extui %gt3A_269 : i1 to i32
      %cond3A_271 = arith.constant 0 : i32
      %cond3A_272 = arith.cmpi ne, %convert_element_type3A_270, %cond3A_271 : i32
      scf.if %cond3A_272 {
        %sub3A_1267 = arith.constant 10 : i32
        %sub3A_1268 = arith.subi %add3A_267, %sub3A_1267 : i32
        %add3A_1269 = arith.addi %mul3A_2, %sub3A_1268 : i32
        %mul3A_1270 = arith.constant 64 : i32
        %mul3A_1271 = arith.muli %add3A_1269, %mul3A_1270 : i32
        %dma_wait3A_1272 = arith.constant 5 : i32
        %dma_wait3A_1273 = arith.constant 0 : i32
        %dma_wait3A_1274 = arith.constant 0 : i32
        %dma_wait3A_1275 = tpu.memref_slice %arg8[%dma_wait3A_1272, %dma_wait3A_1273, %dma_wait3A_1274] : memref<10x64x128xf32, #tpu.memory_space<vmem>> -> memref<1x64x128xf32, #tpu.memory_space<vmem>>
        %dma_wait3A_1276 = tpu.memref_squeeze %dma_wait3A_1275 : memref<1x64x128xf32, #tpu.memory_space<vmem>> -> memref<64x128xf32, #tpu.memory_space<vmem>>
        %dma_wait3A_1277 = arith.constant 0 : i32
        %dma_wait3A_1278 = tpu.memref_slice %arg5[%mul3A_1271, %dma_wait3A_1277] : memref<204800x128xf32, #tpu.memory_space<hbm>> -> memref<64x128xf32, #tpu.memory_space<hbm>>
        %dma_wait3A_1279 = arith.constant 0 : i32
        %dma_wait3A_1280 = tpu.memref_slice %arg5[%mul3A_1271, %dma_wait3A_1279] : memref<204800x128xf32, #tpu.memory_space<hbm>> -> memref<64x128xf32, #tpu.memory_space<hbm>>
        %dma_wait3A_1281 = arith.constant 0 : i32
        %dma_wait3A_1282 = arith.constant 0 : i32
        %dma_wait3A_1283 = tpu.memref_slice %arg8[%dma_wait3A_1272, %dma_wait3A_1281, %dma_wait3A_1282] : memref<10x64x128xf32, #tpu.memory_space<vmem>> -> memref<1x64x128xf32, #tpu.memory_space<vmem>>
        %dma_wait3A_1284 = tpu.memref_squeeze %dma_wait3A_1283 : memref<1x64x128xf32, #tpu.memory_space<vmem>> -> memref<64x128xf32, #tpu.memory_space<vmem>>
        tpu.wait_dma2 semaphore(%arg24 : memref<!tpu.dma_semaphore, #tpu.memory_space<semaphore_mem>>) src(%dma_wait3A_1284 : memref<64x128xf32, #tpu.memory_space<vmem>>) dst(%dma_wait3A_1280 : memref<64x128xf32, #tpu.memory_space<hbm>>)
      } else {
      }
      %dma_start3A_273 = arith.constant 5 : i32
      %dma_start3A_274 = arith.constant 0 : i32
      %dma_start3A_275 = arith.constant 0 : i32
      %dma_start3A_276 = tpu.memref_slice %arg8[%dma_start3A_273, %dma_start3A_274, %dma_start3A_275] : memref<10x64x128xf32, #tpu.memory_space<vmem>> -> memref<1x64x128xf32, #tpu.memory_space<vmem>>
      %dma_start3A_277 = tpu.memref_squeeze %dma_start3A_276 : memref<1x64x128xf32, #tpu.memory_space<vmem>> -> memref<64x128xf32, #tpu.memory_space<vmem>>
      %dma_start3A_278 = arith.constant 0 : i32
      %dma_start3A_279 = tpu.memref_slice %arg6[%add3A_267, %dma_start3A_278] : memref<100x64xi32, #tpu.memory_space<vmem>> -> memref<1x64xi32, #tpu.memory_space<vmem>>
      %dma_start3A_280 = tpu.memref_squeeze %dma_start3A_279 : memref<1x64xi32, #tpu.memory_space<vmem>> -> memref<64xi32, #tpu.memory_space<vmem>>
      %dma_start3A_281 = arith.constant 0 : i32
      %dma_start3A_282 = arith.constant 0 : i32
      %dma_start3A_283 = tpu.memref_slice %arg3[%dma_start3A_281, %dma_start3A_282] : memref<100000x128xf32, #tpu.memory_space<hbm>> -> memref<100000x128xf32, #tpu.memory_space<hbm>>
      tpu.enqueue_indirect_dma source(%dma_start3A_283 : memref<100000x128xf32, #tpu.memory_space<hbm>>) target(%dma_start3A_277 : memref<64x128xf32, #tpu.memory_space<vmem>>) offsets(%dma_start3A_280 : memref<64xi32, #tpu.memory_space<vmem>>) semaphore(%arg14 : memref<!tpu.dma_semaphore, #tpu.memory_space<semaphore_mem>>)
      %add3A_284 = arith.constant 6 : i32
      %add3A_285 = arith.addi %mul3A_179, %add3A_284 : i32
      %gt3A_286 = arith.constant 0 : i32
      %gt3A_287 = arith.cmpi sgt, %scan3A_177, %gt3A_286 : i32
      %convert_element_type3A_288 = arith.extui %gt3A_287 : i1 to i32
      %cond3A_289 = arith.constant 0 : i32
      %cond3A_290 = arith.cmpi ne, %convert_element_type3A_288, %cond3A_289 : i32
      scf.if %cond3A_290 {
        %sub3A_1267 = arith.constant 10 : i32
        %sub3A_1268 = arith.subi %add3A_285, %sub3A_1267 : i32
        %add3A_1269 = arith.addi %mul3A_2, %sub3A_1268 : i32
        %mul3A_1270 = arith.constant 64 : i32
        %mul3A_1271 = arith.muli %add3A_1269, %mul3A_1270 : i32
        %dma_wait3A_1272 = arith.constant 6 : i32
        %dma_wait3A_1273 = arith.constant 0 : i32
        %dma_wait3A_1274 = arith.constant 0 : i32
        %dma_wait3A_1275 = tpu.memref_slice %arg8[%dma_wait3A_1272, %dma_wait3A_1273, %dma_wait3A_1274] : memref<10x64x128xf32, #tpu.memory_space<vmem>> -> memref<1x64x128xf32, #tpu.memory_space<vmem>>
        %dma_wait3A_1276 = tpu.memref_squeeze %dma_wait3A_1275 : memref<1x64x128xf32, #tpu.memory_space<vmem>> -> memref<64x128xf32, #tpu.memory_space<vmem>>
        %dma_wait3A_1277 = arith.constant 0 : i32
        %dma_wait3A_1278 = tpu.memref_slice %arg5[%mul3A_1271, %dma_wait3A_1277] : memref<204800x128xf32, #tpu.memory_space<hbm>> -> memref<64x128xf32, #tpu.memory_space<hbm>>
        %dma_wait3A_1279 = arith.constant 0 : i32
        %dma_wait3A_1280 = tpu.memref_slice %arg5[%mul3A_1271, %dma_wait3A_1279] : memref<204800x128xf32, #tpu.memory_space<hbm>> -> memref<64x128xf32, #tpu.memory_space<hbm>>
        %dma_wait3A_1281 = arith.constant 0 : i32
        %dma_wait3A_1282 = arith.constant 0 : i32
        %dma_wait3A_1283 = tpu.memref_slice %arg8[%dma_wait3A_1272, %dma_wait3A_1281, %dma_wait3A_1282] : memref<10x64x128xf32, #tpu.memory_space<vmem>> -> memref<1x64x128xf32, #tpu.memory_space<vmem>>
        %dma_wait3A_1284 = tpu.memref_squeeze %dma_wait3A_1283 : memref<1x64x128xf32, #tpu.memory_space<vmem>> -> memref<64x128xf32, #tpu.memory_space<vmem>>
        tpu.wait_dma2 semaphore(%arg25 : memref<!tpu.dma_semaphore, #tpu.memory_space<semaphore_mem>>) src(%dma_wait3A_1284 : memref<64x128xf32, #tpu.memory_space<vmem>>) dst(%dma_wait3A_1280 : memref<64x128xf32, #tpu.memory_space<hbm>>)
      } else {
      }
      %dma_start3A_291 = arith.constant 6 : i32
      %dma_start3A_292 = arith.constant 0 : i32
      %dma_start3A_293 = arith.constant 0 : i32
      %dma_start3A_294 = tpu.memref_slice %arg8[%dma_start3A_291, %dma_start3A_292, %dma_start3A_293] : memref<10x64x128xf32, #tpu.memory_space<vmem>> -> memref<1x64x128xf32, #tpu.memory_space<vmem>>
      %dma_start3A_295 = tpu.memref_squeeze %dma_start3A_294 : memref<1x64x128xf32, #tpu.memory_space<vmem>> -> memref<64x128xf32, #tpu.memory_space<vmem>>
      %dma_start3A_296 = arith.constant 0 : i32
      %dma_start3A_297 = tpu.memref_slice %arg6[%add3A_285, %dma_start3A_296] : memref<100x64xi32, #tpu.memory_space<vmem>> -> memref<1x64xi32, #tpu.memory_space<vmem>>
      %dma_start3A_298 = tpu.memref_squeeze %dma_start3A_297 : memref<1x64xi32, #tpu.memory_space<vmem>> -> memref<64xi32, #tpu.memory_space<vmem>>
      %dma_start3A_299 = arith.constant 0 : i32
      %dma_start3A_300 = arith.constant 0 : i32
      %dma_start3A_301 = tpu.memref_slice %arg3[%dma_start3A_299, %dma_start3A_300] : memref<100000x128xf32, #tpu.memory_space<hbm>> -> memref<100000x128xf32, #tpu.memory_space<hbm>>
      tpu.enqueue_indirect_dma source(%dma_start3A_301 : memref<100000x128xf32, #tpu.memory_space<hbm>>) target(%dma_start3A_295 : memref<64x128xf32, #tpu.memory_space<vmem>>) offsets(%dma_start3A_298 : memref<64xi32, #tpu.memory_space<vmem>>) semaphore(%arg15 : memref<!tpu.dma_semaphore, #tpu.memory_space<semaphore_mem>>)
      %add3A_302 = arith.constant 7 : i32
      %add3A_303 = arith.addi %mul3A_179, %add3A_302 : i32
      %gt3A_304 = arith.constant 0 : i32
      %gt3A_305 = arith.cmpi sgt, %scan3A_177, %gt3A_304 : i32
      %convert_element_type3A_306 = arith.extui %gt3A_305 : i1 to i32
      %cond3A_307 = arith.constant 0 : i32
      %cond3A_308 = arith.cmpi ne, %convert_element_type3A_306, %cond3A_307 : i32
      scf.if %cond3A_308 {
        %sub3A_1267 = arith.constant 10 : i32
        %sub3A_1268 = arith.subi %add3A_303, %sub3A_1267 : i32
        %add3A_1269 = arith.addi %mul3A_2, %sub3A_1268 : i32
        %mul3A_1270 = arith.constant 64 : i32
        %mul3A_1271 = arith.muli %add3A_1269, %mul3A_1270 : i32
        %dma_wait3A_1272 = arith.constant 7 : i32
        %dma_wait3A_1273 = arith.constant 0 : i32
        %dma_wait3A_1274 = arith.constant 0 : i32
        %dma_wait3A_1275 = tpu.memref_slice %arg8[%dma_wait3A_1272, %dma_wait3A_1273, %dma_wait3A_1274] : memref<10x64x128xf32, #tpu.memory_space<vmem>> -> memref<1x64x128xf32, #tpu.memory_space<vmem>>
        %dma_wait3A_1276 = tpu.memref_squeeze %dma_wait3A_1275 : memref<1x64x128xf32, #tpu.memory_space<vmem>> -> memref<64x128xf32, #tpu.memory_space<vmem>>
        %dma_wait3A_1277 = arith.constant 0 : i32
        %dma_wait3A_1278 = tpu.memref_slice %arg5[%mul3A_1271, %dma_wait3A_1277] : memref<204800x128xf32, #tpu.memory_space<hbm>> -> memref<64x128xf32, #tpu.memory_space<hbm>>
        %dma_wait3A_1279 = arith.constant 0 : i32
        %dma_wait3A_1280 = tpu.memref_slice %arg5[%mul3A_1271, %dma_wait3A_1279] : memref<204800x128xf32, #tpu.memory_space<hbm>> -> memref<64x128xf32, #tpu.memory_space<hbm>>
        %dma_wait3A_1281 = arith.constant 0 : i32
        %dma_wait3A_1282 = arith.constant 0 : i32
        %dma_wait3A_1283 = tpu.memref_slice %arg8[%dma_wait3A_1272, %dma_wait3A_1281, %dma_wait3A_1282] : memref<10x64x128xf32, #tpu.memory_space<vmem>> -> memref<1x64x128xf32, #tpu.memory_space<vmem>>
        %dma_wait3A_1284 = tpu.memref_squeeze %dma_wait3A_1283 : memref<1x64x128xf32, #tpu.memory_space<vmem>> -> memref<64x128xf32, #tpu.memory_space<vmem>>
        tpu.wait_dma2 semaphore(%arg26 : memref<!tpu.dma_semaphore, #tpu.memory_space<semaphore_mem>>) src(%dma_wait3A_1284 : memref<64x128xf32, #tpu.memory_space<vmem>>) dst(%dma_wait3A_1280 : memref<64x128xf32, #tpu.memory_space<hbm>>)
      } else {
      }
      %dma_start3A_309 = arith.constant 7 : i32
      %dma_start3A_310 = arith.constant 0 : i32
      %dma_start3A_311 = arith.constant 0 : i32
      %dma_start3A_312 = tpu.memref_slice %arg8[%dma_start3A_309, %dma_start3A_310, %dma_start3A_311] : memref<10x64x128xf32, #tpu.memory_space<vmem>> -> memref<1x64x128xf32, #tpu.memory_space<vmem>>
      %dma_start3A_313 = tpu.memref_squeeze %dma_start3A_312 : memref<1x64x128xf32, #tpu.memory_space<vmem>> -> memref<64x128xf32, #tpu.memory_space<vmem>>
      %dma_start3A_314 = arith.constant 0 : i32
      %dma_start3A_315 = tpu.memref_slice %arg6[%add3A_303, %dma_start3A_314] : memref<100x64xi32, #tpu.memory_space<vmem>> -> memref<1x64xi32, #tpu.memory_space<vmem>>
      %dma_start3A_316 = tpu.memref_squeeze %dma_start3A_315 : memref<1x64xi32, #tpu.memory_space<vmem>> -> memref<64xi32, #tpu.memory_space<vmem>>
      %dma_start3A_317 = arith.constant 0 : i32
      %dma_start3A_318 = arith.constant 0 : i32
      %dma_start3A_319 = tpu.memref_slice %arg3[%dma_start3A_317, %dma_start3A_318] : memref<100000x128xf32, #tpu.memory_space<hbm>> -> memref<100000x128xf32, #tpu.memory_space<hbm>>
      tpu.enqueue_indirect_dma source(%dma_start3A_319 : memref<100000x128xf32, #tpu.memory_space<hbm>>) target(%dma_start3A_313 : memref<64x128xf32, #tpu.memory_space<vmem>>) offsets(%dma_start3A_316 : memref<64xi32, #tpu.memory_space<vmem>>) semaphore(%arg16 : memref<!tpu.dma_semaphore, #tpu.memory_space<semaphore_mem>>)
      %add3A_320 = arith.constant 8 : i32
      %add3A_321 = arith.addi %mul3A_179, %add3A_320 : i32
      %gt3A_322 = arith.constant 0 : i32
      %gt3A_323 = arith.cmpi sgt, %scan3A_177, %gt3A_322 : i32
      %convert_element_type3A_324 = arith.extui %gt3A_323 : i1 to i32
      %cond3A_325 = arith.constant 0 : i32
      %cond3A_326 = arith.cmpi ne, %convert_element_type3A_324, %cond3A_325 : i32
      scf.if %cond3A_326 {
        %sub3A_1267 = arith.constant 10 : i32
        %sub3A_1268 = arith.subi %add3A_321, %sub3A_1267 : i32
        %add3A_1269 = arith.addi %mul3A_2, %sub3A_1268 : i32
        %mul3A_1270 = arith.constant 64 : i32
        %mul3A_1271 = arith.muli %add3A_1269, %mul3A_1270 : i32
        %dma_wait3A_1272 = arith.constant 8 : i32
        %dma_wait3A_1273 = arith.constant 0 : i32
        %dma_wait3A_1274 = arith.constant 0 : i32
        %dma_wait3A_1275 = tpu.memref_slice %arg8[%dma_wait3A_1272, %dma_wait3A_1273, %dma_wait3A_1274] : memref<10x64x128xf32, #tpu.memory_space<vmem>> -> memref<1x64x128xf32, #tpu.memory_space<vmem>>
        %dma_wait3A_1276 = tpu.memref_squeeze %dma_wait3A_1275 : memref<1x64x128xf32, #tpu.memory_space<vmem>> -> memref<64x128xf32, #tpu.memory_space<vmem>>
        %dma_wait3A_1277 = arith.constant 0 : i32
        %dma_wait3A_1278 = tpu.memref_slice %arg5[%mul3A_1271, %dma_wait3A_1277] : memref<204800x128xf32, #tpu.memory_space<hbm>> -> memref<64x128xf32, #tpu.memory_space<hbm>>
        %dma_wait3A_1279 = arith.constant 0 : i32
        %dma_wait3A_1280 = tpu.memref_slice %arg5[%mul3A_1271, %dma_wait3A_1279] : memref<204800x128xf32, #tpu.memory_space<hbm>> -> memref<64x128xf32, #tpu.memory_space<hbm>>
        %dma_wait3A_1281 = arith.constant 0 : i32
        %dma_wait3A_1282 = arith.constant 0 : i32
        %dma_wait3A_1283 = tpu.memref_slice %arg8[%dma_wait3A_1272, %dma_wait3A_1281, %dma_wait3A_1282] : memref<10x64x128xf32, #tpu.memory_space<vmem>> -> memref<1x64x128xf32, #tpu.memory_space<vmem>>
        %dma_wait3A_1284 = tpu.memref_squeeze %dma_wait3A_1283 : memref<1x64x128xf32, #tpu.memory_space<vmem>> -> memref<64x128xf32, #tpu.memory_space<vmem>>
        tpu.wait_dma2 semaphore(%arg27 : memref<!tpu.dma_semaphore, #tpu.memory_space<semaphore_mem>>) src(%dma_wait3A_1284 : memref<64x128xf32, #tpu.memory_space<vmem>>) dst(%dma_wait3A_1280 : memref<64x128xf32, #tpu.memory_space<hbm>>)
      } else {
      }
      %dma_start3A_327 = arith.constant 8 : i32
      %dma_start3A_328 = arith.constant 0 : i32
      %dma_start3A_329 = arith.constant 0 : i32
      %dma_start3A_330 = tpu.memref_slice %arg8[%dma_start3A_327, %dma_start3A_328, %dma_start3A_329] : memref<10x64x128xf32, #tpu.memory_space<vmem>> -> memref<1x64x128xf32, #tpu.memory_space<vmem>>
      %dma_start3A_331 = tpu.memref_squeeze %dma_start3A_330 : memref<1x64x128xf32, #tpu.memory_space<vmem>> -> memref<64x128xf32, #tpu.memory_space<vmem>>
      %dma_start3A_332 = arith.constant 0 : i32
      %dma_start3A_333 = tpu.memref_slice %arg6[%add3A_321, %dma_start3A_332] : memref<100x64xi32, #tpu.memory_space<vmem>> -> memref<1x64xi32, #tpu.memory_space<vmem>>
      %dma_start3A_334 = tpu.memref_squeeze %dma_start3A_333 : memref<1x64xi32, #tpu.memory_space<vmem>> -> memref<64xi32, #tpu.memory_space<vmem>>
      %dma_start3A_335 = arith.constant 0 : i32
      %dma_start3A_336 = arith.constant 0 : i32
      %dma_start3A_337 = tpu.memref_slice %arg3[%dma_start3A_335, %dma_start3A_336] : memref<100000x128xf32, #tpu.memory_space<hbm>> -> memref<100000x128xf32, #tpu.memory_space<hbm>>
      tpu.enqueue_indirect_dma source(%dma_start3A_337 : memref<100000x128xf32, #tpu.memory_space<hbm>>) target(%dma_start3A_331 : memref<64x128xf32, #tpu.memory_space<vmem>>) offsets(%dma_start3A_334 : memref<64xi32, #tpu.memory_space<vmem>>) semaphore(%arg17 : memref<!tpu.dma_semaphore, #tpu.memory_space<semaphore_mem>>)
      %add3A_338 = arith.constant 9 : i32
      %add3A_339 = arith.addi %mul3A_179, %add3A_338 : i32
      %gt3A_340 = arith.constant 0 : i32
      %gt3A_341 = arith.cmpi sgt, %scan3A_177, %gt3A_340 : i32
      %convert_element_type3A_342 = arith.extui %gt3A_341 : i1 to i32
      %cond3A_343 = arith.constant 0 : i32
      %cond3A_344 = arith.cmpi ne, %convert_element_type3A_342, %cond3A_343 : i32
      scf.if %cond3A_344 {
        %sub3A_1267 = arith.constant 10 : i32
        %sub3A_1268 = arith.subi %add3A_339, %sub3A_1267 : i32
        %add3A_1269 = arith.addi %mul3A_2, %sub3A_1268 : i32
        %mul3A_1270 = arith.constant 64 : i32
        %mul3A_1271 = arith.muli %add3A_1269, %mul3A_1270 : i32
        %dma_wait3A_1272 = arith.constant 9 : i32
        %dma_wait3A_1273 = arith.constant 0 : i32
        %dma_wait3A_1274 = arith.constant 0 : i32
        %dma_wait3A_1275 = tpu.memref_slice %arg8[%dma_wait3A_1272, %dma_wait3A_1273, %dma_wait3A_1274] : memref<10x64x128xf32, #tpu.memory_space<vmem>> -> memref<1x64x128xf32, #tpu.memory_space<vmem>>
        %dma_wait3A_1276 = tpu.memref_squeeze %dma_wait3A_1275 : memref<1x64x128xf32, #tpu.memory_space<vmem>> -> memref<64x128xf32, #tpu.memory_space<vmem>>
        %dma_wait3A_1277 = arith.constant 0 : i32
        %dma_wait3A_1278 = tpu.memref_slice %arg5[%mul3A_1271, %dma_wait3A_1277] : memref<204800x128xf32, #tpu.memory_space<hbm>> -> memref<64x128xf32, #tpu.memory_space<hbm>>
        %dma_wait3A_1279 = arith.constant 0 : i32
        %dma_wait3A_1280 = tpu.memref_slice %arg5[%mul3A_1271, %dma_wait3A_1279] : memref<204800x128xf32, #tpu.memory_space<hbm>> -> memref<64x128xf32, #tpu.memory_space<hbm>>
        %dma_wait3A_1281 = arith.constant 0 : i32
        %dma_wait3A_1282 = arith.constant 0 : i32
        %dma_wait3A_1283 = tpu.memref_slice %arg8[%dma_wait3A_1272, %dma_wait3A_1281, %dma_wait3A_1282] : memref<10x64x128xf32, #tpu.memory_space<vmem>> -> memref<1x64x128xf32, #tpu.memory_space<vmem>>
        %dma_wait3A_1284 = tpu.memref_squeeze %dma_wait3A_1283 : memref<1x64x128xf32, #tpu.memory_space<vmem>> -> memref<64x128xf32, #tpu.memory_space<vmem>>
        tpu.wait_dma2 semaphore(%arg28 : memref<!tpu.dma_semaphore, #tpu.memory_space<semaphore_mem>>) src(%dma_wait3A_1284 : memref<64x128xf32, #tpu.memory_space<vmem>>) dst(%dma_wait3A_1280 : memref<64x128xf32, #tpu.memory_space<hbm>>)
      } else {
      }
      %dma_start3A_345 = arith.constant 9 : i32
      %dma_start3A_346 = arith.constant 0 : i32
      %dma_start3A_347 = arith.constant 0 : i32
      %dma_start3A_348 = tpu.memref_slice %arg8[%dma_start3A_345, %dma_start3A_346, %dma_start3A_347] : memref<10x64x128xf32, #tpu.memory_space<vmem>> -> memref<1x64x128xf32, #tpu.memory_space<vmem>>
      %dma_start3A_349 = tpu.memref_squeeze %dma_start3A_348 : memref<1x64x128xf32, #tpu.memory_space<vmem>> -> memref<64x128xf32, #tpu.memory_space<vmem>>
      %dma_start3A_350 = arith.constant 0 : i32
      %dma_start3A_351 = tpu.memref_slice %arg6[%add3A_339, %dma_start3A_350] : memref<100x64xi32, #tpu.memory_space<vmem>> -> memref<1x64xi32, #tpu.memory_space<vmem>>
      %dma_start3A_352 = tpu.memref_squeeze %dma_start3A_351 : memref<1x64xi32, #tpu.memory_space<vmem>> -> memref<64xi32, #tpu.memory_space<vmem>>
      %dma_start3A_353 = arith.constant 0 : i32
      %dma_start3A_354 = arith.constant 0 : i32
      %dma_start3A_355 = tpu.memref_slice %arg3[%dma_start3A_353, %dma_start3A_354] : memref<100000x128xf32, #tpu.memory_space<hbm>> -> memref<100000x128xf32, #tpu.memory_space<hbm>>
      tpu.enqueue_indirect_dma source(%dma_start3A_355 : memref<100000x128xf32, #tpu.memory_space<hbm>>) target(%dma_start3A_349 : memref<64x128xf32, #tpu.memory_space<vmem>>) offsets(%dma_start3A_352 : memref<64xi32, #tpu.memory_space<vmem>>) semaphore(%arg18 : memref<!tpu.dma_semaphore, #tpu.memory_space<semaphore_mem>>)
      %add3A_356 = arith.constant 0 : i32
      %add3A_357 = arith.addi %mul3A_179, %add3A_356 : i32
      %dma_wait3A_358 = arith.constant 0 : i32
      %dma_wait3A_359 = arith.constant 0 : i32
      %dma_wait3A_360 = arith.constant 0 : i32
      %dma_wait3A_361 = tpu.memref_slice %arg8[%dma_wait3A_358, %dma_wait3A_359, %dma_wait3A_360] : memref<10x64x128xf32, #tpu.memory_space<vmem>> -> memref<1x64x128xf32, #tpu.memory_space<vmem>>
      %dma_wait3A_362 = tpu.memref_squeeze %dma_wait3A_361 : memref<1x64x128xf32, #tpu.memory_space<vmem>> -> memref<64x128xf32, #tpu.memory_space<vmem>>
      %dma_wait3A_363 = arith.constant 0 : i32
      %dma_wait3A_364 = tpu.memref_slice %arg6[%add3A_357, %dma_wait3A_363] : memref<100x64xi32, #tpu.memory_space<vmem>> -> memref<1x64xi32, #tpu.memory_space<vmem>>
      %dma_wait3A_365 = tpu.memref_squeeze %dma_wait3A_364 : memref<1x64xi32, #tpu.memory_space<vmem>> -> memref<64xi32, #tpu.memory_space<vmem>>
      %dma_wait3A_366 = arith.constant 0 : i32
      %dma_wait3A_367 = arith.constant 0 : i32
      %dma_wait3A_368 = tpu.memref_slice %arg3[%dma_wait3A_366, %dma_wait3A_367] : memref<100000x128xf32, #tpu.memory_space<hbm>> -> memref<100000x128xf32, #tpu.memory_space<hbm>>
      tpu.wait_indirect_dma semaphore(%arg9 : memref<!tpu.dma_semaphore, #tpu.memory_space<semaphore_mem>>) src(%dma_wait3A_368 : memref<100000x128xf32, #tpu.memory_space<hbm>>) dst(%dma_wait3A_362 : memref<64x128xf32, #tpu.memory_space<vmem>>)
      %add3A_369 = arith.addi %mul3A_2, %add3A_357 : i32
      %jit3A = arith.constant 16 : i32
      %div3A = arith.divsi %add3A_369, %jit3A : i32
      %sign3A = arith.constant 0 : i32
      %sign3A_370 = arith.cmpi sgt, %add3A_369, %sign3A : i32
      %sign3A_371 = arith.extui %sign3A_370 : i1 to i32
      %sign3A_372 = arith.constant 0 : i32
      %sign3A_373 = arith.cmpi slt, %add3A_369, %sign3A_372 : i32
      %sign3A_374 = arith.extui %sign3A_373 : i1 to i32
      %sign3A_375 = arith.subi %sign3A_371, %sign3A_374 : i32
      %sign3A_376 = arith.constant 0 : i32
      %sign3A_377 = arith.cmpi sgt, %jit3A, %sign3A_376 : i32
      %sign3A_378 = arith.extui %sign3A_377 : i1 to i32
      %sign3A_379 = arith.constant 0 : i32
      %sign3A_380 = arith.cmpi slt, %jit3A, %sign3A_379 : i32
      %sign3A_381 = arith.extui %sign3A_380 : i1 to i32
      %sign3A_382 = arith.subi %sign3A_378, %sign3A_381 : i32
      %ne3A = arith.cmpi ne, %sign3A_375, %sign3A_382 : i32
      %rem3A = arith.remsi %add3A_369, %jit3A : i32
      %ne3A_383 = arith.constant 0 : i32
      %ne3A_384 = arith.cmpi ne, %rem3A, %ne3A_383 : i32
      %and3A = arith.andi %ne3A, %ne3A_384 : i1
      %sub3A = arith.constant 1 : i32
      %sub3A_385 = arith.subi %div3A, %sub3A : i32
      %select_n3A = arith.select %and3A, %sub3A_385, %div3A : i32
      %get3A = arith.index_cast %select_n3A : i32 to index
      %get3A_386 = arith.constant 0 : index
      %get3A_387 = tpu.vector_load %arg7[%get3A, %get3A_386] {strides = array<i32>} : memref<200x128xf32, #tpu.memory_space<vmem>>, vector<1x16xf32>,
      %get3A_388 = vector.shape_cast %get3A_387 : vector<1x16xf32> to vector<16xf32>
      %get3A_389 = arith.index_cast %select_n3A : i32 to index
      %get3A_390 = arith.constant 16 : index
      %get3A_391 = tpu.vector_load %arg7[%get3A_389, %get3A_390] {strides = array<i32>} : memref<200x128xf32, #tpu.memory_space<vmem>>, vector<1x16xf32>,
      %get3A_392 = vector.shape_cast %get3A_391 : vector<1x16xf32> to vector<16xf32>
      %get3A_393 = arith.index_cast %select_n3A : i32 to index
      %get3A_394 = arith.constant 32 : index
      %get3A_395 = tpu.vector_load %arg7[%get3A_393, %get3A_394] {strides = array<i32>} : memref<200x128xf32, #tpu.memory_space<vmem>>, vector<1x16xf32>,
      %get3A_396 = vector.shape_cast %get3A_395 : vector<1x16xf32> to vector<16xf32>
      %get3A_397 = arith.index_cast %select_n3A : i32 to index
      %get3A_398 = arith.constant 48 : index
      %get3A_399 = tpu.vector_load %arg7[%get3A_397, %get3A_398] {strides = array<i32>} : memref<200x128xf32, #tpu.memory_space<vmem>>, vector<1x16xf32>,
      %get3A_400 = vector.shape_cast %get3A_399 : vector<1x16xf32> to vector<16xf32>
      %get3A_401 = arith.index_cast %select_n3A : i32 to index
      %get3A_402 = arith.constant 64 : index
      %get3A_403 = tpu.vector_load %arg7[%get3A_401, %get3A_402] {strides = array<i32>} : memref<200x128xf32, #tpu.memory_space<vmem>>, vector<1x16xf32>,
      %get3A_404 = vector.shape_cast %get3A_403 : vector<1x16xf32> to vector<16xf32>
      %get3A_405 = arith.index_cast %select_n3A : i32 to index
      %get3A_406 = arith.constant 80 : index
      %get3A_407 = tpu.vector_load %arg7[%get3A_405, %get3A_406] {strides = array<i32>} : memref<200x128xf32, #tpu.memory_space<vmem>>, vector<1x16xf32>,
      %get3A_408 = vector.shape_cast %get3A_407 : vector<1x16xf32> to vector<16xf32>
      %get3A_409 = arith.index_cast %select_n3A : i32 to index
      %get3A_410 = arith.constant 96 : index
      %get3A_411 = tpu.vector_load %arg7[%get3A_409, %get3A_410] {strides = array<i32>} : memref<200x128xf32, #tpu.memory_space<vmem>>, vector<1x16xf32>,
      %get3A_412 = vector.shape_cast %get3A_411 : vector<1x16xf32> to vector<16xf32>
      %get3A_413 = arith.index_cast %select_n3A : i32 to index
      %get3A_414 = arith.constant 112 : index
      %get3A_415 = tpu.vector_load %arg7[%get3A_413, %get3A_414] {strides = array<i32>} : memref<200x128xf32, #tpu.memory_space<vmem>>, vector<1x16xf32>,
      %get3A_416 = vector.shape_cast %get3A_415 : vector<1x16xf32> to vector<16xf32>
      %scan3A_417 = arith.constant 0 : i32
      %scan3A_418 = arith.constant 0 : i32
      %scan3A_419 = arith.constant 32 : i32
      %scan3A_420 = arith.addi %scan3A_418, %scan3A_419 : i32
      %scan3A_421 = arith.constant 1 : i32
      scf.for %scan3A_1267 = %scan3A_418 to %scan3A_420 step %scan3A_421  : i32 {
        %mul3A_1268 = arith.constant 2 : i32
        %mul3A_1269 = arith.muli %scan3A_1267, %mul3A_1268 : i32
        %add3A_1270 = arith.constant 0 : i32
        %add3A_1271 = arith.addi %mul3A_1269, %add3A_1270 : i32
        %swap3A = arith.constant 0 : i32
        %swap3A_1272 = arith.index_cast %swap3A : i32 to index
        %swap3A_1273 = arith.index_cast %add3A_1271 : i32 to index
        %swap3A_1274 = arith.constant 0 : index
        %swap3A_1275 = tpu.vector_load %arg8[%swap3A_1272, %swap3A_1273, %swap3A_1274] {strides = array<i32>} : memref<10x64x128xf32, #tpu.memory_space<vmem>>, vector<1x1x16xf32>,
        %swap3A_1276 = vector.shape_cast %swap3A_1275 : vector<1x1x16xf32> to vector<16xf32>
        %swap3A_1277 = vector.shape_cast %get3A_388 : vector<16xf32> to vector<1x1x16xf32>
        tpu.vector_store %arg8[%swap3A_1272, %swap3A_1273, %swap3A_1274], %swap3A_1277 {add = true, strides = array<i32>} : memref<10x64x128xf32, #tpu.memory_space<vmem>>, vector<1x1x16xf32>,
        %mul3A_1278 = arith.constant 2 : i32
        %mul3A_1279 = arith.muli %scan3A_1267, %mul3A_1278 : i32
        %add3A_1280 = arith.constant 0 : i32
        %add3A_1281 = arith.addi %mul3A_1279, %add3A_1280 : i32
        %swap3A_1282 = arith.constant 0 : i32
        %swap3A_1283 = arith.index_cast %swap3A_1282 : i32 to index
        %swap3A_1284 = arith.index_cast %add3A_1281 : i32 to index
        %swap3A_1285 = arith.constant 16 : index
        %swap3A_1286 = tpu.vector_load %arg8[%swap3A_1283, %swap3A_1284, %swap3A_1285] {strides = array<i32>} : memref<10x64x128xf32, #tpu.memory_space<vmem>>, vector<1x1x16xf32>,
        %swap3A_1287 = vector.shape_cast %swap3A_1286 : vector<1x1x16xf32> to vector<16xf32>
        %swap3A_1288 = vector.shape_cast %get3A_392 : vector<16xf32> to vector<1x1x16xf32>
        tpu.vector_store %arg8[%swap3A_1283, %swap3A_1284, %swap3A_1285], %swap3A_1288 {add = true, strides = array<i32>} : memref<10x64x128xf32, #tpu.memory_space<vmem>>, vector<1x1x16xf32>,
        %mul3A_1289 = arith.constant 2 : i32
        %mul3A_1290 = arith.muli %scan3A_1267, %mul3A_1289 : i32
        %add3A_1291 = arith.constant 0 : i32
        %add3A_1292 = arith.addi %mul3A_1290, %add3A_1291 : i32
        %swap3A_1293 = arith.constant 0 : i32
        %swap3A_1294 = arith.index_cast %swap3A_1293 : i32 to index
        %swap3A_1295 = arith.index_cast %add3A_1292 : i32 to index
        %swap3A_1296 = arith.constant 32 : index
        %swap3A_1297 = tpu.vector_load %arg8[%swap3A_1294, %swap3A_1295, %swap3A_1296] {strides = array<i32>} : memref<10x64x128xf32, #tpu.memory_space<vmem>>, vector<1x1x16xf32>,
        %swap3A_1298 = vector.shape_cast %swap3A_1297 : vector<1x1x16xf32> to vector<16xf32>
        %swap3A_1299 = vector.shape_cast %get3A_396 : vector<16xf32> to vector<1x1x16xf32>
        tpu.vector_store %arg8[%swap3A_1294, %swap3A_1295, %swap3A_1296], %swap3A_1299 {add = true, strides = array<i32>} : memref<10x64x128xf32, #tpu.memory_space<vmem>>, vector<1x1x16xf32>,
        %mul3A_1300 = arith.constant 2 : i32
        %mul3A_1301 = arith.muli %scan3A_1267, %mul3A_1300 : i32
        %add3A_1302 = arith.constant 0 : i32
        %add3A_1303 = arith.addi %mul3A_1301, %add3A_1302 : i32
        %swap3A_1304 = arith.constant 0 : i32
        %swap3A_1305 = arith.index_cast %swap3A_1304 : i32 to index
        %swap3A_1306 = arith.index_cast %add3A_1303 : i32 to index
        %swap3A_1307 = arith.constant 48 : index
        %swap3A_1308 = tpu.vector_load %arg8[%swap3A_1305, %swap3A_1306, %swap3A_1307] {strides = array<i32>} : memref<10x64x128xf32, #tpu.memory_space<vmem>>, vector<1x1x16xf32>,
        %swap3A_1309 = vector.shape_cast %swap3A_1308 : vector<1x1x16xf32> to vector<16xf32>
        %swap3A_1310 = vector.shape_cast %get3A_400 : vector<16xf32> to vector<1x1x16xf32>
        tpu.vector_store %arg8[%swap3A_1305, %swap3A_1306, %swap3A_1307], %swap3A_1310 {add = true, strides = array<i32>} : memref<10x64x128xf32, #tpu.memory_space<vmem>>, vector<1x1x16xf32>,
        %mul3A_1311 = arith.constant 2 : i32
        %mul3A_1312 = arith.muli %scan3A_1267, %mul3A_1311 : i32
        %add3A_1313 = arith.constant 0 : i32
        %add3A_1314 = arith.addi %mul3A_1312, %add3A_1313 : i32
        %swap3A_1315 = arith.constant 0 : i32
        %swap3A_1316 = arith.index_cast %swap3A_1315 : i32 to index
        %swap3A_1317 = arith.index_cast %add3A_1314 : i32 to index
        %swap3A_1318 = arith.constant 64 : index
        %swap3A_1319 = tpu.vector_load %arg8[%swap3A_1316, %swap3A_1317, %swap3A_1318] {strides = array<i32>} : memref<10x64x128xf32, #tpu.memory_space<vmem>>, vector<1x1x16xf32>,
        %swap3A_1320 = vector.shape_cast %swap3A_1319 : vector<1x1x16xf32> to vector<16xf32>
        %swap3A_1321 = vector.shape_cast %get3A_404 : vector<16xf32> to vector<1x1x16xf32>
        tpu.vector_store %arg8[%swap3A_1316, %swap3A_1317, %swap3A_1318], %swap3A_1321 {add = true, strides = array<i32>} : memref<10x64x128xf32, #tpu.memory_space<vmem>>, vector<1x1x16xf32>,
        %mul3A_1322 = arith.constant 2 : i32
        %mul3A_1323 = arith.muli %scan3A_1267, %mul3A_1322 : i32
        %add3A_1324 = arith.constant 0 : i32
        %add3A_1325 = arith.addi %mul3A_1323, %add3A_1324 : i32
        %swap3A_1326 = arith.constant 0 : i32
        %swap3A_1327 = arith.index_cast %swap3A_1326 : i32 to index
        %swap3A_1328 = arith.index_cast %add3A_1325 : i32 to index
        %swap3A_1329 = arith.constant 80 : index
        %swap3A_1330 = tpu.vector_load %arg8[%swap3A_1327, %swap3A_1328, %swap3A_1329] {strides = array<i32>} : memref<10x64x128xf32, #tpu.memory_space<vmem>>, vector<1x1x16xf32>,
        %swap3A_1331 = vector.shape_cast %swap3A_1330 : vector<1x1x16xf32> to vector<16xf32>
        %swap3A_1332 = vector.shape_cast %get3A_408 : vector<16xf32> to vector<1x1x16xf32>
        tpu.vector_store %arg8[%swap3A_1327, %swap3A_1328, %swap3A_1329], %swap3A_1332 {add = true, strides = array<i32>} : memref<10x64x128xf32, #tpu.memory_space<vmem>>, vector<1x1x16xf32>,
        %mul3A_1333 = arith.constant 2 : i32
        %mul3A_1334 = arith.muli %scan3A_1267, %mul3A_1333 : i32
        %add3A_1335 = arith.constant 0 : i32
        %add3A_1336 = arith.addi %mul3A_1334, %add3A_1335 : i32
        %swap3A_1337 = arith.constant 0 : i32
        %swap3A_1338 = arith.index_cast %swap3A_1337 : i32 to index
        %swap3A_1339 = arith.index_cast %add3A_1336 : i32 to index
        %swap3A_1340 = arith.constant 96 : index
        %swap3A_1341 = tpu.vector_load %arg8[%swap3A_1338, %swap3A_1339, %swap3A_1340] {strides = array<i32>} : memref<10x64x128xf32, #tpu.memory_space<vmem>>, vector<1x1x16xf32>,
        %swap3A_1342 = vector.shape_cast %swap3A_1341 : vector<1x1x16xf32> to vector<16xf32>
        %swap3A_1343 = vector.shape_cast %get3A_412 : vector<16xf32> to vector<1x1x16xf32>
        tpu.vector_store %arg8[%swap3A_1338, %swap3A_1339, %swap3A_1340], %swap3A_1343 {add = true, strides = array<i32>} : memref<10x64x128xf32, #tpu.memory_space<vmem>>, vector<1x1x16xf32>,
        %mul3A_1344 = arith.constant 2 : i32
        %mul3A_1345 = arith.muli %scan3A_1267, %mul3A_1344 : i32
        %add3A_1346 = arith.constant 0 : i32
        %add3A_1347 = arith.addi %mul3A_1345, %add3A_1346 : i32
        %swap3A_1348 = arith.constant 0 : i32
        %swap3A_1349 = arith.index_cast %swap3A_1348 : i32 to index
        %swap3A_1350 = arith.index_cast %add3A_1347 : i32 to index
        %swap3A_1351 = arith.constant 112 : index
        %swap3A_1352 = tpu.vector_load %arg8[%swap3A_1349, %swap3A_1350, %swap3A_1351] {strides = array<i32>} : memref<10x64x128xf32, #tpu.memory_space<vmem>>, vector<1x1x16xf32>,
        %swap3A_1353 = vector.shape_cast %swap3A_1352 : vector<1x1x16xf32> to vector<16xf32>
        %swap3A_1354 = vector.shape_cast %get3A_416 : vector<16xf32> to vector<1x1x16xf32>
        tpu.vector_store %arg8[%swap3A_1349, %swap3A_1350, %swap3A_1351], %swap3A_1354 {add = true, strides = array<i32>} : memref<10x64x128xf32, #tpu.memory_space<vmem>>, vector<1x1x16xf32>,
        %mul3A_1355 = arith.constant 2 : i32
        %mul3A_1356 = arith.muli %scan3A_1267, %mul3A_1355 : i32
        %add3A_1357 = arith.constant 1 : i32
        %add3A_1358 = arith.addi %mul3A_1356, %add3A_1357 : i32
        %swap3A_1359 = arith.constant 0 : i32
        %swap3A_1360 = arith.index_cast %swap3A_1359 : i32 to index
        %swap3A_1361 = arith.index_cast %add3A_1358 : i32 to index
        %swap3A_1362 = arith.constant 0 : index
        %swap3A_1363 = tpu.vector_load %arg8[%swap3A_1360, %swap3A_1361, %swap3A_1362] {strides = array<i32>} : memref<10x64x128xf32, #tpu.memory_space<vmem>>, vector<1x1x16xf32>,
        %swap3A_1364 = vector.shape_cast %swap3A_1363 : vector<1x1x16xf32> to vector<16xf32>
        %swap3A_1365 = vector.shape_cast %get3A_388 : vector<16xf32> to vector<1x1x16xf32>
        tpu.vector_store %arg8[%swap3A_1360, %swap3A_1361, %swap3A_1362], %swap3A_1365 {add = true, strides = array<i32>} : memref<10x64x128xf32, #tpu.memory_space<vmem>>, vector<1x1x16xf32>,
        %mul3A_1366 = arith.constant 2 : i32
        %mul3A_1367 = arith.muli %scan3A_1267, %mul3A_1366 : i32
        %add3A_1368 = arith.constant 1 : i32
        %add3A_1369 = arith.addi %mul3A_1367, %add3A_1368 : i32
        %swap3A_1370 = arith.constant 0 : i32
        %swap3A_1371 = arith.index_cast %swap3A_1370 : i32 to index
        %swap3A_1372 = arith.index_cast %add3A_1369 : i32 to index
        %swap3A_1373 = arith.constant 16 : index
        %swap3A_1374 = tpu.vector_load %arg8[%swap3A_1371, %swap3A_1372, %swap3A_1373] {strides = array<i32>} : memref<10x64x128xf32, #tpu.memory_space<vmem>>, vector<1x1x16xf32>,
        %swap3A_1375 = vector.shape_cast %swap3A_1374 : vector<1x1x16xf32> to vector<16xf32>
        %swap3A_1376 = vector.shape_cast %get3A_392 : vector<16xf32> to vector<1x1x16xf32>
        tpu.vector_store %arg8[%swap3A_1371, %swap3A_1372, %swap3A_1373], %swap3A_1376 {add = true, strides = array<i32>} : memref<10x64x128xf32, #tpu.memory_space<vmem>>, vector<1x1x16xf32>,
        %mul3A_1377 = arith.constant 2 : i32
        %mul3A_1378 = arith.muli %scan3A_1267, %mul3A_1377 : i32
        %add3A_1379 = arith.constant 1 : i32
        %add3A_1380 = arith.addi %mul3A_1378, %add3A_1379 : i32
        %swap3A_1381 = arith.constant 0 : i32
        %swap3A_1382 = arith.index_cast %swap3A_1381 : i32 to index
        %swap3A_1383 = arith.index_cast %add3A_1380 : i32 to index
        %swap3A_1384 = arith.constant 32 : index
        %swap3A_1385 = tpu.vector_load %arg8[%swap3A_1382, %swap3A_1383, %swap3A_1384] {strides = array<i32>} : memref<10x64x128xf32, #tpu.memory_space<vmem>>, vector<1x1x16xf32>,
        %swap3A_1386 = vector.shape_cast %swap3A_1385 : vector<1x1x16xf32> to vector<16xf32>
        %swap3A_1387 = vector.shape_cast %get3A_396 : vector<16xf32> to vector<1x1x16xf32>
        tpu.vector_store %arg8[%swap3A_1382, %swap3A_1383, %swap3A_1384], %swap3A_1387 {add = true, strides = array<i32>} : memref<10x64x128xf32, #tpu.memory_space<vmem>>, vector<1x1x16xf32>,
        %mul3A_1388 = arith.constant 2 : i32
        %mul3A_1389 = arith.muli %scan3A_1267, %mul3A_1388 : i32
        %add3A_1390 = arith.constant 1 : i32
        %add3A_1391 = arith.addi %mul3A_1389, %add3A_1390 : i32
        %swap3A_1392 = arith.constant 0 : i32
        %swap3A_1393 = arith.index_cast %swap3A_1392 : i32 to index
        %swap3A_1394 = arith.index_cast %add3A_1391 : i32 to index
        %swap3A_1395 = arith.constant 48 : index
        %swap3A_1396 = tpu.vector_load %arg8[%swap3A_1393, %swap3A_1394, %swap3A_1395] {strides = array<i32>} : memref<10x64x128xf32, #tpu.memory_space<vmem>>, vector<1x1x16xf32>,
        %swap3A_1397 = vector.shape_cast %swap3A_1396 : vector<1x1x16xf32> to vector<16xf32>
        %swap3A_1398 = vector.shape_cast %get3A_400 : vector<16xf32> to vector<1x1x16xf32>
        tpu.vector_store %arg8[%swap3A_1393, %swap3A_1394, %swap3A_1395], %swap3A_1398 {add = true, strides = array<i32>} : memref<10x64x128xf32, #tpu.memory_space<vmem>>, vector<1x1x16xf32>,
        %mul3A_1399 = arith.constant 2 : i32
        %mul3A_1400 = arith.muli %scan3A_1267, %mul3A_1399 : i32
        %add3A_1401 = arith.constant 1 : i32
        %add3A_1402 = arith.addi %mul3A_1400, %add3A_1401 : i32
        %swap3A_1403 = arith.constant 0 : i32
        %swap3A_1404 = arith.index_cast %swap3A_1403 : i32 to index
        %swap3A_1405 = arith.index_cast %add3A_1402 : i32 to index
        %swap3A_1406 = arith.constant 64 : index
        %swap3A_1407 = tpu.vector_load %arg8[%swap3A_1404, %swap3A_1405, %swap3A_1406] {strides = array<i32>} : memref<10x64x128xf32, #tpu.memory_space<vmem>>, vector<1x1x16xf32>,
        %swap3A_1408 = vector.shape_cast %swap3A_1407 : vector<1x1x16xf32> to vector<16xf32>
        %swap3A_1409 = vector.shape_cast %get3A_404 : vector<16xf32> to vector<1x1x16xf32>
        tpu.vector_store %arg8[%swap3A_1404, %swap3A_1405, %swap3A_1406], %swap3A_1409 {add = true, strides = array<i32>} : memref<10x64x128xf32, #tpu.memory_space<vmem>>, vector<1x1x16xf32>,
        %mul3A_1410 = arith.constant 2 : i32
        %mul3A_1411 = arith.muli %scan3A_1267, %mul3A_1410 : i32
        %add3A_1412 = arith.constant 1 : i32
        %add3A_1413 = arith.addi %mul3A_1411, %add3A_1412 : i32
        %swap3A_1414 = arith.constant 0 : i32
        %swap3A_1415 = arith.index_cast %swap3A_1414 : i32 to index
        %swap3A_1416 = arith.index_cast %add3A_1413 : i32 to index
        %swap3A_1417 = arith.constant 80 : index
        %swap3A_1418 = tpu.vector_load %arg8[%swap3A_1415, %swap3A_1416, %swap3A_1417] {strides = array<i32>} : memref<10x64x128xf32, #tpu.memory_space<vmem>>, vector<1x1x16xf32>,
        %swap3A_1419 = vector.shape_cast %swap3A_1418 : vector<1x1x16xf32> to vector<16xf32>
        %swap3A_1420 = vector.shape_cast %get3A_408 : vector<16xf32> to vector<1x1x16xf32>
        tpu.vector_store %arg8[%swap3A_1415, %swap3A_1416, %swap3A_1417], %swap3A_1420 {add = true, strides = array<i32>} : memref<10x64x128xf32, #tpu.memory_space<vmem>>, vector<1x1x16xf32>,
        %mul3A_1421 = arith.constant 2 : i32
        %mul3A_1422 = arith.muli %scan3A_1267, %mul3A_1421 : i32
        %add3A_1423 = arith.constant 1 : i32
        %add3A_1424 = arith.addi %mul3A_1422, %add3A_1423 : i32
        %swap3A_1425 = arith.constant 0 : i32
        %swap3A_1426 = arith.index_cast %swap3A_1425 : i32 to index
        %swap3A_1427 = arith.index_cast %add3A_1424 : i32 to index
        %swap3A_1428 = arith.constant 96 : index
        %swap3A_1429 = tpu.vector_load %arg8[%swap3A_1426, %swap3A_1427, %swap3A_1428] {strides = array<i32>} : memref<10x64x128xf32, #tpu.memory_space<vmem>>, vector<1x1x16xf32>,
        %swap3A_1430 = vector.shape_cast %swap3A_1429 : vector<1x1x16xf32> to vector<16xf32>
        %swap3A_1431 = vector.shape_cast %get3A_412 : vector<16xf32> to vector<1x1x16xf32>
        tpu.vector_store %arg8[%swap3A_1426, %swap3A_1427, %swap3A_1428], %swap3A_1431 {add = true, strides = array<i32>} : memref<10x64x128xf32, #tpu.memory_space<vmem>>, vector<1x1x16xf32>,
        %mul3A_1432 = arith.constant 2 : i32
        %mul3A_1433 = arith.muli %scan3A_1267, %mul3A_1432 : i32
        %add3A_1434 = arith.constant 1 : i32
        %add3A_1435 = arith.addi %mul3A_1433, %add3A_1434 : i32
        %swap3A_1436 = arith.constant 0 : i32
        %swap3A_1437 = arith.index_cast %swap3A_1436 : i32 to index
        %swap3A_1438 = arith.index_cast %add3A_1435 : i32 to index
        %swap3A_1439 = arith.constant 112 : index
        %swap3A_1440 = tpu.vector_load %arg8[%swap3A_1437, %swap3A_1438, %swap3A_1439] {strides = array<i32>} : memref<10x64x128xf32, #tpu.memory_space<vmem>>, vector<1x1x16xf32>,
        %swap3A_1441 = vector.shape_cast %swap3A_1440 : vector<1x1x16xf32> to vector<16xf32>
        %swap3A_1442 = vector.shape_cast %get3A_416 : vector<16xf32> to vector<1x1x16xf32>
        tpu.vector_store %arg8[%swap3A_1437, %swap3A_1438, %swap3A_1439], %swap3A_1442 {add = true, strides = array<i32>} : memref<10x64x128xf32, #tpu.memory_space<vmem>>, vector<1x1x16xf32>,
      }
      %scan3A_422 = arith.constant 32 : i32
      %add3A_423 = arith.addi %mul3A_2, %add3A_357 : i32
      %mul3A_424 = arith.constant 64 : i32
      %mul3A_425 = arith.muli %add3A_423, %mul3A_424 : i32
      %dma_start3A_426 = arith.constant 0 : i32
      %dma_start3A_427 = arith.constant 0 : i32
      %dma_start3A_428 = arith.constant 0 : i32
      %dma_start3A_429 = tpu.memref_slice %arg8[%dma_start3A_426, %dma_start3A_427, %dma_start3A_428] : memref<10x64x128xf32, #tpu.memory_space<vmem>> -> memref<1x64x128xf32, #tpu.memory_space<vmem>>
      %dma_start3A_430 = tpu.memref_squeeze %dma_start3A_429 : memref<1x64x128xf32, #tpu.memory_space<vmem>> -> memref<64x128xf32, #tpu.memory_space<vmem>>
      %dma_start3A_431 = arith.constant 0 : i32
      %dma_start3A_432 = tpu.memref_slice %arg5[%mul3A_425, %dma_start3A_431] : memref<204800x128xf32, #tpu.memory_space<hbm>> -> memref<64x128xf32, #tpu.memory_space<hbm>>
      %dma_start3A_433 = arith.constant 0 : i32
      %dma_start3A_434 = tpu.memref_slice %arg5[%mul3A_425, %dma_start3A_433] : memref<204800x128xf32, #tpu.memory_space<hbm>> -> memref<64x128xf32, #tpu.memory_space<hbm>>
      %dma_start3A_435 = arith.constant 0 : i32
      %dma_start3A_436 = arith.constant 0 : i32
      %dma_start3A_437 = tpu.memref_slice %arg8[%dma_start3A_426, %dma_start3A_435, %dma_start3A_436] : memref<10x64x128xf32, #tpu.memory_space<vmem>> -> memref<1x64x128xf32, #tpu.memory_space<vmem>>
      %dma_start3A_438 = tpu.memref_squeeze %dma_start3A_437 : memref<1x64x128xf32, #tpu.memory_space<vmem>> -> memref<64x128xf32, #tpu.memory_space<vmem>>
      tpu.enqueue_dma source(%dma_start3A_438 : memref<64x128xf32, #tpu.memory_space<vmem>>) target(%dma_start3A_434 : memref<64x128xf32, #tpu.memory_space<hbm>>) target_semaphore(%arg19 : memref<!tpu.dma_semaphore, #tpu.memory_space<semaphore_mem>>)
      %add3A_439 = arith.constant 1 : i32
      %add3A_440 = arith.addi %mul3A_179, %add3A_439 : i32
      %dma_wait3A_441 = arith.constant 1 : i32
      %dma_wait3A_442 = arith.constant 0 : i32
      %dma_wait3A_443 = arith.constant 0 : i32
      %dma_wait3A_444 = tpu.memref_slice %arg8[%dma_wait3A_441, %dma_wait3A_442, %dma_wait3A_443] : memref<10x64x128xf32, #tpu.memory_space<vmem>> -> memref<1x64x128xf32, #tpu.memory_space<vmem>>
      %dma_wait3A_445 = tpu.memref_squeeze %dma_wait3A_444 : memref<1x64x128xf32, #tpu.memory_space<vmem>> -> memref<64x128xf32, #tpu.memory_space<vmem>>
      %dma_wait3A_446 = arith.constant 0 : i32
      %dma_wait3A_447 = tpu.memref_slice %arg6[%add3A_440, %dma_wait3A_446] : memref<100x64xi32, #tpu.memory_space<vmem>> -> memref<1x64xi32, #tpu.memory_space<vmem>>
      %dma_wait3A_448 = tpu.memref_squeeze %dma_wait3A_447 : memref<1x64xi32, #tpu.memory_space<vmem>> -> memref<64xi32, #tpu.memory_space<vmem>>
      %dma_wait3A_449 = arith.constant 0 : i32
      %dma_wait3A_450 = arith.constant 0 : i32
      %dma_wait3A_451 = tpu.memref_slice %arg3[%dma_wait3A_449, %dma_wait3A_450] : memref<100000x128xf32, #tpu.memory_space<hbm>> -> memref<100000x128xf32, #tpu.memory_space<hbm>>
      tpu.wait_indirect_dma semaphore(%arg10 : memref<!tpu.dma_semaphore, #tpu.memory_space<semaphore_mem>>) src(%dma_wait3A_451 : memref<100000x128xf32, #tpu.memory_space<hbm>>) dst(%dma_wait3A_445 : memref<64x128xf32, #tpu.memory_space<vmem>>)
      %add3A_452 = arith.addi %mul3A_2, %add3A_440 : i32
      %jit3A_453 = arith.constant 16 : i32
      %div3A_454 = arith.divsi %add3A_452, %jit3A_453 : i32
      %sign3A_455 = arith.constant 0 : i32
      %sign3A_456 = arith.cmpi sgt, %add3A_452, %sign3A_455 : i32
      %sign3A_457 = arith.extui %sign3A_456 : i1 to i32
      %sign3A_458 = arith.constant 0 : i32
      %sign3A_459 = arith.cmpi slt, %add3A_452, %sign3A_458 : i32
      %sign3A_460 = arith.extui %sign3A_459 : i1 to i32
      %sign3A_461 = arith.subi %sign3A_457, %sign3A_460 : i32
      %sign3A_462 = arith.constant 0 : i32
      %sign3A_463 = arith.cmpi sgt, %jit3A_453, %sign3A_462 : i32
      %sign3A_464 = arith.extui %sign3A_463 : i1 to i32
      %sign3A_465 = arith.constant 0 : i32
      %sign3A_466 = arith.cmpi slt, %jit3A_453, %sign3A_465 : i32
      %sign3A_467 = arith.extui %sign3A_466 : i1 to i32
      %sign3A_468 = arith.subi %sign3A_464, %sign3A_467 : i32
      %ne3A_469 = arith.cmpi ne, %sign3A_461, %sign3A_468 : i32
      %rem3A_470 = arith.remsi %add3A_452, %jit3A_453 : i32
      %ne3A_471 = arith.constant 0 : i32
      %ne3A_472 = arith.cmpi ne, %rem3A_470, %ne3A_471 : i32
      %and3A_473 = arith.andi %ne3A_469, %ne3A_472 : i1
      %sub3A_474 = arith.constant 1 : i32
      %sub3A_475 = arith.subi %div3A_454, %sub3A_474 : i32
      %select_n3A_476 = arith.select %and3A_473, %sub3A_475, %div3A_454 : i32
      %get3A_477 = arith.index_cast %select_n3A_476 : i32 to index
      %get3A_478 = arith.constant 0 : index
      %get3A_479 = tpu.vector_load %arg7[%get3A_477, %get3A_478] {strides = array<i32>} : memref<200x128xf32, #tpu.memory_space<vmem>>, vector<1x16xf32>,
      %get3A_480 = vector.shape_cast %get3A_479 : vector<1x16xf32> to vector<16xf32>
      %get3A_481 = arith.index_cast %select_n3A_476 : i32 to index
      %get3A_482 = arith.constant 16 : index
      %get3A_483 = tpu.vector_load %arg7[%get3A_481, %get3A_482] {strides = array<i32>} : memref<200x128xf32, #tpu.memory_space<vmem>>, vector<1x16xf32>,
      %get3A_484 = vector.shape_cast %get3A_483 : vector<1x16xf32> to vector<16xf32>
      %get3A_485 = arith.index_cast %select_n3A_476 : i32 to index
      %get3A_486 = arith.constant 32 : index
      %get3A_487 = tpu.vector_load %arg7[%get3A_485, %get3A_486] {strides = array<i32>} : memref<200x128xf32, #tpu.memory_space<vmem>>, vector<1x16xf32>,
      %get3A_488 = vector.shape_cast %get3A_487 : vector<1x16xf32> to vector<16xf32>
      %get3A_489 = arith.index_cast %select_n3A_476 : i32 to index
      %get3A_490 = arith.constant 48 : index
      %get3A_491 = tpu.vector_load %arg7[%get3A_489, %get3A_490] {strides = array<i32>} : memref<200x128xf32, #tpu.memory_space<vmem>>, vector<1x16xf32>,
      %get3A_492 = vector.shape_cast %get3A_491 : vector<1x16xf32> to vector<16xf32>
      %get3A_493 = arith.index_cast %select_n3A_476 : i32 to index
      %get3A_494 = arith.constant 64 : index
      %get3A_495 = tpu.vector_load %arg7[%get3A_493, %get3A_494] {strides = array<i32>} : memref<200x128xf32, #tpu.memory_space<vmem>>, vector<1x16xf32>,
      %get3A_496 = vector.shape_cast %get3A_495 : vector<1x16xf32> to vector<16xf32>
      %get3A_497 = arith.index_cast %select_n3A_476 : i32 to index
      %get3A_498 = arith.constant 80 : index
      %get3A_499 = tpu.vector_load %arg7[%get3A_497, %get3A_498] {strides = array<i32>} : memref<200x128xf32, #tpu.memory_space<vmem>>, vector<1x16xf32>,
      %get3A_500 = vector.shape_cast %get3A_499 : vector<1x16xf32> to vector<16xf32>
      %get3A_501 = arith.index_cast %select_n3A_476 : i32 to index
      %get3A_502 = arith.constant 96 : index
      %get3A_503 = tpu.vector_load %arg7[%get3A_501, %get3A_502] {strides = array<i32>} : memref<200x128xf32, #tpu.memory_space<vmem>>, vector<1x16xf32>,
      %get3A_504 = vector.shape_cast %get3A_503 : vector<1x16xf32> to vector<16xf32>
      %get3A_505 = arith.index_cast %select_n3A_476 : i32 to index
      %get3A_506 = arith.constant 112 : index
      %get3A_507 = tpu.vector_load %arg7[%get3A_505, %get3A_506] {strides = array<i32>} : memref<200x128xf32, #tpu.memory_space<vmem>>, vector<1x16xf32>,
      %get3A_508 = vector.shape_cast %get3A_507 : vector<1x16xf32> to vector<16xf32>
      %scan3A_509 = arith.constant 0 : i32
      %scan3A_510 = arith.constant 0 : i32
      %scan3A_511 = arith.constant 32 : i32
      %scan3A_512 = arith.addi %scan3A_510, %scan3A_511 : i32
      %scan3A_513 = arith.constant 1 : i32
      scf.for %scan3A_1267 = %scan3A_510 to %scan3A_512 step %scan3A_513  : i32 {
        %mul3A_1268 = arith.constant 2 : i32
        %mul3A_1269 = arith.muli %scan3A_1267, %mul3A_1268 : i32
        %add3A_1270 = arith.constant 0 : i32
        %add3A_1271 = arith.addi %mul3A_1269, %add3A_1270 : i32
        %swap3A = arith.constant 1 : i32
        %swap3A_1272 = arith.index_cast %swap3A : i32 to index
        %swap3A_1273 = arith.index_cast %add3A_1271 : i32 to index
        %swap3A_1274 = arith.constant 0 : index
        %swap3A_1275 = tpu.vector_load %arg8[%swap3A_1272, %swap3A_1273, %swap3A_1274] {strides = array<i32>} : memref<10x64x128xf32, #tpu.memory_space<vmem>>, vector<1x1x16xf32>,
        %swap3A_1276 = vector.shape_cast %swap3A_1275 : vector<1x1x16xf32> to vector<16xf32>
        %swap3A_1277 = vector.shape_cast %get3A_480 : vector<16xf32> to vector<1x1x16xf32>
        tpu.vector_store %arg8[%swap3A_1272, %swap3A_1273, %swap3A_1274], %swap3A_1277 {add = true, strides = array<i32>} : memref<10x64x128xf32, #tpu.memory_space<vmem>>, vector<1x1x16xf32>,
        %mul3A_1278 = arith.constant 2 : i32
        %mul3A_1279 = arith.muli %scan3A_1267, %mul3A_1278 : i32
        %add3A_1280 = arith.constant 0 : i32
        %add3A_1281 = arith.addi %mul3A_1279, %add3A_1280 : i32
        %swap3A_1282 = arith.constant 1 : i32
        %swap3A_1283 = arith.index_cast %swap3A_1282 : i32 to index
        %swap3A_1284 = arith.index_cast %add3A_1281 : i32 to index
        %swap3A_1285 = arith.constant 16 : index
        %swap3A_1286 = tpu.vector_load %arg8[%swap3A_1283, %swap3A_1284, %swap3A_1285] {strides = array<i32>} : memref<10x64x128xf32, #tpu.memory_space<vmem>>, vector<1x1x16xf32>,
        %swap3A_1287 = vector.shape_cast %swap3A_1286 : vector<1x1x16xf32> to vector<16xf32>
        %swap3A_1288 = vector.shape_cast %get3A_484 : vector<16xf32> to vector<1x1x16xf32>
        tpu.vector_store %arg8[%swap3A_1283, %swap3A_1284, %swap3A_1285], %swap3A_1288 {add = true, strides = array<i32>} : memref<10x64x128xf32, #tpu.memory_space<vmem>>, vector<1x1x16xf32>,
        %mul3A_1289 = arith.constant 2 : i32
        %mul3A_1290 = arith.muli %scan3A_1267, %mul3A_1289 : i32
        %add3A_1291 = arith.constant 0 : i32
        %add3A_1292 = arith.addi %mul3A_1290, %add3A_1291 : i32
        %swap3A_1293 = arith.constant 1 : i32
        %swap3A_1294 = arith.index_cast %swap3A_1293 : i32 to index
        %swap3A_1295 = arith.index_cast %add3A_1292 : i32 to index
        %swap3A_1296 = arith.constant 32 : index
        %swap3A_1297 = tpu.vector_load %arg8[%swap3A_1294, %swap3A_1295, %swap3A_1296] {strides = array<i32>} : memref<10x64x128xf32, #tpu.memory_space<vmem>>, vector<1x1x16xf32>,
        %swap3A_1298 = vector.shape_cast %swap3A_1297 : vector<1x1x16xf32> to vector<16xf32>
        %swap3A_1299 = vector.shape_cast %get3A_488 : vector<16xf32> to vector<1x1x16xf32>
        tpu.vector_store %arg8[%swap3A_1294, %swap3A_1295, %swap3A_1296], %swap3A_1299 {add = true, strides = array<i32>} : memref<10x64x128xf32, #tpu.memory_space<vmem>>, vector<1x1x16xf32>,
        %mul3A_1300 = arith.constant 2 : i32
        %mul3A_1301 = arith.muli %scan3A_1267, %mul3A_1300 : i32
        %add3A_1302 = arith.constant 0 : i32
        %add3A_1303 = arith.addi %mul3A_1301, %add3A_1302 : i32
        %swap3A_1304 = arith.constant 1 : i32
        %swap3A_1305 = arith.index_cast %swap3A_1304 : i32 to index
        %swap3A_1306 = arith.index_cast %add3A_1303 : i32 to index
        %swap3A_1307 = arith.constant 48 : index
        %swap3A_1308 = tpu.vector_load %arg8[%swap3A_1305, %swap3A_1306, %swap3A_1307] {strides = array<i32>} : memref<10x64x128xf32, #tpu.memory_space<vmem>>, vector<1x1x16xf32>,
        %swap3A_1309 = vector.shape_cast %swap3A_1308 : vector<1x1x16xf32> to vector<16xf32>
        %swap3A_1310 = vector.shape_cast %get3A_492 : vector<16xf32> to vector<1x1x16xf32>
        tpu.vector_store %arg8[%swap3A_1305, %swap3A_1306, %swap3A_1307], %swap3A_1310 {add = true, strides = array<i32>} : memref<10x64x128xf32, #tpu.memory_space<vmem>>, vector<1x1x16xf32>,
        %mul3A_1311 = arith.constant 2 : i32
        %mul3A_1312 = arith.muli %scan3A_1267, %mul3A_1311 : i32
        %add3A_1313 = arith.constant 0 : i32
        %add3A_1314 = arith.addi %mul3A_1312, %add3A_1313 : i32
        %swap3A_1315 = arith.constant 1 : i32
        %swap3A_1316 = arith.index_cast %swap3A_1315 : i32 to index
        %swap3A_1317 = arith.index_cast %add3A_1314 : i32 to index
        %swap3A_1318 = arith.constant 64 : index
        %swap3A_1319 = tpu.vector_load %arg8[%swap3A_1316, %swap3A_1317, %swap3A_1318] {strides = array<i32>} : memref<10x64x128xf32, #tpu.memory_space<vmem>>, vector<1x1x16xf32>,
        %swap3A_1320 = vector.shape_cast %swap3A_1319 : vector<1x1x16xf32> to vector<16xf32>
        %swap3A_1321 = vector.shape_cast %get3A_496 : vector<16xf32> to vector<1x1x16xf32>
        tpu.vector_store %arg8[%swap3A_1316, %swap3A_1317, %swap3A_1318], %swap3A_1321 {add = true, strides = array<i32>} : memref<10x64x128xf32, #tpu.memory_space<vmem>>, vector<1x1x16xf32>,
        %mul3A_1322 = arith.constant 2 : i32
        %mul3A_1323 = arith.muli %scan3A_1267, %mul3A_1322 : i32
        %add3A_1324 = arith.constant 0 : i32
        %add3A_1325 = arith.addi %mul3A_1323, %add3A_1324 : i32
        %swap3A_1326 = arith.constant 1 : i32
        %swap3A_1327 = arith.index_cast %swap3A_1326 : i32 to index
        %swap3A_1328 = arith.index_cast %add3A_1325 : i32 to index
        %swap3A_1329 = arith.constant 80 : index
        %swap3A_1330 = tpu.vector_load %arg8[%swap3A_1327, %swap3A_1328, %swap3A_1329] {strides = array<i32>} : memref<10x64x128xf32, #tpu.memory_space<vmem>>, vector<1x1x16xf32>,
        %swap3A_1331 = vector.shape_cast %swap3A_1330 : vector<1x1x16xf32> to vector<16xf32>
        %swap3A_1332 = vector.shape_cast %get3A_500 : vector<16xf32> to vector<1x1x16xf32>
        tpu.vector_store %arg8[%swap3A_1327, %swap3A_1328, %swap3A_1329], %swap3A_1332 {add = true, strides = array<i32>} : memref<10x64x128xf32, #tpu.memory_space<vmem>>, vector<1x1x16xf32>,
        %mul3A_1333 = arith.constant 2 : i32
        %mul3A_1334 = arith.muli %scan3A_1267, %mul3A_1333 : i32
        %add3A_1335 = arith.constant 0 : i32
        %add3A_1336 = arith.addi %mul3A_1334, %add3A_1335 : i32
        %swap3A_1337 = arith.constant 1 : i32
        %swap3A_1338 = arith.index_cast %swap3A_1337 : i32 to index
        %swap3A_1339 = arith.index_cast %add3A_1336 : i32 to index
        %swap3A_1340 = arith.constant 96 : index
        %swap3A_1341 = tpu.vector_load %arg8[%swap3A_1338, %swap3A_1339, %swap3A_1340] {strides = array<i32>} : memref<10x64x128xf32, #tpu.memory_space<vmem>>, vector<1x1x16xf32>,
        %swap3A_1342 = vector.shape_cast %swap3A_1341 : vector<1x1x16xf32> to vector<16xf32>
        %swap3A_1343 = vector.shape_cast %get3A_504 : vector<16xf32> to vector<1x1x16xf32>
        tpu.vector_store %arg8[%swap3A_1338, %swap3A_1339, %swap3A_1340], %swap3A_1343 {add = true, strides = array<i32>} : memref<10x64x128xf32, #tpu.memory_space<vmem>>, vector<1x1x16xf32>,
        %mul3A_1344 = arith.constant 2 : i32
        %mul3A_1345 = arith.muli %scan3A_1267, %mul3A_1344 : i32
        %add3A_1346 = arith.constant 0 : i32
        %add3A_1347 = arith.addi %mul3A_1345, %add3A_1346 : i32
        %swap3A_1348 = arith.constant 1 : i32
        %swap3A_1349 = arith.index_cast %swap3A_1348 : i32 to index
        %swap3A_1350 = arith.index_cast %add3A_1347 : i32 to index
        %swap3A_1351 = arith.constant 112 : index
        %swap3A_1352 = tpu.vector_load %arg8[%swap3A_1349, %swap3A_1350, %swap3A_1351] {strides = array<i32>} : memref<10x64x128xf32, #tpu.memory_space<vmem>>, vector<1x1x16xf32>,
        %swap3A_1353 = vector.shape_cast %swap3A_1352 : vector<1x1x16xf32> to vector<16xf32>
        %swap3A_1354 = vector.shape_cast %get3A_508 : vector<16xf32> to vector<1x1x16xf32>
        tpu.vector_store %arg8[%swap3A_1349, %swap3A_1350, %swap3A_1351], %swap3A_1354 {add = true, strides = array<i32>} : memref<10x64x128xf32, #tpu.memory_space<vmem>>, vector<1x1x16xf32>,
        %mul3A_1355 = arith.constant 2 : i32
        %mul3A_1356 = arith.muli %scan3A_1267, %mul3A_1355 : i32
        %add3A_1357 = arith.constant 1 : i32
        %add3A_1358 = arith.addi %mul3A_1356, %add3A_1357 : i32
        %swap3A_1359 = arith.constant 1 : i32
        %swap3A_1360 = arith.index_cast %swap3A_1359 : i32 to index
        %swap3A_1361 = arith.index_cast %add3A_1358 : i32 to index
        %swap3A_1362 = arith.constant 0 : index
        %swap3A_1363 = tpu.vector_load %arg8[%swap3A_1360, %swap3A_1361, %swap3A_1362] {strides = array<i32>} : memref<10x64x128xf32, #tpu.memory_space<vmem>>, vector<1x1x16xf32>,
        %swap3A_1364 = vector.shape_cast %swap3A_1363 : vector<1x1x16xf32> to vector<16xf32>
        %swap3A_1365 = vector.shape_cast %get3A_480 : vector<16xf32> to vector<1x1x16xf32>
        tpu.vector_store %arg8[%swap3A_1360, %swap3A_1361, %swap3A_1362], %swap3A_1365 {add = true, strides = array<i32>} : memref<10x64x128xf32, #tpu.memory_space<vmem>>, vector<1x1x16xf32>,
        %mul3A_1366 = arith.constant 2 : i32
        %mul3A_1367 = arith.muli %scan3A_1267, %mul3A_1366 : i32
        %add3A_1368 = arith.constant 1 : i32
        %add3A_1369 = arith.addi %mul3A_1367, %add3A_1368 : i32
        %swap3A_1370 = arith.constant 1 : i32
        %swap3A_1371 = arith.index_cast %swap3A_1370 : i32 to index
        %swap3A_1372 = arith.index_cast %add3A_1369 : i32 to index
        %swap3A_1373 = arith.constant 16 : index
        %swap3A_1374 = tpu.vector_load %arg8[%swap3A_1371, %swap3A_1372, %swap3A_1373] {strides = array<i32>} : memref<10x64x128xf32, #tpu.memory_space<vmem>>, vector<1x1x16xf32>,
        %swap3A_1375 = vector.shape_cast %swap3A_1374 : vector<1x1x16xf32> to vector<16xf32>
        %swap3A_1376 = vector.shape_cast %get3A_484 : vector<16xf32> to vector<1x1x16xf32>
        tpu.vector_store %arg8[%swap3A_1371, %swap3A_1372, %swap3A_1373], %swap3A_1376 {add = true, strides = array<i32>} : memref<10x64x128xf32, #tpu.memory_space<vmem>>, vector<1x1x16xf32>,
        %mul3A_1377 = arith.constant 2 : i32
        %mul3A_1378 = arith.muli %scan3A_1267, %mul3A_1377 : i32
        %add3A_1379 = arith.constant 1 : i32
        %add3A_1380 = arith.addi %mul3A_1378, %add3A_1379 : i32
        %swap3A_1381 = arith.constant 1 : i32
        %swap3A_1382 = arith.index_cast %swap3A_1381 : i32 to index
        %swap3A_1383 = arith.index_cast %add3A_1380 : i32 to index
        %swap3A_1384 = arith.constant 32 : index
        %swap3A_1385 = tpu.vector_load %arg8[%swap3A_1382, %swap3A_1383, %swap3A_1384] {strides = array<i32>} : memref<10x64x128xf32, #tpu.memory_space<vmem>>, vector<1x1x16xf32>,
        %swap3A_1386 = vector.shape_cast %swap3A_1385 : vector<1x1x16xf32> to vector<16xf32>
        %swap3A_1387 = vector.shape_cast %get3A_488 : vector<16xf32> to vector<1x1x16xf32>
        tpu.vector_store %arg8[%swap3A_1382, %swap3A_1383, %swap3A_1384], %swap3A_1387 {add = true, strides = array<i32>} : memref<10x64x128xf32, #tpu.memory_space<vmem>>, vector<1x1x16xf32>,
        %mul3A_1388 = arith.constant 2 : i32
        %mul3A_1389 = arith.muli %scan3A_1267, %mul3A_1388 : i32
        %add3A_1390 = arith.constant 1 : i32
        %add3A_1391 = arith.addi %mul3A_1389, %add3A_1390 : i32
        %swap3A_1392 = arith.constant 1 : i32
        %swap3A_1393 = arith.index_cast %swap3A_1392 : i32 to index
        %swap3A_1394 = arith.index_cast %add3A_1391 : i32 to index
        %swap3A_1395 = arith.constant 48 : index
        %swap3A_1396 = tpu.vector_load %arg8[%swap3A_1393, %swap3A_1394, %swap3A_1395] {strides = array<i32>} : memref<10x64x128xf32, #tpu.memory_space<vmem>>, vector<1x1x16xf32>,
        %swap3A_1397 = vector.shape_cast %swap3A_1396 : vector<1x1x16xf32> to vector<16xf32>
        %swap3A_1398 = vector.shape_cast %get3A_492 : vector<16xf32> to vector<1x1x16xf32>
        tpu.vector_store %arg8[%swap3A_1393, %swap3A_1394, %swap3A_1395], %swap3A_1398 {add = true, strides = array<i32>} : memref<10x64x128xf32, #tpu.memory_space<vmem>>, vector<1x1x16xf32>,
        %mul3A_1399 = arith.constant 2 : i32
        %mul3A_1400 = arith.muli %scan3A_1267, %mul3A_1399 : i32
        %add3A_1401 = arith.constant 1 : i32
        %add3A_1402 = arith.addi %mul3A_1400, %add3A_1401 : i32
        %swap3A_1403 = arith.constant 1 : i32
        %swap3A_1404 = arith.index_cast %swap3A_1403 : i32 to index
        %swap3A_1405 = arith.index_cast %add3A_1402 : i32 to index
        %swap3A_1406 = arith.constant 64 : index
        %swap3A_1407 = tpu.vector_load %arg8[%swap3A_1404, %swap3A_1405, %swap3A_1406] {strides = array<i32>} : memref<10x64x128xf32, #tpu.memory_space<vmem>>, vector<1x1x16xf32>,
        %swap3A_1408 = vector.shape_cast %swap3A_1407 : vector<1x1x16xf32> to vector<16xf32>
        %swap3A_1409 = vector.shape_cast %get3A_496 : vector<16xf32> to vector<1x1x16xf32>
        tpu.vector_store %arg8[%swap3A_1404, %swap3A_1405, %swap3A_1406], %swap3A_1409 {add = true, strides = array<i32>} : memref<10x64x128xf32, #tpu.memory_space<vmem>>, vector<1x1x16xf32>,
        %mul3A_1410 = arith.constant 2 : i32
        %mul3A_1411 = arith.muli %scan3A_1267, %mul3A_1410 : i32
        %add3A_1412 = arith.constant 1 : i32
        %add3A_1413 = arith.addi %mul3A_1411, %add3A_1412 : i32
        %swap3A_1414 = arith.constant 1 : i32
        %swap3A_1415 = arith.index_cast %swap3A_1414 : i32 to index
        %swap3A_1416 = arith.index_cast %add3A_1413 : i32 to index
        %swap3A_1417 = arith.constant 80 : index
        %swap3A_1418 = tpu.vector_load %arg8[%swap3A_1415, %swap3A_1416, %swap3A_1417] {strides = array<i32>} : memref<10x64x128xf32, #tpu.memory_space<vmem>>, vector<1x1x16xf32>,
        %swap3A_1419 = vector.shape_cast %swap3A_1418 : vector<1x1x16xf32> to vector<16xf32>
        %swap3A_1420 = vector.shape_cast %get3A_500 : vector<16xf32> to vector<1x1x16xf32>
        tpu.vector_store %arg8[%swap3A_1415, %swap3A_1416, %swap3A_1417], %swap3A_1420 {add = true, strides = array<i32>} : memref<10x64x128xf32, #tpu.memory_space<vmem>>, vector<1x1x16xf32>,
        %mul3A_1421 = arith.constant 2 : i32
        %mul3A_1422 = arith.muli %scan3A_1267, %mul3A_1421 : i32
        %add3A_1423 = arith.constant 1 : i32
        %add3A_1424 = arith.addi %mul3A_1422, %add3A_1423 : i32
        %swap3A_1425 = arith.constant 1 : i32
        %swap3A_1426 = arith.index_cast %swap3A_1425 : i32 to index
        %swap3A_1427 = arith.index_cast %add3A_1424 : i32 to index
        %swap3A_1428 = arith.constant 96 : index
        %swap3A_1429 = tpu.vector_load %arg8[%swap3A_1426, %swap3A_1427, %swap3A_1428] {strides = array<i32>} : memref<10x64x128xf32, #tpu.memory_space<vmem>>, vector<1x1x16xf32>,
        %swap3A_1430 = vector.shape_cast %swap3A_1429 : vector<1x1x16xf32> to vector<16xf32>
        %swap3A_1431 = vector.shape_cast %get3A_504 : vector<16xf32> to vector<1x1x16xf32>
        tpu.vector_store %arg8[%swap3A_1426, %swap3A_1427, %swap3A_1428], %swap3A_1431 {add = true, strides = array<i32>} : memref<10x64x128xf32, #tpu.memory_space<vmem>>, vector<1x1x16xf32>,
        %mul3A_1432 = arith.constant 2 : i32
        %mul3A_1433 = arith.muli %scan3A_1267, %mul3A_1432 : i32
        %add3A_1434 = arith.constant 1 : i32
        %add3A_1435 = arith.addi %mul3A_1433, %add3A_1434 : i32
        %swap3A_1436 = arith.constant 1 : i32
        %swap3A_1437 = arith.index_cast %swap3A_1436 : i32 to index
        %swap3A_1438 = arith.index_cast %add3A_1435 : i32 to index
        %swap3A_1439 = arith.constant 112 : index
        %swap3A_1440 = tpu.vector_load %arg8[%swap3A_1437, %swap3A_1438, %swap3A_1439] {strides = array<i32>} : memref<10x64x128xf32, #tpu.memory_space<vmem>>, vector<1x1x16xf32>,
        %swap3A_1441 = vector.shape_cast %swap3A_1440 : vector<1x1x16xf32> to vector<16xf32>
        %swap3A_1442 = vector.shape_cast %get3A_508 : vector<16xf32> to vector<1x1x16xf32>
        tpu.vector_store %arg8[%swap3A_1437, %swap3A_1438, %swap3A_1439], %swap3A_1442 {add = true, strides = array<i32>} : memref<10x64x128xf32, #tpu.memory_space<vmem>>, vector<1x1x16xf32>,
      }
      %scan3A_514 = arith.constant 32 : i32
      %add3A_515 = arith.addi %mul3A_2, %add3A_440 : i32
      %mul3A_516 = arith.constant 64 : i32
      %mul3A_517 = arith.muli %add3A_515, %mul3A_516 : i32
      %dma_start3A_518 = arith.constant 1 : i32
      %dma_start3A_519 = arith.constant 0 : i32
      %dma_start3A_520 = arith.constant 0 : i32
      %dma_start3A_521 = tpu.memref_slice %arg8[%dma_start3A_518, %dma_start3A_519, %dma_start3A_520] : memref<10x64x128xf32, #tpu.memory_space<vmem>> -> memref<1x64x128xf32, #tpu.memory_space<vmem>>
      %dma_start3A_522 = tpu.memref_squeeze %dma_start3A_521 : memref<1x64x128xf32, #tpu.memory_space<vmem>> -> memref<64x128xf32, #tpu.memory_space<vmem>>
      %dma_start3A_523 = arith.constant 0 : i32
      %dma_start3A_524 = tpu.memref_slice %arg5[%mul3A_517, %dma_start3A_523] : memref<204800x128xf32, #tpu.memory_space<hbm>> -> memref<64x128xf32, #tpu.memory_space<hbm>>
      %dma_start3A_525 = arith.constant 0 : i32
      %dma_start3A_526 = tpu.memref_slice %arg5[%mul3A_517, %dma_start3A_525] : memref<204800x128xf32, #tpu.memory_space<hbm>> -> memref<64x128xf32, #tpu.memory_space<hbm>>
      %dma_start3A_527 = arith.constant 0 : i32
      %dma_start3A_528 = arith.constant 0 : i32
      %dma_start3A_529 = tpu.memref_slice %arg8[%dma_start3A_518, %dma_start3A_527, %dma_start3A_528] : memref<10x64x128xf32, #tpu.memory_space<vmem>> -> memref<1x64x128xf32, #tpu.memory_space<vmem>>
      %dma_start3A_530 = tpu.memref_squeeze %dma_start3A_529 : memref<1x64x128xf32, #tpu.memory_space<vmem>> -> memref<64x128xf32, #tpu.memory_space<vmem>>
      tpu.enqueue_dma source(%dma_start3A_530 : memref<64x128xf32, #tpu.memory_space<vmem>>) target(%dma_start3A_526 : memref<64x128xf32, #tpu.memory_space<hbm>>) target_semaphore(%arg20 : memref<!tpu.dma_semaphore, #tpu.memory_space<semaphore_mem>>)
      %add3A_531 = arith.constant 2 : i32
      %add3A_532 = arith.addi %mul3A_179, %add3A_531 : i32
      %dma_wait3A_533 = arith.constant 2 : i32
      %dma_wait3A_534 = arith.constant 0 : i32
      %dma_wait3A_535 = arith.constant 0 : i32
      %dma_wait3A_536 = tpu.memref_slice %arg8[%dma_wait3A_533, %dma_wait3A_534, %dma_wait3A_535] : memref<10x64x128xf32, #tpu.memory_space<vmem>> -> memref<1x64x128xf32, #tpu.memory_space<vmem>>
      %dma_wait3A_537 = tpu.memref_squeeze %dma_wait3A_536 : memref<1x64x128xf32, #tpu.memory_space<vmem>> -> memref<64x128xf32, #tpu.memory_space<vmem>>
      %dma_wait3A_538 = arith.constant 0 : i32
      %dma_wait3A_539 = tpu.memref_slice %arg6[%add3A_532, %dma_wait3A_538] : memref<100x64xi32, #tpu.memory_space<vmem>> -> memref<1x64xi32, #tpu.memory_space<vmem>>
      %dma_wait3A_540 = tpu.memref_squeeze %dma_wait3A_539 : memref<1x64xi32, #tpu.memory_space<vmem>> -> memref<64xi32, #tpu.memory_space<vmem>>
      %dma_wait3A_541 = arith.constant 0 : i32
      %dma_wait3A_542 = arith.constant 0 : i32
      %dma_wait3A_543 = tpu.memref_slice %arg3[%dma_wait3A_541, %dma_wait3A_542] : memref<100000x128xf32, #tpu.memory_space<hbm>> -> memref<100000x128xf32, #tpu.memory_space<hbm>>
      tpu.wait_indirect_dma semaphore(%arg11 : memref<!tpu.dma_semaphore, #tpu.memory_space<semaphore_mem>>) src(%dma_wait3A_543 : memref<100000x128xf32, #tpu.memory_space<hbm>>) dst(%dma_wait3A_537 : memref<64x128xf32, #tpu.memory_space<vmem>>)
      %add3A_544 = arith.addi %mul3A_2, %add3A_532 : i32
      %jit3A_545 = arith.constant 16 : i32
      %div3A_546 = arith.divsi %add3A_544, %jit3A_545 : i32
      %sign3A_547 = arith.constant 0 : i32
      %sign3A_548 = arith.cmpi sgt, %add3A_544, %sign3A_547 : i32
      %sign3A_549 = arith.extui %sign3A_548 : i1 to i32
      %sign3A_550 = arith.constant 0 : i32
      %sign3A_551 = arith.cmpi slt, %add3A_544, %sign3A_550 : i32
      %sign3A_552 = arith.extui %sign3A_551 : i1 to i32
      %sign3A_553 = arith.subi %sign3A_549, %sign3A_552 : i32
      %sign3A_554 = arith.constant 0 : i32
      %sign3A_555 = arith.cmpi sgt, %jit3A_545, %sign3A_554 : i32
      %sign3A_556 = arith.extui %sign3A_555 : i1 to i32
      %sign3A_557 = arith.constant 0 : i32
      %sign3A_558 = arith.cmpi slt, %jit3A_545, %sign3A_557 : i32
      %sign3A_559 = arith.extui %sign3A_558 : i1 to i32
      %sign3A_560 = arith.subi %sign3A_556, %sign3A_559 : i32
      %ne3A_561 = arith.cmpi ne, %sign3A_553, %sign3A_560 : i32
      %rem3A_562 = arith.remsi %add3A_544, %jit3A_545 : i32
      %ne3A_563 = arith.constant 0 : i32
      %ne3A_564 = arith.cmpi ne, %rem3A_562, %ne3A_563 : i32
      %and3A_565 = arith.andi %ne3A_561, %ne3A_564 : i1
      %sub3A_566 = arith.constant 1 : i32
      %sub3A_567 = arith.subi %div3A_546, %sub3A_566 : i32
      %select_n3A_568 = arith.select %and3A_565, %sub3A_567, %div3A_546 : i32
      %get3A_569 = arith.index_cast %select_n3A_568 : i32 to index
      %get3A_570 = arith.constant 0 : index
      %get3A_571 = tpu.vector_load %arg7[%get3A_569, %get3A_570] {strides = array<i32>} : memref<200x128xf32, #tpu.memory_space<vmem>>, vector<1x16xf32>,
      %get3A_572 = vector.shape_cast %get3A_571 : vector<1x16xf32> to vector<16xf32>
      %get3A_573 = arith.index_cast %select_n3A_568 : i32 to index
      %get3A_574 = arith.constant 16 : index
      %get3A_575 = tpu.vector_load %arg7[%get3A_573, %get3A_574] {strides = array<i32>} : memref<200x128xf32, #tpu.memory_space<vmem>>, vector<1x16xf32>,
      %get3A_576 = vector.shape_cast %get3A_575 : vector<1x16xf32> to vector<16xf32>
      %get3A_577 = arith.index_cast %select_n3A_568 : i32 to index
      %get3A_578 = arith.constant 32 : index
      %get3A_579 = tpu.vector_load %arg7[%get3A_577, %get3A_578] {strides = array<i32>} : memref<200x128xf32, #tpu.memory_space<vmem>>, vector<1x16xf32>,
      %get3A_580 = vector.shape_cast %get3A_579 : vector<1x16xf32> to vector<16xf32>
      %get3A_581 = arith.index_cast %select_n3A_568 : i32 to index
      %get3A_582 = arith.constant 48 : index
      %get3A_583 = tpu.vector_load %arg7[%get3A_581, %get3A_582] {strides = array<i32>} : memref<200x128xf32, #tpu.memory_space<vmem>>, vector<1x16xf32>,
      %get3A_584 = vector.shape_cast %get3A_583 : vector<1x16xf32> to vector<16xf32>
      %get3A_585 = arith.index_cast %select_n3A_568 : i32 to index
      %get3A_586 = arith.constant 64 : index
      %get3A_587 = tpu.vector_load %arg7[%get3A_585, %get3A_586] {strides = array<i32>} : memref<200x128xf32, #tpu.memory_space<vmem>>, vector<1x16xf32>,
      %get3A_588 = vector.shape_cast %get3A_587 : vector<1x16xf32> to vector<16xf32>
      %get3A_589 = arith.index_cast %select_n3A_568 : i32 to index
      %get3A_590 = arith.constant 80 : index
      %get3A_591 = tpu.vector_load %arg7[%get3A_589, %get3A_590] {strides = array<i32>} : memref<200x128xf32, #tpu.memory_space<vmem>>, vector<1x16xf32>,
      %get3A_592 = vector.shape_cast %get3A_591 : vector<1x16xf32> to vector<16xf32>
      %get3A_593 = arith.index_cast %select_n3A_568 : i32 to index
      %get3A_594 = arith.constant 96 : index
      %get3A_595 = tpu.vector_load %arg7[%get3A_593, %get3A_594] {strides = array<i32>} : memref<200x128xf32, #tpu.memory_space<vmem>>, vector<1x16xf32>,
      %get3A_596 = vector.shape_cast %get3A_595 : vector<1x16xf32> to vector<16xf32>
      %get3A_597 = arith.index_cast %select_n3A_568 : i32 to index
      %get3A_598 = arith.constant 112 : index
      %get3A_599 = tpu.vector_load %arg7[%get3A_597, %get3A_598] {strides = array<i32>} : memref<200x128xf32, #tpu.memory_space<vmem>>, vector<1x16xf32>,
      %get3A_600 = vector.shape_cast %get3A_599 : vector<1x16xf32> to vector<16xf32>
      %scan3A_601 = arith.constant 0 : i32
      %scan3A_602 = arith.constant 0 : i32
      %scan3A_603 = arith.constant 32 : i32
      %scan3A_604 = arith.addi %scan3A_602, %scan3A_603 : i32
      %scan3A_605 = arith.constant 1 : i32
      scf.for %scan3A_1267 = %scan3A_602 to %scan3A_604 step %scan3A_605  : i32 {
        %mul3A_1268 = arith.constant 2 : i32
        %mul3A_1269 = arith.muli %scan3A_1267, %mul3A_1268 : i32
        %add3A_1270 = arith.constant 0 : i32
        %add3A_1271 = arith.addi %mul3A_1269, %add3A_1270 : i32
        %swap3A = arith.constant 2 : i32
        %swap3A_1272 = arith.index_cast %swap3A : i32 to index
        %swap3A_1273 = arith.index_cast %add3A_1271 : i32 to index
        %swap3A_1274 = arith.constant 0 : index
        %swap3A_1275 = tpu.vector_load %arg8[%swap3A_1272, %swap3A_1273, %swap3A_1274] {strides = array<i32>} : memref<10x64x128xf32, #tpu.memory_space<vmem>>, vector<1x1x16xf32>,
        %swap3A_1276 = vector.shape_cast %swap3A_1275 : vector<1x1x16xf32> to vector<16xf32>
        %swap3A_1277 = vector.shape_cast %get3A_572 : vector<16xf32> to vector<1x1x16xf32>
        tpu.vector_store %arg8[%swap3A_1272, %swap3A_1273, %swap3A_1274], %swap3A_1277 {add = true, strides = array<i32>} : memref<10x64x128xf32, #tpu.memory_space<vmem>>, vector<1x1x16xf32>,
        %mul3A_1278 = arith.constant 2 : i32
        %mul3A_1279 = arith.muli %scan3A_1267, %mul3A_1278 : i32
        %add3A_1280 = arith.constant 0 : i32
        %add3A_1281 = arith.addi %mul3A_1279, %add3A_1280 : i32
        %swap3A_1282 = arith.constant 2 : i32
        %swap3A_1283 = arith.index_cast %swap3A_1282 : i32 to index
        %swap3A_1284 = arith.index_cast %add3A_1281 : i32 to index
        %swap3A_1285 = arith.constant 16 : index
        %swap3A_1286 = tpu.vector_load %arg8[%swap3A_1283, %swap3A_1284, %swap3A_1285] {strides = array<i32>} : memref<10x64x128xf32, #tpu.memory_space<vmem>>, vector<1x1x16xf32>,
        %swap3A_1287 = vector.shape_cast %swap3A_1286 : vector<1x1x16xf32> to vector<16xf32>
        %swap3A_1288 = vector.shape_cast %get3A_576 : vector<16xf32> to vector<1x1x16xf32>
        tpu.vector_store %arg8[%swap3A_1283, %swap3A_1284, %swap3A_1285], %swap3A_1288 {add = true, strides = array<i32>} : memref<10x64x128xf32, #tpu.memory_space<vmem>>, vector<1x1x16xf32>,
        %mul3A_1289 = arith.constant 2 : i32
        %mul3A_1290 = arith.muli %scan3A_1267, %mul3A_1289 : i32
        %add3A_1291 = arith.constant 0 : i32
        %add3A_1292 = arith.addi %mul3A_1290, %add3A_1291 : i32
        %swap3A_1293 = arith.constant 2 : i32
        %swap3A_1294 = arith.index_cast %swap3A_1293 : i32 to index
        %swap3A_1295 = arith.index_cast %add3A_1292 : i32 to index
        %swap3A_1296 = arith.constant 32 : index
        %swap3A_1297 = tpu.vector_load %arg8[%swap3A_1294, %swap3A_1295, %swap3A_1296] {strides = array<i32>} : memref<10x64x128xf32, #tpu.memory_space<vmem>>, vector<1x1x16xf32>,
        %swap3A_1298 = vector.shape_cast %swap3A_1297 : vector<1x1x16xf32> to vector<16xf32>
        %swap3A_1299 = vector.shape_cast %get3A_580 : vector<16xf32> to vector<1x1x16xf32>
        tpu.vector_store %arg8[%swap3A_1294, %swap3A_1295, %swap3A_1296], %swap3A_1299 {add = true, strides = array<i32>} : memref<10x64x128xf32, #tpu.memory_space<vmem>>, vector<1x1x16xf32>,
        %mul3A_1300 = arith.constant 2 : i32
        %mul3A_1301 = arith.muli %scan3A_1267, %mul3A_1300 : i32
        %add3A_1302 = arith.constant 0 : i32
        %add3A_1303 = arith.addi %mul3A_1301, %add3A_1302 : i32
        %swap3A_1304 = arith.constant 2 : i32
        %swap3A_1305 = arith.index_cast %swap3A_1304 : i32 to index
        %swap3A_1306 = arith.index_cast %add3A_1303 : i32 to index
        %swap3A_1307 = arith.constant 48 : index
        %swap3A_1308 = tpu.vector_load %arg8[%swap3A_1305, %swap3A_1306, %swap3A_1307] {strides = array<i32>} : memref<10x64x128xf32, #tpu.memory_space<vmem>>, vector<1x1x16xf32>,
        %swap3A_1309 = vector.shape_cast %swap3A_1308 : vector<1x1x16xf32> to vector<16xf32>
        %swap3A_1310 = vector.shape_cast %get3A_584 : vector<16xf32> to vector<1x1x16xf32>
        tpu.vector_store %arg8[%swap3A_1305, %swap3A_1306, %swap3A_1307], %swap3A_1310 {add = true, strides = array<i32>} : memref<10x64x128xf32, #tpu.memory_space<vmem>>, vector<1x1x16xf32>,
        %mul3A_1311 = arith.constant 2 : i32
        %mul3A_1312 = arith.muli %scan3A_1267, %mul3A_1311 : i32
        %add3A_1313 = arith.constant 0 : i32
        %add3A_1314 = arith.addi %mul3A_1312, %add3A_1313 : i32
        %swap3A_1315 = arith.constant 2 : i32
        %swap3A_1316 = arith.index_cast %swap3A_1315 : i32 to index
        %swap3A_1317 = arith.index_cast %add3A_1314 : i32 to index
        %swap3A_1318 = arith.constant 64 : index
        %swap3A_1319 = tpu.vector_load %arg8[%swap3A_1316, %swap3A_1317, %swap3A_1318] {strides = array<i32>} : memref<10x64x128xf32, #tpu.memory_space<vmem>>, vector<1x1x16xf32>,
        %swap3A_1320 = vector.shape_cast %swap3A_1319 : vector<1x1x16xf32> to vector<16xf32>
        %swap3A_1321 = vector.shape_cast %get3A_588 : vector<16xf32> to vector<1x1x16xf32>
        tpu.vector_store %arg8[%swap3A_1316, %swap3A_1317, %swap3A_1318], %swap3A_1321 {add = true, strides = array<i32>} : memref<10x64x128xf32, #tpu.memory_space<vmem>>, vector<1x1x16xf32>,
        %mul3A_1322 = arith.constant 2 : i32
        %mul3A_1323 = arith.muli %scan3A_1267, %mul3A_1322 : i32
        %add3A_1324 = arith.constant 0 : i32
        %add3A_1325 = arith.addi %mul3A_1323, %add3A_1324 : i32
        %swap3A_1326 = arith.constant 2 : i32
        %swap3A_1327 = arith.index_cast %swap3A_1326 : i32 to index
        %swap3A_1328 = arith.index_cast %add3A_1325 : i32 to index
        %swap3A_1329 = arith.constant 80 : index
        %swap3A_1330 = tpu.vector_load %arg8[%swap3A_1327, %swap3A_1328, %swap3A_1329] {strides = array<i32>} : memref<10x64x128xf32, #tpu.memory_space<vmem>>, vector<1x1x16xf32>,
        %swap3A_1331 = vector.shape_cast %swap3A_1330 : vector<1x1x16xf32> to vector<16xf32>
        %swap3A_1332 = vector.shape_cast %get3A_592 : vector<16xf32> to vector<1x1x16xf32>
        tpu.vector_store %arg8[%swap3A_1327, %swap3A_1328, %swap3A_1329], %swap3A_1332 {add = true, strides = array<i32>} : memref<10x64x128xf32, #tpu.memory_space<vmem>>, vector<1x1x16xf32>,
        %mul3A_1333 = arith.constant 2 : i32
        %mul3A_1334 = arith.muli %scan3A_1267, %mul3A_1333 : i32
        %add3A_1335 = arith.constant 0 : i32
        %add3A_1336 = arith.addi %mul3A_1334, %add3A_1335 : i32
        %swap3A_1337 = arith.constant 2 : i32
        %swap3A_1338 = arith.index_cast %swap3A_1337 : i32 to index
        %swap3A_1339 = arith.index_cast %add3A_1336 : i32 to index
        %swap3A_1340 = arith.constant 96 : index
        %swap3A_1341 = tpu.vector_load %arg8[%swap3A_1338, %swap3A_1339, %swap3A_1340] {strides = array<i32>} : memref<10x64x128xf32, #tpu.memory_space<vmem>>, vector<1x1x16xf32>,
        %swap3A_1342 = vector.shape_cast %swap3A_1341 : vector<1x1x16xf32> to vector<16xf32>
        %swap3A_1343 = vector.shape_cast %get3A_596 : vector<16xf32> to vector<1x1x16xf32>
        tpu.vector_store %arg8[%swap3A_1338, %swap3A_1339, %swap3A_1340], %swap3A_1343 {add = true, strides = array<i32>} : memref<10x64x128xf32, #tpu.memory_space<vmem>>, vector<1x1x16xf32>,
        %mul3A_1344 = arith.constant 2 : i32
        %mul3A_1345 = arith.muli %scan3A_1267, %mul3A_1344 : i32
        %add3A_1346 = arith.constant 0 : i32
        %add3A_1347 = arith.addi %mul3A_1345, %add3A_1346 : i32
        %swap3A_1348 = arith.constant 2 : i32
        %swap3A_1349 = arith.index_cast %swap3A_1348 : i32 to index
        %swap3A_1350 = arith.index_cast %add3A_1347 : i32 to index
        %swap3A_1351 = arith.constant 112 : index
        %swap3A_1352 = tpu.vector_load %arg8[%swap3A_1349, %swap3A_1350, %swap3A_1351] {strides = array<i32>} : memref<10x64x128xf32, #tpu.memory_space<vmem>>, vector<1x1x16xf32>,
        %swap3A_1353 = vector.shape_cast %swap3A_1352 : vector<1x1x16xf32> to vector<16xf32>
        %swap3A_1354 = vector.shape_cast %get3A_600 : vector<16xf32> to vector<1x1x16xf32>
        tpu.vector_store %arg8[%swap3A_1349, %swap3A_1350, %swap3A_1351], %swap3A_1354 {add = true, strides = array<i32>} : memref<10x64x128xf32, #tpu.memory_space<vmem>>, vector<1x1x16xf32>,
        %mul3A_1355 = arith.constant 2 : i32
        %mul3A_1356 = arith.muli %scan3A_1267, %mul3A_1355 : i32
        %add3A_1357 = arith.constant 1 : i32
        %add3A_1358 = arith.addi %mul3A_1356, %add3A_1357 : i32
        %swap3A_1359 = arith.constant 2 : i32
        %swap3A_1360 = arith.index_cast %swap3A_1359 : i32 to index
        %swap3A_1361 = arith.index_cast %add3A_1358 : i32 to index
        %swap3A_1362 = arith.constant 0 : index
        %swap3A_1363 = tpu.vector_load %arg8[%swap3A_1360, %swap3A_1361, %swap3A_1362] {strides = array<i32>} : memref<10x64x128xf32, #tpu.memory_space<vmem>>, vector<1x1x16xf32>,
        %swap3A_1364 = vector.shape_cast %swap3A_1363 : vector<1x1x16xf32> to vector<16xf32>
        %swap3A_1365 = vector.shape_cast %get3A_572 : vector<16xf32> to vector<1x1x16xf32>
        tpu.vector_store %arg8[%swap3A_1360, %swap3A_1361, %swap3A_1362], %swap3A_1365 {add = true, strides = array<i32>} : memref<10x64x128xf32, #tpu.memory_space<vmem>>, vector<1x1x16xf32>,
        %mul3A_1366 = arith.constant 2 : i32
        %mul3A_1367 = arith.muli %scan3A_1267, %mul3A_1366 : i32
        %add3A_1368 = arith.constant 1 : i32
        %add3A_1369 = arith.addi %mul3A_1367, %add3A_1368 : i32
        %swap3A_1370 = arith.constant 2 : i32
        %swap3A_1371 = arith.index_cast %swap3A_1370 : i32 to index
        %swap3A_1372 = arith.index_cast %add3A_1369 : i32 to index
        %swap3A_1373 = arith.constant 16 : index
        %swap3A_1374 = tpu.vector_load %arg8[%swap3A_1371, %swap3A_1372, %swap3A_1373] {strides = array<i32>} : memref<10x64x128xf32, #tpu.memory_space<vmem>>, vector<1x1x16xf32>,
        %swap3A_1375 = vector.shape_cast %swap3A_1374 : vector<1x1x16xf32> to vector<16xf32>
        %swap3A_1376 = vector.shape_cast %get3A_576 : vector<16xf32> to vector<1x1x16xf32>
        tpu.vector_store %arg8[%swap3A_1371, %swap3A_1372, %swap3A_1373], %swap3A_1376 {add = true, strides = array<i32>} : memref<10x64x128xf32, #tpu.memory_space<vmem>>, vector<1x1x16xf32>,
        %mul3A_1377 = arith.constant 2 : i32
        %mul3A_1378 = arith.muli %scan3A_1267, %mul3A_1377 : i32
        %add3A_1379 = arith.constant 1 : i32
        %add3A_1380 = arith.addi %mul3A_1378, %add3A_1379 : i32
        %swap3A_1381 = arith.constant 2 : i32
        %swap3A_1382 = arith.index_cast %swap3A_1381 : i32 to index
        %swap3A_1383 = arith.index_cast %add3A_1380 : i32 to index
        %swap3A_1384 = arith.constant 32 : index
        %swap3A_1385 = tpu.vector_load %arg8[%swap3A_1382, %swap3A_1383, %swap3A_1384] {strides = array<i32>} : memref<10x64x128xf32, #tpu.memory_space<vmem>>, vector<1x1x16xf32>,
        %swap3A_1386 = vector.shape_cast %swap3A_1385 : vector<1x1x16xf32> to vector<16xf32>
        %swap3A_1387 = vector.shape_cast %get3A_580 : vector<16xf32> to vector<1x1x16xf32>
        tpu.vector_store %arg8[%swap3A_1382, %swap3A_1383, %swap3A_1384], %swap3A_1387 {add = true, strides = array<i32>} : memref<10x64x128xf32, #tpu.memory_space<vmem>>, vector<1x1x16xf32>,
        %mul3A_1388 = arith.constant 2 : i32
        %mul3A_1389 = arith.muli %scan3A_1267, %mul3A_1388 : i32
        %add3A_1390 = arith.constant 1 : i32
        %add3A_1391 = arith.addi %mul3A_1389, %add3A_1390 : i32
        %swap3A_1392 = arith.constant 2 : i32
        %swap3A_1393 = arith.index_cast %swap3A_1392 : i32 to index
        %swap3A_1394 = arith.index_cast %add3A_1391 : i32 to index
        %swap3A_1395 = arith.constant 48 : index
        %swap3A_1396 = tpu.vector_load %arg8[%swap3A_1393, %swap3A_1394, %swap3A_1395] {strides = array<i32>} : memref<10x64x128xf32, #tpu.memory_space<vmem>>, vector<1x1x16xf32>,
        %swap3A_1397 = vector.shape_cast %swap3A_1396 : vector<1x1x16xf32> to vector<16xf32>
        %swap3A_1398 = vector.shape_cast %get3A_584 : vector<16xf32> to vector<1x1x16xf32>
        tpu.vector_store %arg8[%swap3A_1393, %swap3A_1394, %swap3A_1395], %swap3A_1398 {add = true, strides = array<i32>} : memref<10x64x128xf32, #tpu.memory_space<vmem>>, vector<1x1x16xf32>,
        %mul3A_1399 = arith.constant 2 : i32
        %mul3A_1400 = arith.muli %scan3A_1267, %mul3A_1399 : i32
        %add3A_1401 = arith.constant 1 : i32
        %add3A_1402 = arith.addi %mul3A_1400, %add3A_1401 : i32
        %swap3A_1403 = arith.constant 2 : i32
        %swap3A_1404 = arith.index_cast %swap3A_1403 : i32 to index
        %swap3A_1405 = arith.index_cast %add3A_1402 : i32 to index
        %swap3A_1406 = arith.constant 64 : index
        %swap3A_1407 = tpu.vector_load %arg8[%swap3A_1404, %swap3A_1405, %swap3A_1406] {strides = array<i32>} : memref<10x64x128xf32, #tpu.memory_space<vmem>>, vector<1x1x16xf32>,
        %swap3A_1408 = vector.shape_cast %swap3A_1407 : vector<1x1x16xf32> to vector<16xf32>
        %swap3A_1409 = vector.shape_cast %get3A_588 : vector<16xf32> to vector<1x1x16xf32>
        tpu.vector_store %arg8[%swap3A_1404, %swap3A_1405, %swap3A_1406], %swap3A_1409 {add = true, strides = array<i32>} : memref<10x64x128xf32, #tpu.memory_space<vmem>>, vector<1x1x16xf32>,
        %mul3A_1410 = arith.constant 2 : i32
        %mul3A_1411 = arith.muli %scan3A_1267, %mul3A_1410 : i32
        %add3A_1412 = arith.constant 1 : i32
        %add3A_1413 = arith.addi %mul3A_1411, %add3A_1412 : i32
        %swap3A_1414 = arith.constant 2 : i32
        %swap3A_1415 = arith.index_cast %swap3A_1414 : i32 to index
        %swap3A_1416 = arith.index_cast %add3A_1413 : i32 to index
        %swap3A_1417 = arith.constant 80 : index
        %swap3A_1418 = tpu.vector_load %arg8[%swap3A_1415, %swap3A_1416, %swap3A_1417] {strides = array<i32>} : memref<10x64x128xf32, #tpu.memory_space<vmem>>, vector<1x1x16xf32>,
        %swap3A_1419 = vector.shape_cast %swap3A_1418 : vector<1x1x16xf32> to vector<16xf32>
        %swap3A_1420 = vector.shape_cast %get3A_592 : vector<16xf32> to vector<1x1x16xf32>
        tpu.vector_store %arg8[%swap3A_1415, %swap3A_1416, %swap3A_1417], %swap3A_1420 {add = true, strides = array<i32>} : memref<10x64x128xf32, #tpu.memory_space<vmem>>, vector<1x1x16xf32>,
        %mul3A_1421 = arith.constant 2 : i32
        %mul3A_1422 = arith.muli %scan3A_1267, %mul3A_1421 : i32
        %add3A_1423 = arith.constant 1 : i32
        %add3A_1424 = arith.addi %mul3A_1422, %add3A_1423 : i32
        %swap3A_1425 = arith.constant 2 : i32
        %swap3A_1426 = arith.index_cast %swap3A_1425 : i32 to index
        %swap3A_1427 = arith.index_cast %add3A_1424 : i32 to index
        %swap3A_1428 = arith.constant 96 : index
        %swap3A_1429 = tpu.vector_load %arg8[%swap3A_1426, %swap3A_1427, %swap3A_1428] {strides = array<i32>} : memref<10x64x128xf32, #tpu.memory_space<vmem>>, vector<1x1x16xf32>,
        %swap3A_1430 = vector.shape_cast %swap3A_1429 : vector<1x1x16xf32> to vector<16xf32>
        %swap3A_1431 = vector.shape_cast %get3A_596 : vector<16xf32> to vector<1x1x16xf32>
        tpu.vector_store %arg8[%swap3A_1426, %swap3A_1427, %swap3A_1428], %swap3A_1431 {add = true, strides = array<i32>} : memref<10x64x128xf32, #tpu.memory_space<vmem>>, vector<1x1x16xf32>,
        %mul3A_1432 = arith.constant 2 : i32
        %mul3A_1433 = arith.muli %scan3A_1267, %mul3A_1432 : i32
        %add3A_1434 = arith.constant 1 : i32
        %add3A_1435 = arith.addi %mul3A_1433, %add3A_1434 : i32
        %swap3A_1436 = arith.constant 2 : i32
        %swap3A_1437 = arith.index_cast %swap3A_1436 : i32 to index
        %swap3A_1438 = arith.index_cast %add3A_1435 : i32 to index
        %swap3A_1439 = arith.constant 112 : index
        %swap3A_1440 = tpu.vector_load %arg8[%swap3A_1437, %swap3A_1438, %swap3A_1439] {strides = array<i32>} : memref<10x64x128xf32, #tpu.memory_space<vmem>>, vector<1x1x16xf32>,
        %swap3A_1441 = vector.shape_cast %swap3A_1440 : vector<1x1x16xf32> to vector<16xf32>
        %swap3A_1442 = vector.shape_cast %get3A_600 : vector<16xf32> to vector<1x1x16xf32>
        tpu.vector_store %arg8[%swap3A_1437, %swap3A_1438, %swap3A_1439], %swap3A_1442 {add = true, strides = array<i32>} : memref<10x64x128xf32, #tpu.memory_space<vmem>>, vector<1x1x16xf32>,
      }
      %scan3A_606 = arith.constant 32 : i32
      %add3A_607 = arith.addi %mul3A_2, %add3A_532 : i32
      %mul3A_608 = arith.constant 64 : i32
      %mul3A_609 = arith.muli %add3A_607, %mul3A_608 : i32
      %dma_start3A_610 = arith.constant 2 : i32
      %dma_start3A_611 = arith.constant 0 : i32
      %dma_start3A_612 = arith.constant 0 : i32
      %dma_start3A_613 = tpu.memref_slice %arg8[%dma_start3A_610, %dma_start3A_611, %dma_start3A_612] : memref<10x64x128xf32, #tpu.memory_space<vmem>> -> memref<1x64x128xf32, #tpu.memory_space<vmem>>
      %dma_start3A_614 = tpu.memref_squeeze %dma_start3A_613 : memref<1x64x128xf32, #tpu.memory_space<vmem>> -> memref<64x128xf32, #tpu.memory_space<vmem>>
      %dma_start3A_615 = arith.constant 0 : i32
      %dma_start3A_616 = tpu.memref_slice %arg5[%mul3A_609, %dma_start3A_615] : memref<204800x128xf32, #tpu.memory_space<hbm>> -> memref<64x128xf32, #tpu.memory_space<hbm>>
      %dma_start3A_617 = arith.constant 0 : i32
      %dma_start3A_618 = tpu.memref_slice %arg5[%mul3A_609, %dma_start3A_617] : memref<204800x128xf32, #tpu.memory_space<hbm>> -> memref<64x128xf32, #tpu.memory_space<hbm>>
      %dma_start3A_619 = arith.constant 0 : i32
      %dma_start3A_620 = arith.constant 0 : i32
      %dma_start3A_621 = tpu.memref_slice %arg8[%dma_start3A_610, %dma_start3A_619, %dma_start3A_620] : memref<10x64x128xf32, #tpu.memory_space<vmem>> -> memref<1x64x128xf32, #tpu.memory_space<vmem>>
      %dma_start3A_622 = tpu.memref_squeeze %dma_start3A_621 : memref<1x64x128xf32, #tpu.memory_space<vmem>> -> memref<64x128xf32, #tpu.memory_space<vmem>>
      tpu.enqueue_dma source(%dma_start3A_622 : memref<64x128xf32, #tpu.memory_space<vmem>>) target(%dma_start3A_618 : memref<64x128xf32, #tpu.memory_space<hbm>>) target_semaphore(%arg21 : memref<!tpu.dma_semaphore, #tpu.memory_space<semaphore_mem>>)
      %add3A_623 = arith.constant 3 : i32
      %add3A_624 = arith.addi %mul3A_179, %add3A_623 : i32
      %dma_wait3A_625 = arith.constant 3 : i32
      %dma_wait3A_626 = arith.constant 0 : i32
      %dma_wait3A_627 = arith.constant 0 : i32
      %dma_wait3A_628 = tpu.memref_slice %arg8[%dma_wait3A_625, %dma_wait3A_626, %dma_wait3A_627] : memref<10x64x128xf32, #tpu.memory_space<vmem>> -> memref<1x64x128xf32, #tpu.memory_space<vmem>>
      %dma_wait3A_629 = tpu.memref_squeeze %dma_wait3A_628 : memref<1x64x128xf32, #tpu.memory_space<vmem>> -> memref<64x128xf32, #tpu.memory_space<vmem>>
      %dma_wait3A_630 = arith.constant 0 : i32
      %dma_wait3A_631 = tpu.memref_slice %arg6[%add3A_624, %dma_wait3A_630] : memref<100x64xi32, #tpu.memory_space<vmem>> -> memref<1x64xi32, #tpu.memory_space<vmem>>
      %dma_wait3A_632 = tpu.memref_squeeze %dma_wait3A_631 : memref<1x64xi32, #tpu.memory_space<vmem>> -> memref<64xi32, #tpu.memory_space<vmem>>
      %dma_wait3A_633 = arith.constant 0 : i32
      %dma_wait3A_634 = arith.constant 0 : i32
      %dma_wait3A_635 = tpu.memref_slice %arg3[%dma_wait3A_633, %dma_wait3A_634] : memref<100000x128xf32, #tpu.memory_space<hbm>> -> memref<100000x128xf32, #tpu.memory_space<hbm>>
      tpu.wait_indirect_dma semaphore(%arg12 : memref<!tpu.dma_semaphore, #tpu.memory_space<semaphore_mem>>) src(%dma_wait3A_635 : memref<100000x128xf32, #tpu.memory_space<hbm>>) dst(%dma_wait3A_629 : memref<64x128xf32, #tpu.memory_space<vmem>>)
      %add3A_636 = arith.addi %mul3A_2, %add3A_624 : i32
      %jit3A_637 = arith.constant 16 : i32
      %div3A_638 = arith.divsi %add3A_636, %jit3A_637 : i32
      %sign3A_639 = arith.constant 0 : i32
      %sign3A_640 = arith.cmpi sgt, %add3A_636, %sign3A_639 : i32
      %sign3A_641 = arith.extui %sign3A_640 : i1 to i32
      %sign3A_642 = arith.constant 0 : i32
      %sign3A_643 = arith.cmpi slt, %add3A_636, %sign3A_642 : i32
      %sign3A_644 = arith.extui %sign3A_643 : i1 to i32
      %sign3A_645 = arith.subi %sign3A_641, %sign3A_644 : i32
      %sign3A_646 = arith.constant 0 : i32
      %sign3A_647 = arith.cmpi sgt, %jit3A_637, %sign3A_646 : i32
      %sign3A_648 = arith.extui %sign3A_647 : i1 to i32
      %sign3A_649 = arith.constant 0 : i32
      %sign3A_650 = arith.cmpi slt, %jit3A_637, %sign3A_649 : i32
      %sign3A_651 = arith.extui %sign3A_650 : i1 to i32
      %sign3A_652 = arith.subi %sign3A_648, %sign3A_651 : i32
      %ne3A_653 = arith.cmpi ne, %sign3A_645, %sign3A_652 : i32
      %rem3A_654 = arith.remsi %add3A_636, %jit3A_637 : i32
      %ne3A_655 = arith.constant 0 : i32
      %ne3A_656 = arith.cmpi ne, %rem3A_654, %ne3A_655 : i32
      %and3A_657 = arith.andi %ne3A_653, %ne3A_656 : i1
      %sub3A_658 = arith.constant 1 : i32
      %sub3A_659 = arith.subi %div3A_638, %sub3A_658 : i32
      %select_n3A_660 = arith.select %and3A_657, %sub3A_659, %div3A_638 : i32
      %get3A_661 = arith.index_cast %select_n3A_660 : i32 to index
      %get3A_662 = arith.constant 0 : index
      %get3A_663 = tpu.vector_load %arg7[%get3A_661, %get3A_662] {strides = array<i32>} : memref<200x128xf32, #tpu.memory_space<vmem>>, vector<1x16xf32>,
      %get3A_664 = vector.shape_cast %get3A_663 : vector<1x16xf32> to vector<16xf32>
      %get3A_665 = arith.index_cast %select_n3A_660 : i32 to index
      %get3A_666 = arith.constant 16 : index
      %get3A_667 = tpu.vector_load %arg7[%get3A_665, %get3A_666] {strides = array<i32>} : memref<200x128xf32, #tpu.memory_space<vmem>>, vector<1x16xf32>,
      %get3A_668 = vector.shape_cast %get3A_667 : vector<1x16xf32> to vector<16xf32>
      %get3A_669 = arith.index_cast %select_n3A_660 : i32 to index
      %get3A_670 = arith.constant 32 : index
      %get3A_671 = tpu.vector_load %arg7[%get3A_669, %get3A_670] {strides = array<i32>} : memref<200x128xf32, #tpu.memory_space<vmem>>, vector<1x16xf32>,
      %get3A_672 = vector.shape_cast %get3A_671 : vector<1x16xf32> to vector<16xf32>
      %get3A_673 = arith.index_cast %select_n3A_660 : i32 to index
      %get3A_674 = arith.constant 48 : index
      %get3A_675 = tpu.vector_load %arg7[%get3A_673, %get3A_674] {strides = array<i32>} : memref<200x128xf32, #tpu.memory_space<vmem>>, vector<1x16xf32>,
      %get3A_676 = vector.shape_cast %get3A_675 : vector<1x16xf32> to vector<16xf32>
      %get3A_677 = arith.index_cast %select_n3A_660 : i32 to index
      %get3A_678 = arith.constant 64 : index
      %get3A_679 = tpu.vector_load %arg7[%get3A_677, %get3A_678] {strides = array<i32>} : memref<200x128xf32, #tpu.memory_space<vmem>>, vector<1x16xf32>,
      %get3A_680 = vector.shape_cast %get3A_679 : vector<1x16xf32> to vector<16xf32>
      %get3A_681 = arith.index_cast %select_n3A_660 : i32 to index
      %get3A_682 = arith.constant 80 : index
      %get3A_683 = tpu.vector_load %arg7[%get3A_681, %get3A_682] {strides = array<i32>} : memref<200x128xf32, #tpu.memory_space<vmem>>, vector<1x16xf32>,
      %get3A_684 = vector.shape_cast %get3A_683 : vector<1x16xf32> to vector<16xf32>
      %get3A_685 = arith.index_cast %select_n3A_660 : i32 to index
      %get3A_686 = arith.constant 96 : index
      %get3A_687 = tpu.vector_load %arg7[%get3A_685, %get3A_686] {strides = array<i32>} : memref<200x128xf32, #tpu.memory_space<vmem>>, vector<1x16xf32>,
      %get3A_688 = vector.shape_cast %get3A_687 : vector<1x16xf32> to vector<16xf32>
      %get3A_689 = arith.index_cast %select_n3A_660 : i32 to index
      %get3A_690 = arith.constant 112 : index
      %get3A_691 = tpu.vector_load %arg7[%get3A_689, %get3A_690] {strides = array<i32>} : memref<200x128xf32, #tpu.memory_space<vmem>>, vector<1x16xf32>,
      %get3A_692 = vector.shape_cast %get3A_691 : vector<1x16xf32> to vector<16xf32>
      %scan3A_693 = arith.constant 0 : i32
      %scan3A_694 = arith.constant 0 : i32
      %scan3A_695 = arith.constant 32 : i32
      %scan3A_696 = arith.addi %scan3A_694, %scan3A_695 : i32
      %scan3A_697 = arith.constant 1 : i32
      scf.for %scan3A_1267 = %scan3A_694 to %scan3A_696 step %scan3A_697  : i32 {
        %mul3A_1268 = arith.constant 2 : i32
        %mul3A_1269 = arith.muli %scan3A_1267, %mul3A_1268 : i32
        %add3A_1270 = arith.constant 0 : i32
        %add3A_1271 = arith.addi %mul3A_1269, %add3A_1270 : i32
        %swap3A = arith.constant 3 : i32
        %swap3A_1272 = arith.index_cast %swap3A : i32 to index
        %swap3A_1273 = arith.index_cast %add3A_1271 : i32 to index
        %swap3A_1274 = arith.constant 0 : index
        %swap3A_1275 = tpu.vector_load %arg8[%swap3A_1272, %swap3A_1273, %swap3A_1274] {strides = array<i32>} : memref<10x64x128xf32, #tpu.memory_space<vmem>>, vector<1x1x16xf32>,
        %swap3A_1276 = vector.shape_cast %swap3A_1275 : vector<1x1x16xf32> to vector<16xf32>
        %swap3A_1277 = vector.shape_cast %get3A_664 : vector<16xf32> to vector<1x1x16xf32>
        tpu.vector_store %arg8[%swap3A_1272, %swap3A_1273, %swap3A_1274], %swap3A_1277 {add = true, strides = array<i32>} : memref<10x64x128xf32, #tpu.memory_space<vmem>>, vector<1x1x16xf32>,
        %mul3A_1278 = arith.constant 2 : i32
        %mul3A_1279 = arith.muli %scan3A_1267, %mul3A_1278 : i32
        %add3A_1280 = arith.constant 0 : i32
        %add3A_1281 = arith.addi %mul3A_1279, %add3A_1280 : i32
        %swap3A_1282 = arith.constant 3 : i32
        %swap3A_1283 = arith.index_cast %swap3A_1282 : i32 to index
        %swap3A_1284 = arith.index_cast %add3A_1281 : i32 to index
        %swap3A_1285 = arith.constant 16 : index
        %swap3A_1286 = tpu.vector_load %arg8[%swap3A_1283, %swap3A_1284, %swap3A_1285] {strides = array<i32>} : memref<10x64x128xf32, #tpu.memory_space<vmem>>, vector<1x1x16xf32>,
        %swap3A_1287 = vector.shape_cast %swap3A_1286 : vector<1x1x16xf32> to vector<16xf32>
        %swap3A_1288 = vector.shape_cast %get3A_668 : vector<16xf32> to vector<1x1x16xf32>
        tpu.vector_store %arg8[%swap3A_1283, %swap3A_1284, %swap3A_1285], %swap3A_1288 {add = true, strides = array<i32>} : memref<10x64x128xf32, #tpu.memory_space<vmem>>, vector<1x1x16xf32>,
        %mul3A_1289 = arith.constant 2 : i32
        %mul3A_1290 = arith.muli %scan3A_1267, %mul3A_1289 : i32
        %add3A_1291 = arith.constant 0 : i32
        %add3A_1292 = arith.addi %mul3A_1290, %add3A_1291 : i32
        %swap3A_1293 = arith.constant 3 : i32
        %swap3A_1294 = arith.index_cast %swap3A_1293 : i32 to index
        %swap3A_1295 = arith.index_cast %add3A_1292 : i32 to index
        %swap3A_1296 = arith.constant 32 : index
        %swap3A_1297 = tpu.vector_load %arg8[%swap3A_1294, %swap3A_1295, %swap3A_1296] {strides = array<i32>} : memref<10x64x128xf32, #tpu.memory_space<vmem>>, vector<1x1x16xf32>,
        %swap3A_1298 = vector.shape_cast %swap3A_1297 : vector<1x1x16xf32> to vector<16xf32>
        %swap3A_1299 = vector.shape_cast %get3A_672 : vector<16xf32> to vector<1x1x16xf32>
        tpu.vector_store %arg8[%swap3A_1294, %swap3A_1295, %swap3A_1296], %swap3A_1299 {add = true, strides = array<i32>} : memref<10x64x128xf32, #tpu.memory_space<vmem>>, vector<1x1x16xf32>,
        %mul3A_1300 = arith.constant 2 : i32
        %mul3A_1301 = arith.muli %scan3A_1267, %mul3A_1300 : i32
        %add3A_1302 = arith.constant 0 : i32
        %add3A_1303 = arith.addi %mul3A_1301, %add3A_1302 : i32
        %swap3A_1304 = arith.constant 3 : i32
        %swap3A_1305 = arith.index_cast %swap3A_1304 : i32 to index
        %swap3A_1306 = arith.index_cast %add3A_1303 : i32 to index
        %swap3A_1307 = arith.constant 48 : index
        %swap3A_1308 = tpu.vector_load %arg8[%swap3A_1305, %swap3A_1306, %swap3A_1307] {strides = array<i32>} : memref<10x64x128xf32, #tpu.memory_space<vmem>>, vector<1x1x16xf32>,
        %swap3A_1309 = vector.shape_cast %swap3A_1308 : vector<1x1x16xf32> to vector<16xf32>
        %swap3A_1310 = vector.shape_cast %get3A_676 : vector<16xf32> to vector<1x1x16xf32>
        tpu.vector_store %arg8[%swap3A_1305, %swap3A_1306, %swap3A_1307], %swap3A_1310 {add = true, strides = array<i32>} : memref<10x64x128xf32, #tpu.memory_space<vmem>>, vector<1x1x16xf32>,
        %mul3A_1311 = arith.constant 2 : i32
        %mul3A_1312 = arith.muli %scan3A_1267, %mul3A_1311 : i32
        %add3A_1313 = arith.constant 0 : i32
        %add3A_1314 = arith.addi %mul3A_1312, %add3A_1313 : i32
        %swap3A_1315 = arith.constant 3 : i32
        %swap3A_1316 = arith.index_cast %swap3A_1315 : i32 to index
        %swap3A_1317 = arith.index_cast %add3A_1314 : i32 to index
        %swap3A_1318 = arith.constant 64 : index
        %swap3A_1319 = tpu.vector_load %arg8[%swap3A_1316, %swap3A_1317, %swap3A_1318] {strides = array<i32>} : memref<10x64x128xf32, #tpu.memory_space<vmem>>, vector<1x1x16xf32>,
        %swap3A_1320 = vector.shape_cast %swap3A_1319 : vector<1x1x16xf32> to vector<16xf32>
        %swap3A_1321 = vector.shape_cast %get3A_680 : vector<16xf32> to vector<1x1x16xf32>
        tpu.vector_store %arg8[%swap3A_1316, %swap3A_1317, %swap3A_1318], %swap3A_1321 {add = true, strides = array<i32>} : memref<10x64x128xf32, #tpu.memory_space<vmem>>, vector<1x1x16xf32>,
        %mul3A_1322 = arith.constant 2 : i32
        %mul3A_1323 = arith.muli %scan3A_1267, %mul3A_1322 : i32
        %add3A_1324 = arith.constant 0 : i32
        %add3A_1325 = arith.addi %mul3A_1323, %add3A_1324 : i32
        %swap3A_1326 = arith.constant 3 : i32
        %swap3A_1327 = arith.index_cast %swap3A_1326 : i32 to index
        %swap3A_1328 = arith.index_cast %add3A_1325 : i32 to index
        %swap3A_1329 = arith.constant 80 : index
        %swap3A_1330 = tpu.vector_load %arg8[%swap3A_1327, %swap3A_1328, %swap3A_1329] {strides = array<i32>} : memref<10x64x128xf32, #tpu.memory_space<vmem>>, vector<1x1x16xf32>,
        %swap3A_1331 = vector.shape_cast %swap3A_1330 : vector<1x1x16xf32> to vector<16xf32>
        %swap3A_1332 = vector.shape_cast %get3A_684 : vector<16xf32> to vector<1x1x16xf32>
        tpu.vector_store %arg8[%swap3A_1327, %swap3A_1328, %swap3A_1329], %swap3A_1332 {add = true, strides = array<i32>} : memref<10x64x128xf32, #tpu.memory_space<vmem>>, vector<1x1x16xf32>,
        %mul3A_1333 = arith.constant 2 : i32
        %mul3A_1334 = arith.muli %scan3A_1267, %mul3A_1333 : i32
        %add3A_1335 = arith.constant 0 : i32
        %add3A_1336 = arith.addi %mul3A_1334, %add3A_1335 : i32
        %swap3A_1337 = arith.constant 3 : i32
        %swap3A_1338 = arith.index_cast %swap3A_1337 : i32 to index
        %swap3A_1339 = arith.index_cast %add3A_1336 : i32 to index
        %swap3A_1340 = arith.constant 96 : index
        %swap3A_1341 = tpu.vector_load %arg8[%swap3A_1338, %swap3A_1339, %swap3A_1340] {strides = array<i32>} : memref<10x64x128xf32, #tpu.memory_space<vmem>>, vector<1x1x16xf32>,
        %swap3A_1342 = vector.shape_cast %swap3A_1341 : vector<1x1x16xf32> to vector<16xf32>
        %swap3A_1343 = vector.shape_cast %get3A_688 : vector<16xf32> to vector<1x1x16xf32>
        tpu.vector_store %arg8[%swap3A_1338, %swap3A_1339, %swap3A_1340], %swap3A_1343 {add = true, strides = array<i32>} : memref<10x64x128xf32, #tpu.memory_space<vmem>>, vector<1x1x16xf32>,
        %mul3A_1344 = arith.constant 2 : i32
        %mul3A_1345 = arith.muli %scan3A_1267, %mul3A_1344 : i32
        %add3A_1346 = arith.constant 0 : i32
        %add3A_1347 = arith.addi %mul3A_1345, %add3A_1346 : i32
        %swap3A_1348 = arith.constant 3 : i32
        %swap3A_1349 = arith.index_cast %swap3A_1348 : i32 to index
        %swap3A_1350 = arith.index_cast %add3A_1347 : i32 to index
        %swap3A_1351 = arith.constant 112 : index
        %swap3A_1352 = tpu.vector_load %arg8[%swap3A_1349, %swap3A_1350, %swap3A_1351] {strides = array<i32>} : memref<10x64x128xf32, #tpu.memory_space<vmem>>, vector<1x1x16xf32>,
        %swap3A_1353 = vector.shape_cast %swap3A_1352 : vector<1x1x16xf32> to vector<16xf32>
        %swap3A_1354 = vector.shape_cast %get3A_692 : vector<16xf32> to vector<1x1x16xf32>
        tpu.vector_store %arg8[%swap3A_1349, %swap3A_1350, %swap3A_1351], %swap3A_1354 {add = true, strides = array<i32>} : memref<10x64x128xf32, #tpu.memory_space<vmem>>, vector<1x1x16xf32>,
        %mul3A_1355 = arith.constant 2 : i32
        %mul3A_1356 = arith.muli %scan3A_1267, %mul3A_1355 : i32
        %add3A_1357 = arith.constant 1 : i32
        %add3A_1358 = arith.addi %mul3A_1356, %add3A_1357 : i32
        %swap3A_1359 = arith.constant 3 : i32
        %swap3A_1360 = arith.index_cast %swap3A_1359 : i32 to index
        %swap3A_1361 = arith.index_cast %add3A_1358 : i32 to index
        %swap3A_1362 = arith.constant 0 : index
        %swap3A_1363 = tpu.vector_load %arg8[%swap3A_1360, %swap3A_1361, %swap3A_1362] {strides = array<i32>} : memref<10x64x128xf32, #tpu.memory_space<vmem>>, vector<1x1x16xf32>,
        %swap3A_1364 = vector.shape_cast %swap3A_1363 : vector<1x1x16xf32> to vector<16xf32>
        %swap3A_1365 = vector.shape_cast %get3A_664 : vector<16xf32> to vector<1x1x16xf32>
        tpu.vector_store %arg8[%swap3A_1360, %swap3A_1361, %swap3A_1362], %swap3A_1365 {add = true, strides = array<i32>} : memref<10x64x128xf32, #tpu.memory_space<vmem>>, vector<1x1x16xf32>,
        %mul3A_1366 = arith.constant 2 : i32
        %mul3A_1367 = arith.muli %scan3A_1267, %mul3A_1366 : i32
        %add3A_1368 = arith.constant 1 : i32
        %add3A_1369 = arith.addi %mul3A_1367, %add3A_1368 : i32
        %swap3A_1370 = arith.constant 3 : i32
        %swap3A_1371 = arith.index_cast %swap3A_1370 : i32 to index
        %swap3A_1372 = arith.index_cast %add3A_1369 : i32 to index
        %swap3A_1373 = arith.constant 16 : index
        %swap3A_1374 = tpu.vector_load %arg8[%swap3A_1371, %swap3A_1372, %swap3A_1373] {strides = array<i32>} : memref<10x64x128xf32, #tpu.memory_space<vmem>>, vector<1x1x16xf32>,
        %swap3A_1375 = vector.shape_cast %swap3A_1374 : vector<1x1x16xf32> to vector<16xf32>
        %swap3A_1376 = vector.shape_cast %get3A_668 : vector<16xf32> to vector<1x1x16xf32>
        tpu.vector_store %arg8[%swap3A_1371, %swap3A_1372, %swap3A_1373], %swap3A_1376 {add = true, strides = array<i32>} : memref<10x64x128xf32, #tpu.memory_space<vmem>>, vector<1x1x16xf32>,
        %mul3A_1377 = arith.constant 2 : i32
        %mul3A_1378 = arith.muli %scan3A_1267, %mul3A_1377 : i32
        %add3A_1379 = arith.constant 1 : i32
        %add3A_1380 = arith.addi %mul3A_1378, %add3A_1379 : i32
        %swap3A_1381 = arith.constant 3 : i32
        %swap3A_1382 = arith.index_cast %swap3A_1381 : i32 to index
        %swap3A_1383 = arith.index_cast %add3A_1380 : i32 to index
        %swap3A_1384 = arith.constant 32 : index
        %swap3A_1385 = tpu.vector_load %arg8[%swap3A_1382, %swap3A_1383, %swap3A_1384] {strides = array<i32>} : memref<10x64x128xf32, #tpu.memory_space<vmem>>, vector<1x1x16xf32>,
        %swap3A_1386 = vector.shape_cast %swap3A_1385 : vector<1x1x16xf32> to vector<16xf32>
        %swap3A_1387 = vector.shape_cast %get3A_672 : vector<16xf32> to vector<1x1x16xf32>
        tpu.vector_store %arg8[%swap3A_1382, %swap3A_1383, %swap3A_1384], %swap3A_1387 {add = true, strides = array<i32>} : memref<10x64x128xf32, #tpu.memory_space<vmem>>, vector<1x1x16xf32>,
        %mul3A_1388 = arith.constant 2 : i32
        %mul3A_1389 = arith.muli %scan3A_1267, %mul3A_1388 : i32
        %add3A_1390 = arith.constant 1 : i32
        %add3A_1391 = arith.addi %mul3A_1389, %add3A_1390 : i32
        %swap3A_1392 = arith.constant 3 : i32
        %swap3A_1393 = arith.index_cast %swap3A_1392 : i32 to index
        %swap3A_1394 = arith.index_cast %add3A_1391 : i32 to index
        %swap3A_1395 = arith.constant 48 : index
        %swap3A_1396 = tpu.vector_load %arg8[%swap3A_1393, %swap3A_1394, %swap3A_1395] {strides = array<i32>} : memref<10x64x128xf32, #tpu.memory_space<vmem>>, vector<1x1x16xf32>,
        %swap3A_1397 = vector.shape_cast %swap3A_1396 : vector<1x1x16xf32> to vector<16xf32>
        %swap3A_1398 = vector.shape_cast %get3A_676 : vector<16xf32> to vector<1x1x16xf32>
        tpu.vector_store %arg8[%swap3A_1393, %swap3A_1394, %swap3A_1395], %swap3A_1398 {add = true, strides = array<i32>} : memref<10x64x128xf32, #tpu.memory_space<vmem>>, vector<1x1x16xf32>,
        %mul3A_1399 = arith.constant 2 : i32
        %mul3A_1400 = arith.muli %scan3A_1267, %mul3A_1399 : i32
        %add3A_1401 = arith.constant 1 : i32
        %add3A_1402 = arith.addi %mul3A_1400, %add3A_1401 : i32
        %swap3A_1403 = arith.constant 3 : i32
        %swap3A_1404 = arith.index_cast %swap3A_1403 : i32 to index
        %swap3A_1405 = arith.index_cast %add3A_1402 : i32 to index
        %swap3A_1406 = arith.constant 64 : index
        %swap3A_1407 = tpu.vector_load %arg8[%swap3A_1404, %swap3A_1405, %swap3A_1406] {strides = array<i32>} : memref<10x64x128xf32, #tpu.memory_space<vmem>>, vector<1x1x16xf32>,
        %swap3A_1408 = vector.shape_cast %swap3A_1407 : vector<1x1x16xf32> to vector<16xf32>
        %swap3A_1409 = vector.shape_cast %get3A_680 : vector<16xf32> to vector<1x1x16xf32>
        tpu.vector_store %arg8[%swap3A_1404, %swap3A_1405, %swap3A_1406], %swap3A_1409 {add = true, strides = array<i32>} : memref<10x64x128xf32, #tpu.memory_space<vmem>>, vector<1x1x16xf32>,
        %mul3A_1410 = arith.constant 2 : i32
        %mul3A_1411 = arith.muli %scan3A_1267, %mul3A_1410 : i32
        %add3A_1412 = arith.constant 1 : i32
        %add3A_1413 = arith.addi %mul3A_1411, %add3A_1412 : i32
        %swap3A_1414 = arith.constant 3 : i32
        %swap3A_1415 = arith.index_cast %swap3A_1414 : i32 to index
        %swap3A_1416 = arith.index_cast %add3A_1413 : i32 to index
        %swap3A_1417 = arith.constant 80 : index
        %swap3A_1418 = tpu.vector_load %arg8[%swap3A_1415, %swap3A_1416, %swap3A_1417] {strides = array<i32>} : memref<10x64x128xf32, #tpu.memory_space<vmem>>, vector<1x1x16xf32>,
        %swap3A_1419 = vector.shape_cast %swap3A_1418 : vector<1x1x16xf32> to vector<16xf32>
        %swap3A_1420 = vector.shape_cast %get3A_684 : vector<16xf32> to vector<1x1x16xf32>
        tpu.vector_store %arg8[%swap3A_1415, %swap3A_1416, %swap3A_1417], %swap3A_1420 {add = true, strides = array<i32>} : memref<10x64x128xf32, #tpu.memory_space<vmem>>, vector<1x1x16xf32>,
        %mul3A_1421 = arith.constant 2 : i32
        %mul3A_1422 = arith.muli %scan3A_1267, %mul3A_1421 : i32
        %add3A_1423 = arith.constant 1 : i32
        %add3A_1424 = arith.addi %mul3A_1422, %add3A_1423 : i32
        %swap3A_1425 = arith.constant 3 : i32
        %swap3A_1426 = arith.index_cast %swap3A_1425 : i32 to index
        %swap3A_1427 = arith.index_cast %add3A_1424 : i32 to index
        %swap3A_1428 = arith.constant 96 : index
        %swap3A_1429 = tpu.vector_load %arg8[%swap3A_1426, %swap3A_1427, %swap3A_1428] {strides = array<i32>} : memref<10x64x128xf32, #tpu.memory_space<vmem>>, vector<1x1x16xf32>,
        %swap3A_1430 = vector.shape_cast %swap3A_1429 : vector<1x1x16xf32> to vector<16xf32>
        %swap3A_1431 = vector.shape_cast %get3A_688 : vector<16xf32> to vector<1x1x16xf32>
        tpu.vector_store %arg8[%swap3A_1426, %swap3A_1427, %swap3A_1428], %swap3A_1431 {add = true, strides = array<i32>} : memref<10x64x128xf32, #tpu.memory_space<vmem>>, vector<1x1x16xf32>,
        %mul3A_1432 = arith.constant 2 : i32
        %mul3A_1433 = arith.muli %scan3A_1267, %mul3A_1432 : i32
        %add3A_1434 = arith.constant 1 : i32
        %add3A_1435 = arith.addi %mul3A_1433, %add3A_1434 : i32
        %swap3A_1436 = arith.constant 3 : i32
        %swap3A_1437 = arith.index_cast %swap3A_1436 : i32 to index
        %swap3A_1438 = arith.index_cast %add3A_1435 : i32 to index
        %swap3A_1439 = arith.constant 112 : index
        %swap3A_1440 = tpu.vector_load %arg8[%swap3A_1437, %swap3A_1438, %swap3A_1439] {strides = array<i32>} : memref<10x64x128xf32, #tpu.memory_space<vmem>>, vector<1x1x16xf32>,
        %swap3A_1441 = vector.shape_cast %swap3A_1440 : vector<1x1x16xf32> to vector<16xf32>
        %swap3A_1442 = vector.shape_cast %get3A_692 : vector<16xf32> to vector<1x1x16xf32>
        tpu.vector_store %arg8[%swap3A_1437, %swap3A_1438, %swap3A_1439], %swap3A_1442 {add = true, strides = array<i32>} : memref<10x64x128xf32, #tpu.memory_space<vmem>>, vector<1x1x16xf32>,
      }
      %scan3A_698 = arith.constant 32 : i32
      %add3A_699 = arith.addi %mul3A_2, %add3A_624 : i32
      %mul3A_700 = arith.constant 64 : i32
      %mul3A_701 = arith.muli %add3A_699, %mul3A_700 : i32
      %dma_start3A_702 = arith.constant 3 : i32
      %dma_start3A_703 = arith.constant 0 : i32
      %dma_start3A_704 = arith.constant 0 : i32
      %dma_start3A_705 = tpu.memref_slice %arg8[%dma_start3A_702, %dma_start3A_703, %dma_start3A_704] : memref<10x64x128xf32, #tpu.memory_space<vmem>> -> memref<1x64x128xf32, #tpu.memory_space<vmem>>
      %dma_start3A_706 = tpu.memref_squeeze %dma_start3A_705 : memref<1x64x128xf32, #tpu.memory_space<vmem>> -> memref<64x128xf32, #tpu.memory_space<vmem>>
      %dma_start3A_707 = arith.constant 0 : i32
      %dma_start3A_708 = tpu.memref_slice %arg5[%mul3A_701, %dma_start3A_707] : memref<204800x128xf32, #tpu.memory_space<hbm>> -> memref<64x128xf32, #tpu.memory_space<hbm>>
      %dma_start3A_709 = arith.constant 0 : i32
      %dma_start3A_710 = tpu.memref_slice %arg5[%mul3A_701, %dma_start3A_709] : memref<204800x128xf32, #tpu.memory_space<hbm>> -> memref<64x128xf32, #tpu.memory_space<hbm>>
      %dma_start3A_711 = arith.constant 0 : i32
      %dma_start3A_712 = arith.constant 0 : i32
      %dma_start3A_713 = tpu.memref_slice %arg8[%dma_start3A_702, %dma_start3A_711, %dma_start3A_712] : memref<10x64x128xf32, #tpu.memory_space<vmem>> -> memref<1x64x128xf32, #tpu.memory_space<vmem>>
      %dma_start3A_714 = tpu.memref_squeeze %dma_start3A_713 : memref<1x64x128xf32, #tpu.memory_space<vmem>> -> memref<64x128xf32, #tpu.memory_space<vmem>>
      tpu.enqueue_dma source(%dma_start3A_714 : memref<64x128xf32, #tpu.memory_space<vmem>>) target(%dma_start3A_710 : memref<64x128xf32, #tpu.memory_space<hbm>>) target_semaphore(%arg22 : memref<!tpu.dma_semaphore, #tpu.memory_space<semaphore_mem>>)
      %add3A_715 = arith.constant 4 : i32
      %add3A_716 = arith.addi %mul3A_179, %add3A_715 : i32
      %dma_wait3A_717 = arith.constant 4 : i32
      %dma_wait3A_718 = arith.constant 0 : i32
      %dma_wait3A_719 = arith.constant 0 : i32
      %dma_wait3A_720 = tpu.memref_slice %arg8[%dma_wait3A_717, %dma_wait3A_718, %dma_wait3A_719] : memref<10x64x128xf32, #tpu.memory_space<vmem>> -> memref<1x64x128xf32, #tpu.memory_space<vmem>>
      %dma_wait3A_721 = tpu.memref_squeeze %dma_wait3A_720 : memref<1x64x128xf32, #tpu.memory_space<vmem>> -> memref<64x128xf32, #tpu.memory_space<vmem>>
      %dma_wait3A_722 = arith.constant 0 : i32
      %dma_wait3A_723 = tpu.memref_slice %arg6[%add3A_716, %dma_wait3A_722] : memref<100x64xi32, #tpu.memory_space<vmem>> -> memref<1x64xi32, #tpu.memory_space<vmem>>
      %dma_wait3A_724 = tpu.memref_squeeze %dma_wait3A_723 : memref<1x64xi32, #tpu.memory_space<vmem>> -> memref<64xi32, #tpu.memory_space<vmem>>
      %dma_wait3A_725 = arith.constant 0 : i32
      %dma_wait3A_726 = arith.constant 0 : i32
      %dma_wait3A_727 = tpu.memref_slice %arg3[%dma_wait3A_725, %dma_wait3A_726] : memref<100000x128xf32, #tpu.memory_space<hbm>> -> memref<100000x128xf32, #tpu.memory_space<hbm>>
      tpu.wait_indirect_dma semaphore(%arg13 : memref<!tpu.dma_semaphore, #tpu.memory_space<semaphore_mem>>) src(%dma_wait3A_727 : memref<100000x128xf32, #tpu.memory_space<hbm>>) dst(%dma_wait3A_721 : memref<64x128xf32, #tpu.memory_space<vmem>>)
      %add3A_728 = arith.addi %mul3A_2, %add3A_716 : i32
      %jit3A_729 = arith.constant 16 : i32
      %div3A_730 = arith.divsi %add3A_728, %jit3A_729 : i32
      %sign3A_731 = arith.constant 0 : i32
      %sign3A_732 = arith.cmpi sgt, %add3A_728, %sign3A_731 : i32
      %sign3A_733 = arith.extui %sign3A_732 : i1 to i32
      %sign3A_734 = arith.constant 0 : i32
      %sign3A_735 = arith.cmpi slt, %add3A_728, %sign3A_734 : i32
      %sign3A_736 = arith.extui %sign3A_735 : i1 to i32
      %sign3A_737 = arith.subi %sign3A_733, %sign3A_736 : i32
      %sign3A_738 = arith.constant 0 : i32
      %sign3A_739 = arith.cmpi sgt, %jit3A_729, %sign3A_738 : i32
      %sign3A_740 = arith.extui %sign3A_739 : i1 to i32
      %sign3A_741 = arith.constant 0 : i32
      %sign3A_742 = arith.cmpi slt, %jit3A_729, %sign3A_741 : i32
      %sign3A_743 = arith.extui %sign3A_742 : i1 to i32
      %sign3A_744 = arith.subi %sign3A_740, %sign3A_743 : i32
      %ne3A_745 = arith.cmpi ne, %sign3A_737, %sign3A_744 : i32
      %rem3A_746 = arith.remsi %add3A_728, %jit3A_729 : i32
      %ne3A_747 = arith.constant 0 : i32
      %ne3A_748 = arith.cmpi ne, %rem3A_746, %ne3A_747 : i32
      %and3A_749 = arith.andi %ne3A_745, %ne3A_748 : i1
      %sub3A_750 = arith.constant 1 : i32
      %sub3A_751 = arith.subi %div3A_730, %sub3A_750 : i32
      %select_n3A_752 = arith.select %and3A_749, %sub3A_751, %div3A_730 : i32
      %get3A_753 = arith.index_cast %select_n3A_752 : i32 to index
      %get3A_754 = arith.constant 0 : index
      %get3A_755 = tpu.vector_load %arg7[%get3A_753, %get3A_754] {strides = array<i32>} : memref<200x128xf32, #tpu.memory_space<vmem>>, vector<1x16xf32>,
      %get3A_756 = vector.shape_cast %get3A_755 : vector<1x16xf32> to vector<16xf32>
      %get3A_757 = arith.index_cast %select_n3A_752 : i32 to index
      %get3A_758 = arith.constant 16 : index
      %get3A_759 = tpu.vector_load %arg7[%get3A_757, %get3A_758] {strides = array<i32>} : memref<200x128xf32, #tpu.memory_space<vmem>>, vector<1x16xf32>,
      %get3A_760 = vector.shape_cast %get3A_759 : vector<1x16xf32> to vector<16xf32>
      %get3A_761 = arith.index_cast %select_n3A_752 : i32 to index
      %get3A_762 = arith.constant 32 : index
      %get3A_763 = tpu.vector_load %arg7[%get3A_761, %get3A_762] {strides = array<i32>} : memref<200x128xf32, #tpu.memory_space<vmem>>, vector<1x16xf32>,
      %get3A_764 = vector.shape_cast %get3A_763 : vector<1x16xf32> to vector<16xf32>
      %get3A_765 = arith.index_cast %select_n3A_752 : i32 to index
      %get3A_766 = arith.constant 48 : index
      %get3A_767 = tpu.vector_load %arg7[%get3A_765, %get3A_766] {strides = array<i32>} : memref<200x128xf32, #tpu.memory_space<vmem>>, vector<1x16xf32>,
      %get3A_768 = vector.shape_cast %get3A_767 : vector<1x16xf32> to vector<16xf32>
      %get3A_769 = arith.index_cast %select_n3A_752 : i32 to index
      %get3A_770 = arith.constant 64 : index
      %get3A_771 = tpu.vector_load %arg7[%get3A_769, %get3A_770] {strides = array<i32>} : memref<200x128xf32, #tpu.memory_space<vmem>>, vector<1x16xf32>,
      %get3A_772 = vector.shape_cast %get3A_771 : vector<1x16xf32> to vector<16xf32>
      %get3A_773 = arith.index_cast %select_n3A_752 : i32 to index
      %get3A_774 = arith.constant 80 : index
      %get3A_775 = tpu.vector_load %arg7[%get3A_773, %get3A_774] {strides = array<i32>} : memref<200x128xf32, #tpu.memory_space<vmem>>, vector<1x16xf32>,
      %get3A_776 = vector.shape_cast %get3A_775 : vector<1x16xf32> to vector<16xf32>
      %get3A_777 = arith.index_cast %select_n3A_752 : i32 to index
      %get3A_778 = arith.constant 96 : index
      %get3A_779 = tpu.vector_load %arg7[%get3A_777, %get3A_778] {strides = array<i32>} : memref<200x128xf32, #tpu.memory_space<vmem>>, vector<1x16xf32>,
      %get3A_780 = vector.shape_cast %get3A_779 : vector<1x16xf32> to vector<16xf32>
      %get3A_781 = arith.index_cast %select_n3A_752 : i32 to index
      %get3A_782 = arith.constant 112 : index
      %get3A_783 = tpu.vector_load %arg7[%get3A_781, %get3A_782] {strides = array<i32>} : memref<200x128xf32, #tpu.memory_space<vmem>>, vector<1x16xf32>,
      %get3A_784 = vector.shape_cast %get3A_783 : vector<1x16xf32> to vector<16xf32>
      %scan3A_785 = arith.constant 0 : i32
      %scan3A_786 = arith.constant 0 : i32
      %scan3A_787 = arith.constant 32 : i32
      %scan3A_788 = arith.addi %scan3A_786, %scan3A_787 : i32
      %scan3A_789 = arith.constant 1 : i32
      scf.for %scan3A_1267 = %scan3A_786 to %scan3A_788 step %scan3A_789  : i32 {
        %mul3A_1268 = arith.constant 2 : i32
        %mul3A_1269 = arith.muli %scan3A_1267, %mul3A_1268 : i32
        %add3A_1270 = arith.constant 0 : i32
        %add3A_1271 = arith.addi %mul3A_1269, %add3A_1270 : i32
        %swap3A = arith.constant 4 : i32
        %swap3A_1272 = arith.index_cast %swap3A : i32 to index
        %swap3A_1273 = arith.index_cast %add3A_1271 : i32 to index
        %swap3A_1274 = arith.constant 0 : index
        %swap3A_1275 = tpu.vector_load %arg8[%swap3A_1272, %swap3A_1273, %swap3A_1274] {strides = array<i32>} : memref<10x64x128xf32, #tpu.memory_space<vmem>>, vector<1x1x16xf32>,
        %swap3A_1276 = vector.shape_cast %swap3A_1275 : vector<1x1x16xf32> to vector<16xf32>
        %swap3A_1277 = vector.shape_cast %get3A_756 : vector<16xf32> to vector<1x1x16xf32>
        tpu.vector_store %arg8[%swap3A_1272, %swap3A_1273, %swap3A_1274], %swap3A_1277 {add = true, strides = array<i32>} : memref<10x64x128xf32, #tpu.memory_space<vmem>>, vector<1x1x16xf32>,
        %mul3A_1278 = arith.constant 2 : i32
        %mul3A_1279 = arith.muli %scan3A_1267, %mul3A_1278 : i32
        %add3A_1280 = arith.constant 0 : i32
        %add3A_1281 = arith.addi %mul3A_1279, %add3A_1280 : i32
        %swap3A_1282 = arith.constant 4 : i32
        %swap3A_1283 = arith.index_cast %swap3A_1282 : i32 to index
        %swap3A_1284 = arith.index_cast %add3A_1281 : i32 to index
        %swap3A_1285 = arith.constant 16 : index
        %swap3A_1286 = tpu.vector_load %arg8[%swap3A_1283, %swap3A_1284, %swap3A_1285] {strides = array<i32>} : memref<10x64x128xf32, #tpu.memory_space<vmem>>, vector<1x1x16xf32>,
        %swap3A_1287 = vector.shape_cast %swap3A_1286 : vector<1x1x16xf32> to vector<16xf32>
        %swap3A_1288 = vector.shape_cast %get3A_760 : vector<16xf32> to vector<1x1x16xf32>
        tpu.vector_store %arg8[%swap3A_1283, %swap3A_1284, %swap3A_1285], %swap3A_1288 {add = true, strides = array<i32>} : memref<10x64x128xf32, #tpu.memory_space<vmem>>, vector<1x1x16xf32>,
        %mul3A_1289 = arith.constant 2 : i32
        %mul3A_1290 = arith.muli %scan3A_1267, %mul3A_1289 : i32
        %add3A_1291 = arith.constant 0 : i32
        %add3A_1292 = arith.addi %mul3A_1290, %add3A_1291 : i32
        %swap3A_1293 = arith.constant 4 : i32
        %swap3A_1294 = arith.index_cast %swap3A_1293 : i32 to index
        %swap3A_1295 = arith.index_cast %add3A_1292 : i32 to index
        %swap3A_1296 = arith.constant 32 : index
        %swap3A_1297 = tpu.vector_load %arg8[%swap3A_1294, %swap3A_1295, %swap3A_1296] {strides = array<i32>} : memref<10x64x128xf32, #tpu.memory_space<vmem>>, vector<1x1x16xf32>,
        %swap3A_1298 = vector.shape_cast %swap3A_1297 : vector<1x1x16xf32> to vector<16xf32>
        %swap3A_1299 = vector.shape_cast %get3A_764 : vector<16xf32> to vector<1x1x16xf32>
        tpu.vector_store %arg8[%swap3A_1294, %swap3A_1295, %swap3A_1296], %swap3A_1299 {add = true, strides = array<i32>} : memref<10x64x128xf32, #tpu.memory_space<vmem>>, vector<1x1x16xf32>,
        %mul3A_1300 = arith.constant 2 : i32
        %mul3A_1301 = arith.muli %scan3A_1267, %mul3A_1300 : i32
        %add3A_1302 = arith.constant 0 : i32
        %add3A_1303 = arith.addi %mul3A_1301, %add3A_1302 : i32
        %swap3A_1304 = arith.constant 4 : i32
        %swap3A_1305 = arith.index_cast %swap3A_1304 : i32 to index
        %swap3A_1306 = arith.index_cast %add3A_1303 : i32 to index
        %swap3A_1307 = arith.constant 48 : index
        %swap3A_1308 = tpu.vector_load %arg8[%swap3A_1305, %swap3A_1306, %swap3A_1307] {strides = array<i32>} : memref<10x64x128xf32, #tpu.memory_space<vmem>>, vector<1x1x16xf32>,
        %swap3A_1309 = vector.shape_cast %swap3A_1308 : vector<1x1x16xf32> to vector<16xf32>
        %swap3A_1310 = vector.shape_cast %get3A_768 : vector<16xf32> to vector<1x1x16xf32>
        tpu.vector_store %arg8[%swap3A_1305, %swap3A_1306, %swap3A_1307], %swap3A_1310 {add = true, strides = array<i32>} : memref<10x64x128xf32, #tpu.memory_space<vmem>>, vector<1x1x16xf32>,
        %mul3A_1311 = arith.constant 2 : i32
        %mul3A_1312 = arith.muli %scan3A_1267, %mul3A_1311 : i32
        %add3A_1313 = arith.constant 0 : i32
        %add3A_1314 = arith.addi %mul3A_1312, %add3A_1313 : i32
        %swap3A_1315 = arith.constant 4 : i32
        %swap3A_1316 = arith.index_cast %swap3A_1315 : i32 to index
        %swap3A_1317 = arith.index_cast %add3A_1314 : i32 to index
        %swap3A_1318 = arith.constant 64 : index
        %swap3A_1319 = tpu.vector_load %arg8[%swap3A_1316, %swap3A_1317, %swap3A_1318] {strides = array<i32>} : memref<10x64x128xf32, #tpu.memory_space<vmem>>, vector<1x1x16xf32>,
        %swap3A_1320 = vector.shape_cast %swap3A_1319 : vector<1x1x16xf32> to vector<16xf32>
        %swap3A_1321 = vector.shape_cast %get3A_772 : vector<16xf32> to vector<1x1x16xf32>
        tpu.vector_store %arg8[%swap3A_1316, %swap3A_1317, %swap3A_1318], %swap3A_1321 {add = true, strides = array<i32>} : memref<10x64x128xf32, #tpu.memory_space<vmem>>, vector<1x1x16xf32>,
        %mul3A_1322 = arith.constant 2 : i32
        %mul3A_1323 = arith.muli %scan3A_1267, %mul3A_1322 : i32
        %add3A_1324 = arith.constant 0 : i32
        %add3A_1325 = arith.addi %mul3A_1323, %add3A_1324 : i32
        %swap3A_1326 = arith.constant 4 : i32
        %swap3A_1327 = arith.index_cast %swap3A_1326 : i32 to index
        %swap3A_1328 = arith.index_cast %add3A_1325 : i32 to index
        %swap3A_1329 = arith.constant 80 : index
        %swap3A_1330 = tpu.vector_load %arg8[%swap3A_1327, %swap3A_1328, %swap3A_1329] {strides = array<i32>} : memref<10x64x128xf32, #tpu.memory_space<vmem>>, vector<1x1x16xf32>,
        %swap3A_1331 = vector.shape_cast %swap3A_1330 : vector<1x1x16xf32> to vector<16xf32>
        %swap3A_1332 = vector.shape_cast %get3A_776 : vector<16xf32> to vector<1x1x16xf32>
        tpu.vector_store %arg8[%swap3A_1327, %swap3A_1328, %swap3A_1329], %swap3A_1332 {add = true, strides = array<i32>} : memref<10x64x128xf32, #tpu.memory_space<vmem>>, vector<1x1x16xf32>,
        %mul3A_1333 = arith.constant 2 : i32
        %mul3A_1334 = arith.muli %scan3A_1267, %mul3A_1333 : i32
        %add3A_1335 = arith.constant 0 : i32
        %add3A_1336 = arith.addi %mul3A_1334, %add3A_1335 : i32
        %swap3A_1337 = arith.constant 4 : i32
        %swap3A_1338 = arith.index_cast %swap3A_1337 : i32 to index
        %swap3A_1339 = arith.index_cast %add3A_1336 : i32 to index
        %swap3A_1340 = arith.constant 96 : index
        %swap3A_1341 = tpu.vector_load %arg8[%swap3A_1338, %swap3A_1339, %swap3A_1340] {strides = array<i32>} : memref<10x64x128xf32, #tpu.memory_space<vmem>>, vector<1x1x16xf32>,
        %swap3A_1342 = vector.shape_cast %swap3A_1341 : vector<1x1x16xf32> to vector<16xf32>
        %swap3A_1343 = vector.shape_cast %get3A_780 : vector<16xf32> to vector<1x1x16xf32>
        tpu.vector_store %arg8[%swap3A_1338, %swap3A_1339, %swap3A_1340], %swap3A_1343 {add = true, strides = array<i32>} : memref<10x64x128xf32, #tpu.memory_space<vmem>>, vector<1x1x16xf32>,
        %mul3A_1344 = arith.constant 2 : i32
        %mul3A_1345 = arith.muli %scan3A_1267, %mul3A_1344 : i32
        %add3A_1346 = arith.constant 0 : i32
        %add3A_1347 = arith.addi %mul3A_1345, %add3A_1346 : i32
        %swap3A_1348 = arith.constant 4 : i32
        %swap3A_1349 = arith.index_cast %swap3A_1348 : i32 to index
        %swap3A_1350 = arith.index_cast %add3A_1347 : i32 to index
        %swap3A_1351 = arith.constant 112 : index
        %swap3A_1352 = tpu.vector_load %arg8[%swap3A_1349, %swap3A_1350, %swap3A_1351] {strides = array<i32>} : memref<10x64x128xf32, #tpu.memory_space<vmem>>, vector<1x1x16xf32>,
        %swap3A_1353 = vector.shape_cast %swap3A_1352 : vector<1x1x16xf32> to vector<16xf32>
        %swap3A_1354 = vector.shape_cast %get3A_784 : vector<16xf32> to vector<1x1x16xf32>
        tpu.vector_store %arg8[%swap3A_1349, %swap3A_1350, %swap3A_1351], %swap3A_1354 {add = true, strides = array<i32>} : memref<10x64x128xf32, #tpu.memory_space<vmem>>, vector<1x1x16xf32>,
        %mul3A_1355 = arith.constant 2 : i32
        %mul3A_1356 = arith.muli %scan3A_1267, %mul3A_1355 : i32
        %add3A_1357 = arith.constant 1 : i32
        %add3A_1358 = arith.addi %mul3A_1356, %add3A_1357 : i32
        %swap3A_1359 = arith.constant 4 : i32
        %swap3A_1360 = arith.index_cast %swap3A_1359 : i32 to index
        %swap3A_1361 = arith.index_cast %add3A_1358 : i32 to index
        %swap3A_1362 = arith.constant 0 : index
        %swap3A_1363 = tpu.vector_load %arg8[%swap3A_1360, %swap3A_1361, %swap3A_1362] {strides = array<i32>} : memref<10x64x128xf32, #tpu.memory_space<vmem>>, vector<1x1x16xf32>,
        %swap3A_1364 = vector.shape_cast %swap3A_1363 : vector<1x1x16xf32> to vector<16xf32>
        %swap3A_1365 = vector.shape_cast %get3A_756 : vector<16xf32> to vector<1x1x16xf32>
        tpu.vector_store %arg8[%swap3A_1360, %swap3A_1361, %swap3A_1362], %swap3A_1365 {add = true, strides = array<i32>} : memref<10x64x128xf32, #tpu.memory_space<vmem>>, vector<1x1x16xf32>,
        %mul3A_1366 = arith.constant 2 : i32
        %mul3A_1367 = arith.muli %scan3A_1267, %mul3A_1366 : i32
        %add3A_1368 = arith.constant 1 : i32
        %add3A_1369 = arith.addi %mul3A_1367, %add3A_1368 : i32
        %swap3A_1370 = arith.constant 4 : i32
        %swap3A_1371 = arith.index_cast %swap3A_1370 : i32 to index
        %swap3A_1372 = arith.index_cast %add3A_1369 : i32 to index
        %swap3A_1373 = arith.constant 16 : index
        %swap3A_1374 = tpu.vector_load %arg8[%swap3A_1371, %swap3A_1372, %swap3A_1373] {strides = array<i32>} : memref<10x64x128xf32, #tpu.memory_space<vmem>>, vector<1x1x16xf32>,
        %swap3A_1375 = vector.shape_cast %swap3A_1374 : vector<1x1x16xf32> to vector<16xf32>
        %swap3A_1376 = vector.shape_cast %get3A_760 : vector<16xf32> to vector<1x1x16xf32>
        tpu.vector_store %arg8[%swap3A_1371, %swap3A_1372, %swap3A_1373], %swap3A_1376 {add = true, strides = array<i32>} : memref<10x64x128xf32, #tpu.memory_space<vmem>>, vector<1x1x16xf32>,
        %mul3A_1377 = arith.constant 2 : i32
        %mul3A_1378 = arith.muli %scan3A_1267, %mul3A_1377 : i32
        %add3A_1379 = arith.constant 1 : i32
        %add3A_1380 = arith.addi %mul3A_1378, %add3A_1379 : i32
        %swap3A_1381 = arith.constant 4 : i32
        %swap3A_1382 = arith.index_cast %swap3A_1381 : i32 to index
        %swap3A_1383 = arith.index_cast %add3A_1380 : i32 to index
        %swap3A_1384 = arith.constant 32 : index
        %swap3A_1385 = tpu.vector_load %arg8[%swap3A_1382, %swap3A_1383, %swap3A_1384] {strides = array<i32>} : memref<10x64x128xf32, #tpu.memory_space<vmem>>, vector<1x1x16xf32>,
        %swap3A_1386 = vector.shape_cast %swap3A_1385 : vector<1x1x16xf32> to vector<16xf32>
        %swap3A_1387 = vector.shape_cast %get3A_764 : vector<16xf32> to vector<1x1x16xf32>
        tpu.vector_store %arg8[%swap3A_1382, %swap3A_1383, %swap3A_1384], %swap3A_1387 {add = true, strides = array<i32>} : memref<10x64x128xf32, #tpu.memory_space<vmem>>, vector<1x1x16xf32>,
        %mul3A_1388 = arith.constant 2 : i32
        %mul3A_1389 = arith.muli %scan3A_1267, %mul3A_1388 : i32
        %add3A_1390 = arith.constant 1 : i32
        %add3A_1391 = arith.addi %mul3A_1389, %add3A_1390 : i32
        %swap3A_1392 = arith.constant 4 : i32
        %swap3A_1393 = arith.index_cast %swap3A_1392 : i32 to index
        %swap3A_1394 = arith.index_cast %add3A_1391 : i32 to index
        %swap3A_1395 = arith.constant 48 : index
        %swap3A_1396 = tpu.vector_load %arg8[%swap3A_1393, %swap3A_1394, %swap3A_1395] {strides = array<i32>} : memref<10x64x128xf32, #tpu.memory_space<vmem>>, vector<1x1x16xf32>,
        %swap3A_1397 = vector.shape_cast %swap3A_1396 : vector<1x1x16xf32> to vector<16xf32>
        %swap3A_1398 = vector.shape_cast %get3A_768 : vector<16xf32> to vector<1x1x16xf32>
        tpu.vector_store %arg8[%swap3A_1393, %swap3A_1394, %swap3A_1395], %swap3A_1398 {add = true, strides = array<i32>} : memref<10x64x128xf32, #tpu.memory_space<vmem>>, vector<1x1x16xf32>,
        %mul3A_1399 = arith.constant 2 : i32
        %mul3A_1400 = arith.muli %scan3A_1267, %mul3A_1399 : i32
        %add3A_1401 = arith.constant 1 : i32
        %add3A_1402 = arith.addi %mul3A_1400, %add3A_1401 : i32
        %swap3A_1403 = arith.constant 4 : i32
        %swap3A_1404 = arith.index_cast %swap3A_1403 : i32 to index
        %swap3A_1405 = arith.index_cast %add3A_1402 : i32 to index
        %swap3A_1406 = arith.constant 64 : index
        %swap3A_1407 = tpu.vector_load %arg8[%swap3A_1404, %swap3A_1405, %swap3A_1406] {strides = array<i32>} : memref<10x64x128xf32, #tpu.memory_space<vmem>>, vector<1x1x16xf32>,
        %swap3A_1408 = vector.shape_cast %swap3A_1407 : vector<1x1x16xf32> to vector<16xf32>
        %swap3A_1409 = vector.shape_cast %get3A_772 : vector<16xf32> to vector<1x1x16xf32>
        tpu.vector_store %arg8[%swap3A_1404, %swap3A_1405, %swap3A_1406], %swap3A_1409 {add = true, strides = array<i32>} : memref<10x64x128xf32, #tpu.memory_space<vmem>>, vector<1x1x16xf32>,
        %mul3A_1410 = arith.constant 2 : i32
        %mul3A_1411 = arith.muli %scan3A_1267, %mul3A_1410 : i32
        %add3A_1412 = arith.constant 1 : i32
        %add3A_1413 = arith.addi %mul3A_1411, %add3A_1412 : i32
        %swap3A_1414 = arith.constant 4 : i32
        %swap3A_1415 = arith.index_cast %swap3A_1414 : i32 to index
        %swap3A_1416 = arith.index_cast %add3A_1413 : i32 to index
        %swap3A_1417 = arith.constant 80 : index
        %swap3A_1418 = tpu.vector_load %arg8[%swap3A_1415, %swap3A_1416, %swap3A_1417] {strides = array<i32>} : memref<10x64x128xf32, #tpu.memory_space<vmem>>, vector<1x1x16xf32>,
        %swap3A_1419 = vector.shape_cast %swap3A_1418 : vector<1x1x16xf32> to vector<16xf32>
        %swap3A_1420 = vector.shape_cast %get3A_776 : vector<16xf32> to vector<1x1x16xf32>
        tpu.vector_store %arg8[%swap3A_1415, %swap3A_1416, %swap3A_1417], %swap3A_1420 {add = true, strides = array<i32>} : memref<10x64x128xf32, #tpu.memory_space<vmem>>, vector<1x1x16xf32>,
        %mul3A_1421 = arith.constant 2 : i32
        %mul3A_1422 = arith.muli %scan3A_1267, %mul3A_1421 : i32
        %add3A_1423 = arith.constant 1 : i32
        %add3A_1424 = arith.addi %mul3A_1422, %add3A_1423 : i32
        %swap3A_1425 = arith.constant 4 : i32
        %swap3A_1426 = arith.index_cast %swap3A_1425 : i32 to index
        %swap3A_1427 = arith.index_cast %add3A_1424 : i32 to index
        %swap3A_1428 = arith.constant 96 : index
        %swap3A_1429 = tpu.vector_load %arg8[%swap3A_1426, %swap3A_1427, %swap3A_1428] {strides = array<i32>} : memref<10x64x128xf32, #tpu.memory_space<vmem>>, vector<1x1x16xf32>,
        %swap3A_1430 = vector.shape_cast %swap3A_1429 : vector<1x1x16xf32> to vector<16xf32>
        %swap3A_1431 = vector.shape_cast %get3A_780 : vector<16xf32> to vector<1x1x16xf32>
        tpu.vector_store %arg8[%swap3A_1426, %swap3A_1427, %swap3A_1428], %swap3A_1431 {add = true, strides = array<i32>} : memref<10x64x128xf32, #tpu.memory_space<vmem>>, vector<1x1x16xf32>,
        %mul3A_1432 = arith.constant 2 : i32
        %mul3A_1433 = arith.muli %scan3A_1267, %mul3A_1432 : i32
        %add3A_1434 = arith.constant 1 : i32
        %add3A_1435 = arith.addi %mul3A_1433, %add3A_1434 : i32
        %swap3A_1436 = arith.constant 4 : i32
        %swap3A_1437 = arith.index_cast %swap3A_1436 : i32 to index
        %swap3A_1438 = arith.index_cast %add3A_1435 : i32 to index
        %swap3A_1439 = arith.constant 112 : index
        %swap3A_1440 = tpu.vector_load %arg8[%swap3A_1437, %swap3A_1438, %swap3A_1439] {strides = array<i32>} : memref<10x64x128xf32, #tpu.memory_space<vmem>>, vector<1x1x16xf32>,
        %swap3A_1441 = vector.shape_cast %swap3A_1440 : vector<1x1x16xf32> to vector<16xf32>
        %swap3A_1442 = vector.shape_cast %get3A_784 : vector<16xf32> to vector<1x1x16xf32>
        tpu.vector_store %arg8[%swap3A_1437, %swap3A_1438, %swap3A_1439], %swap3A_1442 {add = true, strides = array<i32>} : memref<10x64x128xf32, #tpu.memory_space<vmem>>, vector<1x1x16xf32>,
      }
      %scan3A_790 = arith.constant 32 : i32
      %add3A_791 = arith.addi %mul3A_2, %add3A_716 : i32
      %mul3A_792 = arith.constant 64 : i32
      %mul3A_793 = arith.muli %add3A_791, %mul3A_792 : i32
      %dma_start3A_794 = arith.constant 4 : i32
      %dma_start3A_795 = arith.constant 0 : i32
      %dma_start3A_796 = arith.constant 0 : i32
      %dma_start3A_797 = tpu.memref_slice %arg8[%dma_start3A_794, %dma_start3A_795, %dma_start3A_796] : memref<10x64x128xf32, #tpu.memory_space<vmem>> -> memref<1x64x128xf32, #tpu.memory_space<vmem>>
      %dma_start3A_798 = tpu.memref_squeeze %dma_start3A_797 : memref<1x64x128xf32, #tpu.memory_space<vmem>> -> memref<64x128xf32, #tpu.memory_space<vmem>>
      %dma_start3A_799 = arith.constant 0 : i32
      %dma_start3A_800 = tpu.memref_slice %arg5[%mul3A_793, %dma_start3A_799] : memref<204800x128xf32, #tpu.memory_space<hbm>> -> memref<64x128xf32, #tpu.memory_space<hbm>>
      %dma_start3A_801 = arith.constant 0 : i32
      %dma_start3A_802 = tpu.memref_slice %arg5[%mul3A_793, %dma_start3A_801] : memref<204800x128xf32, #tpu.memory_space<hbm>> -> memref<64x128xf32, #tpu.memory_space<hbm>>
      %dma_start3A_803 = arith.constant 0 : i32
      %dma_start3A_804 = arith.constant 0 : i32
      %dma_start3A_805 = tpu.memref_slice %arg8[%dma_start3A_794, %dma_start3A_803, %dma_start3A_804] : memref<10x64x128xf32, #tpu.memory_space<vmem>> -> memref<1x64x128xf32, #tpu.memory_space<vmem>>
      %dma_start3A_806 = tpu.memref_squeeze %dma_start3A_805 : memref<1x64x128xf32, #tpu.memory_space<vmem>> -> memref<64x128xf32, #tpu.memory_space<vmem>>
      tpu.enqueue_dma source(%dma_start3A_806 : memref<64x128xf32, #tpu.memory_space<vmem>>) target(%dma_start3A_802 : memref<64x128xf32, #tpu.memory_space<hbm>>) target_semaphore(%arg23 : memref<!tpu.dma_semaphore, #tpu.memory_space<semaphore_mem>>)
      %add3A_807 = arith.constant 5 : i32
      %add3A_808 = arith.addi %mul3A_179, %add3A_807 : i32
      %dma_wait3A_809 = arith.constant 5 : i32
      %dma_wait3A_810 = arith.constant 0 : i32
      %dma_wait3A_811 = arith.constant 0 : i32
      %dma_wait3A_812 = tpu.memref_slice %arg8[%dma_wait3A_809, %dma_wait3A_810, %dma_wait3A_811] : memref<10x64x128xf32, #tpu.memory_space<vmem>> -> memref<1x64x128xf32, #tpu.memory_space<vmem>>
      %dma_wait3A_813 = tpu.memref_squeeze %dma_wait3A_812 : memref<1x64x128xf32, #tpu.memory_space<vmem>> -> memref<64x128xf32, #tpu.memory_space<vmem>>
      %dma_wait3A_814 = arith.constant 0 : i32
      %dma_wait3A_815 = tpu.memref_slice %arg6[%add3A_808, %dma_wait3A_814] : memref<100x64xi32, #tpu.memory_space<vmem>> -> memref<1x64xi32, #tpu.memory_space<vmem>>
      %dma_wait3A_816 = tpu.memref_squeeze %dma_wait3A_815 : memref<1x64xi32, #tpu.memory_space<vmem>> -> memref<64xi32, #tpu.memory_space<vmem>>
      %dma_wait3A_817 = arith.constant 0 : i32
      %dma_wait3A_818 = arith.constant 0 : i32
      %dma_wait3A_819 = tpu.memref_slice %arg3[%dma_wait3A_817, %dma_wait3A_818] : memref<100000x128xf32, #tpu.memory_space<hbm>> -> memref<100000x128xf32, #tpu.memory_space<hbm>>
      tpu.wait_indirect_dma semaphore(%arg14 : memref<!tpu.dma_semaphore, #tpu.memory_space<semaphore_mem>>) src(%dma_wait3A_819 : memref<100000x128xf32, #tpu.memory_space<hbm>>) dst(%dma_wait3A_813 : memref<64x128xf32, #tpu.memory_space<vmem>>)
      %add3A_820 = arith.addi %mul3A_2, %add3A_808 : i32
      %jit3A_821 = arith.constant 16 : i32
      %div3A_822 = arith.divsi %add3A_820, %jit3A_821 : i32
      %sign3A_823 = arith.constant 0 : i32
      %sign3A_824 = arith.cmpi sgt, %add3A_820, %sign3A_823 : i32
      %sign3A_825 = arith.extui %sign3A_824 : i1 to i32
      %sign3A_826 = arith.constant 0 : i32
      %sign3A_827 = arith.cmpi slt, %add3A_820, %sign3A_826 : i32
      %sign3A_828 = arith.extui %sign3A_827 : i1 to i32
      %sign3A_829 = arith.subi %sign3A_825, %sign3A_828 : i32
      %sign3A_830 = arith.constant 0 : i32
      %sign3A_831 = arith.cmpi sgt, %jit3A_821, %sign3A_830 : i32
      %sign3A_832 = arith.extui %sign3A_831 : i1 to i32
      %sign3A_833 = arith.constant 0 : i32
      %sign3A_834 = arith.cmpi slt, %jit3A_821, %sign3A_833 : i32
      %sign3A_835 = arith.extui %sign3A_834 : i1 to i32
      %sign3A_836 = arith.subi %sign3A_832, %sign3A_835 : i32
      %ne3A_837 = arith.cmpi ne, %sign3A_829, %sign3A_836 : i32
      %rem3A_838 = arith.remsi %add3A_820, %jit3A_821 : i32
      %ne3A_839 = arith.constant 0 : i32
      %ne3A_840 = arith.cmpi ne, %rem3A_838, %ne3A_839 : i32
      %and3A_841 = arith.andi %ne3A_837, %ne3A_840 : i1
      %sub3A_842 = arith.constant 1 : i32
      %sub3A_843 = arith.subi %div3A_822, %sub3A_842 : i32
      %select_n3A_844 = arith.select %and3A_841, %sub3A_843, %div3A_822 : i32
      %get3A_845 = arith.index_cast %select_n3A_844 : i32 to index
      %get3A_846 = arith.constant 0 : index
      %get3A_847 = tpu.vector_load %arg7[%get3A_845, %get3A_846] {strides = array<i32>} : memref<200x128xf32, #tpu.memory_space<vmem>>, vector<1x16xf32>,
      %get3A_848 = vector.shape_cast %get3A_847 : vector<1x16xf32> to vector<16xf32>
      %get3A_849 = arith.index_cast %select_n3A_844 : i32 to index
      %get3A_850 = arith.constant 16 : index
      %get3A_851 = tpu.vector_load %arg7[%get3A_849, %get3A_850] {strides = array<i32>} : memref<200x128xf32, #tpu.memory_space<vmem>>, vector<1x16xf32>,
      %get3A_852 = vector.shape_cast %get3A_851 : vector<1x16xf32> to vector<16xf32>
      %get3A_853 = arith.index_cast %select_n3A_844 : i32 to index
      %get3A_854 = arith.constant 32 : index
      %get3A_855 = tpu.vector_load %arg7[%get3A_853, %get3A_854] {strides = array<i32>} : memref<200x128xf32, #tpu.memory_space<vmem>>, vector<1x16xf32>,
      %get3A_856 = vector.shape_cast %get3A_855 : vector<1x16xf32> to vector<16xf32>
      %get3A_857 = arith.index_cast %select_n3A_844 : i32 to index
      %get3A_858 = arith.constant 48 : index
      %get3A_859 = tpu.vector_load %arg7[%get3A_857, %get3A_858] {strides = array<i32>} : memref<200x128xf32, #tpu.memory_space<vmem>>, vector<1x16xf32>,
      %get3A_860 = vector.shape_cast %get3A_859 : vector<1x16xf32> to vector<16xf32>
      %get3A_861 = arith.index_cast %select_n3A_844 : i32 to index
      %get3A_862 = arith.constant 64 : index
      %get3A_863 = tpu.vector_load %arg7[%get3A_861, %get3A_862] {strides = array<i32>} : memref<200x128xf32, #tpu.memory_space<vmem>>, vector<1x16xf32>,
      %get3A_864 = vector.shape_cast %get3A_863 : vector<1x16xf32> to vector<16xf32>
      %get3A_865 = arith.index_cast %select_n3A_844 : i32 to index
      %get3A_866 = arith.constant 80 : index
      %get3A_867 = tpu.vector_load %arg7[%get3A_865, %get3A_866] {strides = array<i32>} : memref<200x128xf32, #tpu.memory_space<vmem>>, vector<1x16xf32>,
      %get3A_868 = vector.shape_cast %get3A_867 : vector<1x16xf32> to vector<16xf32>
      %get3A_869 = arith.index_cast %select_n3A_844 : i32 to index
      %get3A_870 = arith.constant 96 : index
      %get3A_871 = tpu.vector_load %arg7[%get3A_869, %get3A_870] {strides = array<i32>} : memref<200x128xf32, #tpu.memory_space<vmem>>, vector<1x16xf32>,
      %get3A_872 = vector.shape_cast %get3A_871 : vector<1x16xf32> to vector<16xf32>
      %get3A_873 = arith.index_cast %select_n3A_844 : i32 to index
      %get3A_874 = arith.constant 112 : index
      %get3A_875 = tpu.vector_load %arg7[%get3A_873, %get3A_874] {strides = array<i32>} : memref<200x128xf32, #tpu.memory_space<vmem>>, vector<1x16xf32>,
      %get3A_876 = vector.shape_cast %get3A_875 : vector<1x16xf32> to vector<16xf32>
      %scan3A_877 = arith.constant 0 : i32
      %scan3A_878 = arith.constant 0 : i32
      %scan3A_879 = arith.constant 32 : i32
      %scan3A_880 = arith.addi %scan3A_878, %scan3A_879 : i32
      %scan3A_881 = arith.constant 1 : i32
      scf.for %scan3A_1267 = %scan3A_878 to %scan3A_880 step %scan3A_881  : i32 {
        %mul3A_1268 = arith.constant 2 : i32
        %mul3A_1269 = arith.muli %scan3A_1267, %mul3A_1268 : i32
        %add3A_1270 = arith.constant 0 : i32
        %add3A_1271 = arith.addi %mul3A_1269, %add3A_1270 : i32
        %swap3A = arith.constant 5 : i32
        %swap3A_1272 = arith.index_cast %swap3A : i32 to index
        %swap3A_1273 = arith.index_cast %add3A_1271 : i32 to index
        %swap3A_1274 = arith.constant 0 : index
        %swap3A_1275 = tpu.vector_load %arg8[%swap3A_1272, %swap3A_1273, %swap3A_1274] {strides = array<i32>} : memref<10x64x128xf32, #tpu.memory_space<vmem>>, vector<1x1x16xf32>,
        %swap3A_1276 = vector.shape_cast %swap3A_1275 : vector<1x1x16xf32> to vector<16xf32>
        %swap3A_1277 = vector.shape_cast %get3A_848 : vector<16xf32> to vector<1x1x16xf32>
        tpu.vector_store %arg8[%swap3A_1272, %swap3A_1273, %swap3A_1274], %swap3A_1277 {add = true, strides = array<i32>} : memref<10x64x128xf32, #tpu.memory_space<vmem>>, vector<1x1x16xf32>,
        %mul3A_1278 = arith.constant 2 : i32
        %mul3A_1279 = arith.muli %scan3A_1267, %mul3A_1278 : i32
        %add3A_1280 = arith.constant 0 : i32
        %add3A_1281 = arith.addi %mul3A_1279, %add3A_1280 : i32
        %swap3A_1282 = arith.constant 5 : i32
        %swap3A_1283 = arith.index_cast %swap3A_1282 : i32 to index
        %swap3A_1284 = arith.index_cast %add3A_1281 : i32 to index
        %swap3A_1285 = arith.constant 16 : index
        %swap3A_1286 = tpu.vector_load %arg8[%swap3A_1283, %swap3A_1284, %swap3A_1285] {strides = array<i32>} : memref<10x64x128xf32, #tpu.memory_space<vmem>>, vector<1x1x16xf32>,
        %swap3A_1287 = vector.shape_cast %swap3A_1286 : vector<1x1x16xf32> to vector<16xf32>
        %swap3A_1288 = vector.shape_cast %get3A_852 : vector<16xf32> to vector<1x1x16xf32>
        tpu.vector_store %arg8[%swap3A_1283, %swap3A_1284, %swap3A_1285], %swap3A_1288 {add = true, strides = array<i32>} : memref<10x64x128xf32, #tpu.memory_space<vmem>>, vector<1x1x16xf32>,
        %mul3A_1289 = arith.constant 2 : i32
        %mul3A_1290 = arith.muli %scan3A_1267, %mul3A_1289 : i32
        %add3A_1291 = arith.constant 0 : i32
        %add3A_1292 = arith.addi %mul3A_1290, %add3A_1291 : i32
        %swap3A_1293 = arith.constant 5 : i32
        %swap3A_1294 = arith.index_cast %swap3A_1293 : i32 to index
        %swap3A_1295 = arith.index_cast %add3A_1292 : i32 to index
        %swap3A_1296 = arith.constant 32 : index
        %swap3A_1297 = tpu.vector_load %arg8[%swap3A_1294, %swap3A_1295, %swap3A_1296] {strides = array<i32>} : memref<10x64x128xf32, #tpu.memory_space<vmem>>, vector<1x1x16xf32>,
        %swap3A_1298 = vector.shape_cast %swap3A_1297 : vector<1x1x16xf32> to vector<16xf32>
        %swap3A_1299 = vector.shape_cast %get3A_856 : vector<16xf32> to vector<1x1x16xf32>
        tpu.vector_store %arg8[%swap3A_1294, %swap3A_1295, %swap3A_1296], %swap3A_1299 {add = true, strides = array<i32>} : memref<10x64x128xf32, #tpu.memory_space<vmem>>, vector<1x1x16xf32>,
        %mul3A_1300 = arith.constant 2 : i32
        %mul3A_1301 = arith.muli %scan3A_1267, %mul3A_1300 : i32
        %add3A_1302 = arith.constant 0 : i32
        %add3A_1303 = arith.addi %mul3A_1301, %add3A_1302 : i32
        %swap3A_1304 = arith.constant 5 : i32
        %swap3A_1305 = arith.index_cast %swap3A_1304 : i32 to index
        %swap3A_1306 = arith.index_cast %add3A_1303 : i32 to index
        %swap3A_1307 = arith.constant 48 : index
        %swap3A_1308 = tpu.vector_load %arg8[%swap3A_1305, %swap3A_1306, %swap3A_1307] {strides = array<i32>} : memref<10x64x128xf32, #tpu.memory_space<vmem>>, vector<1x1x16xf32>,
        %swap3A_1309 = vector.shape_cast %swap3A_1308 : vector<1x1x16xf32> to vector<16xf32>
        %swap3A_1310 = vector.shape_cast %get3A_860 : vector<16xf32> to vector<1x1x16xf32>
        tpu.vector_store %arg8[%swap3A_1305, %swap3A_1306, %swap3A_1307], %swap3A_1310 {add = true, strides = array<i32>} : memref<10x64x128xf32, #tpu.memory_space<vmem>>, vector<1x1x16xf32>,
        %mul3A_1311 = arith.constant 2 : i32
        %mul3A_1312 = arith.muli %scan3A_1267, %mul3A_1311 : i32
        %add3A_1313 = arith.constant 0 : i32
        %add3A_1314 = arith.addi %mul3A_1312, %add3A_1313 : i32
        %swap3A_1315 = arith.constant 5 : i32
        %swap3A_1316 = arith.index_cast %swap3A_1315 : i32 to index
        %swap3A_1317 = arith.index_cast %add3A_1314 : i32 to index
        %swap3A_1318 = arith.constant 64 : index
        %swap3A_1319 = tpu.vector_load %arg8[%swap3A_1316, %swap3A_1317, %swap3A_1318] {strides = array<i32>} : memref<10x64x128xf32, #tpu.memory_space<vmem>>, vector<1x1x16xf32>,
        %swap3A_1320 = vector.shape_cast %swap3A_1319 : vector<1x1x16xf32> to vector<16xf32>
        %swap3A_1321 = vector.shape_cast %get3A_864 : vector<16xf32> to vector<1x1x16xf32>
        tpu.vector_store %arg8[%swap3A_1316, %swap3A_1317, %swap3A_1318], %swap3A_1321 {add = true, strides = array<i32>} : memref<10x64x128xf32, #tpu.memory_space<vmem>>, vector<1x1x16xf32>,
        %mul3A_1322 = arith.constant 2 : i32
        %mul3A_1323 = arith.muli %scan3A_1267, %mul3A_1322 : i32
        %add3A_1324 = arith.constant 0 : i32
        %add3A_1325 = arith.addi %mul3A_1323, %add3A_1324 : i32
        %swap3A_1326 = arith.constant 5 : i32
        %swap3A_1327 = arith.index_cast %swap3A_1326 : i32 to index
        %swap3A_1328 = arith.index_cast %add3A_1325 : i32 to index
        %swap3A_1329 = arith.constant 80 : index
        %swap3A_1330 = tpu.vector_load %arg8[%swap3A_1327, %swap3A_1328, %swap3A_1329] {strides = array<i32>} : memref<10x64x128xf32, #tpu.memory_space<vmem>>, vector<1x1x16xf32>,
        %swap3A_1331 = vector.shape_cast %swap3A_1330 : vector<1x1x16xf32> to vector<16xf32>
        %swap3A_1332 = vector.shape_cast %get3A_868 : vector<16xf32> to vector<1x1x16xf32>
        tpu.vector_store %arg8[%swap3A_1327, %swap3A_1328, %swap3A_1329], %swap3A_1332 {add = true, strides = array<i32>} : memref<10x64x128xf32, #tpu.memory_space<vmem>>, vector<1x1x16xf32>,
        %mul3A_1333 = arith.constant 2 : i32
        %mul3A_1334 = arith.muli %scan3A_1267, %mul3A_1333 : i32
        %add3A_1335 = arith.constant 0 : i32
        %add3A_1336 = arith.addi %mul3A_1334, %add3A_1335 : i32
        %swap3A_1337 = arith.constant 5 : i32
        %swap3A_1338 = arith.index_cast %swap3A_1337 : i32 to index
        %swap3A_1339 = arith.index_cast %add3A_1336 : i32 to index
        %swap3A_1340 = arith.constant 96 : index
        %swap3A_1341 = tpu.vector_load %arg8[%swap3A_1338, %swap3A_1339, %swap3A_1340] {strides = array<i32>} : memref<10x64x128xf32, #tpu.memory_space<vmem>>, vector<1x1x16xf32>,
        %swap3A_1342 = vector.shape_cast %swap3A_1341 : vector<1x1x16xf32> to vector<16xf32>
        %swap3A_1343 = vector.shape_cast %get3A_872 : vector<16xf32> to vector<1x1x16xf32>
        tpu.vector_store %arg8[%swap3A_1338, %swap3A_1339, %swap3A_1340], %swap3A_1343 {add = true, strides = array<i32>} : memref<10x64x128xf32, #tpu.memory_space<vmem>>, vector<1x1x16xf32>,
        %mul3A_1344 = arith.constant 2 : i32
        %mul3A_1345 = arith.muli %scan3A_1267, %mul3A_1344 : i32
        %add3A_1346 = arith.constant 0 : i32
        %add3A_1347 = arith.addi %mul3A_1345, %add3A_1346 : i32
        %swap3A_1348 = arith.constant 5 : i32
        %swap3A_1349 = arith.index_cast %swap3A_1348 : i32 to index
        %swap3A_1350 = arith.index_cast %add3A_1347 : i32 to index
        %swap3A_1351 = arith.constant 112 : index
        %swap3A_1352 = tpu.vector_load %arg8[%swap3A_1349, %swap3A_1350, %swap3A_1351] {strides = array<i32>} : memref<10x64x128xf32, #tpu.memory_space<vmem>>, vector<1x1x16xf32>,
        %swap3A_1353 = vector.shape_cast %swap3A_1352 : vector<1x1x16xf32> to vector<16xf32>
        %swap3A_1354 = vector.shape_cast %get3A_876 : vector<16xf32> to vector<1x1x16xf32>
        tpu.vector_store %arg8[%swap3A_1349, %swap3A_1350, %swap3A_1351], %swap3A_1354 {add = true, strides = array<i32>} : memref<10x64x128xf32, #tpu.memory_space<vmem>>, vector<1x1x16xf32>,
        %mul3A_1355 = arith.constant 2 : i32
        %mul3A_1356 = arith.muli %scan3A_1267, %mul3A_1355 : i32
        %add3A_1357 = arith.constant 1 : i32
        %add3A_1358 = arith.addi %mul3A_1356, %add3A_1357 : i32
        %swap3A_1359 = arith.constant 5 : i32
        %swap3A_1360 = arith.index_cast %swap3A_1359 : i32 to index
        %swap3A_1361 = arith.index_cast %add3A_1358 : i32 to index
        %swap3A_1362 = arith.constant 0 : index
        %swap3A_1363 = tpu.vector_load %arg8[%swap3A_1360, %swap3A_1361, %swap3A_1362] {strides = array<i32>} : memref<10x64x128xf32, #tpu.memory_space<vmem>>, vector<1x1x16xf32>,
        %swap3A_1364 = vector.shape_cast %swap3A_1363 : vector<1x1x16xf32> to vector<16xf32>
        %swap3A_1365 = vector.shape_cast %get3A_848 : vector<16xf32> to vector<1x1x16xf32>
        tpu.vector_store %arg8[%swap3A_1360, %swap3A_1361, %swap3A_1362], %swap3A_1365 {add = true, strides = array<i32>} : memref<10x64x128xf32, #tpu.memory_space<vmem>>, vector<1x1x16xf32>,
        %mul3A_1366 = arith.constant 2 : i32
        %mul3A_1367 = arith.muli %scan3A_1267, %mul3A_1366 : i32
        %add3A_1368 = arith.constant 1 : i32
        %add3A_1369 = arith.addi %mul3A_1367, %add3A_1368 : i32
        %swap3A_1370 = arith.constant 5 : i32
        %swap3A_1371 = arith.index_cast %swap3A_1370 : i32 to index
        %swap3A_1372 = arith.index_cast %add3A_1369 : i32 to index
        %swap3A_1373 = arith.constant 16 : index
        %swap3A_1374 = tpu.vector_load %arg8[%swap3A_1371, %swap3A_1372, %swap3A_1373] {strides = array<i32>} : memref<10x64x128xf32, #tpu.memory_space<vmem>>, vector<1x1x16xf32>,
        %swap3A_1375 = vector.shape_cast %swap3A_1374 : vector<1x1x16xf32> to vector<16xf32>
        %swap3A_1376 = vector.shape_cast %get3A_852 : vector<16xf32> to vector<1x1x16xf32>
        tpu.vector_store %arg8[%swap3A_1371, %swap3A_1372, %swap3A_1373], %swap3A_1376 {add = true, strides = array<i32>} : memref<10x64x128xf32, #tpu.memory_space<vmem>>, vector<1x1x16xf32>,
        %mul3A_1377 = arith.constant 2 : i32
        %mul3A_1378 = arith.muli %scan3A_1267, %mul3A_1377 : i32
        %add3A_1379 = arith.constant 1 : i32
        %add3A_1380 = arith.addi %mul3A_1378, %add3A_1379 : i32
        %swap3A_1381 = arith.constant 5 : i32
        %swap3A_1382 = arith.index_cast %swap3A_1381 : i32 to index
        %swap3A_1383 = arith.index_cast %add3A_1380 : i32 to index
        %swap3A_1384 = arith.constant 32 : index
        %swap3A_1385 = tpu.vector_load %arg8[%swap3A_1382, %swap3A_1383, %swap3A_1384] {strides = array<i32>} : memref<10x64x128xf32, #tpu.memory_space<vmem>>, vector<1x1x16xf32>,
        %swap3A_1386 = vector.shape_cast %swap3A_1385 : vector<1x1x16xf32> to vector<16xf32>
        %swap3A_1387 = vector.shape_cast %get3A_856 : vector<16xf32> to vector<1x1x16xf32>
        tpu.vector_store %arg8[%swap3A_1382, %swap3A_1383, %swap3A_1384], %swap3A_1387 {add = true, strides = array<i32>} : memref<10x64x128xf32, #tpu.memory_space<vmem>>, vector<1x1x16xf32>,
        %mul3A_1388 = arith.constant 2 : i32
        %mul3A_1389 = arith.muli %scan3A_1267, %mul3A_1388 : i32
        %add3A_1390 = arith.constant 1 : i32
        %add3A_1391 = arith.addi %mul3A_1389, %add3A_1390 : i32
        %swap3A_1392 = arith.constant 5 : i32
        %swap3A_1393 = arith.index_cast %swap3A_1392 : i32 to index
        %swap3A_1394 = arith.index_cast %add3A_1391 : i32 to index
        %swap3A_1395 = arith.constant 48 : index
        %swap3A_1396 = tpu.vector_load %arg8[%swap3A_1393, %swap3A_1394, %swap3A_1395] {strides = array<i32>} : memref<10x64x128xf32, #tpu.memory_space<vmem>>, vector<1x1x16xf32>,
        %swap3A_1397 = vector.shape_cast %swap3A_1396 : vector<1x1x16xf32> to vector<16xf32>
        %swap3A_1398 = vector.shape_cast %get3A_860 : vector<16xf32> to vector<1x1x16xf32>
        tpu.vector_store %arg8[%swap3A_1393, %swap3A_1394, %swap3A_1395], %swap3A_1398 {add = true, strides = array<i32>} : memref<10x64x128xf32, #tpu.memory_space<vmem>>, vector<1x1x16xf32>,
        %mul3A_1399 = arith.constant 2 : i32
        %mul3A_1400 = arith.muli %scan3A_1267, %mul3A_1399 : i32
        %add3A_1401 = arith.constant 1 : i32
        %add3A_1402 = arith.addi %mul3A_1400, %add3A_1401 : i32
        %swap3A_1403 = arith.constant 5 : i32
        %swap3A_1404 = arith.index_cast %swap3A_1403 : i32 to index
        %swap3A_1405 = arith.index_cast %add3A_1402 : i32 to index
        %swap3A_1406 = arith.constant 64 : index
        %swap3A_1407 = tpu.vector_load %arg8[%swap3A_1404, %swap3A_1405, %swap3A_1406] {strides = array<i32>} : memref<10x64x128xf32, #tpu.memory_space<vmem>>, vector<1x1x16xf32>,
        %swap3A_1408 = vector.shape_cast %swap3A_1407 : vector<1x1x16xf32> to vector<16xf32>
        %swap3A_1409 = vector.shape_cast %get3A_864 : vector<16xf32> to vector<1x1x16xf32>
        tpu.vector_store %arg8[%swap3A_1404, %swap3A_1405, %swap3A_1406], %swap3A_1409 {add = true, strides = array<i32>} : memref<10x64x128xf32, #tpu.memory_space<vmem>>, vector<1x1x16xf32>,
        %mul3A_1410 = arith.constant 2 : i32
        %mul3A_1411 = arith.muli %scan3A_1267, %mul3A_1410 : i32
        %add3A_1412 = arith.constant 1 : i32
        %add3A_1413 = arith.addi %mul3A_1411, %add3A_1412 : i32
        %swap3A_1414 = arith.constant 5 : i32
        %swap3A_1415 = arith.index_cast %swap3A_1414 : i32 to index
        %swap3A_1416 = arith.index_cast %add3A_1413 : i32 to index
        %swap3A_1417 = arith.constant 80 : index
        %swap3A_1418 = tpu.vector_load %arg8[%swap3A_1415, %swap3A_1416, %swap3A_1417] {strides = array<i32>} : memref<10x64x128xf32, #tpu.memory_space<vmem>>, vector<1x1x16xf32>,
        %swap3A_1419 = vector.shape_cast %swap3A_1418 : vector<1x1x16xf32> to vector<16xf32>
        %swap3A_1420 = vector.shape_cast %get3A_868 : vector<16xf32> to vector<1x1x16xf32>
        tpu.vector_store %arg8[%swap3A_1415, %swap3A_1416, %swap3A_1417], %swap3A_1420 {add = true, strides = array<i32>} : memref<10x64x128xf32, #tpu.memory_space<vmem>>, vector<1x1x16xf32>,
        %mul3A_1421 = arith.constant 2 : i32
        %mul3A_1422 = arith.muli %scan3A_1267, %mul3A_1421 : i32
        %add3A_1423 = arith.constant 1 : i32
        %add3A_1424 = arith.addi %mul3A_1422, %add3A_1423 : i32
        %swap3A_1425 = arith.constant 5 : i32
        %swap3A_1426 = arith.index_cast %swap3A_1425 : i32 to index
        %swap3A_1427 = arith.index_cast %add3A_1424 : i32 to index
        %swap3A_1428 = arith.constant 96 : index
        %swap3A_1429 = tpu.vector_load %arg8[%swap3A_1426, %swap3A_1427, %swap3A_1428] {strides = array<i32>} : memref<10x64x128xf32, #tpu.memory_space<vmem>>, vector<1x1x16xf32>,
        %swap3A_1430 = vector.shape_cast %swap3A_1429 : vector<1x1x16xf32> to vector<16xf32>
        %swap3A_1431 = vector.shape_cast %get3A_872 : vector<16xf32> to vector<1x1x16xf32>
        tpu.vector_store %arg8[%swap3A_1426, %swap3A_1427, %swap3A_1428], %swap3A_1431 {add = true, strides = array<i32>} : memref<10x64x128xf32, #tpu.memory_space<vmem>>, vector<1x1x16xf32>,
        %mul3A_1432 = arith.constant 2 : i32
        %mul3A_1433 = arith.muli %scan3A_1267, %mul3A_1432 : i32
        %add3A_1434 = arith.constant 1 : i32
        %add3A_1435 = arith.addi %mul3A_1433, %add3A_1434 : i32
        %swap3A_1436 = arith.constant 5 : i32
        %swap3A_1437 = arith.index_cast %swap3A_1436 : i32 to index
        %swap3A_1438 = arith.index_cast %add3A_1435 : i32 to index
        %swap3A_1439 = arith.constant 112 : index
        %swap3A_1440 = tpu.vector_load %arg8[%swap3A_1437, %swap3A_1438, %swap3A_1439] {strides = array<i32>} : memref<10x64x128xf32, #tpu.memory_space<vmem>>, vector<1x1x16xf32>,
        %swap3A_1441 = vector.shape_cast %swap3A_1440 : vector<1x1x16xf32> to vector<16xf32>
        %swap3A_1442 = vector.shape_cast %get3A_876 : vector<16xf32> to vector<1x1x16xf32>
        tpu.vector_store %arg8[%swap3A_1437, %swap3A_1438, %swap3A_1439], %swap3A_1442 {add = true, strides = array<i32>} : memref<10x64x128xf32, #tpu.memory_space<vmem>>, vector<1x1x16xf32>,
      }
      %scan3A_882 = arith.constant 32 : i32
      %add3A_883 = arith.addi %mul3A_2, %add3A_808 : i32
      %mul3A_884 = arith.constant 64 : i32
      %mul3A_885 = arith.muli %add3A_883, %mul3A_884 : i32
      %dma_start3A_886 = arith.constant 5 : i32
      %dma_start3A_887 = arith.constant 0 : i32
      %dma_start3A_888 = arith.constant 0 : i32
      %dma_start3A_889 = tpu.memref_slice %arg8[%dma_start3A_886, %dma_start3A_887, %dma_start3A_888] : memref<10x64x128xf32, #tpu.memory_space<vmem>> -> memref<1x64x128xf32, #tpu.memory_space<vmem>>
      %dma_start3A_890 = tpu.memref_squeeze %dma_start3A_889 : memref<1x64x128xf32, #tpu.memory_space<vmem>> -> memref<64x128xf32, #tpu.memory_space<vmem>>
      %dma_start3A_891 = arith.constant 0 : i32
      %dma_start3A_892 = tpu.memref_slice %arg5[%mul3A_885, %dma_start3A_891] : memref<204800x128xf32, #tpu.memory_space<hbm>> -> memref<64x128xf32, #tpu.memory_space<hbm>>
      %dma_start3A_893 = arith.constant 0 : i32
      %dma_start3A_894 = tpu.memref_slice %arg5[%mul3A_885, %dma_start3A_893] : memref<204800x128xf32, #tpu.memory_space<hbm>> -> memref<64x128xf32, #tpu.memory_space<hbm>>
      %dma_start3A_895 = arith.constant 0 : i32
      %dma_start3A_896 = arith.constant 0 : i32
      %dma_start3A_897 = tpu.memref_slice %arg8[%dma_start3A_886, %dma_start3A_895, %dma_start3A_896] : memref<10x64x128xf32, #tpu.memory_space<vmem>> -> memref<1x64x128xf32, #tpu.memory_space<vmem>>
      %dma_start3A_898 = tpu.memref_squeeze %dma_start3A_897 : memref<1x64x128xf32, #tpu.memory_space<vmem>> -> memref<64x128xf32, #tpu.memory_space<vmem>>
      tpu.enqueue_dma source(%dma_start3A_898 : memref<64x128xf32, #tpu.memory_space<vmem>>) target(%dma_start3A_894 : memref<64x128xf32, #tpu.memory_space<hbm>>) target_semaphore(%arg24 : memref<!tpu.dma_semaphore, #tpu.memory_space<semaphore_mem>>)
      %add3A_899 = arith.constant 6 : i32
      %add3A_900 = arith.addi %mul3A_179, %add3A_899 : i32
      %dma_wait3A_901 = arith.constant 6 : i32
      %dma_wait3A_902 = arith.constant 0 : i32
      %dma_wait3A_903 = arith.constant 0 : i32
      %dma_wait3A_904 = tpu.memref_slice %arg8[%dma_wait3A_901, %dma_wait3A_902, %dma_wait3A_903] : memref<10x64x128xf32, #tpu.memory_space<vmem>> -> memref<1x64x128xf32, #tpu.memory_space<vmem>>
      %dma_wait3A_905 = tpu.memref_squeeze %dma_wait3A_904 : memref<1x64x128xf32, #tpu.memory_space<vmem>> -> memref<64x128xf32, #tpu.memory_space<vmem>>
      %dma_wait3A_906 = arith.constant 0 : i32
      %dma_wait3A_907 = tpu.memref_slice %arg6[%add3A_900, %dma_wait3A_906] : memref<100x64xi32, #tpu.memory_space<vmem>> -> memref<1x64xi32, #tpu.memory_space<vmem>>
      %dma_wait3A_908 = tpu.memref_squeeze %dma_wait3A_907 : memref<1x64xi32, #tpu.memory_space<vmem>> -> memref<64xi32, #tpu.memory_space<vmem>>
      %dma_wait3A_909 = arith.constant 0 : i32
      %dma_wait3A_910 = arith.constant 0 : i32
      %dma_wait3A_911 = tpu.memref_slice %arg3[%dma_wait3A_909, %dma_wait3A_910] : memref<100000x128xf32, #tpu.memory_space<hbm>> -> memref<100000x128xf32, #tpu.memory_space<hbm>>
      tpu.wait_indirect_dma semaphore(%arg15 : memref<!tpu.dma_semaphore, #tpu.memory_space<semaphore_mem>>) src(%dma_wait3A_911 : memref<100000x128xf32, #tpu.memory_space<hbm>>) dst(%dma_wait3A_905 : memref<64x128xf32, #tpu.memory_space<vmem>>)
      %add3A_912 = arith.addi %mul3A_2, %add3A_900 : i32
      %jit3A_913 = arith.constant 16 : i32
      %div3A_914 = arith.divsi %add3A_912, %jit3A_913 : i32
      %sign3A_915 = arith.constant 0 : i32
      %sign3A_916 = arith.cmpi sgt, %add3A_912, %sign3A_915 : i32
      %sign3A_917 = arith.extui %sign3A_916 : i1 to i32
      %sign3A_918 = arith.constant 0 : i32
      %sign3A_919 = arith.cmpi slt, %add3A_912, %sign3A_918 : i32
      %sign3A_920 = arith.extui %sign3A_919 : i1 to i32
      %sign3A_921 = arith.subi %sign3A_917, %sign3A_920 : i32
      %sign3A_922 = arith.constant 0 : i32
      %sign3A_923 = arith.cmpi sgt, %jit3A_913, %sign3A_922 : i32
      %sign3A_924 = arith.extui %sign3A_923 : i1 to i32
      %sign3A_925 = arith.constant 0 : i32
      %sign3A_926 = arith.cmpi slt, %jit3A_913, %sign3A_925 : i32
      %sign3A_927 = arith.extui %sign3A_926 : i1 to i32
      %sign3A_928 = arith.subi %sign3A_924, %sign3A_927 : i32
      %ne3A_929 = arith.cmpi ne, %sign3A_921, %sign3A_928 : i32
      %rem3A_930 = arith.remsi %add3A_912, %jit3A_913 : i32
      %ne3A_931 = arith.constant 0 : i32
      %ne3A_932 = arith.cmpi ne, %rem3A_930, %ne3A_931 : i32
      %and3A_933 = arith.andi %ne3A_929, %ne3A_932 : i1
      %sub3A_934 = arith.constant 1 : i32
      %sub3A_935 = arith.subi %div3A_914, %sub3A_934 : i32
      %select_n3A_936 = arith.select %and3A_933, %sub3A_935, %div3A_914 : i32
      %get3A_937 = arith.index_cast %select_n3A_936 : i32 to index
      %get3A_938 = arith.constant 0 : index
      %get3A_939 = tpu.vector_load %arg7[%get3A_937, %get3A_938] {strides = array<i32>} : memref<200x128xf32, #tpu.memory_space<vmem>>, vector<1x16xf32>,
      %get3A_940 = vector.shape_cast %get3A_939 : vector<1x16xf32> to vector<16xf32>
      %get3A_941 = arith.index_cast %select_n3A_936 : i32 to index
      %get3A_942 = arith.constant 16 : index
      %get3A_943 = tpu.vector_load %arg7[%get3A_941, %get3A_942] {strides = array<i32>} : memref<200x128xf32, #tpu.memory_space<vmem>>, vector<1x16xf32>,
      %get3A_944 = vector.shape_cast %get3A_943 : vector<1x16xf32> to vector<16xf32>
      %get3A_945 = arith.index_cast %select_n3A_936 : i32 to index
      %get3A_946 = arith.constant 32 : index
      %get3A_947 = tpu.vector_load %arg7[%get3A_945, %get3A_946] {strides = array<i32>} : memref<200x128xf32, #tpu.memory_space<vmem>>, vector<1x16xf32>,
      %get3A_948 = vector.shape_cast %get3A_947 : vector<1x16xf32> to vector<16xf32>
      %get3A_949 = arith.index_cast %select_n3A_936 : i32 to index
      %get3A_950 = arith.constant 48 : index
      %get3A_951 = tpu.vector_load %arg7[%get3A_949, %get3A_950] {strides = array<i32>} : memref<200x128xf32, #tpu.memory_space<vmem>>, vector<1x16xf32>,
      %get3A_952 = vector.shape_cast %get3A_951 : vector<1x16xf32> to vector<16xf32>
      %get3A_953 = arith.index_cast %select_n3A_936 : i32 to index
      %get3A_954 = arith.constant 64 : index
      %get3A_955 = tpu.vector_load %arg7[%get3A_953, %get3A_954] {strides = array<i32>} : memref<200x128xf32, #tpu.memory_space<vmem>>, vector<1x16xf32>,
      %get3A_956 = vector.shape_cast %get3A_955 : vector<1x16xf32> to vector<16xf32>
      %get3A_957 = arith.index_cast %select_n3A_936 : i32 to index
      %get3A_958 = arith.constant 80 : index
      %get3A_959 = tpu.vector_load %arg7[%get3A_957, %get3A_958] {strides = array<i32>} : memref<200x128xf32, #tpu.memory_space<vmem>>, vector<1x16xf32>,
      %get3A_960 = vector.shape_cast %get3A_959 : vector<1x16xf32> to vector<16xf32>
      %get3A_961 = arith.index_cast %select_n3A_936 : i32 to index
      %get3A_962 = arith.constant 96 : index
      %get3A_963 = tpu.vector_load %arg7[%get3A_961, %get3A_962] {strides = array<i32>} : memref<200x128xf32, #tpu.memory_space<vmem>>, vector<1x16xf32>,
      %get3A_964 = vector.shape_cast %get3A_963 : vector<1x16xf32> to vector<16xf32>
      %get3A_965 = arith.index_cast %select_n3A_936 : i32 to index
      %get3A_966 = arith.constant 112 : index
      %get3A_967 = tpu.vector_load %arg7[%get3A_965, %get3A_966] {strides = array<i32>} : memref<200x128xf32, #tpu.memory_space<vmem>>, vector<1x16xf32>,
      %get3A_968 = vector.shape_cast %get3A_967 : vector<1x16xf32> to vector<16xf32>
      %scan3A_969 = arith.constant 0 : i32
      %scan3A_970 = arith.constant 0 : i32
      %scan3A_971 = arith.constant 32 : i32
      %scan3A_972 = arith.addi %scan3A_970, %scan3A_971 : i32
      %scan3A_973 = arith.constant 1 : i32
      scf.for %scan3A_1267 = %scan3A_970 to %scan3A_972 step %scan3A_973  : i32 {
        %mul3A_1268 = arith.constant 2 : i32
        %mul3A_1269 = arith.muli %scan3A_1267, %mul3A_1268 : i32
        %add3A_1270 = arith.constant 0 : i32
        %add3A_1271 = arith.addi %mul3A_1269, %add3A_1270 : i32
        %swap3A = arith.constant 6 : i32
        %swap3A_1272 = arith.index_cast %swap3A : i32 to index
        %swap3A_1273 = arith.index_cast %add3A_1271 : i32 to index
        %swap3A_1274 = arith.constant 0 : index
        %swap3A_1275 = tpu.vector_load %arg8[%swap3A_1272, %swap3A_1273, %swap3A_1274] {strides = array<i32>} : memref<10x64x128xf32, #tpu.memory_space<vmem>>, vector<1x1x16xf32>,
        %swap3A_1276 = vector.shape_cast %swap3A_1275 : vector<1x1x16xf32> to vector<16xf32>
        %swap3A_1277 = vector.shape_cast %get3A_940 : vector<16xf32> to vector<1x1x16xf32>
        tpu.vector_store %arg8[%swap3A_1272, %swap3A_1273, %swap3A_1274], %swap3A_1277 {add = true, strides = array<i32>} : memref<10x64x128xf32, #tpu.memory_space<vmem>>, vector<1x1x16xf32>,
        %mul3A_1278 = arith.constant 2 : i32
        %mul3A_1279 = arith.muli %scan3A_1267, %mul3A_1278 : i32
        %add3A_1280 = arith.constant 0 : i32
        %add3A_1281 = arith.addi %mul3A_1279, %add3A_1280 : i32
        %swap3A_1282 = arith.constant 6 : i32
        %swap3A_1283 = arith.index_cast %swap3A_1282 : i32 to index
        %swap3A_1284 = arith.index_cast %add3A_1281 : i32 to index
        %swap3A_1285 = arith.constant 16 : index
        %swap3A_1286 = tpu.vector_load %arg8[%swap3A_1283, %swap3A_1284, %swap3A_1285] {strides = array<i32>} : memref<10x64x128xf32, #tpu.memory_space<vmem>>, vector<1x1x16xf32>,
        %swap3A_1287 = vector.shape_cast %swap3A_1286 : vector<1x1x16xf32> to vector<16xf32>
        %swap3A_1288 = vector.shape_cast %get3A_944 : vector<16xf32> to vector<1x1x16xf32>
        tpu.vector_store %arg8[%swap3A_1283, %swap3A_1284, %swap3A_1285], %swap3A_1288 {add = true, strides = array<i32>} : memref<10x64x128xf32, #tpu.memory_space<vmem>>, vector<1x1x16xf32>,
        %mul3A_1289 = arith.constant 2 : i32
        %mul3A_1290 = arith.muli %scan3A_1267, %mul3A_1289 : i32
        %add3A_1291 = arith.constant 0 : i32
        %add3A_1292 = arith.addi %mul3A_1290, %add3A_1291 : i32
        %swap3A_1293 = arith.constant 6 : i32
        %swap3A_1294 = arith.index_cast %swap3A_1293 : i32 to index
        %swap3A_1295 = arith.index_cast %add3A_1292 : i32 to index
        %swap3A_1296 = arith.constant 32 : index
        %swap3A_1297 = tpu.vector_load %arg8[%swap3A_1294, %swap3A_1295, %swap3A_1296] {strides = array<i32>} : memref<10x64x128xf32, #tpu.memory_space<vmem>>, vector<1x1x16xf32>,
        %swap3A_1298 = vector.shape_cast %swap3A_1297 : vector<1x1x16xf32> to vector<16xf32>
        %swap3A_1299 = vector.shape_cast %get3A_948 : vector<16xf32> to vector<1x1x16xf32>
        tpu.vector_store %arg8[%swap3A_1294, %swap3A_1295, %swap3A_1296], %swap3A_1299 {add = true, strides = array<i32>} : memref<10x64x128xf32, #tpu.memory_space<vmem>>, vector<1x1x16xf32>,
        %mul3A_1300 = arith.constant 2 : i32
        %mul3A_1301 = arith.muli %scan3A_1267, %mul3A_1300 : i32
        %add3A_1302 = arith.constant 0 : i32
        %add3A_1303 = arith.addi %mul3A_1301, %add3A_1302 : i32
        %swap3A_1304 = arith.constant 6 : i32
        %swap3A_1305 = arith.index_cast %swap3A_1304 : i32 to index
        %swap3A_1306 = arith.index_cast %add3A_1303 : i32 to index
        %swap3A_1307 = arith.constant 48 : index
        %swap3A_1308 = tpu.vector_load %arg8[%swap3A_1305, %swap3A_1306, %swap3A_1307] {strides = array<i32>} : memref<10x64x128xf32, #tpu.memory_space<vmem>>, vector<1x1x16xf32>,
        %swap3A_1309 = vector.shape_cast %swap3A_1308 : vector<1x1x16xf32> to vector<16xf32>
        %swap3A_1310 = vector.shape_cast %get3A_952 : vector<16xf32> to vector<1x1x16xf32>
        tpu.vector_store %arg8[%swap3A_1305, %swap3A_1306, %swap3A_1307], %swap3A_1310 {add = true, strides = array<i32>} : memref<10x64x128xf32, #tpu.memory_space<vmem>>, vector<1x1x16xf32>,
        %mul3A_1311 = arith.constant 2 : i32
        %mul3A_1312 = arith.muli %scan3A_1267, %mul3A_1311 : i32
        %add3A_1313 = arith.constant 0 : i32
        %add3A_1314 = arith.addi %mul3A_1312, %add3A_1313 : i32
        %swap3A_1315 = arith.constant 6 : i32
        %swap3A_1316 = arith.index_cast %swap3A_1315 : i32 to index
        %swap3A_1317 = arith.index_cast %add3A_1314 : i32 to index
        %swap3A_1318 = arith.constant 64 : index
        %swap3A_1319 = tpu.vector_load %arg8[%swap3A_1316, %swap3A_1317, %swap3A_1318] {strides = array<i32>} : memref<10x64x128xf32, #tpu.memory_space<vmem>>, vector<1x1x16xf32>,
        %swap3A_1320 = vector.shape_cast %swap3A_1319 : vector<1x1x16xf32> to vector<16xf32>
        %swap3A_1321 = vector.shape_cast %get3A_956 : vector<16xf32> to vector<1x1x16xf32>
        tpu.vector_store %arg8[%swap3A_1316, %swap3A_1317, %swap3A_1318], %swap3A_1321 {add = true, strides = array<i32>} : memref<10x64x128xf32, #tpu.memory_space<vmem>>, vector<1x1x16xf32>,
        %mul3A_1322 = arith.constant 2 : i32
        %mul3A_1323 = arith.muli %scan3A_1267, %mul3A_1322 : i32
        %add3A_1324 = arith.constant 0 : i32
        %add3A_1325 = arith.addi %mul3A_1323, %add3A_1324 : i32
        %swap3A_1326 = arith.constant 6 : i32
        %swap3A_1327 = arith.index_cast %swap3A_1326 : i32 to index
        %swap3A_1328 = arith.index_cast %add3A_1325 : i32 to index
        %swap3A_1329 = arith.constant 80 : index
        %swap3A_1330 = tpu.vector_load %arg8[%swap3A_1327, %swap3A_1328, %swap3A_1329] {strides = array<i32>} : memref<10x64x128xf32, #tpu.memory_space<vmem>>, vector<1x1x16xf32>,
        %swap3A_1331 = vector.shape_cast %swap3A_1330 : vector<1x1x16xf32> to vector<16xf32>
        %swap3A_1332 = vector.shape_cast %get3A_960 : vector<16xf32> to vector<1x1x16xf32>
        tpu.vector_store %arg8[%swap3A_1327, %swap3A_1328, %swap3A_1329], %swap3A_1332 {add = true, strides = array<i32>} : memref<10x64x128xf32, #tpu.memory_space<vmem>>, vector<1x1x16xf32>,
        %mul3A_1333 = arith.constant 2 : i32
        %mul3A_1334 = arith.muli %scan3A_1267, %mul3A_1333 : i32
        %add3A_1335 = arith.constant 0 : i32
        %add3A_1336 = arith.addi %mul3A_1334, %add3A_1335 : i32
        %swap3A_1337 = arith.constant 6 : i32
        %swap3A_1338 = arith.index_cast %swap3A_1337 : i32 to index
        %swap3A_1339 = arith.index_cast %add3A_1336 : i32 to index
        %swap3A_1340 = arith.constant 96 : index
        %swap3A_1341 = tpu.vector_load %arg8[%swap3A_1338, %swap3A_1339, %swap3A_1340] {strides = array<i32>} : memref<10x64x128xf32, #tpu.memory_space<vmem>>, vector<1x1x16xf32>,
        %swap3A_1342 = vector.shape_cast %swap3A_1341 : vector<1x1x16xf32> to vector<16xf32>
        %swap3A_1343 = vector.shape_cast %get3A_964 : vector<16xf32> to vector<1x1x16xf32>
        tpu.vector_store %arg8[%swap3A_1338, %swap3A_1339, %swap3A_1340], %swap3A_1343 {add = true, strides = array<i32>} : memref<10x64x128xf32, #tpu.memory_space<vmem>>, vector<1x1x16xf32>,
        %mul3A_1344 = arith.constant 2 : i32
        %mul3A_1345 = arith.muli %scan3A_1267, %mul3A_1344 : i32
        %add3A_1346 = arith.constant 0 : i32
        %add3A_1347 = arith.addi %mul3A_1345, %add3A_1346 : i32
        %swap3A_1348 = arith.constant 6 : i32
        %swap3A_1349 = arith.index_cast %swap3A_1348 : i32 to index
        %swap3A_1350 = arith.index_cast %add3A_1347 : i32 to index
        %swap3A_1351 = arith.constant 112 : index
        %swap3A_1352 = tpu.vector_load %arg8[%swap3A_1349, %swap3A_1350, %swap3A_1351] {strides = array<i32>} : memref<10x64x128xf32, #tpu.memory_space<vmem>>, vector<1x1x16xf32>,
        %swap3A_1353 = vector.shape_cast %swap3A_1352 : vector<1x1x16xf32> to vector<16xf32>
        %swap3A_1354 = vector.shape_cast %get3A_968 : vector<16xf32> to vector<1x1x16xf32>
        tpu.vector_store %arg8[%swap3A_1349, %swap3A_1350, %swap3A_1351], %swap3A_1354 {add = true, strides = array<i32>} : memref<10x64x128xf32, #tpu.memory_space<vmem>>, vector<1x1x16xf32>,
        %mul3A_1355 = arith.constant 2 : i32
        %mul3A_1356 = arith.muli %scan3A_1267, %mul3A_1355 : i32
        %add3A_1357 = arith.constant 1 : i32
        %add3A_1358 = arith.addi %mul3A_1356, %add3A_1357 : i32
        %swap3A_1359 = arith.constant 6 : i32
        %swap3A_1360 = arith.index_cast %swap3A_1359 : i32 to index
        %swap3A_1361 = arith.index_cast %add3A_1358 : i32 to index
        %swap3A_1362 = arith.constant 0 : index
        %swap3A_1363 = tpu.vector_load %arg8[%swap3A_1360, %swap3A_1361, %swap3A_1362] {strides = array<i32>} : memref<10x64x128xf32, #tpu.memory_space<vmem>>, vector<1x1x16xf32>,
        %swap3A_1364 = vector.shape_cast %swap3A_1363 : vector<1x1x16xf32> to vector<16xf32>
        %swap3A_1365 = vector.shape_cast %get3A_940 : vector<16xf32> to vector<1x1x16xf32>
        tpu.vector_store %arg8[%swap3A_1360, %swap3A_1361, %swap3A_1362], %swap3A_1365 {add = true, strides = array<i32>} : memref<10x64x128xf32, #tpu.memory_space<vmem>>, vector<1x1x16xf32>,
        %mul3A_1366 = arith.constant 2 : i32
        %mul3A_1367 = arith.muli %scan3A_1267, %mul3A_1366 : i32
        %add3A_1368 = arith.constant 1 : i32
        %add3A_1369 = arith.addi %mul3A_1367, %add3A_1368 : i32
        %swap3A_1370 = arith.constant 6 : i32
        %swap3A_1371 = arith.index_cast %swap3A_1370 : i32 to index
        %swap3A_1372 = arith.index_cast %add3A_1369 : i32 to index
        %swap3A_1373 = arith.constant 16 : index
        %swap3A_1374 = tpu.vector_load %arg8[%swap3A_1371, %swap3A_1372, %swap3A_1373] {strides = array<i32>} : memref<10x64x128xf32, #tpu.memory_space<vmem>>, vector<1x1x16xf32>,
        %swap3A_1375 = vector.shape_cast %swap3A_1374 : vector<1x1x16xf32> to vector<16xf32>
        %swap3A_1376 = vector.shape_cast %get3A_944 : vector<16xf32> to vector<1x1x16xf32>
        tpu.vector_store %arg8[%swap3A_1371, %swap3A_1372, %swap3A_1373], %swap3A_1376 {add = true, strides = array<i32>} : memref<10x64x128xf32, #tpu.memory_space<vmem>>, vector<1x1x16xf32>,
        %mul3A_1377 = arith.constant 2 : i32
        %mul3A_1378 = arith.muli %scan3A_1267, %mul3A_1377 : i32
        %add3A_1379 = arith.constant 1 : i32
        %add3A_1380 = arith.addi %mul3A_1378, %add3A_1379 : i32
        %swap3A_1381 = arith.constant 6 : i32
        %swap3A_1382 = arith.index_cast %swap3A_1381 : i32 to index
        %swap3A_1383 = arith.index_cast %add3A_1380 : i32 to index
        %swap3A_1384 = arith.constant 32 : index
        %swap3A_1385 = tpu.vector_load %arg8[%swap3A_1382, %swap3A_1383, %swap3A_1384] {strides = array<i32>} : memref<10x64x128xf32, #tpu.memory_space<vmem>>, vector<1x1x16xf32>,
        %swap3A_1386 = vector.shape_cast %swap3A_1385 : vector<1x1x16xf32> to vector<16xf32>
        %swap3A_1387 = vector.shape_cast %get3A_948 : vector<16xf32> to vector<1x1x16xf32>
        tpu.vector_store %arg8[%swap3A_1382, %swap3A_1383, %swap3A_1384], %swap3A_1387 {add = true, strides = array<i32>} : memref<10x64x128xf32, #tpu.memory_space<vmem>>, vector<1x1x16xf32>,
        %mul3A_1388 = arith.constant 2 : i32
        %mul3A_1389 = arith.muli %scan3A_1267, %mul3A_1388 : i32
        %add3A_1390 = arith.constant 1 : i32
        %add3A_1391 = arith.addi %mul3A_1389, %add3A_1390 : i32
        %swap3A_1392 = arith.constant 6 : i32
        %swap3A_1393 = arith.index_cast %swap3A_1392 : i32 to index
        %swap3A_1394 = arith.index_cast %add3A_1391 : i32 to index
        %swap3A_1395 = arith.constant 48 : index
        %swap3A_1396 = tpu.vector_load %arg8[%swap3A_1393, %swap3A_1394, %swap3A_1395] {strides = array<i32>} : memref<10x64x128xf32, #tpu.memory_space<vmem>>, vector<1x1x16xf32>,
        %swap3A_1397 = vector.shape_cast %swap3A_1396 : vector<1x1x16xf32> to vector<16xf32>
        %swap3A_1398 = vector.shape_cast %get3A_952 : vector<16xf32> to vector<1x1x16xf32>
        tpu.vector_store %arg8[%swap3A_1393, %swap3A_1394, %swap3A_1395], %swap3A_1398 {add = true, strides = array<i32>} : memref<10x64x128xf32, #tpu.memory_space<vmem>>, vector<1x1x16xf32>,
        %mul3A_1399 = arith.constant 2 : i32
        %mul3A_1400 = arith.muli %scan3A_1267, %mul3A_1399 : i32
        %add3A_1401 = arith.constant 1 : i32
        %add3A_1402 = arith.addi %mul3A_1400, %add3A_1401 : i32
        %swap3A_1403 = arith.constant 6 : i32
        %swap3A_1404 = arith.index_cast %swap3A_1403 : i32 to index
        %swap3A_1405 = arith.index_cast %add3A_1402 : i32 to index
        %swap3A_1406 = arith.constant 64 : index
        %swap3A_1407 = tpu.vector_load %arg8[%swap3A_1404, %swap3A_1405, %swap3A_1406] {strides = array<i32>} : memref<10x64x128xf32, #tpu.memory_space<vmem>>, vector<1x1x16xf32>,
        %swap3A_1408 = vector.shape_cast %swap3A_1407 : vector<1x1x16xf32> to vector<16xf32>
        %swap3A_1409 = vector.shape_cast %get3A_956 : vector<16xf32> to vector<1x1x16xf32>
        tpu.vector_store %arg8[%swap3A_1404, %swap3A_1405, %swap3A_1406], %swap3A_1409 {add = true, strides = array<i32>} : memref<10x64x128xf32, #tpu.memory_space<vmem>>, vector<1x1x16xf32>,
        %mul3A_1410 = arith.constant 2 : i32
        %mul3A_1411 = arith.muli %scan3A_1267, %mul3A_1410 : i32
        %add3A_1412 = arith.constant 1 : i32
        %add3A_1413 = arith.addi %mul3A_1411, %add3A_1412 : i32
        %swap3A_1414 = arith.constant 6 : i32
        %swap3A_1415 = arith.index_cast %swap3A_1414 : i32 to index
        %swap3A_1416 = arith.index_cast %add3A_1413 : i32 to index
        %swap3A_1417 = arith.constant 80 : index
        %swap3A_1418 = tpu.vector_load %arg8[%swap3A_1415, %swap3A_1416, %swap3A_1417] {strides = array<i32>} : memref<10x64x128xf32, #tpu.memory_space<vmem>>, vector<1x1x16xf32>,
        %swap3A_1419 = vector.shape_cast %swap3A_1418 : vector<1x1x16xf32> to vector<16xf32>
        %swap3A_1420 = vector.shape_cast %get3A_960 : vector<16xf32> to vector<1x1x16xf32>
        tpu.vector_store %arg8[%swap3A_1415, %swap3A_1416, %swap3A_1417], %swap3A_1420 {add = true, strides = array<i32>} : memref<10x64x128xf32, #tpu.memory_space<vmem>>, vector<1x1x16xf32>,
        %mul3A_1421 = arith.constant 2 : i32
        %mul3A_1422 = arith.muli %scan3A_1267, %mul3A_1421 : i32
        %add3A_1423 = arith.constant 1 : i32
        %add3A_1424 = arith.addi %mul3A_1422, %add3A_1423 : i32
        %swap3A_1425 = arith.constant 6 : i32
        %swap3A_1426 = arith.index_cast %swap3A_1425 : i32 to index
        %swap3A_1427 = arith.index_cast %add3A_1424 : i32 to index
        %swap3A_1428 = arith.constant 96 : index
        %swap3A_1429 = tpu.vector_load %arg8[%swap3A_1426, %swap3A_1427, %swap3A_1428] {strides = array<i32>} : memref<10x64x128xf32, #tpu.memory_space<vmem>>, vector<1x1x16xf32>,
        %swap3A_1430 = vector.shape_cast %swap3A_1429 : vector<1x1x16xf32> to vector<16xf32>
        %swap3A_1431 = vector.shape_cast %get3A_964 : vector<16xf32> to vector<1x1x16xf32>
        tpu.vector_store %arg8[%swap3A_1426, %swap3A_1427, %swap3A_1428], %swap3A_1431 {add = true, strides = array<i32>} : memref<10x64x128xf32, #tpu.memory_space<vmem>>, vector<1x1x16xf32>,
        %mul3A_1432 = arith.constant 2 : i32
        %mul3A_1433 = arith.muli %scan3A_1267, %mul3A_1432 : i32
        %add3A_1434 = arith.constant 1 : i32
        %add3A_1435 = arith.addi %mul3A_1433, %add3A_1434 : i32
        %swap3A_1436 = arith.constant 6 : i32
        %swap3A_1437 = arith.index_cast %swap3A_1436 : i32 to index
        %swap3A_1438 = arith.index_cast %add3A_1435 : i32 to index
        %swap3A_1439 = arith.constant 112 : index
        %swap3A_1440 = tpu.vector_load %arg8[%swap3A_1437, %swap3A_1438, %swap3A_1439] {strides = array<i32>} : memref<10x64x128xf32, #tpu.memory_space<vmem>>, vector<1x1x16xf32>,
        %swap3A_1441 = vector.shape_cast %swap3A_1440 : vector<1x1x16xf32> to vector<16xf32>
        %swap3A_1442 = vector.shape_cast %get3A_968 : vector<16xf32> to vector<1x1x16xf32>
        tpu.vector_store %arg8[%swap3A_1437, %swap3A_1438, %swap3A_1439], %swap3A_1442 {add = true, strides = array<i32>} : memref<10x64x128xf32, #tpu.memory_space<vmem>>, vector<1x1x16xf32>,
      }
      %scan3A_974 = arith.constant 32 : i32
      %add3A_975 = arith.addi %mul3A_2, %add3A_900 : i32
      %mul3A_976 = arith.constant 64 : i32
      %mul3A_977 = arith.muli %add3A_975, %mul3A_976 : i32
      %dma_start3A_978 = arith.constant 6 : i32
      %dma_start3A_979 = arith.constant 0 : i32
      %dma_start3A_980 = arith.constant 0 : i32
      %dma_start3A_981 = tpu.memref_slice %arg8[%dma_start3A_978, %dma_start3A_979, %dma_start3A_980] : memref<10x64x128xf32, #tpu.memory_space<vmem>> -> memref<1x64x128xf32, #tpu.memory_space<vmem>>
      %dma_start3A_982 = tpu.memref_squeeze %dma_start3A_981 : memref<1x64x128xf32, #tpu.memory_space<vmem>> -> memref<64x128xf32, #tpu.memory_space<vmem>>
      %dma_start3A_983 = arith.constant 0 : i32
      %dma_start3A_984 = tpu.memref_slice %arg5[%mul3A_977, %dma_start3A_983] : memref<204800x128xf32, #tpu.memory_space<hbm>> -> memref<64x128xf32, #tpu.memory_space<hbm>>
      %dma_start3A_985 = arith.constant 0 : i32
      %dma_start3A_986 = tpu.memref_slice %arg5[%mul3A_977, %dma_start3A_985] : memref<204800x128xf32, #tpu.memory_space<hbm>> -> memref<64x128xf32, #tpu.memory_space<hbm>>
      %dma_start3A_987 = arith.constant 0 : i32
      %dma_start3A_988 = arith.constant 0 : i32
      %dma_start3A_989 = tpu.memref_slice %arg8[%dma_start3A_978, %dma_start3A_987, %dma_start3A_988] : memref<10x64x128xf32, #tpu.memory_space<vmem>> -> memref<1x64x128xf32, #tpu.memory_space<vmem>>
      %dma_start3A_990 = tpu.memref_squeeze %dma_start3A_989 : memref<1x64x128xf32, #tpu.memory_space<vmem>> -> memref<64x128xf32, #tpu.memory_space<vmem>>
      tpu.enqueue_dma source(%dma_start3A_990 : memref<64x128xf32, #tpu.memory_space<vmem>>) target(%dma_start3A_986 : memref<64x128xf32, #tpu.memory_space<hbm>>) target_semaphore(%arg25 : memref<!tpu.dma_semaphore, #tpu.memory_space<semaphore_mem>>)
      %add3A_991 = arith.constant 7 : i32
      %add3A_992 = arith.addi %mul3A_179, %add3A_991 : i32
      %dma_wait3A_993 = arith.constant 7 : i32
      %dma_wait3A_994 = arith.constant 0 : i32
      %dma_wait3A_995 = arith.constant 0 : i32
      %dma_wait3A_996 = tpu.memref_slice %arg8[%dma_wait3A_993, %dma_wait3A_994, %dma_wait3A_995] : memref<10x64x128xf32, #tpu.memory_space<vmem>> -> memref<1x64x128xf32, #tpu.memory_space<vmem>>
      %dma_wait3A_997 = tpu.memref_squeeze %dma_wait3A_996 : memref<1x64x128xf32, #tpu.memory_space<vmem>> -> memref<64x128xf32, #tpu.memory_space<vmem>>
      %dma_wait3A_998 = arith.constant 0 : i32
      %dma_wait3A_999 = tpu.memref_slice %arg6[%add3A_992, %dma_wait3A_998] : memref<100x64xi32, #tpu.memory_space<vmem>> -> memref<1x64xi32, #tpu.memory_space<vmem>>
      %dma_wait3A_1000 = tpu.memref_squeeze %dma_wait3A_999 : memref<1x64xi32, #tpu.memory_space<vmem>> -> memref<64xi32, #tpu.memory_space<vmem>>
      %dma_wait3A_1001 = arith.constant 0 : i32
      %dma_wait3A_1002 = arith.constant 0 : i32
      %dma_wait3A_1003 = tpu.memref_slice %arg3[%dma_wait3A_1001, %dma_wait3A_1002] : memref<100000x128xf32, #tpu.memory_space<hbm>> -> memref<100000x128xf32, #tpu.memory_space<hbm>>
      tpu.wait_indirect_dma semaphore(%arg16 : memref<!tpu.dma_semaphore, #tpu.memory_space<semaphore_mem>>) src(%dma_wait3A_1003 : memref<100000x128xf32, #tpu.memory_space<hbm>>) dst(%dma_wait3A_997 : memref<64x128xf32, #tpu.memory_space<vmem>>)
      %add3A_1004 = arith.addi %mul3A_2, %add3A_992 : i32
      %jit3A_1005 = arith.constant 16 : i32
      %div3A_1006 = arith.divsi %add3A_1004, %jit3A_1005 : i32
      %sign3A_1007 = arith.constant 0 : i32
      %sign3A_1008 = arith.cmpi sgt, %add3A_1004, %sign3A_1007 : i32
      %sign3A_1009 = arith.extui %sign3A_1008 : i1 to i32
      %sign3A_1010 = arith.constant 0 : i32
      %sign3A_1011 = arith.cmpi slt, %add3A_1004, %sign3A_1010 : i32
      %sign3A_1012 = arith.extui %sign3A_1011 : i1 to i32
      %sign3A_1013 = arith.subi %sign3A_1009, %sign3A_1012 : i32
      %sign3A_1014 = arith.constant 0 : i32
      %sign3A_1015 = arith.cmpi sgt, %jit3A_1005, %sign3A_1014 : i32
      %sign3A_1016 = arith.extui %sign3A_1015 : i1 to i32
      %sign3A_1017 = arith.constant 0 : i32
      %sign3A_1018 = arith.cmpi slt, %jit3A_1005, %sign3A_1017 : i32
      %sign3A_1019 = arith.extui %sign3A_1018 : i1 to i32
      %sign3A_1020 = arith.subi %sign3A_1016, %sign3A_1019 : i32
      %ne3A_1021 = arith.cmpi ne, %sign3A_1013, %sign3A_1020 : i32
      %rem3A_1022 = arith.remsi %add3A_1004, %jit3A_1005 : i32
      %ne3A_1023 = arith.constant 0 : i32
      %ne3A_1024 = arith.cmpi ne, %rem3A_1022, %ne3A_1023 : i32
      %and3A_1025 = arith.andi %ne3A_1021, %ne3A_1024 : i1
      %sub3A_1026 = arith.constant 1 : i32
      %sub3A_1027 = arith.subi %div3A_1006, %sub3A_1026 : i32
      %select_n3A_1028 = arith.select %and3A_1025, %sub3A_1027, %div3A_1006 : i32
      %get3A_1029 = arith.index_cast %select_n3A_1028 : i32 to index
      %get3A_1030 = arith.constant 0 : index
      %get3A_1031 = tpu.vector_load %arg7[%get3A_1029, %get3A_1030] {strides = array<i32>} : memref<200x128xf32, #tpu.memory_space<vmem>>, vector<1x16xf32>,
      %get3A_1032 = vector.shape_cast %get3A_1031 : vector<1x16xf32> to vector<16xf32>
      %get3A_1033 = arith.index_cast %select_n3A_1028 : i32 to index
      %get3A_1034 = arith.constant 16 : index
      %get3A_1035 = tpu.vector_load %arg7[%get3A_1033, %get3A_1034] {strides = array<i32>} : memref<200x128xf32, #tpu.memory_space<vmem>>, vector<1x16xf32>,
      %get3A_1036 = vector.shape_cast %get3A_1035 : vector<1x16xf32> to vector<16xf32>
      %get3A_1037 = arith.index_cast %select_n3A_1028 : i32 to index
      %get3A_1038 = arith.constant 32 : index
      %get3A_1039 = tpu.vector_load %arg7[%get3A_1037, %get3A_1038] {strides = array<i32>} : memref<200x128xf32, #tpu.memory_space<vmem>>, vector<1x16xf32>,
      %get3A_1040 = vector.shape_cast %get3A_1039 : vector<1x16xf32> to vector<16xf32>
      %get3A_1041 = arith.index_cast %select_n3A_1028 : i32 to index
      %get3A_1042 = arith.constant 48 : index
      %get3A_1043 = tpu.vector_load %arg7[%get3A_1041, %get3A_1042] {strides = array<i32>} : memref<200x128xf32, #tpu.memory_space<vmem>>, vector<1x16xf32>,
      %get3A_1044 = vector.shape_cast %get3A_1043 : vector<1x16xf32> to vector<16xf32>
      %get3A_1045 = arith.index_cast %select_n3A_1028 : i32 to index
      %get3A_1046 = arith.constant 64 : index
      %get3A_1047 = tpu.vector_load %arg7[%get3A_1045, %get3A_1046] {strides = array<i32>} : memref<200x128xf32, #tpu.memory_space<vmem>>, vector<1x16xf32>,
      %get3A_1048 = vector.shape_cast %get3A_1047 : vector<1x16xf32> to vector<16xf32>
      %get3A_1049 = arith.index_cast %select_n3A_1028 : i32 to index
      %get3A_1050 = arith.constant 80 : index
      %get3A_1051 = tpu.vector_load %arg7[%get3A_1049, %get3A_1050] {strides = array<i32>} : memref<200x128xf32, #tpu.memory_space<vmem>>, vector<1x16xf32>,
      %get3A_1052 = vector.shape_cast %get3A_1051 : vector<1x16xf32> to vector<16xf32>
      %get3A_1053 = arith.index_cast %select_n3A_1028 : i32 to index
      %get3A_1054 = arith.constant 96 : index
      %get3A_1055 = tpu.vector_load %arg7[%get3A_1053, %get3A_1054] {strides = array<i32>} : memref<200x128xf32, #tpu.memory_space<vmem>>, vector<1x16xf32>,
      %get3A_1056 = vector.shape_cast %get3A_1055 : vector<1x16xf32> to vector<16xf32>
      %get3A_1057 = arith.index_cast %select_n3A_1028 : i32 to index
      %get3A_1058 = arith.constant 112 : index
      %get3A_1059 = tpu.vector_load %arg7[%get3A_1057, %get3A_1058] {strides = array<i32>} : memref<200x128xf32, #tpu.memory_space<vmem>>, vector<1x16xf32>,
      %get3A_1060 = vector.shape_cast %get3A_1059 : vector<1x16xf32> to vector<16xf32>
      %scan3A_1061 = arith.constant 0 : i32
      %scan3A_1062 = arith.constant 0 : i32
      %scan3A_1063 = arith.constant 32 : i32
      %scan3A_1064 = arith.addi %scan3A_1062, %scan3A_1063 : i32
      %scan3A_1065 = arith.constant 1 : i32
      scf.for %scan3A_1267 = %scan3A_1062 to %scan3A_1064 step %scan3A_1065  : i32 {
        %mul3A_1268 = arith.constant 2 : i32
        %mul3A_1269 = arith.muli %scan3A_1267, %mul3A_1268 : i32
        %add3A_1270 = arith.constant 0 : i32
        %add3A_1271 = arith.addi %mul3A_1269, %add3A_1270 : i32
        %swap3A = arith.constant 7 : i32
        %swap3A_1272 = arith.index_cast %swap3A : i32 to index
        %swap3A_1273 = arith.index_cast %add3A_1271 : i32 to index
        %swap3A_1274 = arith.constant 0 : index
        %swap3A_1275 = tpu.vector_load %arg8[%swap3A_1272, %swap3A_1273, %swap3A_1274] {strides = array<i32>} : memref<10x64x128xf32, #tpu.memory_space<vmem>>, vector<1x1x16xf32>,
        %swap3A_1276 = vector.shape_cast %swap3A_1275 : vector<1x1x16xf32> to vector<16xf32>
        %swap3A_1277 = vector.shape_cast %get3A_1032 : vector<16xf32> to vector<1x1x16xf32>
        tpu.vector_store %arg8[%swap3A_1272, %swap3A_1273, %swap3A_1274], %swap3A_1277 {add = true, strides = array<i32>} : memref<10x64x128xf32, #tpu.memory_space<vmem>>, vector<1x1x16xf32>,
        %mul3A_1278 = arith.constant 2 : i32
        %mul3A_1279 = arith.muli %scan3A_1267, %mul3A_1278 : i32
        %add3A_1280 = arith.constant 0 : i32
        %add3A_1281 = arith.addi %mul3A_1279, %add3A_1280 : i32
        %swap3A_1282 = arith.constant 7 : i32
        %swap3A_1283 = arith.index_cast %swap3A_1282 : i32 to index
        %swap3A_1284 = arith.index_cast %add3A_1281 : i32 to index
        %swap3A_1285 = arith.constant 16 : index
        %swap3A_1286 = tpu.vector_load %arg8[%swap3A_1283, %swap3A_1284, %swap3A_1285] {strides = array<i32>} : memref<10x64x128xf32, #tpu.memory_space<vmem>>, vector<1x1x16xf32>,
        %swap3A_1287 = vector.shape_cast %swap3A_1286 : vector<1x1x16xf32> to vector<16xf32>
        %swap3A_1288 = vector.shape_cast %get3A_1036 : vector<16xf32> to vector<1x1x16xf32>
        tpu.vector_store %arg8[%swap3A_1283, %swap3A_1284, %swap3A_1285], %swap3A_1288 {add = true, strides = array<i32>} : memref<10x64x128xf32, #tpu.memory_space<vmem>>, vector<1x1x16xf32>,
        %mul3A_1289 = arith.constant 2 : i32
        %mul3A_1290 = arith.muli %scan3A_1267, %mul3A_1289 : i32
        %add3A_1291 = arith.constant 0 : i32
        %add3A_1292 = arith.addi %mul3A_1290, %add3A_1291 : i32
        %swap3A_1293 = arith.constant 7 : i32
        %swap3A_1294 = arith.index_cast %swap3A_1293 : i32 to index
        %swap3A_1295 = arith.index_cast %add3A_1292 : i32 to index
        %swap3A_1296 = arith.constant 32 : index
        %swap3A_1297 = tpu.vector_load %arg8[%swap3A_1294, %swap3A_1295, %swap3A_1296] {strides = array<i32>} : memref<10x64x128xf32, #tpu.memory_space<vmem>>, vector<1x1x16xf32>,
        %swap3A_1298 = vector.shape_cast %swap3A_1297 : vector<1x1x16xf32> to vector<16xf32>
        %swap3A_1299 = vector.shape_cast %get3A_1040 : vector<16xf32> to vector<1x1x16xf32>
        tpu.vector_store %arg8[%swap3A_1294, %swap3A_1295, %swap3A_1296], %swap3A_1299 {add = true, strides = array<i32>} : memref<10x64x128xf32, #tpu.memory_space<vmem>>, vector<1x1x16xf32>,
        %mul3A_1300 = arith.constant 2 : i32
        %mul3A_1301 = arith.muli %scan3A_1267, %mul3A_1300 : i32
        %add3A_1302 = arith.constant 0 : i32
        %add3A_1303 = arith.addi %mul3A_1301, %add3A_1302 : i32
        %swap3A_1304 = arith.constant 7 : i32
        %swap3A_1305 = arith.index_cast %swap3A_1304 : i32 to index
        %swap3A_1306 = arith.index_cast %add3A_1303 : i32 to index
        %swap3A_1307 = arith.constant 48 : index
        %swap3A_1308 = tpu.vector_load %arg8[%swap3A_1305, %swap3A_1306, %swap3A_1307] {strides = array<i32>} : memref<10x64x128xf32, #tpu.memory_space<vmem>>, vector<1x1x16xf32>,
        %swap3A_1309 = vector.shape_cast %swap3A_1308 : vector<1x1x16xf32> to vector<16xf32>
        %swap3A_1310 = vector.shape_cast %get3A_1044 : vector<16xf32> to vector<1x1x16xf32>
        tpu.vector_store %arg8[%swap3A_1305, %swap3A_1306, %swap3A_1307], %swap3A_1310 {add = true, strides = array<i32>} : memref<10x64x128xf32, #tpu.memory_space<vmem>>, vector<1x1x16xf32>,
        %mul3A_1311 = arith.constant 2 : i32
        %mul3A_1312 = arith.muli %scan3A_1267, %mul3A_1311 : i32
        %add3A_1313 = arith.constant 0 : i32
        %add3A_1314 = arith.addi %mul3A_1312, %add3A_1313 : i32
        %swap3A_1315 = arith.constant 7 : i32
        %swap3A_1316 = arith.index_cast %swap3A_1315 : i32 to index
        %swap3A_1317 = arith.index_cast %add3A_1314 : i32 to index
        %swap3A_1318 = arith.constant 64 : index
        %swap3A_1319 = tpu.vector_load %arg8[%swap3A_1316, %swap3A_1317, %swap3A_1318] {strides = array<i32>} : memref<10x64x128xf32, #tpu.memory_space<vmem>>, vector<1x1x16xf32>,
        %swap3A_1320 = vector.shape_cast %swap3A_1319 : vector<1x1x16xf32> to vector<16xf32>
        %swap3A_1321 = vector.shape_cast %get3A_1048 : vector<16xf32> to vector<1x1x16xf32>
        tpu.vector_store %arg8[%swap3A_1316, %swap3A_1317, %swap3A_1318], %swap3A_1321 {add = true, strides = array<i32>} : memref<10x64x128xf32, #tpu.memory_space<vmem>>, vector<1x1x16xf32>,
        %mul3A_1322 = arith.constant 2 : i32
        %mul3A_1323 = arith.muli %scan3A_1267, %mul3A_1322 : i32
        %add3A_1324 = arith.constant 0 : i32
        %add3A_1325 = arith.addi %mul3A_1323, %add3A_1324 : i32
        %swap3A_1326 = arith.constant 7 : i32
        %swap3A_1327 = arith.index_cast %swap3A_1326 : i32 to index
        %swap3A_1328 = arith.index_cast %add3A_1325 : i32 to index
        %swap3A_1329 = arith.constant 80 : index
        %swap3A_1330 = tpu.vector_load %arg8[%swap3A_1327, %swap3A_1328, %swap3A_1329] {strides = array<i32>} : memref<10x64x128xf32, #tpu.memory_space<vmem>>, vector<1x1x16xf32>,
        %swap3A_1331 = vector.shape_cast %swap3A_1330 : vector<1x1x16xf32> to vector<16xf32>
        %swap3A_1332 = vector.shape_cast %get3A_1052 : vector<16xf32> to vector<1x1x16xf32>
        tpu.vector_store %arg8[%swap3A_1327, %swap3A_1328, %swap3A_1329], %swap3A_1332 {add = true, strides = array<i32>} : memref<10x64x128xf32, #tpu.memory_space<vmem>>, vector<1x1x16xf32>,
        %mul3A_1333 = arith.constant 2 : i32
        %mul3A_1334 = arith.muli %scan3A_1267, %mul3A_1333 : i32
        %add3A_1335 = arith.constant 0 : i32
        %add3A_1336 = arith.addi %mul3A_1334, %add3A_1335 : i32
        %swap3A_1337 = arith.constant 7 : i32
        %swap3A_1338 = arith.index_cast %swap3A_1337 : i32 to index
        %swap3A_1339 = arith.index_cast %add3A_1336 : i32 to index
        %swap3A_1340 = arith.constant 96 : index
        %swap3A_1341 = tpu.vector_load %arg8[%swap3A_1338, %swap3A_1339, %swap3A_1340] {strides = array<i32>} : memref<10x64x128xf32, #tpu.memory_space<vmem>>, vector<1x1x16xf32>,
        %swap3A_1342 = vector.shape_cast %swap3A_1341 : vector<1x1x16xf32> to vector<16xf32>
        %swap3A_1343 = vector.shape_cast %get3A_1056 : vector<16xf32> to vector<1x1x16xf32>
        tpu.vector_store %arg8[%swap3A_1338, %swap3A_1339, %swap3A_1340], %swap3A_1343 {add = true, strides = array<i32>} : memref<10x64x128xf32, #tpu.memory_space<vmem>>, vector<1x1x16xf32>,
        %mul3A_1344 = arith.constant 2 : i32
        %mul3A_1345 = arith.muli %scan3A_1267, %mul3A_1344 : i32
        %add3A_1346 = arith.constant 0 : i32
        %add3A_1347 = arith.addi %mul3A_1345, %add3A_1346 : i32
        %swap3A_1348 = arith.constant 7 : i32
        %swap3A_1349 = arith.index_cast %swap3A_1348 : i32 to index
        %swap3A_1350 = arith.index_cast %add3A_1347 : i32 to index
        %swap3A_1351 = arith.constant 112 : index
        %swap3A_1352 = tpu.vector_load %arg8[%swap3A_1349, %swap3A_1350, %swap3A_1351] {strides = array<i32>} : memref<10x64x128xf32, #tpu.memory_space<vmem>>, vector<1x1x16xf32>,
        %swap3A_1353 = vector.shape_cast %swap3A_1352 : vector<1x1x16xf32> to vector<16xf32>
        %swap3A_1354 = vector.shape_cast %get3A_1060 : vector<16xf32> to vector<1x1x16xf32>
        tpu.vector_store %arg8[%swap3A_1349, %swap3A_1350, %swap3A_1351], %swap3A_1354 {add = true, strides = array<i32>} : memref<10x64x128xf32, #tpu.memory_space<vmem>>, vector<1x1x16xf32>,
        %mul3A_1355 = arith.constant 2 : i32
        %mul3A_1356 = arith.muli %scan3A_1267, %mul3A_1355 : i32
        %add3A_1357 = arith.constant 1 : i32
        %add3A_1358 = arith.addi %mul3A_1356, %add3A_1357 : i32
        %swap3A_1359 = arith.constant 7 : i32
        %swap3A_1360 = arith.index_cast %swap3A_1359 : i32 to index
        %swap3A_1361 = arith.index_cast %add3A_1358 : i32 to index
        %swap3A_1362 = arith.constant 0 : index
        %swap3A_1363 = tpu.vector_load %arg8[%swap3A_1360, %swap3A_1361, %swap3A_1362] {strides = array<i32>} : memref<10x64x128xf32, #tpu.memory_space<vmem>>, vector<1x1x16xf32>,
        %swap3A_1364 = vector.shape_cast %swap3A_1363 : vector<1x1x16xf32> to vector<16xf32>
        %swap3A_1365 = vector.shape_cast %get3A_1032 : vector<16xf32> to vector<1x1x16xf32>
        tpu.vector_store %arg8[%swap3A_1360, %swap3A_1361, %swap3A_1362], %swap3A_1365 {add = true, strides = array<i32>} : memref<10x64x128xf32, #tpu.memory_space<vmem>>, vector<1x1x16xf32>,
        %mul3A_1366 = arith.constant 2 : i32
        %mul3A_1367 = arith.muli %scan3A_1267, %mul3A_1366 : i32
        %add3A_1368 = arith.constant 1 : i32
        %add3A_1369 = arith.addi %mul3A_1367, %add3A_1368 : i32
        %swap3A_1370 = arith.constant 7 : i32
        %swap3A_1371 = arith.index_cast %swap3A_1370 : i32 to index
        %swap3A_1372 = arith.index_cast %add3A_1369 : i32 to index
        %swap3A_1373 = arith.constant 16 : index
        %swap3A_1374 = tpu.vector_load %arg8[%swap3A_1371, %swap3A_1372, %swap3A_1373] {strides = array<i32>} : memref<10x64x128xf32, #tpu.memory_space<vmem>>, vector<1x1x16xf32>,
        %swap3A_1375 = vector.shape_cast %swap3A_1374 : vector<1x1x16xf32> to vector<16xf32>
        %swap3A_1376 = vector.shape_cast %get3A_1036 : vector<16xf32> to vector<1x1x16xf32>
        tpu.vector_store %arg8[%swap3A_1371, %swap3A_1372, %swap3A_1373], %swap3A_1376 {add = true, strides = array<i32>} : memref<10x64x128xf32, #tpu.memory_space<vmem>>, vector<1x1x16xf32>,
        %mul3A_1377 = arith.constant 2 : i32
        %mul3A_1378 = arith.muli %scan3A_1267, %mul3A_1377 : i32
        %add3A_1379 = arith.constant 1 : i32
        %add3A_1380 = arith.addi %mul3A_1378, %add3A_1379 : i32
        %swap3A_1381 = arith.constant 7 : i32
        %swap3A_1382 = arith.index_cast %swap3A_1381 : i32 to index
        %swap3A_1383 = arith.index_cast %add3A_1380 : i32 to index
        %swap3A_1384 = arith.constant 32 : index
        %swap3A_1385 = tpu.vector_load %arg8[%swap3A_1382, %swap3A_1383, %swap3A_1384] {strides = array<i32>} : memref<10x64x128xf32, #tpu.memory_space<vmem>>, vector<1x1x16xf32>,
        %swap3A_1386 = vector.shape_cast %swap3A_1385 : vector<1x1x16xf32> to vector<16xf32>
        %swap3A_1387 = vector.shape_cast %get3A_1040 : vector<16xf32> to vector<1x1x16xf32>
        tpu.vector_store %arg8[%swap3A_1382, %swap3A_1383, %swap3A_1384], %swap3A_1387 {add = true, strides = array<i32>} : memref<10x64x128xf32, #tpu.memory_space<vmem>>, vector<1x1x16xf32>,
        %mul3A_1388 = arith.constant 2 : i32
        %mul3A_1389 = arith.muli %scan3A_1267, %mul3A_1388 : i32
        %add3A_1390 = arith.constant 1 : i32
        %add3A_1391 = arith.addi %mul3A_1389, %add3A_1390 : i32
        %swap3A_1392 = arith.constant 7 : i32
        %swap3A_1393 = arith.index_cast %swap3A_1392 : i32 to index
        %swap3A_1394 = arith.index_cast %add3A_1391 : i32 to index
        %swap3A_1395 = arith.constant 48 : index
        %swap3A_1396 = tpu.vector_load %arg8[%swap3A_1393, %swap3A_1394, %swap3A_1395] {strides = array<i32>} : memref<10x64x128xf32, #tpu.memory_space<vmem>>, vector<1x1x16xf32>,
        %swap3A_1397 = vector.shape_cast %swap3A_1396 : vector<1x1x16xf32> to vector<16xf32>
        %swap3A_1398 = vector.shape_cast %get3A_1044 : vector<16xf32> to vector<1x1x16xf32>
        tpu.vector_store %arg8[%swap3A_1393, %swap3A_1394, %swap3A_1395], %swap3A_1398 {add = true, strides = array<i32>} : memref<10x64x128xf32, #tpu.memory_space<vmem>>, vector<1x1x16xf32>,
        %mul3A_1399 = arith.constant 2 : i32
        %mul3A_1400 = arith.muli %scan3A_1267, %mul3A_1399 : i32
        %add3A_1401 = arith.constant 1 : i32
        %add3A_1402 = arith.addi %mul3A_1400, %add3A_1401 : i32
        %swap3A_1403 = arith.constant 7 : i32
        %swap3A_1404 = arith.index_cast %swap3A_1403 : i32 to index
        %swap3A_1405 = arith.index_cast %add3A_1402 : i32 to index
        %swap3A_1406 = arith.constant 64 : index
        %swap3A_1407 = tpu.vector_load %arg8[%swap3A_1404, %swap3A_1405, %swap3A_1406] {strides = array<i32>} : memref<10x64x128xf32, #tpu.memory_space<vmem>>, vector<1x1x16xf32>,
        %swap3A_1408 = vector.shape_cast %swap3A_1407 : vector<1x1x16xf32> to vector<16xf32>
        %swap3A_1409 = vector.shape_cast %get3A_1048 : vector<16xf32> to vector<1x1x16xf32>
        tpu.vector_store %arg8[%swap3A_1404, %swap3A_1405, %swap3A_1406], %swap3A_1409 {add = true, strides = array<i32>} : memref<10x64x128xf32, #tpu.memory_space<vmem>>, vector<1x1x16xf32>,
        %mul3A_1410 = arith.constant 2 : i32
        %mul3A_1411 = arith.muli %scan3A_1267, %mul3A_1410 : i32
        %add3A_1412 = arith.constant 1 : i32
        %add3A_1413 = arith.addi %mul3A_1411, %add3A_1412 : i32
        %swap3A_1414 = arith.constant 7 : i32
        %swap3A_1415 = arith.index_cast %swap3A_1414 : i32 to index
        %swap3A_1416 = arith.index_cast %add3A_1413 : i32 to index
        %swap3A_1417 = arith.constant 80 : index
        %swap3A_1418 = tpu.vector_load %arg8[%swap3A_1415, %swap3A_1416, %swap3A_1417] {strides = array<i32>} : memref<10x64x128xf32, #tpu.memory_space<vmem>>, vector<1x1x16xf32>,
        %swap3A_1419 = vector.shape_cast %swap3A_1418 : vector<1x1x16xf32> to vector<16xf32>
        %swap3A_1420 = vector.shape_cast %get3A_1052 : vector<16xf32> to vector<1x1x16xf32>
        tpu.vector_store %arg8[%swap3A_1415, %swap3A_1416, %swap3A_1417], %swap3A_1420 {add = true, strides = array<i32>} : memref<10x64x128xf32, #tpu.memory_space<vmem>>, vector<1x1x16xf32>,
        %mul3A_1421 = arith.constant 2 : i32
        %mul3A_1422 = arith.muli %scan3A_1267, %mul3A_1421 : i32
        %add3A_1423 = arith.constant 1 : i32
        %add3A_1424 = arith.addi %mul3A_1422, %add3A_1423 : i32
        %swap3A_1425 = arith.constant 7 : i32
        %swap3A_1426 = arith.index_cast %swap3A_1425 : i32 to index
        %swap3A_1427 = arith.index_cast %add3A_1424 : i32 to index
        %swap3A_1428 = arith.constant 96 : index
        %swap3A_1429 = tpu.vector_load %arg8[%swap3A_1426, %swap3A_1427, %swap3A_1428] {strides = array<i32>} : memref<10x64x128xf32, #tpu.memory_space<vmem>>, vector<1x1x16xf32>,
        %swap3A_1430 = vector.shape_cast %swap3A_1429 : vector<1x1x16xf32> to vector<16xf32>
        %swap3A_1431 = vector.shape_cast %get3A_1056 : vector<16xf32> to vector<1x1x16xf32>
        tpu.vector_store %arg8[%swap3A_1426, %swap3A_1427, %swap3A_1428], %swap3A_1431 {add = true, strides = array<i32>} : memref<10x64x128xf32, #tpu.memory_space<vmem>>, vector<1x1x16xf32>,
        %mul3A_1432 = arith.constant 2 : i32
        %mul3A_1433 = arith.muli %scan3A_1267, %mul3A_1432 : i32
        %add3A_1434 = arith.constant 1 : i32
        %add3A_1435 = arith.addi %mul3A_1433, %add3A_1434 : i32
        %swap3A_1436 = arith.constant 7 : i32
        %swap3A_1437 = arith.index_cast %swap3A_1436 : i32 to index
        %swap3A_1438 = arith.index_cast %add3A_1435 : i32 to index
        %swap3A_1439 = arith.constant 112 : index
        %swap3A_1440 = tpu.vector_load %arg8[%swap3A_1437, %swap3A_1438, %swap3A_1439] {strides = array<i32>} : memref<10x64x128xf32, #tpu.memory_space<vmem>>, vector<1x1x16xf32>,
        %swap3A_1441 = vector.shape_cast %swap3A_1440 : vector<1x1x16xf32> to vector<16xf32>
        %swap3A_1442 = vector.shape_cast %get3A_1060 : vector<16xf32> to vector<1x1x16xf32>
        tpu.vector_store %arg8[%swap3A_1437, %swap3A_1438, %swap3A_1439], %swap3A_1442 {add = true, strides = array<i32>} : memref<10x64x128xf32, #tpu.memory_space<vmem>>, vector<1x1x16xf32>,
      }
      %scan3A_1066 = arith.constant 32 : i32
      %add3A_1067 = arith.addi %mul3A_2, %add3A_992 : i32
      %mul3A_1068 = arith.constant 64 : i32
      %mul3A_1069 = arith.muli %add3A_1067, %mul3A_1068 : i32
      %dma_start3A_1070 = arith.constant 7 : i32
      %dma_start3A_1071 = arith.constant 0 : i32
      %dma_start3A_1072 = arith.constant 0 : i32
      %dma_start3A_1073 = tpu.memref_slice %arg8[%dma_start3A_1070, %dma_start3A_1071, %dma_start3A_1072] : memref<10x64x128xf32, #tpu.memory_space<vmem>> -> memref<1x64x128xf32, #tpu.memory_space<vmem>>
      %dma_start3A_1074 = tpu.memref_squeeze %dma_start3A_1073 : memref<1x64x128xf32, #tpu.memory_space<vmem>> -> memref<64x128xf32, #tpu.memory_space<vmem>>
      %dma_start3A_1075 = arith.constant 0 : i32
      %dma_start3A_1076 = tpu.memref_slice %arg5[%mul3A_1069, %dma_start3A_1075] : memref<204800x128xf32, #tpu.memory_space<hbm>> -> memref<64x128xf32, #tpu.memory_space<hbm>>
      %dma_start3A_1077 = arith.constant 0 : i32
      %dma_start3A_1078 = tpu.memref_slice %arg5[%mul3A_1069, %dma_start3A_1077] : memref<204800x128xf32, #tpu.memory_space<hbm>> -> memref<64x128xf32, #tpu.memory_space<hbm>>
      %dma_start3A_1079 = arith.constant 0 : i32
      %dma_start3A_1080 = arith.constant 0 : i32
      %dma_start3A_1081 = tpu.memref_slice %arg8[%dma_start3A_1070, %dma_start3A_1079, %dma_start3A_1080] : memref<10x64x128xf32, #tpu.memory_space<vmem>> -> memref<1x64x128xf32, #tpu.memory_space<vmem>>
      %dma_start3A_1082 = tpu.memref_squeeze %dma_start3A_1081 : memref<1x64x128xf32, #tpu.memory_space<vmem>> -> memref<64x128xf32, #tpu.memory_space<vmem>>
      tpu.enqueue_dma source(%dma_start3A_1082 : memref<64x128xf32, #tpu.memory_space<vmem>>) target(%dma_start3A_1078 : memref<64x128xf32, #tpu.memory_space<hbm>>) target_semaphore(%arg26 : memref<!tpu.dma_semaphore, #tpu.memory_space<semaphore_mem>>)
      %add3A_1083 = arith.constant 8 : i32
      %add3A_1084 = arith.addi %mul3A_179, %add3A_1083 : i32
      %dma_wait3A_1085 = arith.constant 8 : i32
      %dma_wait3A_1086 = arith.constant 0 : i32
      %dma_wait3A_1087 = arith.constant 0 : i32
      %dma_wait3A_1088 = tpu.memref_slice %arg8[%dma_wait3A_1085, %dma_wait3A_1086, %dma_wait3A_1087] : memref<10x64x128xf32, #tpu.memory_space<vmem>> -> memref<1x64x128xf32, #tpu.memory_space<vmem>>
      %dma_wait3A_1089 = tpu.memref_squeeze %dma_wait3A_1088 : memref<1x64x128xf32, #tpu.memory_space<vmem>> -> memref<64x128xf32, #tpu.memory_space<vmem>>
      %dma_wait3A_1090 = arith.constant 0 : i32
      %dma_wait3A_1091 = tpu.memref_slice %arg6[%add3A_1084, %dma_wait3A_1090] : memref<100x64xi32, #tpu.memory_space<vmem>> -> memref<1x64xi32, #tpu.memory_space<vmem>>
      %dma_wait3A_1092 = tpu.memref_squeeze %dma_wait3A_1091 : memref<1x64xi32, #tpu.memory_space<vmem>> -> memref<64xi32, #tpu.memory_space<vmem>>
      %dma_wait3A_1093 = arith.constant 0 : i32
      %dma_wait3A_1094 = arith.constant 0 : i32
      %dma_wait3A_1095 = tpu.memref_slice %arg3[%dma_wait3A_1093, %dma_wait3A_1094] : memref<100000x128xf32, #tpu.memory_space<hbm>> -> memref<100000x128xf32, #tpu.memory_space<hbm>>
      tpu.wait_indirect_dma semaphore(%arg17 : memref<!tpu.dma_semaphore, #tpu.memory_space<semaphore_mem>>) src(%dma_wait3A_1095 : memref<100000x128xf32, #tpu.memory_space<hbm>>) dst(%dma_wait3A_1089 : memref<64x128xf32, #tpu.memory_space<vmem>>)
      %add3A_1096 = arith.addi %mul3A_2, %add3A_1084 : i32
      %jit3A_1097 = arith.constant 16 : i32
      %div3A_1098 = arith.divsi %add3A_1096, %jit3A_1097 : i32
      %sign3A_1099 = arith.constant 0 : i32
      %sign3A_1100 = arith.cmpi sgt, %add3A_1096, %sign3A_1099 : i32
      %sign3A_1101 = arith.extui %sign3A_1100 : i1 to i32
      %sign3A_1102 = arith.constant 0 : i32
      %sign3A_1103 = arith.cmpi slt, %add3A_1096, %sign3A_1102 : i32
      %sign3A_1104 = arith.extui %sign3A_1103 : i1 to i32
      %sign3A_1105 = arith.subi %sign3A_1101, %sign3A_1104 : i32
      %sign3A_1106 = arith.constant 0 : i32
      %sign3A_1107 = arith.cmpi sgt, %jit3A_1097, %sign3A_1106 : i32
      %sign3A_1108 = arith.extui %sign3A_1107 : i1 to i32
      %sign3A_1109 = arith.constant 0 : i32
      %sign3A_1110 = arith.cmpi slt, %jit3A_1097, %sign3A_1109 : i32
      %sign3A_1111 = arith.extui %sign3A_1110 : i1 to i32
      %sign3A_1112 = arith.subi %sign3A_1108, %sign3A_1111 : i32
      %ne3A_1113 = arith.cmpi ne, %sign3A_1105, %sign3A_1112 : i32
      %rem3A_1114 = arith.remsi %add3A_1096, %jit3A_1097 : i32
      %ne3A_1115 = arith.constant 0 : i32
      %ne3A_1116 = arith.cmpi ne, %rem3A_1114, %ne3A_1115 : i32
      %and3A_1117 = arith.andi %ne3A_1113, %ne3A_1116 : i1
      %sub3A_1118 = arith.constant 1 : i32
      %sub3A_1119 = arith.subi %div3A_1098, %sub3A_1118 : i32
      %select_n3A_1120 = arith.select %and3A_1117, %sub3A_1119, %div3A_1098 : i32
      %get3A_1121 = arith.index_cast %select_n3A_1120 : i32 to index
      %get3A_1122 = arith.constant 0 : index
      %get3A_1123 = tpu.vector_load %arg7[%get3A_1121, %get3A_1122] {strides = array<i32>} : memref<200x128xf32, #tpu.memory_space<vmem>>, vector<1x16xf32>,
      %get3A_1124 = vector.shape_cast %get3A_1123 : vector<1x16xf32> to vector<16xf32>
      %get3A_1125 = arith.index_cast %select_n3A_1120 : i32 to index
      %get3A_1126 = arith.constant 16 : index
      %get3A_1127 = tpu.vector_load %arg7[%get3A_1125, %get3A_1126] {strides = array<i32>} : memref<200x128xf32, #tpu.memory_space<vmem>>, vector<1x16xf32>,
      %get3A_1128 = vector.shape_cast %get3A_1127 : vector<1x16xf32> to vector<16xf32>
      %get3A_1129 = arith.index_cast %select_n3A_1120 : i32 to index
      %get3A_1130 = arith.constant 32 : index
      %get3A_1131 = tpu.vector_load %arg7[%get3A_1129, %get3A_1130] {strides = array<i32>} : memref<200x128xf32, #tpu.memory_space<vmem>>, vector<1x16xf32>,
      %get3A_1132 = vector.shape_cast %get3A_1131 : vector<1x16xf32> to vector<16xf32>
      %get3A_1133 = arith.index_cast %select_n3A_1120 : i32 to index
      %get3A_1134 = arith.constant 48 : index
      %get3A_1135 = tpu.vector_load %arg7[%get3A_1133, %get3A_1134] {strides = array<i32>} : memref<200x128xf32, #tpu.memory_space<vmem>>, vector<1x16xf32>,
      %get3A_1136 = vector.shape_cast %get3A_1135 : vector<1x16xf32> to vector<16xf32>
      %get3A_1137 = arith.index_cast %select_n3A_1120 : i32 to index
      %get3A_1138 = arith.constant 64 : index
      %get3A_1139 = tpu.vector_load %arg7[%get3A_1137, %get3A_1138] {strides = array<i32>} : memref<200x128xf32, #tpu.memory_space<vmem>>, vector<1x16xf32>,
      %get3A_1140 = vector.shape_cast %get3A_1139 : vector<1x16xf32> to vector<16xf32>
      %get3A_1141 = arith.index_cast %select_n3A_1120 : i32 to index
      %get3A_1142 = arith.constant 80 : index
      %get3A_1143 = tpu.vector_load %arg7[%get3A_1141, %get3A_1142] {strides = array<i32>} : memref<200x128xf32, #tpu.memory_space<vmem>>, vector<1x16xf32>,
      %get3A_1144 = vector.shape_cast %get3A_1143 : vector<1x16xf32> to vector<16xf32>
      %get3A_1145 = arith.index_cast %select_n3A_1120 : i32 to index
      %get3A_1146 = arith.constant 96 : index
      %get3A_1147 = tpu.vector_load %arg7[%get3A_1145, %get3A_1146] {strides = array<i32>} : memref<200x128xf32, #tpu.memory_space<vmem>>, vector<1x16xf32>,
      %get3A_1148 = vector.shape_cast %get3A_1147 : vector<1x16xf32> to vector<16xf32>
      %get3A_1149 = arith.index_cast %select_n3A_1120 : i32 to index
      %get3A_1150 = arith.constant 112 : index
      %get3A_1151 = tpu.vector_load %arg7[%get3A_1149, %get3A_1150] {strides = array<i32>} : memref<200x128xf32, #tpu.memory_space<vmem>>, vector<1x16xf32>,
      %get3A_1152 = vector.shape_cast %get3A_1151 : vector<1x16xf32> to vector<16xf32>
      %scan3A_1153 = arith.constant 0 : i32
      %scan3A_1154 = arith.constant 0 : i32
      %scan3A_1155 = arith.constant 32 : i32
      %scan3A_1156 = arith.addi %scan3A_1154, %scan3A_1155 : i32
      %scan3A_1157 = arith.constant 1 : i32
      scf.for %scan3A_1267 = %scan3A_1154 to %scan3A_1156 step %scan3A_1157  : i32 {
        %mul3A_1268 = arith.constant 2 : i32
        %mul3A_1269 = arith.muli %scan3A_1267, %mul3A_1268 : i32
        %add3A_1270 = arith.constant 0 : i32
        %add3A_1271 = arith.addi %mul3A_1269, %add3A_1270 : i32
        %swap3A = arith.constant 8 : i32
        %swap3A_1272 = arith.index_cast %swap3A : i32 to index
        %swap3A_1273 = arith.index_cast %add3A_1271 : i32 to index
        %swap3A_1274 = arith.constant 0 : index
        %swap3A_1275 = tpu.vector_load %arg8[%swap3A_1272, %swap3A_1273, %swap3A_1274] {strides = array<i32>} : memref<10x64x128xf32, #tpu.memory_space<vmem>>, vector<1x1x16xf32>,
        %swap3A_1276 = vector.shape_cast %swap3A_1275 : vector<1x1x16xf32> to vector<16xf32>
        %swap3A_1277 = vector.shape_cast %get3A_1124 : vector<16xf32> to vector<1x1x16xf32>
        tpu.vector_store %arg8[%swap3A_1272, %swap3A_1273, %swap3A_1274], %swap3A_1277 {add = true, strides = array<i32>} : memref<10x64x128xf32, #tpu.memory_space<vmem>>, vector<1x1x16xf32>,
        %mul3A_1278 = arith.constant 2 : i32
        %mul3A_1279 = arith.muli %scan3A_1267, %mul3A_1278 : i32
        %add3A_1280 = arith.constant 0 : i32
        %add3A_1281 = arith.addi %mul3A_1279, %add3A_1280 : i32
        %swap3A_1282 = arith.constant 8 : i32
        %swap3A_1283 = arith.index_cast %swap3A_1282 : i32 to index
        %swap3A_1284 = arith.index_cast %add3A_1281 : i32 to index
        %swap3A_1285 = arith.constant 16 : index
        %swap3A_1286 = tpu.vector_load %arg8[%swap3A_1283, %swap3A_1284, %swap3A_1285] {strides = array<i32>} : memref<10x64x128xf32, #tpu.memory_space<vmem>>, vector<1x1x16xf32>,
        %swap3A_1287 = vector.shape_cast %swap3A_1286 : vector<1x1x16xf32> to vector<16xf32>
        %swap3A_1288 = vector.shape_cast %get3A_1128 : vector<16xf32> to vector<1x1x16xf32>
        tpu.vector_store %arg8[%swap3A_1283, %swap3A_1284, %swap3A_1285], %swap3A_1288 {add = true, strides = array<i32>} : memref<10x64x128xf32, #tpu.memory_space<vmem>>, vector<1x1x16xf32>,
        %mul3A_1289 = arith.constant 2 : i32
        %mul3A_1290 = arith.muli %scan3A_1267, %mul3A_1289 : i32
        %add3A_1291 = arith.constant 0 : i32
        %add3A_1292 = arith.addi %mul3A_1290, %add3A_1291 : i32
        %swap3A_1293 = arith.constant 8 : i32
        %swap3A_1294 = arith.index_cast %swap3A_1293 : i32 to index
        %swap3A_1295 = arith.index_cast %add3A_1292 : i32 to index
        %swap3A_1296 = arith.constant 32 : index
        %swap3A_1297 = tpu.vector_load %arg8[%swap3A_1294, %swap3A_1295, %swap3A_1296] {strides = array<i32>} : memref<10x64x128xf32, #tpu.memory_space<vmem>>, vector<1x1x16xf32>,
        %swap3A_1298 = vector.shape_cast %swap3A_1297 : vector<1x1x16xf32> to vector<16xf32>
        %swap3A_1299 = vector.shape_cast %get3A_1132 : vector<16xf32> to vector<1x1x16xf32>
        tpu.vector_store %arg8[%swap3A_1294, %swap3A_1295, %swap3A_1296], %swap3A_1299 {add = true, strides = array<i32>} : memref<10x64x128xf32, #tpu.memory_space<vmem>>, vector<1x1x16xf32>,
        %mul3A_1300 = arith.constant 2 : i32
        %mul3A_1301 = arith.muli %scan3A_1267, %mul3A_1300 : i32
        %add3A_1302 = arith.constant 0 : i32
        %add3A_1303 = arith.addi %mul3A_1301, %add3A_1302 : i32
        %swap3A_1304 = arith.constant 8 : i32
        %swap3A_1305 = arith.index_cast %swap3A_1304 : i32 to index
        %swap3A_1306 = arith.index_cast %add3A_1303 : i32 to index
        %swap3A_1307 = arith.constant 48 : index
        %swap3A_1308 = tpu.vector_load %arg8[%swap3A_1305, %swap3A_1306, %swap3A_1307] {strides = array<i32>} : memref<10x64x128xf32, #tpu.memory_space<vmem>>, vector<1x1x16xf32>,
        %swap3A_1309 = vector.shape_cast %swap3A_1308 : vector<1x1x16xf32> to vector<16xf32>
        %swap3A_1310 = vector.shape_cast %get3A_1136 : vector<16xf32> to vector<1x1x16xf32>
        tpu.vector_store %arg8[%swap3A_1305, %swap3A_1306, %swap3A_1307], %swap3A_1310 {add = true, strides = array<i32>} : memref<10x64x128xf32, #tpu.memory_space<vmem>>, vector<1x1x16xf32>,
        %mul3A_1311 = arith.constant 2 : i32
        %mul3A_1312 = arith.muli %scan3A_1267, %mul3A_1311 : i32
        %add3A_1313 = arith.constant 0 : i32
        %add3A_1314 = arith.addi %mul3A_1312, %add3A_1313 : i32
        %swap3A_1315 = arith.constant 8 : i32
        %swap3A_1316 = arith.index_cast %swap3A_1315 : i32 to index
        %swap3A_1317 = arith.index_cast %add3A_1314 : i32 to index
        %swap3A_1318 = arith.constant 64 : index
        %swap3A_1319 = tpu.vector_load %arg8[%swap3A_1316, %swap3A_1317, %swap3A_1318] {strides = array<i32>} : memref<10x64x128xf32, #tpu.memory_space<vmem>>, vector<1x1x16xf32>,
        %swap3A_1320 = vector.shape_cast %swap3A_1319 : vector<1x1x16xf32> to vector<16xf32>
        %swap3A_1321 = vector.shape_cast %get3A_1140 : vector<16xf32> to vector<1x1x16xf32>
        tpu.vector_store %arg8[%swap3A_1316, %swap3A_1317, %swap3A_1318], %swap3A_1321 {add = true, strides = array<i32>} : memref<10x64x128xf32, #tpu.memory_space<vmem>>, vector<1x1x16xf32>,
        %mul3A_1322 = arith.constant 2 : i32
        %mul3A_1323 = arith.muli %scan3A_1267, %mul3A_1322 : i32
        %add3A_1324 = arith.constant 0 : i32
        %add3A_1325 = arith.addi %mul3A_1323, %add3A_1324 : i32
        %swap3A_1326 = arith.constant 8 : i32
        %swap3A_1327 = arith.index_cast %swap3A_1326 : i32 to index
        %swap3A_1328 = arith.index_cast %add3A_1325 : i32 to index
        %swap3A_1329 = arith.constant 80 : index
        %swap3A_1330 = tpu.vector_load %arg8[%swap3A_1327, %swap3A_1328, %swap3A_1329] {strides = array<i32>} : memref<10x64x128xf32, #tpu.memory_space<vmem>>, vector<1x1x16xf32>,
        %swap3A_1331 = vector.shape_cast %swap3A_1330 : vector<1x1x16xf32> to vector<16xf32>
        %swap3A_1332 = vector.shape_cast %get3A_1144 : vector<16xf32> to vector<1x1x16xf32>
        tpu.vector_store %arg8[%swap3A_1327, %swap3A_1328, %swap3A_1329], %swap3A_1332 {add = true, strides = array<i32>} : memref<10x64x128xf32, #tpu.memory_space<vmem>>, vector<1x1x16xf32>,
        %mul3A_1333 = arith.constant 2 : i32
        %mul3A_1334 = arith.muli %scan3A_1267, %mul3A_1333 : i32
        %add3A_1335 = arith.constant 0 : i32
        %add3A_1336 = arith.addi %mul3A_1334, %add3A_1335 : i32
        %swap3A_1337 = arith.constant 8 : i32
        %swap3A_1338 = arith.index_cast %swap3A_1337 : i32 to index
        %swap3A_1339 = arith.index_cast %add3A_1336 : i32 to index
        %swap3A_1340 = arith.constant 96 : index
        %swap3A_1341 = tpu.vector_load %arg8[%swap3A_1338, %swap3A_1339, %swap3A_1340] {strides = array<i32>} : memref<10x64x128xf32, #tpu.memory_space<vmem>>, vector<1x1x16xf32>,
        %swap3A_1342 = vector.shape_cast %swap3A_1341 : vector<1x1x16xf32> to vector<16xf32>
        %swap3A_1343 = vector.shape_cast %get3A_1148 : vector<16xf32> to vector<1x1x16xf32>
        tpu.vector_store %arg8[%swap3A_1338, %swap3A_1339, %swap3A_1340], %swap3A_1343 {add = true, strides = array<i32>} : memref<10x64x128xf32, #tpu.memory_space<vmem>>, vector<1x1x16xf32>,
        %mul3A_1344 = arith.constant 2 : i32
        %mul3A_1345 = arith.muli %scan3A_1267, %mul3A_1344 : i32
        %add3A_1346 = arith.constant 0 : i32
        %add3A_1347 = arith.addi %mul3A_1345, %add3A_1346 : i32
        %swap3A_1348 = arith.constant 8 : i32
        %swap3A_1349 = arith.index_cast %swap3A_1348 : i32 to index
        %swap3A_1350 = arith.index_cast %add3A_1347 : i32 to index
        %swap3A_1351 = arith.constant 112 : index
        %swap3A_1352 = tpu.vector_load %arg8[%swap3A_1349, %swap3A_1350, %swap3A_1351] {strides = array<i32>} : memref<10x64x128xf32, #tpu.memory_space<vmem>>, vector<1x1x16xf32>,
        %swap3A_1353 = vector.shape_cast %swap3A_1352 : vector<1x1x16xf32> to vector<16xf32>
        %swap3A_1354 = vector.shape_cast %get3A_1152 : vector<16xf32> to vector<1x1x16xf32>
        tpu.vector_store %arg8[%swap3A_1349, %swap3A_1350, %swap3A_1351], %swap3A_1354 {add = true, strides = array<i32>} : memref<10x64x128xf32, #tpu.memory_space<vmem>>, vector<1x1x16xf32>,
        %mul3A_1355 = arith.constant 2 : i32
        %mul3A_1356 = arith.muli %scan3A_1267, %mul3A_1355 : i32
        %add3A_1357 = arith.constant 1 : i32
        %add3A_1358 = arith.addi %mul3A_1356, %add3A_1357 : i32
        %swap3A_1359 = arith.constant 8 : i32
        %swap3A_1360 = arith.index_cast %swap3A_1359 : i32 to index
        %swap3A_1361 = arith.index_cast %add3A_1358 : i32 to index
        %swap3A_1362 = arith.constant 0 : index
        %swap3A_1363 = tpu.vector_load %arg8[%swap3A_1360, %swap3A_1361, %swap3A_1362] {strides = array<i32>} : memref<10x64x128xf32, #tpu.memory_space<vmem>>, vector<1x1x16xf32>,
        %swap3A_1364 = vector.shape_cast %swap3A_1363 : vector<1x1x16xf32> to vector<16xf32>
        %swap3A_1365 = vector.shape_cast %get3A_1124 : vector<16xf32> to vector<1x1x16xf32>
        tpu.vector_store %arg8[%swap3A_1360, %swap3A_1361, %swap3A_1362], %swap3A_1365 {add = true, strides = array<i32>} : memref<10x64x128xf32, #tpu.memory_space<vmem>>, vector<1x1x16xf32>,
        %mul3A_1366 = arith.constant 2 : i32
        %mul3A_1367 = arith.muli %scan3A_1267, %mul3A_1366 : i32
        %add3A_1368 = arith.constant 1 : i32
        %add3A_1369 = arith.addi %mul3A_1367, %add3A_1368 : i32
        %swap3A_1370 = arith.constant 8 : i32
        %swap3A_1371 = arith.index_cast %swap3A_1370 : i32 to index
        %swap3A_1372 = arith.index_cast %add3A_1369 : i32 to index
        %swap3A_1373 = arith.constant 16 : index
        %swap3A_1374 = tpu.vector_load %arg8[%swap3A_1371, %swap3A_1372, %swap3A_1373] {strides = array<i32>} : memref<10x64x128xf32, #tpu.memory_space<vmem>>, vector<1x1x16xf32>,
        %swap3A_1375 = vector.shape_cast %swap3A_1374 : vector<1x1x16xf32> to vector<16xf32>
        %swap3A_1376 = vector.shape_cast %get3A_1128 : vector<16xf32> to vector<1x1x16xf32>
        tpu.vector_store %arg8[%swap3A_1371, %swap3A_1372, %swap3A_1373], %swap3A_1376 {add = true, strides = array<i32>} : memref<10x64x128xf32, #tpu.memory_space<vmem>>, vector<1x1x16xf32>,
        %mul3A_1377 = arith.constant 2 : i32
        %mul3A_1378 = arith.muli %scan3A_1267, %mul3A_1377 : i32
        %add3A_1379 = arith.constant 1 : i32
        %add3A_1380 = arith.addi %mul3A_1378, %add3A_1379 : i32
        %swap3A_1381 = arith.constant 8 : i32
        %swap3A_1382 = arith.index_cast %swap3A_1381 : i32 to index
        %swap3A_1383 = arith.index_cast %add3A_1380 : i32 to index
        %swap3A_1384 = arith.constant 32 : index
        %swap3A_1385 = tpu.vector_load %arg8[%swap3A_1382, %swap3A_1383, %swap3A_1384] {strides = array<i32>} : memref<10x64x128xf32, #tpu.memory_space<vmem>>, vector<1x1x16xf32>,
        %swap3A_1386 = vector.shape_cast %swap3A_1385 : vector<1x1x16xf32> to vector<16xf32>
        %swap3A_1387 = vector.shape_cast %get3A_1132 : vector<16xf32> to vector<1x1x16xf32>
        tpu.vector_store %arg8[%swap3A_1382, %swap3A_1383, %swap3A_1384], %swap3A_1387 {add = true, strides = array<i32>} : memref<10x64x128xf32, #tpu.memory_space<vmem>>, vector<1x1x16xf32>,
        %mul3A_1388 = arith.constant 2 : i32
        %mul3A_1389 = arith.muli %scan3A_1267, %mul3A_1388 : i32
        %add3A_1390 = arith.constant 1 : i32
        %add3A_1391 = arith.addi %mul3A_1389, %add3A_1390 : i32
        %swap3A_1392 = arith.constant 8 : i32
        %swap3A_1393 = arith.index_cast %swap3A_1392 : i32 to index
        %swap3A_1394 = arith.index_cast %add3A_1391 : i32 to index
        %swap3A_1395 = arith.constant 48 : index
        %swap3A_1396 = tpu.vector_load %arg8[%swap3A_1393, %swap3A_1394, %swap3A_1395] {strides = array<i32>} : memref<10x64x128xf32, #tpu.memory_space<vmem>>, vector<1x1x16xf32>,
        %swap3A_1397 = vector.shape_cast %swap3A_1396 : vector<1x1x16xf32> to vector<16xf32>
        %swap3A_1398 = vector.shape_cast %get3A_1136 : vector<16xf32> to vector<1x1x16xf32>
        tpu.vector_store %arg8[%swap3A_1393, %swap3A_1394, %swap3A_1395], %swap3A_1398 {add = true, strides = array<i32>} : memref<10x64x128xf32, #tpu.memory_space<vmem>>, vector<1x1x16xf32>,
        %mul3A_1399 = arith.constant 2 : i32
        %mul3A_1400 = arith.muli %scan3A_1267, %mul3A_1399 : i32
        %add3A_1401 = arith.constant 1 : i32
        %add3A_1402 = arith.addi %mul3A_1400, %add3A_1401 : i32
        %swap3A_1403 = arith.constant 8 : i32
        %swap3A_1404 = arith.index_cast %swap3A_1403 : i32 to index
        %swap3A_1405 = arith.index_cast %add3A_1402 : i32 to index
        %swap3A_1406 = arith.constant 64 : index
        %swap3A_1407 = tpu.vector_load %arg8[%swap3A_1404, %swap3A_1405, %swap3A_1406] {strides = array<i32>} : memref<10x64x128xf32, #tpu.memory_space<vmem>>, vector<1x1x16xf32>,
        %swap3A_1408 = vector.shape_cast %swap3A_1407 : vector<1x1x16xf32> to vector<16xf32>
        %swap3A_1409 = vector.shape_cast %get3A_1140 : vector<16xf32> to vector<1x1x16xf32>
        tpu.vector_store %arg8[%swap3A_1404, %swap3A_1405, %swap3A_1406], %swap3A_1409 {add = true, strides = array<i32>} : memref<10x64x128xf32, #tpu.memory_space<vmem>>, vector<1x1x16xf32>,
        %mul3A_1410 = arith.constant 2 : i32
        %mul3A_1411 = arith.muli %scan3A_1267, %mul3A_1410 : i32
        %add3A_1412 = arith.constant 1 : i32
        %add3A_1413 = arith.addi %mul3A_1411, %add3A_1412 : i32
        %swap3A_1414 = arith.constant 8 : i32
        %swap3A_1415 = arith.index_cast %swap3A_1414 : i32 to index
        %swap3A_1416 = arith.index_cast %add3A_1413 : i32 to index
        %swap3A_1417 = arith.constant 80 : index
        %swap3A_1418 = tpu.vector_load %arg8[%swap3A_1415, %swap3A_1416, %swap3A_1417] {strides = array<i32>} : memref<10x64x128xf32, #tpu.memory_space<vmem>>, vector<1x1x16xf32>,
        %swap3A_1419 = vector.shape_cast %swap3A_1418 : vector<1x1x16xf32> to vector<16xf32>
        %swap3A_1420 = vector.shape_cast %get3A_1144 : vector<16xf32> to vector<1x1x16xf32>
        tpu.vector_store %arg8[%swap3A_1415, %swap3A_1416, %swap3A_1417], %swap3A_1420 {add = true, strides = array<i32>} : memref<10x64x128xf32, #tpu.memory_space<vmem>>, vector<1x1x16xf32>,
        %mul3A_1421 = arith.constant 2 : i32
        %mul3A_1422 = arith.muli %scan3A_1267, %mul3A_1421 : i32
        %add3A_1423 = arith.constant 1 : i32
        %add3A_1424 = arith.addi %mul3A_1422, %add3A_1423 : i32
        %swap3A_1425 = arith.constant 8 : i32
        %swap3A_1426 = arith.index_cast %swap3A_1425 : i32 to index
        %swap3A_1427 = arith.index_cast %add3A_1424 : i32 to index
        %swap3A_1428 = arith.constant 96 : index
        %swap3A_1429 = tpu.vector_load %arg8[%swap3A_1426, %swap3A_1427, %swap3A_1428] {strides = array<i32>} : memref<10x64x128xf32, #tpu.memory_space<vmem>>, vector<1x1x16xf32>,
        %swap3A_1430 = vector.shape_cast %swap3A_1429 : vector<1x1x16xf32> to vector<16xf32>
        %swap3A_1431 = vector.shape_cast %get3A_1148 : vector<16xf32> to vector<1x1x16xf32>
        tpu.vector_store %arg8[%swap3A_1426, %swap3A_1427, %swap3A_1428], %swap3A_1431 {add = true, strides = array<i32>} : memref<10x64x128xf32, #tpu.memory_space<vmem>>, vector<1x1x16xf32>,
        %mul3A_1432 = arith.constant 2 : i32
        %mul3A_1433 = arith.muli %scan3A_1267, %mul3A_1432 : i32
        %add3A_1434 = arith.constant 1 : i32
        %add3A_1435 = arith.addi %mul3A_1433, %add3A_1434 : i32
        %swap3A_1436 = arith.constant 8 : i32
        %swap3A_1437 = arith.index_cast %swap3A_1436 : i32 to index
        %swap3A_1438 = arith.index_cast %add3A_1435 : i32 to index
        %swap3A_1439 = arith.constant 112 : index
        %swap3A_1440 = tpu.vector_load %arg8[%swap3A_1437, %swap3A_1438, %swap3A_1439] {strides = array<i32>} : memref<10x64x128xf32, #tpu.memory_space<vmem>>, vector<1x1x16xf32>,
        %swap3A_1441 = vector.shape_cast %swap3A_1440 : vector<1x1x16xf32> to vector<16xf32>
        %swap3A_1442 = vector.shape_cast %get3A_1152 : vector<16xf32> to vector<1x1x16xf32>
        tpu.vector_store %arg8[%swap3A_1437, %swap3A_1438, %swap3A_1439], %swap3A_1442 {add = true, strides = array<i32>} : memref<10x64x128xf32, #tpu.memory_space<vmem>>, vector<1x1x16xf32>,
      }
      %scan3A_1158 = arith.constant 32 : i32
      %add3A_1159 = arith.addi %mul3A_2, %add3A_1084 : i32
      %mul3A_1160 = arith.constant 64 : i32
      %mul3A_1161 = arith.muli %add3A_1159, %mul3A_1160 : i32
      %dma_start3A_1162 = arith.constant 8 : i32
      %dma_start3A_1163 = arith.constant 0 : i32
      %dma_start3A_1164 = arith.constant 0 : i32
      %dma_start3A_1165 = tpu.memref_slice %arg8[%dma_start3A_1162, %dma_start3A_1163, %dma_start3A_1164] : memref<10x64x128xf32, #tpu.memory_space<vmem>> -> memref<1x64x128xf32, #tpu.memory_space<vmem>>
      %dma_start3A_1166 = tpu.memref_squeeze %dma_start3A_1165 : memref<1x64x128xf32, #tpu.memory_space<vmem>> -> memref<64x128xf32, #tpu.memory_space<vmem>>
      %dma_start3A_1167 = arith.constant 0 : i32
      %dma_start3A_1168 = tpu.memref_slice %arg5[%mul3A_1161, %dma_start3A_1167] : memref<204800x128xf32, #tpu.memory_space<hbm>> -> memref<64x128xf32, #tpu.memory_space<hbm>>
      %dma_start3A_1169 = arith.constant 0 : i32
      %dma_start3A_1170 = tpu.memref_slice %arg5[%mul3A_1161, %dma_start3A_1169] : memref<204800x128xf32, #tpu.memory_space<hbm>> -> memref<64x128xf32, #tpu.memory_space<hbm>>
      %dma_start3A_1171 = arith.constant 0 : i32
      %dma_start3A_1172 = arith.constant 0 : i32
      %dma_start3A_1173 = tpu.memref_slice %arg8[%dma_start3A_1162, %dma_start3A_1171, %dma_start3A_1172] : memref<10x64x128xf32, #tpu.memory_space<vmem>> -> memref<1x64x128xf32, #tpu.memory_space<vmem>>
      %dma_start3A_1174 = tpu.memref_squeeze %dma_start3A_1173 : memref<1x64x128xf32, #tpu.memory_space<vmem>> -> memref<64x128xf32, #tpu.memory_space<vmem>>
      tpu.enqueue_dma source(%dma_start3A_1174 : memref<64x128xf32, #tpu.memory_space<vmem>>) target(%dma_start3A_1170 : memref<64x128xf32, #tpu.memory_space<hbm>>) target_semaphore(%arg27 : memref<!tpu.dma_semaphore, #tpu.memory_space<semaphore_mem>>)
      %add3A_1175 = arith.constant 9 : i32
      %add3A_1176 = arith.addi %mul3A_179, %add3A_1175 : i32
      %dma_wait3A_1177 = arith.constant 9 : i32
      %dma_wait3A_1178 = arith.constant 0 : i32
      %dma_wait3A_1179 = arith.constant 0 : i32
      %dma_wait3A_1180 = tpu.memref_slice %arg8[%dma_wait3A_1177, %dma_wait3A_1178, %dma_wait3A_1179] : memref<10x64x128xf32, #tpu.memory_space<vmem>> -> memref<1x64x128xf32, #tpu.memory_space<vmem>>
      %dma_wait3A_1181 = tpu.memref_squeeze %dma_wait3A_1180 : memref<1x64x128xf32, #tpu.memory_space<vmem>> -> memref<64x128xf32, #tpu.memory_space<vmem>>
      %dma_wait3A_1182 = arith.constant 0 : i32
      %dma_wait3A_1183 = tpu.memref_slice %arg6[%add3A_1176, %dma_wait3A_1182] : memref<100x64xi32, #tpu.memory_space<vmem>> -> memref<1x64xi32, #tpu.memory_space<vmem>>
      %dma_wait3A_1184 = tpu.memref_squeeze %dma_wait3A_1183 : memref<1x64xi32, #tpu.memory_space<vmem>> -> memref<64xi32, #tpu.memory_space<vmem>>
      %dma_wait3A_1185 = arith.constant 0 : i32
      %dma_wait3A_1186 = arith.constant 0 : i32
      %dma_wait3A_1187 = tpu.memref_slice %arg3[%dma_wait3A_1185, %dma_wait3A_1186] : memref<100000x128xf32, #tpu.memory_space<hbm>> -> memref<100000x128xf32, #tpu.memory_space<hbm>>
      tpu.wait_indirect_dma semaphore(%arg18 : memref<!tpu.dma_semaphore, #tpu.memory_space<semaphore_mem>>) src(%dma_wait3A_1187 : memref<100000x128xf32, #tpu.memory_space<hbm>>) dst(%dma_wait3A_1181 : memref<64x128xf32, #tpu.memory_space<vmem>>)
      %add3A_1188 = arith.addi %mul3A_2, %add3A_1176 : i32
      %jit3A_1189 = arith.constant 16 : i32
      %div3A_1190 = arith.divsi %add3A_1188, %jit3A_1189 : i32
      %sign3A_1191 = arith.constant 0 : i32
      %sign3A_1192 = arith.cmpi sgt, %add3A_1188, %sign3A_1191 : i32
      %sign3A_1193 = arith.extui %sign3A_1192 : i1 to i32
      %sign3A_1194 = arith.constant 0 : i32
      %sign3A_1195 = arith.cmpi slt, %add3A_1188, %sign3A_1194 : i32
      %sign3A_1196 = arith.extui %sign3A_1195 : i1 to i32
      %sign3A_1197 = arith.subi %sign3A_1193, %sign3A_1196 : i32
      %sign3A_1198 = arith.constant 0 : i32
      %sign3A_1199 = arith.cmpi sgt, %jit3A_1189, %sign3A_1198 : i32
      %sign3A_1200 = arith.extui %sign3A_1199 : i1 to i32
      %sign3A_1201 = arith.constant 0 : i32
      %sign3A_1202 = arith.cmpi slt, %jit3A_1189, %sign3A_1201 : i32
      %sign3A_1203 = arith.extui %sign3A_1202 : i1 to i32
      %sign3A_1204 = arith.subi %sign3A_1200, %sign3A_1203 : i32
      %ne3A_1205 = arith.cmpi ne, %sign3A_1197, %sign3A_1204 : i32
      %rem3A_1206 = arith.remsi %add3A_1188, %jit3A_1189 : i32
      %ne3A_1207 = arith.constant 0 : i32
      %ne3A_1208 = arith.cmpi ne, %rem3A_1206, %ne3A_1207 : i32
      %and3A_1209 = arith.andi %ne3A_1205, %ne3A_1208 : i1
      %sub3A_1210 = arith.constant 1 : i32
      %sub3A_1211 = arith.subi %div3A_1190, %sub3A_1210 : i32
      %select_n3A_1212 = arith.select %and3A_1209, %sub3A_1211, %div3A_1190 : i32
      %get3A_1213 = arith.index_cast %select_n3A_1212 : i32 to index
      %get3A_1214 = arith.constant 0 : index
      %get3A_1215 = tpu.vector_load %arg7[%get3A_1213, %get3A_1214] {strides = array<i32>} : memref<200x128xf32, #tpu.memory_space<vmem>>, vector<1x16xf32>,
      %get3A_1216 = vector.shape_cast %get3A_1215 : vector<1x16xf32> to vector<16xf32>
      %get3A_1217 = arith.index_cast %select_n3A_1212 : i32 to index
      %get3A_1218 = arith.constant 16 : index
      %get3A_1219 = tpu.vector_load %arg7[%get3A_1217, %get3A_1218] {strides = array<i32>} : memref<200x128xf32, #tpu.memory_space<vmem>>, vector<1x16xf32>,
      %get3A_1220 = vector.shape_cast %get3A_1219 : vector<1x16xf32> to vector<16xf32>
      %get3A_1221 = arith.index_cast %select_n3A_1212 : i32 to index
      %get3A_1222 = arith.constant 32 : index
      %get3A_1223 = tpu.vector_load %arg7[%get3A_1221, %get3A_1222] {strides = array<i32>} : memref<200x128xf32, #tpu.memory_space<vmem>>, vector<1x16xf32>,
      %get3A_1224 = vector.shape_cast %get3A_1223 : vector<1x16xf32> to vector<16xf32>
      %get3A_1225 = arith.index_cast %select_n3A_1212 : i32 to index
      %get3A_1226 = arith.constant 48 : index
      %get3A_1227 = tpu.vector_load %arg7[%get3A_1225, %get3A_1226] {strides = array<i32>} : memref<200x128xf32, #tpu.memory_space<vmem>>, vector<1x16xf32>,
      %get3A_1228 = vector.shape_cast %get3A_1227 : vector<1x16xf32> to vector<16xf32>
      %get3A_1229 = arith.index_cast %select_n3A_1212 : i32 to index
      %get3A_1230 = arith.constant 64 : index
      %get3A_1231 = tpu.vector_load %arg7[%get3A_1229, %get3A_1230] {strides = array<i32>} : memref<200x128xf32, #tpu.memory_space<vmem>>, vector<1x16xf32>,
      %get3A_1232 = vector.shape_cast %get3A_1231 : vector<1x16xf32> to vector<16xf32>
      %get3A_1233 = arith.index_cast %select_n3A_1212 : i32 to index
      %get3A_1234 = arith.constant 80 : index
      %get3A_1235 = tpu.vector_load %arg7[%get3A_1233, %get3A_1234] {strides = array<i32>} : memref<200x128xf32, #tpu.memory_space<vmem>>, vector<1x16xf32>,
      %get3A_1236 = vector.shape_cast %get3A_1235 : vector<1x16xf32> to vector<16xf32>
      %get3A_1237 = arith.index_cast %select_n3A_1212 : i32 to index
      %get3A_1238 = arith.constant 96 : index
      %get3A_1239 = tpu.vector_load %arg7[%get3A_1237, %get3A_1238] {strides = array<i32>} : memref<200x128xf32, #tpu.memory_space<vmem>>, vector<1x16xf32>,
      %get3A_1240 = vector.shape_cast %get3A_1239 : vector<1x16xf32> to vector<16xf32>
      %get3A_1241 = arith.index_cast %select_n3A_1212 : i32 to index
      %get3A_1242 = arith.constant 112 : index
      %get3A_1243 = tpu.vector_load %arg7[%get3A_1241, %get3A_1242] {strides = array<i32>} : memref<200x128xf32, #tpu.memory_space<vmem>>, vector<1x16xf32>,
      %get3A_1244 = vector.shape_cast %get3A_1243 : vector<1x16xf32> to vector<16xf32>
      %scan3A_1245 = arith.constant 0 : i32
      %scan3A_1246 = arith.constant 0 : i32
      %scan3A_1247 = arith.constant 32 : i32
      %scan3A_1248 = arith.addi %scan3A_1246, %scan3A_1247 : i32
      %scan3A_1249 = arith.constant 1 : i32
      scf.for %scan3A_1267 = %scan3A_1246 to %scan3A_1248 step %scan3A_1249  : i32 {
        %mul3A_1268 = arith.constant 2 : i32
        %mul3A_1269 = arith.muli %scan3A_1267, %mul3A_1268 : i32
        %add3A_1270 = arith.constant 0 : i32
        %add3A_1271 = arith.addi %mul3A_1269, %add3A_1270 : i32
        %swap3A = arith.constant 9 : i32
        %swap3A_1272 = arith.index_cast %swap3A : i32 to index
        %swap3A_1273 = arith.index_cast %add3A_1271 : i32 to index
        %swap3A_1274 = arith.constant 0 : index
        %swap3A_1275 = tpu.vector_load %arg8[%swap3A_1272, %swap3A_1273, %swap3A_1274] {strides = array<i32>} : memref<10x64x128xf32, #tpu.memory_space<vmem>>, vector<1x1x16xf32>,
        %swap3A_1276 = vector.shape_cast %swap3A_1275 : vector<1x1x16xf32> to vector<16xf32>
        %swap3A_1277 = vector.shape_cast %get3A_1216 : vector<16xf32> to vector<1x1x16xf32>
        tpu.vector_store %arg8[%swap3A_1272, %swap3A_1273, %swap3A_1274], %swap3A_1277 {add = true, strides = array<i32>} : memref<10x64x128xf32, #tpu.memory_space<vmem>>, vector<1x1x16xf32>,
        %mul3A_1278 = arith.constant 2 : i32
        %mul3A_1279 = arith.muli %scan3A_1267, %mul3A_1278 : i32
        %add3A_1280 = arith.constant 0 : i32
        %add3A_1281 = arith.addi %mul3A_1279, %add3A_1280 : i32
        %swap3A_1282 = arith.constant 9 : i32
        %swap3A_1283 = arith.index_cast %swap3A_1282 : i32 to index
        %swap3A_1284 = arith.index_cast %add3A_1281 : i32 to index
        %swap3A_1285 = arith.constant 16 : index
        %swap3A_1286 = tpu.vector_load %arg8[%swap3A_1283, %swap3A_1284, %swap3A_1285] {strides = array<i32>} : memref<10x64x128xf32, #tpu.memory_space<vmem>>, vector<1x1x16xf32>,
        %swap3A_1287 = vector.shape_cast %swap3A_1286 : vector<1x1x16xf32> to vector<16xf32>
        %swap3A_1288 = vector.shape_cast %get3A_1220 : vector<16xf32> to vector<1x1x16xf32>
        tpu.vector_store %arg8[%swap3A_1283, %swap3A_1284, %swap3A_1285], %swap3A_1288 {add = true, strides = array<i32>} : memref<10x64x128xf32, #tpu.memory_space<vmem>>, vector<1x1x16xf32>,
        %mul3A_1289 = arith.constant 2 : i32
        %mul3A_1290 = arith.muli %scan3A_1267, %mul3A_1289 : i32
        %add3A_1291 = arith.constant 0 : i32
        %add3A_1292 = arith.addi %mul3A_1290, %add3A_1291 : i32
        %swap3A_1293 = arith.constant 9 : i32
        %swap3A_1294 = arith.index_cast %swap3A_1293 : i32 to index
        %swap3A_1295 = arith.index_cast %add3A_1292 : i32 to index
        %swap3A_1296 = arith.constant 32 : index
        %swap3A_1297 = tpu.vector_load %arg8[%swap3A_1294, %swap3A_1295, %swap3A_1296] {strides = array<i32>} : memref<10x64x128xf32, #tpu.memory_space<vmem>>, vector<1x1x16xf32>,
        %swap3A_1298 = vector.shape_cast %swap3A_1297 : vector<1x1x16xf32> to vector<16xf32>
        %swap3A_1299 = vector.shape_cast %get3A_1224 : vector<16xf32> to vector<1x1x16xf32>
        tpu.vector_store %arg8[%swap3A_1294, %swap3A_1295, %swap3A_1296], %swap3A_1299 {add = true, strides = array<i32>} : memref<10x64x128xf32, #tpu.memory_space<vmem>>, vector<1x1x16xf32>,
        %mul3A_1300 = arith.constant 2 : i32
        %mul3A_1301 = arith.muli %scan3A_1267, %mul3A_1300 : i32
        %add3A_1302 = arith.constant 0 : i32
        %add3A_1303 = arith.addi %mul3A_1301, %add3A_1302 : i32
        %swap3A_1304 = arith.constant 9 : i32
        %swap3A_1305 = arith.index_cast %swap3A_1304 : i32 to index
        %swap3A_1306 = arith.index_cast %add3A_1303 : i32 to index
        %swap3A_1307 = arith.constant 48 : index
        %swap3A_1308 = tpu.vector_load %arg8[%swap3A_1305, %swap3A_1306, %swap3A_1307] {strides = array<i32>} : memref<10x64x128xf32, #tpu.memory_space<vmem>>, vector<1x1x16xf32>,
        %swap3A_1309 = vector.shape_cast %swap3A_1308 : vector<1x1x16xf32> to vector<16xf32>
        %swap3A_1310 = vector.shape_cast %get3A_1228 : vector<16xf32> to vector<1x1x16xf32>
        tpu.vector_store %arg8[%swap3A_1305, %swap3A_1306, %swap3A_1307], %swap3A_1310 {add = true, strides = array<i32>} : memref<10x64x128xf32, #tpu.memory_space<vmem>>, vector<1x1x16xf32>,
        %mul3A_1311 = arith.constant 2 : i32
        %mul3A_1312 = arith.muli %scan3A_1267, %mul3A_1311 : i32
        %add3A_1313 = arith.constant 0 : i32
        %add3A_1314 = arith.addi %mul3A_1312, %add3A_1313 : i32
        %swap3A_1315 = arith.constant 9 : i32
        %swap3A_1316 = arith.index_cast %swap3A_1315 : i32 to index
        %swap3A_1317 = arith.index_cast %add3A_1314 : i32 to index
        %swap3A_1318 = arith.constant 64 : index
        %swap3A_1319 = tpu.vector_load %arg8[%swap3A_1316, %swap3A_1317, %swap3A_1318] {strides = array<i32>} : memref<10x64x128xf32, #tpu.memory_space<vmem>>, vector<1x1x16xf32>,
        %swap3A_1320 = vector.shape_cast %swap3A_1319 : vector<1x1x16xf32> to vector<16xf32>
        %swap3A_1321 = vector.shape_cast %get3A_1232 : vector<16xf32> to vector<1x1x16xf32>
        tpu.vector_store %arg8[%swap3A_1316, %swap3A_1317, %swap3A_1318], %swap3A_1321 {add = true, strides = array<i32>} : memref<10x64x128xf32, #tpu.memory_space<vmem>>, vector<1x1x16xf32>,
        %mul3A_1322 = arith.constant 2 : i32
        %mul3A_1323 = arith.muli %scan3A_1267, %mul3A_1322 : i32
        %add3A_1324 = arith.constant 0 : i32
        %add3A_1325 = arith.addi %mul3A_1323, %add3A_1324 : i32
        %swap3A_1326 = arith.constant 9 : i32
        %swap3A_1327 = arith.index_cast %swap3A_1326 : i32 to index
        %swap3A_1328 = arith.index_cast %add3A_1325 : i32 to index
        %swap3A_1329 = arith.constant 80 : index
        %swap3A_1330 = tpu.vector_load %arg8[%swap3A_1327, %swap3A_1328, %swap3A_1329] {strides = array<i32>} : memref<10x64x128xf32, #tpu.memory_space<vmem>>, vector<1x1x16xf32>,
        %swap3A_1331 = vector.shape_cast %swap3A_1330 : vector<1x1x16xf32> to vector<16xf32>
        %swap3A_1332 = vector.shape_cast %get3A_1236 : vector<16xf32> to vector<1x1x16xf32>
        tpu.vector_store %arg8[%swap3A_1327, %swap3A_1328, %swap3A_1329], %swap3A_1332 {add = true, strides = array<i32>} : memref<10x64x128xf32, #tpu.memory_space<vmem>>, vector<1x1x16xf32>,
        %mul3A_1333 = arith.constant 2 : i32
        %mul3A_1334 = arith.muli %scan3A_1267, %mul3A_1333 : i32
        %add3A_1335 = arith.constant 0 : i32
        %add3A_1336 = arith.addi %mul3A_1334, %add3A_1335 : i32
        %swap3A_1337 = arith.constant 9 : i32
        %swap3A_1338 = arith.index_cast %swap3A_1337 : i32 to index
        %swap3A_1339 = arith.index_cast %add3A_1336 : i32 to index
        %swap3A_1340 = arith.constant 96 : index
        %swap3A_1341 = tpu.vector_load %arg8[%swap3A_1338, %swap3A_1339, %swap3A_1340] {strides = array<i32>} : memref<10x64x128xf32, #tpu.memory_space<vmem>>, vector<1x1x16xf32>,
        %swap3A_1342 = vector.shape_cast %swap3A_1341 : vector<1x1x16xf32> to vector<16xf32>
        %swap3A_1343 = vector.shape_cast %get3A_1240 : vector<16xf32> to vector<1x1x16xf32>
        tpu.vector_store %arg8[%swap3A_1338, %swap3A_1339, %swap3A_1340], %swap3A_1343 {add = true, strides = array<i32>} : memref<10x64x128xf32, #tpu.memory_space<vmem>>, vector<1x1x16xf32>,
        %mul3A_1344 = arith.constant 2 : i32
        %mul3A_1345 = arith.muli %scan3A_1267, %mul3A_1344 : i32
        %add3A_1346 = arith.constant 0 : i32
        %add3A_1347 = arith.addi %mul3A_1345, %add3A_1346 : i32
        %swap3A_1348 = arith.constant 9 : i32
        %swap3A_1349 = arith.index_cast %swap3A_1348 : i32 to index
        %swap3A_1350 = arith.index_cast %add3A_1347 : i32 to index
        %swap3A_1351 = arith.constant 112 : index
        %swap3A_1352 = tpu.vector_load %arg8[%swap3A_1349, %swap3A_1350, %swap3A_1351] {strides = array<i32>} : memref<10x64x128xf32, #tpu.memory_space<vmem>>, vector<1x1x16xf32>,
        %swap3A_1353 = vector.shape_cast %swap3A_1352 : vector<1x1x16xf32> to vector<16xf32>
        %swap3A_1354 = vector.shape_cast %get3A_1244 : vector<16xf32> to vector<1x1x16xf32>
        tpu.vector_store %arg8[%swap3A_1349, %swap3A_1350, %swap3A_1351], %swap3A_1354 {add = true, strides = array<i32>} : memref<10x64x128xf32, #tpu.memory_space<vmem>>, vector<1x1x16xf32>,
        %mul3A_1355 = arith.constant 2 : i32
        %mul3A_1356 = arith.muli %scan3A_1267, %mul3A_1355 : i32
        %add3A_1357 = arith.constant 1 : i32
        %add3A_1358 = arith.addi %mul3A_1356, %add3A_1357 : i32
        %swap3A_1359 = arith.constant 9 : i32
        %swap3A_1360 = arith.index_cast %swap3A_1359 : i32 to index
        %swap3A_1361 = arith.index_cast %add3A_1358 : i32 to index
        %swap3A_1362 = arith.constant 0 : index
        %swap3A_1363 = tpu.vector_load %arg8[%swap3A_1360, %swap3A_1361, %swap3A_1362] {strides = array<i32>} : memref<10x64x128xf32, #tpu.memory_space<vmem>>, vector<1x1x16xf32>,
        %swap3A_1364 = vector.shape_cast %swap3A_1363 : vector<1x1x16xf32> to vector<16xf32>
        %swap3A_1365 = vector.shape_cast %get3A_1216 : vector<16xf32> to vector<1x1x16xf32>
        tpu.vector_store %arg8[%swap3A_1360, %swap3A_1361, %swap3A_1362], %swap3A_1365 {add = true, strides = array<i32>} : memref<10x64x128xf32, #tpu.memory_space<vmem>>, vector<1x1x16xf32>,
        %mul3A_1366 = arith.constant 2 : i32
        %mul3A_1367 = arith.muli %scan3A_1267, %mul3A_1366 : i32
        %add3A_1368 = arith.constant 1 : i32
        %add3A_1369 = arith.addi %mul3A_1367, %add3A_1368 : i32
        %swap3A_1370 = arith.constant 9 : i32
        %swap3A_1371 = arith.index_cast %swap3A_1370 : i32 to index
        %swap3A_1372 = arith.index_cast %add3A_1369 : i32 to index
        %swap3A_1373 = arith.constant 16 : index
        %swap3A_1374 = tpu.vector_load %arg8[%swap3A_1371, %swap3A_1372, %swap3A_1373] {strides = array<i32>} : memref<10x64x128xf32, #tpu.memory_space<vmem>>, vector<1x1x16xf32>,
        %swap3A_1375 = vector.shape_cast %swap3A_1374 : vector<1x1x16xf32> to vector<16xf32>
        %swap3A_1376 = vector.shape_cast %get3A_1220 : vector<16xf32> to vector<1x1x16xf32>
        tpu.vector_store %arg8[%swap3A_1371, %swap3A_1372, %swap3A_1373], %swap3A_1376 {add = true, strides = array<i32>} : memref<10x64x128xf32, #tpu.memory_space<vmem>>, vector<1x1x16xf32>,
        %mul3A_1377 = arith.constant 2 : i32
        %mul3A_1378 = arith.muli %scan3A_1267, %mul3A_1377 : i32
        %add3A_1379 = arith.constant 1 : i32
        %add3A_1380 = arith.addi %mul3A_1378, %add3A_1379 : i32
        %swap3A_1381 = arith.constant 9 : i32
        %swap3A_1382 = arith.index_cast %swap3A_1381 : i32 to index
        %swap3A_1383 = arith.index_cast %add3A_1380 : i32 to index
        %swap3A_1384 = arith.constant 32 : index
        %swap3A_1385 = tpu.vector_load %arg8[%swap3A_1382, %swap3A_1383, %swap3A_1384] {strides = array<i32>} : memref<10x64x128xf32, #tpu.memory_space<vmem>>, vector<1x1x16xf32>,
        %swap3A_1386 = vector.shape_cast %swap3A_1385 : vector<1x1x16xf32> to vector<16xf32>
        %swap3A_1387 = vector.shape_cast %get3A_1224 : vector<16xf32> to vector<1x1x16xf32>
        tpu.vector_store %arg8[%swap3A_1382, %swap3A_1383, %swap3A_1384], %swap3A_1387 {add = true, strides = array<i32>} : memref<10x64x128xf32, #tpu.memory_space<vmem>>, vector<1x1x16xf32>,
        %mul3A_1388 = arith.constant 2 : i32
        %mul3A_1389 = arith.muli %scan3A_1267, %mul3A_1388 : i32
        %add3A_1390 = arith.constant 1 : i32
        %add3A_1391 = arith.addi %mul3A_1389, %add3A_1390 : i32
        %swap3A_1392 = arith.constant 9 : i32
        %swap3A_1393 = arith.index_cast %swap3A_1392 : i32 to index
        %swap3A_1394 = arith.index_cast %add3A_1391 : i32 to index
        %swap3A_1395 = arith.constant 48 : index
        %swap3A_1396 = tpu.vector_load %arg8[%swap3A_1393, %swap3A_1394, %swap3A_1395] {strides = array<i32>} : memref<10x64x128xf32, #tpu.memory_space<vmem>>, vector<1x1x16xf32>,
        %swap3A_1397 = vector.shape_cast %swap3A_1396 : vector<1x1x16xf32> to vector<16xf32>
        %swap3A_1398 = vector.shape_cast %get3A_1228 : vector<16xf32> to vector<1x1x16xf32>
        tpu.vector_store %arg8[%swap3A_1393, %swap3A_1394, %swap3A_1395], %swap3A_1398 {add = true, strides = array<i32>} : memref<10x64x128xf32, #tpu.memory_space<vmem>>, vector<1x1x16xf32>,
        %mul3A_1399 = arith.constant 2 : i32
        %mul3A_1400 = arith.muli %scan3A_1267, %mul3A_1399 : i32
        %add3A_1401 = arith.constant 1 : i32
        %add3A_1402 = arith.addi %mul3A_1400, %add3A_1401 : i32
        %swap3A_1403 = arith.constant 9 : i32
        %swap3A_1404 = arith.index_cast %swap3A_1403 : i32 to index
        %swap3A_1405 = arith.index_cast %add3A_1402 : i32 to index
        %swap3A_1406 = arith.constant 64 : index
        %swap3A_1407 = tpu.vector_load %arg8[%swap3A_1404, %swap3A_1405, %swap3A_1406] {strides = array<i32>} : memref<10x64x128xf32, #tpu.memory_space<vmem>>, vector<1x1x16xf32>,
        %swap3A_1408 = vector.shape_cast %swap3A_1407 : vector<1x1x16xf32> to vector<16xf32>
        %swap3A_1409 = vector.shape_cast %get3A_1232 : vector<16xf32> to vector<1x1x16xf32>
        tpu.vector_store %arg8[%swap3A_1404, %swap3A_1405, %swap3A_1406], %swap3A_1409 {add = true, strides = array<i32>} : memref<10x64x128xf32, #tpu.memory_space<vmem>>, vector<1x1x16xf32>,
        %mul3A_1410 = arith.constant 2 : i32
        %mul3A_1411 = arith.muli %scan3A_1267, %mul3A_1410 : i32
        %add3A_1412 = arith.constant 1 : i32
        %add3A_1413 = arith.addi %mul3A_1411, %add3A_1412 : i32
        %swap3A_1414 = arith.constant 9 : i32
        %swap3A_1415 = arith.index_cast %swap3A_1414 : i32 to index
        %swap3A_1416 = arith.index_cast %add3A_1413 : i32 to index
        %swap3A_1417 = arith.constant 80 : index
        %swap3A_1418 = tpu.vector_load %arg8[%swap3A_1415, %swap3A_1416, %swap3A_1417] {strides = array<i32>} : memref<10x64x128xf32, #tpu.memory_space<vmem>>, vector<1x1x16xf32>,
        %swap3A_1419 = vector.shape_cast %swap3A_1418 : vector<1x1x16xf32> to vector<16xf32>
        %swap3A_1420 = vector.shape_cast %get3A_1236 : vector<16xf32> to vector<1x1x16xf32>
        tpu.vector_store %arg8[%swap3A_1415, %swap3A_1416, %swap3A_1417], %swap3A_1420 {add = true, strides = array<i32>} : memref<10x64x128xf32, #tpu.memory_space<vmem>>, vector<1x1x16xf32>,
        %mul3A_1421 = arith.constant 2 : i32
        %mul3A_1422 = arith.muli %scan3A_1267, %mul3A_1421 : i32
        %add3A_1423 = arith.constant 1 : i32
        %add3A_1424 = arith.addi %mul3A_1422, %add3A_1423 : i32
        %swap3A_1425 = arith.constant 9 : i32
        %swap3A_1426 = arith.index_cast %swap3A_1425 : i32 to index
        %swap3A_1427 = arith.index_cast %add3A_1424 : i32 to index
        %swap3A_1428 = arith.constant 96 : index
        %swap3A_1429 = tpu.vector_load %arg8[%swap3A_1426, %swap3A_1427, %swap3A_1428] {strides = array<i32>} : memref<10x64x128xf32, #tpu.memory_space<vmem>>, vector<1x1x16xf32>,
        %swap3A_1430 = vector.shape_cast %swap3A_1429 : vector<1x1x16xf32> to vector<16xf32>
        %swap3A_1431 = vector.shape_cast %get3A_1240 : vector<16xf32> to vector<1x1x16xf32>
        tpu.vector_store %arg8[%swap3A_1426, %swap3A_1427, %swap3A_1428], %swap3A_1431 {add = true, strides = array<i32>} : memref<10x64x128xf32, #tpu.memory_space<vmem>>, vector<1x1x16xf32>,
        %mul3A_1432 = arith.constant 2 : i32
        %mul3A_1433 = arith.muli %scan3A_1267, %mul3A_1432 : i32
        %add3A_1434 = arith.constant 1 : i32
        %add3A_1435 = arith.addi %mul3A_1433, %add3A_1434 : i32
        %swap3A_1436 = arith.constant 9 : i32
        %swap3A_1437 = arith.index_cast %swap3A_1436 : i32 to index
        %swap3A_1438 = arith.index_cast %add3A_1435 : i32 to index
        %swap3A_1439 = arith.constant 112 : index
        %swap3A_1440 = tpu.vector_load %arg8[%swap3A_1437, %swap3A_1438, %swap3A_1439] {strides = array<i32>} : memref<10x64x128xf32, #tpu.memory_space<vmem>>, vector<1x1x16xf32>,
        %swap3A_1441 = vector.shape_cast %swap3A_1440 : vector<1x1x16xf32> to vector<16xf32>
        %swap3A_1442 = vector.shape_cast %get3A_1244 : vector<16xf32> to vector<1x1x16xf32>
        tpu.vector_store %arg8[%swap3A_1437, %swap3A_1438, %swap3A_1439], %swap3A_1442 {add = true, strides = array<i32>} : memref<10x64x128xf32, #tpu.memory_space<vmem>>, vector<1x1x16xf32>,
      }
      %scan3A_1250 = arith.constant 32 : i32
      %add3A_1251 = arith.addi %mul3A_2, %add3A_1176 : i32
      %mul3A_1252 = arith.constant 64 : i32
      %mul3A_1253 = arith.muli %add3A_1251, %mul3A_1252 : i32
      %dma_start3A_1254 = arith.constant 9 : i32
      %dma_start3A_1255 = arith.constant 0 : i32
      %dma_start3A_1256 = arith.constant 0 : i32
      %dma_start3A_1257 = tpu.memref_slice %arg8[%dma_start3A_1254, %dma_start3A_1255, %dma_start3A_1256] : memref<10x64x128xf32, #tpu.memory_space<vmem>> -> memref<1x64x128xf32, #tpu.memory_space<vmem>>
      %dma_start3A_1258 = tpu.memref_squeeze %dma_start3A_1257 : memref<1x64x128xf32, #tpu.memory_space<vmem>> -> memref<64x128xf32, #tpu.memory_space<vmem>>
      %dma_start3A_1259 = arith.constant 0 : i32
      %dma_start3A_1260 = tpu.memref_slice %arg5[%mul3A_1253, %dma_start3A_1259] : memref<204800x128xf32, #tpu.memory_space<hbm>> -> memref<64x128xf32, #tpu.memory_space<hbm>>
      %dma_start3A_1261 = arith.constant 0 : i32
      %dma_start3A_1262 = tpu.memref_slice %arg5[%mul3A_1253, %dma_start3A_1261] : memref<204800x128xf32, #tpu.memory_space<hbm>> -> memref<64x128xf32, #tpu.memory_space<hbm>>
      %dma_start3A_1263 = arith.constant 0 : i32
      %dma_start3A_1264 = arith.constant 0 : i32
      %dma_start3A_1265 = tpu.memref_slice %arg8[%dma_start3A_1254, %dma_start3A_1263, %dma_start3A_1264] : memref<10x64x128xf32, #tpu.memory_space<vmem>> -> memref<1x64x128xf32, #tpu.memory_space<vmem>>
      %dma_start3A_1266 = tpu.memref_squeeze %dma_start3A_1265 : memref<1x64x128xf32, #tpu.memory_space<vmem>> -> memref<64x128xf32, #tpu.memory_space<vmem>>
      tpu.enqueue_dma source(%dma_start3A_1266 : memref<64x128xf32, #tpu.memory_space<vmem>>) target(%dma_start3A_1262 : memref<64x128xf32, #tpu.memory_space<hbm>>) target_semaphore(%arg28 : memref<!tpu.dma_semaphore, #tpu.memory_space<semaphore_mem>>)
    }
    %scan3A_7 = arith.constant 10 : i32
    %add3A_8 = arith.constant 90 : i32
    %add3A_9 = arith.addi %mul3A_2, %add3A_8 : i32
    %mul3A_10 = arith.constant 64 : i32
    %mul3A_11 = arith.muli %add3A_9, %mul3A_10 : i32
    %dma_wait3A = arith.constant 0 : i32
    %dma_wait3A_12 = arith.constant 0 : i32
    %dma_wait3A_13 = arith.constant 0 : i32
    %dma_wait3A_14 = tpu.memref_slice %arg8[%dma_wait3A, %dma_wait3A_12, %dma_wait3A_13] : memref<10x64x128xf32, #tpu.memory_space<vmem>> -> memref<1x64x128xf32, #tpu.memory_space<vmem>>
    %dma_wait3A_15 = tpu.memref_squeeze %dma_wait3A_14 : memref<1x64x128xf32, #tpu.memory_space<vmem>> -> memref<64x128xf32, #tpu.memory_space<vmem>>
    %dma_wait3A_16 = arith.constant 0 : i32
    %dma_wait3A_17 = tpu.memref_slice %arg5[%mul3A_11, %dma_wait3A_16] : memref<204800x128xf32, #tpu.memory_space<hbm>> -> memref<64x128xf32, #tpu.memory_space<hbm>>
    %dma_wait3A_18 = arith.constant 0 : i32
    %dma_wait3A_19 = tpu.memref_slice %arg5[%mul3A_11, %dma_wait3A_18] : memref<204800x128xf32, #tpu.memory_space<hbm>> -> memref<64x128xf32, #tpu.memory_space<hbm>>
    %dma_wait3A_20 = arith.constant 0 : i32
    %dma_wait3A_21 = arith.constant 0 : i32
    %dma_wait3A_22 = tpu.memref_slice %arg8[%dma_wait3A, %dma_wait3A_20, %dma_wait3A_21] : memref<10x64x128xf32, #tpu.memory_space<vmem>> -> memref<1x64x128xf32, #tpu.memory_space<vmem>>
    %dma_wait3A_23 = tpu.memref_squeeze %dma_wait3A_22 : memref<1x64x128xf32, #tpu.memory_space<vmem>> -> memref<64x128xf32, #tpu.memory_space<vmem>>
    tpu.wait_dma2 semaphore(%arg19 : memref<!tpu.dma_semaphore, #tpu.memory_space<semaphore_mem>>) src(%dma_wait3A_23 : memref<64x128xf32, #tpu.memory_space<vmem>>) dst(%dma_wait3A_19 : memref<64x128xf32, #tpu.memory_space<hbm>>)
    %add3A_24 = arith.constant 91 : i32
    %add3A_25 = arith.addi %mul3A_2, %add3A_24 : i32
    %mul3A_26 = arith.constant 64 : i32
    %mul3A_27 = arith.muli %add3A_25, %mul3A_26 : i32
    %dma_wait3A_28 = arith.constant 1 : i32
    %dma_wait3A_29 = arith.constant 0 : i32
    %dma_wait3A_30 = arith.constant 0 : i32
    %dma_wait3A_31 = tpu.memref_slice %arg8[%dma_wait3A_28, %dma_wait3A_29, %dma_wait3A_30] : memref<10x64x128xf32, #tpu.memory_space<vmem>> -> memref<1x64x128xf32, #tpu.memory_space<vmem>>
    %dma_wait3A_32 = tpu.memref_squeeze %dma_wait3A_31 : memref<1x64x128xf32, #tpu.memory_space<vmem>> -> memref<64x128xf32, #tpu.memory_space<vmem>>
    %dma_wait3A_33 = arith.constant 0 : i32
    %dma_wait3A_34 = tpu.memref_slice %arg5[%mul3A_27, %dma_wait3A_33] : memref<204800x128xf32, #tpu.memory_space<hbm>> -> memref<64x128xf32, #tpu.memory_space<hbm>>
    %dma_wait3A_35 = arith.constant 0 : i32
    %dma_wait3A_36 = tpu.memref_slice %arg5[%mul3A_27, %dma_wait3A_35] : memref<204800x128xf32, #tpu.memory_space<hbm>> -> memref<64x128xf32, #tpu.memory_space<hbm>>
    %dma_wait3A_37 = arith.constant 0 : i32
    %dma_wait3A_38 = arith.constant 0 : i32
    %dma_wait3A_39 = tpu.memref_slice %arg8[%dma_wait3A_28, %dma_wait3A_37, %dma_wait3A_38] : memref<10x64x128xf32, #tpu.memory_space<vmem>> -> memref<1x64x128xf32, #tpu.memory_space<vmem>>
    %dma_wait3A_40 = tpu.memref_squeeze %dma_wait3A_39 : memref<1x64x128xf32, #tpu.memory_space<vmem>> -> memref<64x128xf32, #tpu.memory_space<vmem>>
    tpu.wait_dma2 semaphore(%arg20 : memref<!tpu.dma_semaphore, #tpu.memory_space<semaphore_mem>>) src(%dma_wait3A_40 : memref<64x128xf32, #tpu.memory_space<vmem>>) dst(%dma_wait3A_36 : memref<64x128xf32, #tpu.memory_space<hbm>>)
    %add3A_41 = arith.constant 92 : i32
    %add3A_42 = arith.addi %mul3A_2, %add3A_41 : i32
    %mul3A_43 = arith.constant 64 : i32
    %mul3A_44 = arith.muli %add3A_42, %mul3A_43 : i32
    %dma_wait3A_45 = arith.constant 2 : i32
    %dma_wait3A_46 = arith.constant 0 : i32
    %dma_wait3A_47 = arith.constant 0 : i32
    %dma_wait3A_48 = tpu.memref_slice %arg8[%dma_wait3A_45, %dma_wait3A_46, %dma_wait3A_47] : memref<10x64x128xf32, #tpu.memory_space<vmem>> -> memref<1x64x128xf32, #tpu.memory_space<vmem>>
    %dma_wait3A_49 = tpu.memref_squeeze %dma_wait3A_48 : memref<1x64x128xf32, #tpu.memory_space<vmem>> -> memref<64x128xf32, #tpu.memory_space<vmem>>
    %dma_wait3A_50 = arith.constant 0 : i32
    %dma_wait3A_51 = tpu.memref_slice %arg5[%mul3A_44, %dma_wait3A_50] : memref<204800x128xf32, #tpu.memory_space<hbm>> -> memref<64x128xf32, #tpu.memory_space<hbm>>
    %dma_wait3A_52 = arith.constant 0 : i32
    %dma_wait3A_53 = tpu.memref_slice %arg5[%mul3A_44, %dma_wait3A_52] : memref<204800x128xf32, #tpu.memory_space<hbm>> -> memref<64x128xf32, #tpu.memory_space<hbm>>
    %dma_wait3A_54 = arith.constant 0 : i32
    %dma_wait3A_55 = arith.constant 0 : i32
    %dma_wait3A_56 = tpu.memref_slice %arg8[%dma_wait3A_45, %dma_wait3A_54, %dma_wait3A_55] : memref<10x64x128xf32, #tpu.memory_space<vmem>> -> memref<1x64x128xf32, #tpu.memory_space<vmem>>
    %dma_wait3A_57 = tpu.memref_squeeze %dma_wait3A_56 : memref<1x64x128xf32, #tpu.memory_space<vmem>> -> memref<64x128xf32, #tpu.memory_space<vmem>>
    tpu.wait_dma2 semaphore(%arg21 : memref<!tpu.dma_semaphore, #tpu.memory_space<semaphore_mem>>) src(%dma_wait3A_57 : memref<64x128xf32, #tpu.memory_space<vmem>>) dst(%dma_wait3A_53 : memref<64x128xf32, #tpu.memory_space<hbm>>)
    %add3A_58 = arith.constant 93 : i32
    %add3A_59 = arith.addi %mul3A_2, %add3A_58 : i32
    %mul3A_60 = arith.constant 64 : i32
    %mul3A_61 = arith.muli %add3A_59, %mul3A_60 : i32
    %dma_wait3A_62 = arith.constant 3 : i32
    %dma_wait3A_63 = arith.constant 0 : i32
    %dma_wait3A_64 = arith.constant 0 : i32
    %dma_wait3A_65 = tpu.memref_slice %arg8[%dma_wait3A_62, %dma_wait3A_63, %dma_wait3A_64] : memref<10x64x128xf32, #tpu.memory_space<vmem>> -> memref<1x64x128xf32, #tpu.memory_space<vmem>>
    %dma_wait3A_66 = tpu.memref_squeeze %dma_wait3A_65 : memref<1x64x128xf32, #tpu.memory_space<vmem>> -> memref<64x128xf32, #tpu.memory_space<vmem>>
    %dma_wait3A_67 = arith.constant 0 : i32
    %dma_wait3A_68 = tpu.memref_slice %arg5[%mul3A_61, %dma_wait3A_67] : memref<204800x128xf32, #tpu.memory_space<hbm>> -> memref<64x128xf32, #tpu.memory_space<hbm>>
    %dma_wait3A_69 = arith.constant 0 : i32
    %dma_wait3A_70 = tpu.memref_slice %arg5[%mul3A_61, %dma_wait3A_69] : memref<204800x128xf32, #tpu.memory_space<hbm>> -> memref<64x128xf32, #tpu.memory_space<hbm>>
    %dma_wait3A_71 = arith.constant 0 : i32
    %dma_wait3A_72 = arith.constant 0 : i32
    %dma_wait3A_73 = tpu.memref_slice %arg8[%dma_wait3A_62, %dma_wait3A_71, %dma_wait3A_72] : memref<10x64x128xf32, #tpu.memory_space<vmem>> -> memref<1x64x128xf32, #tpu.memory_space<vmem>>
    %dma_wait3A_74 = tpu.memref_squeeze %dma_wait3A_73 : memref<1x64x128xf32, #tpu.memory_space<vmem>> -> memref<64x128xf32, #tpu.memory_space<vmem>>
    tpu.wait_dma2 semaphore(%arg22 : memref<!tpu.dma_semaphore, #tpu.memory_space<semaphore_mem>>) src(%dma_wait3A_74 : memref<64x128xf32, #tpu.memory_space<vmem>>) dst(%dma_wait3A_70 : memref<64x128xf32, #tpu.memory_space<hbm>>)
    %add3A_75 = arith.constant 94 : i32
    %add3A_76 = arith.addi %mul3A_2, %add3A_75 : i32
    %mul3A_77 = arith.constant 64 : i32
    %mul3A_78 = arith.muli %add3A_76, %mul3A_77 : i32
    %dma_wait3A_79 = arith.constant 4 : i32
    %dma_wait3A_80 = arith.constant 0 : i32
    %dma_wait3A_81 = arith.constant 0 : i32
    %dma_wait3A_82 = tpu.memref_slice %arg8[%dma_wait3A_79, %dma_wait3A_80, %dma_wait3A_81] : memref<10x64x128xf32, #tpu.memory_space<vmem>> -> memref<1x64x128xf32, #tpu.memory_space<vmem>>
    %dma_wait3A_83 = tpu.memref_squeeze %dma_wait3A_82 : memref<1x64x128xf32, #tpu.memory_space<vmem>> -> memref<64x128xf32, #tpu.memory_space<vmem>>
    %dma_wait3A_84 = arith.constant 0 : i32
    %dma_wait3A_85 = tpu.memref_slice %arg5[%mul3A_78, %dma_wait3A_84] : memref<204800x128xf32, #tpu.memory_space<hbm>> -> memref<64x128xf32, #tpu.memory_space<hbm>>
    %dma_wait3A_86 = arith.constant 0 : i32
    %dma_wait3A_87 = tpu.memref_slice %arg5[%mul3A_78, %dma_wait3A_86] : memref<204800x128xf32, #tpu.memory_space<hbm>> -> memref<64x128xf32, #tpu.memory_space<hbm>>
    %dma_wait3A_88 = arith.constant 0 : i32
    %dma_wait3A_89 = arith.constant 0 : i32
    %dma_wait3A_90 = tpu.memref_slice %arg8[%dma_wait3A_79, %dma_wait3A_88, %dma_wait3A_89] : memref<10x64x128xf32, #tpu.memory_space<vmem>> -> memref<1x64x128xf32, #tpu.memory_space<vmem>>
    %dma_wait3A_91 = tpu.memref_squeeze %dma_wait3A_90 : memref<1x64x128xf32, #tpu.memory_space<vmem>> -> memref<64x128xf32, #tpu.memory_space<vmem>>
    tpu.wait_dma2 semaphore(%arg23 : memref<!tpu.dma_semaphore, #tpu.memory_space<semaphore_mem>>) src(%dma_wait3A_91 : memref<64x128xf32, #tpu.memory_space<vmem>>) dst(%dma_wait3A_87 : memref<64x128xf32, #tpu.memory_space<hbm>>)
    %add3A_92 = arith.constant 95 : i32
    %add3A_93 = arith.addi %mul3A_2, %add3A_92 : i32
    %mul3A_94 = arith.constant 64 : i32
    %mul3A_95 = arith.muli %add3A_93, %mul3A_94 : i32
    %dma_wait3A_96 = arith.constant 5 : i32
    %dma_wait3A_97 = arith.constant 0 : i32
    %dma_wait3A_98 = arith.constant 0 : i32
    %dma_wait3A_99 = tpu.memref_slice %arg8[%dma_wait3A_96, %dma_wait3A_97, %dma_wait3A_98] : memref<10x64x128xf32, #tpu.memory_space<vmem>> -> memref<1x64x128xf32, #tpu.memory_space<vmem>>
    %dma_wait3A_100 = tpu.memref_squeeze %dma_wait3A_99 : memref<1x64x128xf32, #tpu.memory_space<vmem>> -> memref<64x128xf32, #tpu.memory_space<vmem>>
    %dma_wait3A_101 = arith.constant 0 : i32
    %dma_wait3A_102 = tpu.memref_slice %arg5[%mul3A_95, %dma_wait3A_101] : memref<204800x128xf32, #tpu.memory_space<hbm>> -> memref<64x128xf32, #tpu.memory_space<hbm>>
    %dma_wait3A_103 = arith.constant 0 : i32
    %dma_wait3A_104 = tpu.memref_slice %arg5[%mul3A_95, %dma_wait3A_103] : memref<204800x128xf32, #tpu.memory_space<hbm>> -> memref<64x128xf32, #tpu.memory_space<hbm>>
    %dma_wait3A_105 = arith.constant 0 : i32
    %dma_wait3A_106 = arith.constant 0 : i32
    %dma_wait3A_107 = tpu.memref_slice %arg8[%dma_wait3A_96, %dma_wait3A_105, %dma_wait3A_106] : memref<10x64x128xf32, #tpu.memory_space<vmem>> -> memref<1x64x128xf32, #tpu.memory_space<vmem>>
    %dma_wait3A_108 = tpu.memref_squeeze %dma_wait3A_107 : memref<1x64x128xf32, #tpu.memory_space<vmem>> -> memref<64x128xf32, #tpu.memory_space<vmem>>
    tpu.wait_dma2 semaphore(%arg24 : memref<!tpu.dma_semaphore, #tpu.memory_space<semaphore_mem>>) src(%dma_wait3A_108 : memref<64x128xf32, #tpu.memory_space<vmem>>) dst(%dma_wait3A_104 : memref<64x128xf32, #tpu.memory_space<hbm>>)
    %add3A_109 = arith.constant 96 : i32
    %add3A_110 = arith.addi %mul3A_2, %add3A_109 : i32
    %mul3A_111 = arith.constant 64 : i32
    %mul3A_112 = arith.muli %add3A_110, %mul3A_111 : i32
    %dma_wait3A_113 = arith.constant 6 : i32
    %dma_wait3A_114 = arith.constant 0 : i32
    %dma_wait3A_115 = arith.constant 0 : i32
    %dma_wait3A_116 = tpu.memref_slice %arg8[%dma_wait3A_113, %dma_wait3A_114, %dma_wait3A_115] : memref<10x64x128xf32, #tpu.memory_space<vmem>> -> memref<1x64x128xf32, #tpu.memory_space<vmem>>
    %dma_wait3A_117 = tpu.memref_squeeze %dma_wait3A_116 : memref<1x64x128xf32, #tpu.memory_space<vmem>> -> memref<64x128xf32, #tpu.memory_space<vmem>>
    %dma_wait3A_118 = arith.constant 0 : i32
    %dma_wait3A_119 = tpu.memref_slice %arg5[%mul3A_112, %dma_wait3A_118] : memref<204800x128xf32, #tpu.memory_space<hbm>> -> memref<64x128xf32, #tpu.memory_space<hbm>>
    %dma_wait3A_120 = arith.constant 0 : i32
    %dma_wait3A_121 = tpu.memref_slice %arg5[%mul3A_112, %dma_wait3A_120] : memref<204800x128xf32, #tpu.memory_space<hbm>> -> memref<64x128xf32, #tpu.memory_space<hbm>>
    %dma_wait3A_122 = arith.constant 0 : i32
    %dma_wait3A_123 = arith.constant 0 : i32
    %dma_wait3A_124 = tpu.memref_slice %arg8[%dma_wait3A_113, %dma_wait3A_122, %dma_wait3A_123] : memref<10x64x128xf32, #tpu.memory_space<vmem>> -> memref<1x64x128xf32, #tpu.memory_space<vmem>>
    %dma_wait3A_125 = tpu.memref_squeeze %dma_wait3A_124 : memref<1x64x128xf32, #tpu.memory_space<vmem>> -> memref<64x128xf32, #tpu.memory_space<vmem>>
    tpu.wait_dma2 semaphore(%arg25 : memref<!tpu.dma_semaphore, #tpu.memory_space<semaphore_mem>>) src(%dma_wait3A_125 : memref<64x128xf32, #tpu.memory_space<vmem>>) dst(%dma_wait3A_121 : memref<64x128xf32, #tpu.memory_space<hbm>>)
    %add3A_126 = arith.constant 97 : i32
    %add3A_127 = arith.addi %mul3A_2, %add3A_126 : i32
    %mul3A_128 = arith.constant 64 : i32
    %mul3A_129 = arith.muli %add3A_127, %mul3A_128 : i32
    %dma_wait3A_130 = arith.constant 7 : i32
    %dma_wait3A_131 = arith.constant 0 : i32
    %dma_wait3A_132 = arith.constant 0 : i32
    %dma_wait3A_133 = tpu.memref_slice %arg8[%dma_wait3A_130, %dma_wait3A_131, %dma_wait3A_132] : memref<10x64x128xf32, #tpu.memory_space<vmem>> -> memref<1x64x128xf32, #tpu.memory_space<vmem>>
    %dma_wait3A_134 = tpu.memref_squeeze %dma_wait3A_133 : memref<1x64x128xf32, #tpu.memory_space<vmem>> -> memref<64x128xf32, #tpu.memory_space<vmem>>
    %dma_wait3A_135 = arith.constant 0 : i32
    %dma_wait3A_136 = tpu.memref_slice %arg5[%mul3A_129, %dma_wait3A_135] : memref<204800x128xf32, #tpu.memory_space<hbm>> -> memref<64x128xf32, #tpu.memory_space<hbm>>
    %dma_wait3A_137 = arith.constant 0 : i32
    %dma_wait3A_138 = tpu.memref_slice %arg5[%mul3A_129, %dma_wait3A_137] : memref<204800x128xf32, #tpu.memory_space<hbm>> -> memref<64x128xf32, #tpu.memory_space<hbm>>
    %dma_wait3A_139 = arith.constant 0 : i32
    %dma_wait3A_140 = arith.constant 0 : i32
    %dma_wait3A_141 = tpu.memref_slice %arg8[%dma_wait3A_130, %dma_wait3A_139, %dma_wait3A_140] : memref<10x64x128xf32, #tpu.memory_space<vmem>> -> memref<1x64x128xf32, #tpu.memory_space<vmem>>
    %dma_wait3A_142 = tpu.memref_squeeze %dma_wait3A_141 : memref<1x64x128xf32, #tpu.memory_space<vmem>> -> memref<64x128xf32, #tpu.memory_space<vmem>>
    tpu.wait_dma2 semaphore(%arg26 : memref<!tpu.dma_semaphore, #tpu.memory_space<semaphore_mem>>) src(%dma_wait3A_142 : memref<64x128xf32, #tpu.memory_space<vmem>>) dst(%dma_wait3A_138 : memref<64x128xf32, #tpu.memory_space<hbm>>)
    %add3A_143 = arith.constant 98 : i32
    %add3A_144 = arith.addi %mul3A_2, %add3A_143 : i32
    %mul3A_145 = arith.constant 64 : i32
    %mul3A_146 = arith.muli %add3A_144, %mul3A_145 : i32
    %dma_wait3A_147 = arith.constant 8 : i32
    %dma_wait3A_148 = arith.constant 0 : i32
    %dma_wait3A_149 = arith.constant 0 : i32
    %dma_wait3A_150 = tpu.memref_slice %arg8[%dma_wait3A_147, %dma_wait3A_148, %dma_wait3A_149] : memref<10x64x128xf32, #tpu.memory_space<vmem>> -> memref<1x64x128xf32, #tpu.memory_space<vmem>>
    %dma_wait3A_151 = tpu.memref_squeeze %dma_wait3A_150 : memref<1x64x128xf32, #tpu.memory_space<vmem>> -> memref<64x128xf32, #tpu.memory_space<vmem>>
    %dma_wait3A_152 = arith.constant 0 : i32
    %dma_wait3A_153 = tpu.memref_slice %arg5[%mul3A_146, %dma_wait3A_152] : memref<204800x128xf32, #tpu.memory_space<hbm>> -> memref<64x128xf32, #tpu.memory_space<hbm>>
    %dma_wait3A_154 = arith.constant 0 : i32
    %dma_wait3A_155 = tpu.memref_slice %arg5[%mul3A_146, %dma_wait3A_154] : memref<204800x128xf32, #tpu.memory_space<hbm>> -> memref<64x128xf32, #tpu.memory_space<hbm>>
    %dma_wait3A_156 = arith.constant 0 : i32
    %dma_wait3A_157 = arith.constant 0 : i32
    %dma_wait3A_158 = tpu.memref_slice %arg8[%dma_wait3A_147, %dma_wait3A_156, %dma_wait3A_157] : memref<10x64x128xf32, #tpu.memory_space<vmem>> -> memref<1x64x128xf32, #tpu.memory_space<vmem>>
    %dma_wait3A_159 = tpu.memref_squeeze %dma_wait3A_158 : memref<1x64x128xf32, #tpu.memory_space<vmem>> -> memref<64x128xf32, #tpu.memory_space<vmem>>
    tpu.wait_dma2 semaphore(%arg27 : memref<!tpu.dma_semaphore, #tpu.memory_space<semaphore_mem>>) src(%dma_wait3A_159 : memref<64x128xf32, #tpu.memory_space<vmem>>) dst(%dma_wait3A_155 : memref<64x128xf32, #tpu.memory_space<hbm>>)
    %add3A_160 = arith.constant 99 : i32
    %add3A_161 = arith.addi %mul3A_2, %add3A_160 : i32
    %mul3A_162 = arith.constant 64 : i32
    %mul3A_163 = arith.muli %add3A_161, %mul3A_162 : i32
    %dma_wait3A_164 = arith.constant 9 : i32
    %dma_wait3A_165 = arith.constant 0 : i32
    %dma_wait3A_166 = arith.constant 0 : i32
    %dma_wait3A_167 = tpu.memref_slice %arg8[%dma_wait3A_164, %dma_wait3A_165, %dma_wait3A_166] : memref<10x64x128xf32, #tpu.memory_space<vmem>> -> memref<1x64x128xf32, #tpu.memory_space<vmem>>
    %dma_wait3A_168 = tpu.memref_squeeze %dma_wait3A_167 : memref<1x64x128xf32, #tpu.memory_space<vmem>> -> memref<64x128xf32, #tpu.memory_space<vmem>>
    %dma_wait3A_169 = arith.constant 0 : i32
    %dma_wait3A_170 = tpu.memref_slice %arg5[%mul3A_163, %dma_wait3A_169] : memref<204800x128xf32, #tpu.memory_space<hbm>> -> memref<64x128xf32, #tpu.memory_space<hbm>>
    %dma_wait3A_171 = arith.constant 0 : i32
    %dma_wait3A_172 = tpu.memref_slice %arg5[%mul3A_163, %dma_wait3A_171] : memref<204800x128xf32, #tpu.memory_space<hbm>> -> memref<64x128xf32, #tpu.memory_space<hbm>>
    %dma_wait3A_173 = arith.constant 0 : i32
    %dma_wait3A_174 = arith.constant 0 : i32
    %dma_wait3A_175 = tpu.memref_slice %arg8[%dma_wait3A_164, %dma_wait3A_173, %dma_wait3A_174] : memref<10x64x128xf32, #tpu.memory_space<vmem>> -> memref<1x64x128xf32, #tpu.memory_space<vmem>>
    %dma_wait3A_176 = tpu.memref_squeeze %dma_wait3A_175 : memref<1x64x128xf32, #tpu.memory_space<vmem>> -> memref<64x128xf32, #tpu.memory_space<vmem>>
    tpu.wait_dma2 semaphore(%arg28 : memref<!tpu.dma_semaphore, #tpu.memory_space<semaphore_mem>>) src(%dma_wait3A_176 : memref<64x128xf32, #tpu.memory_space<vmem>>) dst(%dma_wait3A_172 : memref<64x128xf32, #tpu.memory_space<hbm>>)
    return
  }
}

</mosaic_0001>

<sc_bundles>
// kernel: kernel.3.cloned.1.call-start
scs
__scs_entry_jumppad:
0x0: {  	(pc) =	sbr.rel $0x88, $3  }
0x1: {  	(tag) =	ssettag $0x0;
	lr =	simm.s32 $0x1  }
0x2: {  	[smem:$0x3F9F] =	sst lr;
	_ =	strace $0xD0000000  }
0x3: {  	_ = 	snop  }
0x4: {  	_ = 	snop  }
0x5: {  	_ = 	snop  }
0x6: {  	_ = 	snop  }
0x7: {  	_ = 	snop  }
__scs_overlays_trampoline_lowered:
0x8: {  	[smem:$0x3FAE] =	sst s0  }
0x9: {  	[smem:$0x3FAF] =	sst s1  }
0xa: {  	[smem:$0x3FB0] =	sst s2  }
0xb: {  	[smem:$0x3FB1] =	sst s3  }
0xc: {  	[smem:$0x3FB2] =	sst s4  }
0xd: {  	[smem:$0x3FB3] =	sst s5  }
0xe: {  	[smem:$0x3FB4] =	sst s6  }
0xf: {  	[smem:$0x3FB5] =	sst s7  }
0x10: {  	[smem:$0x3FB6] =	sst s8  }
0x11: {  	[smem:$0x3FB7] =	sst s9;
	s0 =	simm.s32 @!p0 $0x0  }
0x12: {  	s1 =	sld [smem:$0x3F9D];
	s0 =	simm.s32 @p0 $0x1  }
0x13: {  	[smem:$0x3FB8] =	sst s0;
	s0 =	simm.s32 @!p1 $0x0  }
0x14: {  	s2 =	sld [smem:$0x3F9C];
	s0 =	simm.s32 @p1 $0x1  }
0x15: {  	[smem:$0x3FB9] =	sst s0;
	s0 =	simm.s32 @!p2 $0x0  }
0x16: {  	s3 =	sld [smem:$0x3FDB];
	s0 =	simm.s32 @p2 $0x1  }
0x17: {  	s4 =	simm.s32 $0x1BF5;
	[smem:$0x3FBB] =	sst s0  }
0x18: {  	s0 =	sld [smem:$0x3F9E];
	_ =	swait.ge [sflag:s4], $0x0  }
0x19: {  	s7 =	sld [smem:$0x3F9F]  }
0x1a: {  	s8 =	sadd.s32 $0xFFFFE003, lr  }
0x1b: {  	s9 =	sadd.s32 $0xFFFFFEF7, lr;
	s5 =	simm.s32 $0xFFFFFFFF;
	p2 =	slt.u32 s8, $0xFFFFF086  }
0x1c: {  	p1 =	slt.u32 s9, $0xF7A;
	s5 =	simm.s32 @!p2 $0x0  }
0x1d: {  	s5 =	simm.s32 @p1 $0x1;
	p0 =	seq.s32 s7, s2  }
0x1e: {  	s7 =	smul.u32 @!p0 $0xF7A, s2;
	p2 =	seq.s32 @!p0 s5, $0x0  }
0x1f: {  	s9 =	smul.u32 $0xF7A, s1;
	s8 =	simm.s32 @!p0 $0x1BF5;
	p2 =	por !p2, p0  }
0x20: {  	[sflag:s8] =	ssyncset.s32 @!p0 $0xFFFFF086;
	s6 =	sadd.s32 @!p0 s3, s7;
	s7 =	simm.s32 @!p0 $0x108  }
0x21: {  	s3 =	sadd.s32 s3, s9;
	s6 =	sadd.s32 @!p0 $0x88, s6;
	s7 =	simm.s32 @p2 $0x1082  }
0x22: {  	[simem:s7], [sflag:s8] =	dma.local @!p0 [hbm:s6], $0xF7A  }
0x23: {  	s9 =	sor.u32 $0xD0000000, s2;
	s6 =	simm.s32 $0x108;
	_ =	swait.ge @!p0 [sflag:s8], $0x0  }
0x24: {  	s3 =	sadd.s32 $0x88, s3;
	s6 =	simm.s32 @!p1 $0x1082;
	[sflag:s4] =	ssyncset.s32 $0xFFFFF086  }
0x25: {  	[simem:s6], [sflag:s4] =	dma.local [hbm:s3], $0xF7A  }
0x26: {  	[smem:$0x3F9F] =	sst s1;
	(tag) =	ssettag s2;
	_ =	strace s9  }
0x27: {  	s1 =	sld [smem:$0x3FAF]  }
0x28: {  	s2 =	sld [smem:$0x3FB0]  }
0x29: {  	s4 =	sld [smem:$0x3FB2]  }
0x2a: {  	p0 =	seq.s32 s5, $0x0;
	s5 =	sld [smem:$0x3FB3]  }
0x2b: {  	s6 =	sld [smem:$0x3FB4]  }
0x2c: {  	s7 =	sld [smem:$0x3FB5]  }
0x2d: {  	s3 =	simm.s32 $0x108;
	s8 =	sld [smem:$0x3FB6]  }
0x2e: {  	s3 =	simm.s32 @!p0 $0x1082;
	s9 =	sld [smem:$0x3FB7]  }
0x2f: {  	lr =	sadd.s32 s0, s3;
	s0 =	sld [smem:$0x3FAE]  }
0x30: {  	s3 =	sld [smem:$0x3FB1]  }
0x31: {  	[smem:$0x3FBA] =	sst s10  }
0x32: {  	s10 =	sld [smem:$0x3FB8];
	_ =	sdelay $0x3  }
0x33: {  	p0 =	seq.s32 s10, $0x1;
	s10 =	sld [smem:$0x3FBA];
	_ =	sdelay $0x3  }
0x34: {  	[smem:$0x3FBA] =	sst s10  }
0x35: {  	s10 =	sld [smem:$0x3FB9];
	_ =	sdelay $0x3  }
0x36: {  	p1 =	seq.s32 s10, $0x1;
	s10 =	sld [smem:$0x3FBA];
	_ =	sdelay $0x3  }
0x37: {  	[smem:$0x3FBA] =	sst s10  }
0x38: {  	s10 =	sld [smem:$0x3FBB]  }
0x39: {  	_ = 	snop;
	(pc) =	sbr.ind lr, $3  }
0x3a: {  	_ = 	snop  }
0x3b: {  	_ = 	snop  }
0x3c: {  	p2 =	seq.s32 s10, $0x1;
	s10 =	sld [smem:$0x3FBA]  }
0x3d: {  	_ =	shalt  }
0x3e: {  	_ =	shalt  }
0x3f: {  	_ =	shalt  }
0x40: {  	_ =	shalt  }
0x41: {  	_ =	shalt  }
0x42: {  	_ =	shalt  }
0x43: {  	_ =	shalt  }
0x44: {  	_ =	shalt  }
0x45: {  	_ =	shalt  }
0x46: {  	_ =	shalt  }
0x47: {  	_ =	shalt  }
0x48: {  	_ =	shalt  }
0x49: {  	_ =	shalt  }
0x4a: {  	_ =	shalt  }
0x4b: {  	_ =	shalt  }
0x4c: {  	_ =	shalt  }
0x4d: {  	_ =	shalt  }
0x4e: {  	_ =	shalt  }
0x4f: {  	_ =	shalt  }
0x50: {  	_ =	shalt  }
0x51: {  	_ =	shalt  }
0x52: {  	_ =	shalt  }
0x53: {  	_ =	shalt  }
0x54: {  	_ =	shalt  }
0x55: {  	_ =	shalt  }
0x56: {  	_ =	shalt  }
0x57: {  	_ =	shalt  }
0x58: {  	_ =	shalt  }
0x59: {  	_ =	shalt  }
0x5a: {  	_ =	shalt  }
0x5b: {  	_ =	shalt  }
0x5c: {  	_ =	shalt  }
0x5d: {  	_ =	shalt  }
0x5e: {  	_ =	shalt  }
0x5f: {  	_ =	shalt  }
0x60: {  	_ =	shalt  }
0x61: {  	_ =	shalt  }
0x62: {  	_ =	shalt  }
0x63: {  	_ =	shalt  }
0x64: {  	_ =	shalt  }
0x65: {  	_ =	shalt  }
0x66: {  	_ =	shalt  }
0x67: {  	_ =	shalt  }
0x68: {  	_ =	shalt  }
0x69: {  	_ =	shalt  }
0x6a: {  	_ =	shalt  }
0x6b: {  	_ =	shalt  }
0x6c: {  	_ =	shalt  }
0x6d: {  	_ =	shalt  }
0x6e: {  	_ =	shalt  }
0x6f: {  	_ =	shalt  }
0x70: {  	_ =	shalt  }
0x71: {  	_ =	shalt  }
0x72: {  	_ =	shalt  }
0x73: {  	_ =	shalt  }
0x74: {  	_ =	shalt  }
0x75: {  	_ =	shalt  }
0x76: {  	_ =	shalt  }
0x77: {  	_ =	shalt  }
0x78: {  	_ =	shalt  }
0x79: {  	_ =	shalt  }
0x7a: {  	_ =	shalt  }
0x7b: {  	_ =	shalt  }
0x7c: {  	_ =	shalt  }
0x7d: {  	_ =	shalt  }
0x7e: {  	_ =	shalt  }
0x7f: {  	_ =	shalt  }
0x80: {  	_ =	shalt  }
0x81: {  	_ =	shalt  }
0x82: {  	_ =	shalt  }
0x83: {  	_ =	shalt  }
0x84: {  	_ =	shalt  }
0x85: {  	_ =	shalt  }
0x86: {  	_ =	shalt  }
0x87: {  	_ =	shalt  }
.Lfunc_end0:
.L_simem_size_0:
called_computation_lowered:
.L_overlay_start_0:
0x88: {  	s2 =	sld [smem:$0x3FD9]  }
0x89: {  	s3 =	sld [smem:$0x3FFE];
	_ =	sdelay $0x1  }
0x8a: {  	s1 =	srdreg.scid  }
0x8b: {  	s0 =	sand.u32 $0x1, s1  }
0x8c: {  	s17 =	sshll.u32 s0, $0xA;
	s2 =	sadd.s32 s3, s2  }
0x8d: {  	s2 =	sadd.s32 s2, s17  }
0x8e: {  	[smem:$0x3FC6] =	sst s2  }
0x8f: {  	_ = 	snop  }
0x90: {  	s2 =	sld [smem:$0x3FC8]  }
0x91: {  	s18 =	sld [smem:$0x3FD0];
	(tm) =	ssettm $0x1  }
0x92: {  	s4 =	sld [smem:$0x3FFB];
	_ =	sdelay $0x3  }
0x93: {  	_ =	strace s4  }
0x94: {  	s4 =	sld [smem:$0x3FFC];
	_ =	sdelay $0x3  }
0x95: {  	_ =	strace s4  }
0x96: {  	s4 =	sld [smem:$0x3FFD];
	_ =	sdelay $0x3  }
0x97: {  	_ =	strace s4  }
0x98: {  	_ =	strace $0x8FFFFFFF  }
0x99: {  	s19 =	sld [smem:$0x3FDB];
	_ =	sdelay $0x1  }
0x9a: {  	s5 =	simm.s32 $_scs_section_size  }
0x9b: {  	s6 =	simm.s32 $_size__tile_overlayer_lowered;
	s7 =	simm.s32 $_tile_overlayer_lowered  }
0x9c: {  	s22 =	simm.s32 $0x1BFF;
	s21 =	sshll.u32 s7, $0x1;
	s4 =	sadd.s32 s5, s19  }
0x9d: {  	s8 =	simm.s32 $0x0;
	s20 =	sshll.u32 s6, $0x1;
	s6 =	sadd.s32 s21, s4  }
0x9e: {  	[timem:s8], [sflag:s22] =	dma.local [hbm:s6], s20  }
0x9f: {  	_ =	swait.ge [sflag:s22], s20  }
0xa0: {  	s5 =	ssub.s32 $0x0, s20;
	[sflag:s22] =	ssyncset.done $0x0  }
0xa1: {  	[sflag:s22] =	ssyncadd.s32 s5;
	_ =	sdelay $0x1  }
0xa2: {  	s23 =	simm.s32 $0x1B8B  }
0xa3: {  	_ =	swait.ge [sflag:s23], $0x1  }
0xa4: {  	[sflag:s23] =	ssyncset.done $0x0  }
0xa5: {  	s25 =	simm.s32 $0x1B8E;
	s24 =	sld [smem:$0x3FFE];
	[sflag:s23] =	ssyncadd.s32 $0xFFFFFFFF  }
0xa6: {  	s26 =	simm.s32 $execute0_lowered;
	[smem:$0x3FD2] =	sst s25  }
0xa7: {  	s6 =	sshll.u32 s26, $0x1;
	_ =	strace $0x80000046;
	[dreg:$0x1] =	wrdreg $0xFFFFFFFF  }
0xa8: {  	s28 =	simm.s32 $_size_execute0_lowered;
	s4 =	sadd.s32 s4, s6;
	[dreg:$0x0] =	wrdreg $0x0  }
0xa9: {  	s6 =	sshll.u32 s28, $0x1;
	[dreg:$0x2] =	wrdreg s4  }
0xaa: {  	[dreg:$0x3] =	wrdreg s6  }
0xab: {  	[dreg:$0x4] =	wrdreg $0xC0  }
0xac: {  	_ =	task [dreg:s8], $0x5FFFF  }
0xad: {  	[dreg:$0x1] =	wrdreg $0xFFFFFFFF  }
0xae: {  	[dreg:$0x0] =	wrdreg $0x60  }
0xaf: {  	[dreg:$0x2] =	wrdreg s24  }
0xb0: {  	[dreg:$0x3] =	wrdreg s2  }
0xb1: {  	[dreg:$0x4] =	wrdreg s18  }
0xb2: {  	[dreg:$0x5] =	wrdreg $0x9  }
0xb3: {  	_ =	task.clear_ibuf [dreg:s8], $0x6FFFF;
	_ =	strace $0x90000046  }
0xb4: {  	s29 =	simm.s32 $0x9;
	_ =	strace $0x80000048  }
0xb5: {  	_ =	swait.ge [sflag:s29], $0x1  }
0xb6: {  	[sflag:s29] =	ssyncadd.s32 $0xFFFFFFFF  }
0xb7: {  	_ =	strace $0x90000048  }
0xb8: {  	_ =	sfence  }
0xb9: {  	s30 =	sld [smem:$0x0];
	_ =	sdelay $0x2  }
0xba: {  	s31 =	sshll.u32 s1, $0xD;
	s1 =	sshrl.u32 s1, $0x2  }
0xbb: {  	s3 =	sand.u32 $0x4000, s31;
	s1 =	sadd.s32 s1, s30  }
0xbc: {  	s0 =	sor.u32 s3, s0;
	s1 =	sshll.u32 s1, $0x11  }
0xbd: {  	s0 =	sor.u32 s1, s0  }
0xbe: {  	s0 =	sadd.s32 $0x8F2B, s0  }
0xbf: {  	[sflag:s0] =	ssyncadd.remote.s32 $0x1  }
0xc0: {  	_ =	sfence.sel $0xFFFF  }
0xc1: {  	[dreg:$0x0] =	wrdreg $0xFFFFFFFF;
	(pc) =	sbr.abs _section_cstart, $3  }
0xc2: {  	[dreg:$0x1] =	wrdreg $0xFFFFFFFF  }
0xc3: {  	_ =	task.clear_ibuf [dreg:s8], $0x2FFFF;
	_ =	strace $0x9FFFFFFF  }
0xc4: {  	(tm) =	ssettm $0x7FFFFFFF  }
0xc5: {  	_ =	shalt  }
tec
execute0_lowered:
.L_overlay_start_1:
0x0: {  	(tag) =	ssettag $0x1  }
0x1: {  	s0 =	rddreg [dreg:$0x0]  }
0x2: {  	s2 =	rddreg [dreg:$0x1]  }
0x3: {  	s3 =	rddreg [dreg:$0x2];
	s1 =	srdreg.scid  }
0x4: {  	s4 =	stileid.u32;
	s6 =	simm.s32 $0x0;
	s11 =	simm.s32 $0x40  }
0x5: {  	s28 =	simm.s32 $0x9800;
	s25 =	simm.s32 $0xF800;
	s31 =	simm.s32 $0x1  }
0x6: {  	s10 =	simm.s32 $0x4;
	s8 =	simm.s32 $0x7;
	s9 =	simm.s32 $0x8  }
0x7: {  	s13 =	simm.s32 $0x9;
	s15 =	simm.s32 $0xA;
	s12 =	simm.s32 $0x12  }
0x8: {  	s14 =	simm.s32 $0x13;
	s16 =	simm.s32 $0x14;
	s18 =	simm.s32 $0x0  }
0x9: {  	s1 =	sand.u32 $0x1, s1;
	s4 =	sshll.u32 s4, $0x1;
	[smem:$0x7FF] =	sst s6  }
0xa: {  	s7 =	sadd.s32 $0xD000, s0;
	s5 =	ssub.s32 $0x2, s1;
	s1 =	sor.u32 s1, s4  }
0xb: {  	s6 =	simm.s32 $0x6;
	_ =	strace $0x80000047;
	s29 =	smul.u32 $0x680, s1  }
0xc: {  	[dreg:$0x4] =	wrdreg s7;
	s26 =	sshrl.u32 s5, $0x1;
	s7 =	smul.u32 $0x64, s1  }
0xd: {  	s1 =	simm.s32 $0x3;
	s4 =	ssub.s32 s5, s26;
	s0 =	sadd.s32 s0, s29  }
0xe: {  	s5 =	simm.s32 $0x5;
	s30 =	smax.u32 s4, $0x1;
	[dreg:$0x5] =	wrdreg s0  }
0xf: {  	s4 =	simm.s32 $0x11;
	[dreg:$0x6] =	wrdreg s30;
	s0 =	simm.s32 $0x2  }
.LBB2_1:
0x10: {  	[dreg:$0x7] =	wrdreg s18  }
0x11: {  	s17 =	simm.s32 $0x0;
	s29 =	rddreg [dreg:$0x5];
	s19 =	simm.s32 $0x15  }
0x12: {  	[tilespmem:s17], [sflag:$0x15] =	stream.linear.gather [hbm4b:s29+s17], $0x3200, $0x38;
	[tilespmem:$0x1D800] =	vst v63  }
0x13: {  	_ =	swait.ge [sflag:s19], $0x3200  }
0x14: {  	[sflag:s19] =	ssyncset.done $0x0  }
0x15: {  	s20 =	simm.s32 $0x3400;
	s30 =	rddreg [dreg:$0x4];
	[sflag:s19] =	ssyncadd.s32 $0xFFFFCE00  }
0x16: {  	[tilespmem:s20], [sflag:$0x15] =	stream.linear.gather [hbm4b:s30+s17], $0x6400, $0x38;
	[tilespmem:$0x1D800] =	vst v63  }
0x17: {  	_ =	swait.ge [sflag:s19], $0x6400  }
0x18: {  	[sflag:s19] =	ssyncset.done $0x0  }
0x19: {  	s18 =	simm.s32 $0x0;
	[sflag:s19] =	ssyncadd.s32 $0xFFFF9C00  }
.LBB2_2:
0x1a: {  	p0 =	sne.s32 s18, $0x0  }
.Ltmp0:
0x1b: {  	_ = 	snop;
	(pc) =	sbr.rel @!p0 .LBB2_3-.Ltmp0, $2  }
0x1c: {  	_ =	sdelay $0x2  }
0x1d: {  	s30 =	smul.u32 $0xA, s18  }
0x1e: {  	s19 =	simm.s32 $0xB  }
0x1f: {  	s17 =	smul.u32 $0x1400, s18;
	_ =	swait.ge [sflag:s19], $0x2000  }
0x20: {  	[sflag:s19] =	ssyncset.done $0x0  }
0x21: {  	s20 =	simm.s32 $0xC;
	s17 =	sshra.s32 s17, $0x2;
	[sflag:s19] =	ssyncadd.s32 $0xFFFFE000  }
0x22: {  	[tilespmem:s28], [sflag:$0x1] =	stream.indirect.gather [hbm4b:s2+s11], $0x80, s17, s11, $0xb8;
	[tilespmem:$0x1D800] =	vst v63  }
0x23: {  	s23 =	sor.u32 $0x1, s30;
	_ =	swait.ge [sflag:s20], $0x2000  }
0x24: {  	s22 =	simm.s32 $0xB800;
	s21 =	sshll.u32 s23, $0x7;
	[sflag:s20] =	ssyncset.done $0x0  }
0x25: {  	s24 =	simm.s32 $0xD;
	s17 =	sand.u32 $0x3FFFFF80, s21;
	[sflag:s20] =	ssyncadd.s32 $0xFFFFE000  }
0x26: {  	[tilespmem:s22], [sflag:$0x2] =	stream.indirect.gather [hbm4b:s2+s11], $0x80, s17, s11, $0xb8;
	[tilespmem:$0x1D800] =	vst v63  }
0x27: {  	s29 =	sadd.s32 $0x2, s30;
	_ =	swait.ge [sflag:s24], $0x2000  }
0x28: {  	s26 =	sshll.u32 s29, $0x7;
	[sflag:s24] =	ssyncset.done $0x0  }
0x29: {  	s28 =	simm.s32 $0xD800;
	s17 =	sand.u32 $0x3FFFFF80, s26;
	[sflag:s24] =	ssyncadd.s32 $0xFFFFE000  }
0x2a: {  	[tilespmem:s28], [sflag:$0x3] =	stream.indirect.gather [hbm4b:s2+s11], $0x80, s17, s11, $0xb8;
	[tilespmem:$0x1D800] =	vst v63  }
0x2b: {  	s17 =	simm.s32 $0xE  }
0x2c: {  	s21 =	sadd.s32 $0x3, s30;
	_ =	swait.ge [sflag:s17], $0x2000  }
0x2d: {  	s20 =	sshll.u32 s21, $0x7;
	[sflag:s17] =	ssyncset.done $0x0  }
0x2e: {  	[sflag:s17] =	ssyncadd.s32 $0xFFFFE000;
	s17 =	sand.u32 $0x3FFFFF80, s20;
	s20 =	simm.s32 $0xF  }
0x2f: {  	[tilespmem:s25], [sflag:$0x4] =	stream.indirect.gather [hbm4b:s2+s11], $0x80, s17, s11, $0xb8;
	[tilespmem:$0x1D800] =	vst v63  }
0x30: {  	s19 =	sadd.s32 $0x4, s30;
	_ =	swait.ge [sflag:s20], $0x2000  }
0x31: {  	s22 =	sshll.u32 s19, $0x7;
	s24 =	simm.s32 $0x11800;
	[sflag:s20] =	ssyncset.done $0x0  }
0x32: {  	s17 =	sand.u32 $0x3FFFFF80, s22;
	s25 =	simm.s32 $0x10;
	[sflag:s20] =	ssyncadd.s32 $0xFFFFE000  }
0x33: {  	[tilespmem:s24], [sflag:$0x5] =	stream.indirect.gather [hbm4b:s2+s11], $0x80, s17, s11, $0xb8;
	[tilespmem:$0x1D800] =	vst v63  }
0x34: {  	s26 =	sadd.s32 $0x5, s30;
	_ =	swait.ge [sflag:s25], $0x2000  }
0x35: {  	s28 =	sshll.u32 s26, $0x7;
	[sflag:s25] =	ssyncset.done $0x0  }
0x36: {  	s22 =	simm.s32 $0x13800;
	s17 =	sand.u32 $0x3FFFFF80, s28;
	[sflag:s25] =	ssyncadd.s32 $0xFFFFE000  }
0x37: {  	[tilespmem:s22], [sflag:$0x6] =	stream.indirect.gather [hbm4b:s2+s11], $0x80, s17, s11, $0xb8;
	[tilespmem:$0x1D800] =	vst v63  }
0x38: {  	s17 =	sadd.s32 $0x6, s30;
	_ =	swait.ge [sflag:s4], $0x2000  }
0x39: {  	s24 =	sshll.u32 s17, $0x7;
	[sflag:s4] =	ssyncset.done $0x0  }
0x3a: {  	s22 =	simm.s32 $0x15800;
	s20 =	sand.u32 $0x3FFFFF80, s24;
	[sflag:s4] =	ssyncadd.s32 $0xFFFFE000  }
0x3b: {  	[tilespmem:s22], [sflag:$0x7] =	stream.indirect.gather [hbm4b:s2+s11], $0x80, s20, s11, $0xb8;
	[tilespmem:$0x1D800] =	vst v63  }
0x3c: {  	s24 =	sadd.s32 $0x7, s30;
	_ =	swait.ge [sflag:s12], $0x2000  }
0x3d: {  	s28 =	simm.s32 $0x17800;
	s25 =	sshll.u32 s24, $0x7;
	[sflag:s12] =	ssyncset.done $0x0  }
0x3e: {  	s20 =	sand.u32 $0x3FFFFF80, s25;
	s22 =	sadd.s32 $0x8, s30;
	[sflag:s12] =	ssyncadd.s32 $0xFFFFE000  }
0x3f: {  	[tilespmem:s28], [sflag:$0x8] =	stream.indirect.gather [hbm4b:s2+s11], $0x80, s20, s11, $0xb8;
	[tilespmem:$0x1D800] =	vst v63  }
0x40: {  	s25 =	sshll.u32 s22, $0x7;
	_ =	swait.ge [sflag:s14], $0x2000  }
0x41: {  	s20 =	sand.u32 $0x3FFFFF80, s25;
	[sflag:s14] =	ssyncset.done $0x0  }
.Ltmp1:
0x42: {  	s28 =	simm.s32 $0x19800;
	[sflag:s14] =	ssyncadd.s32 $0xFFFFE000;
	(pc) =	sbr.rel .LBB2_5-.Ltmp1, $4  }
0x43: {  	[tilespmem:s28], [sflag:$0x9] =	stream.indirect.gather [hbm4b:s2+s11], $0x80, s20, s11, $0xb8;
	[tilespmem:$0x1D800] =	vst v63  }
0x44: {  	_ =	swait.ge [sflag:s16], $0x2000  }
0x45: {  	[sflag:s16] =	ssyncset.done $0x0  }
0x46: {  	s20 =	sadd.s32 $0x9, s30;
	[sflag:s16] =	ssyncadd.s32 $0xFFFFE000  }
.LBB2_3:
0x47: {  	s17 =	simm.s32 $0x0  }
0x48: {  	[tilespmem:s28], [sflag:$0x1] =	stream.indirect.gather [hbm4b:s2+s11], $0x80, s17, s11, $0xb8;
	[tilespmem:$0x1D800] =	vst v63  }
0x49: {  	s21 =	simm.s32 $0x80;
	s19 =	simm.s32 $0xB800  }
0x4a: {  	[tilespmem:s19], [sflag:$0x2] =	stream.indirect.gather [hbm4b:s2+s11], $0x80, s21, s11, $0xb8;
	[tilespmem:$0x1D800] =	vst v63  }
0x4b: {  	s22 =	simm.s32 $0x100;
	s23 =	simm.s32 $0xD800  }
0x4c: {  	[tilespmem:s23], [sflag:$0x3] =	stream.indirect.gather [hbm4b:s2+s11], $0x80, s22, s11, $0xb8;
	[tilespmem:$0x1D800] =	vst v63  }
0x4d: {  	s24 =	simm.s32 $0x180;
	s26 =	simm.s32 $0x200  }
0x4e: {  	[tilespmem:s25], [sflag:$0x4] =	stream.indirect.gather [hbm4b:s2+s11], $0x80, s24, s11, $0xb8;
	[tilespmem:$0x1D800] =	vst v63  }
0x4f: {  	s20 =	simm.s32 $0x280;
	s29 =	simm.s32 $0x2;
	s28 =	simm.s32 $0x11800  }
0x50: {  	[tilespmem:s28], [sflag:$0x5] =	stream.indirect.gather [hbm4b:s2+s11], $0x80, s26, s11, $0xb8;
	[tilespmem:$0x1D800] =	vst v63  }
0x51: {  	s17 =	simm.s32 $0x6;
	s21 =	simm.s32 $0x13800;
	s19 =	simm.s32 $0x4  }
0x52: {  	[tilespmem:s21], [sflag:$0x6] =	stream.indirect.gather [hbm4b:s2+s11], $0x80, s20, s11, $0xb8;
	[tilespmem:$0x1D800] =	vst v63  }
0x53: {  	s22 =	simm.s32 $0x300;
	s23 =	simm.s32 $0x15800;
	s24 =	simm.s32 $0x380  }
0x54: {  	[tilespmem:s23], [sflag:$0x7] =	stream.indirect.gather [hbm4b:s2+s11], $0x80, s22, s11, $0xb8;
	[tilespmem:$0x1D800] =	vst v63  }
0x55: {  	s25 =	simm.s32 $0x17800;
	s26 =	simm.s32 $0x400;
	s28 =	simm.s32 $0x19800  }
0x56: {  	[tilespmem:s25], [sflag:$0x8] =	stream.indirect.gather [hbm4b:s2+s11], $0x80, s24, s11, $0xb8;
	[tilespmem:$0x1D800] =	vst v63  }
0x57: {  	s21 =	simm.s32 $0x3;
	s20 =	simm.s32 $0x9;
	s22 =	simm.s32 $0x8  }
0x58: {  	[tilespmem:s28], [sflag:$0x9] =	stream.indirect.gather [hbm4b:s2+s11], $0x80, s26, s11, $0xb8;
	[tilespmem:$0x1D800] =	vst v63  }
0x59: {  	s23 =	simm.s32 $0x1;
	s24 =	simm.s32 $0x7;
	s26 =	simm.s32 $0x5  }
.LBB2_5:
0x5a: {  	s25 =	sshll.u32 s20, $0x7  }
0x5b: {  	s28 =	simm.s32 $0x1B800;
	s25 =	sand.u32 $0x3FFFFF80, s25  }
0x5c: {  	[tilespmem:s28], [sflag:$0xA] =	stream.indirect.gather [hbm4b:s2+s11], $0x80, s25, s11, $0xb8;
	[tilespmem:$0x1D800] =	vst v63  }
0x5d: {  	s30 =	sadd.s32 s7, s30;
	_ =	swait.ge [sflag:s31], $0x2000  }
0x5e: {  	s25 =	sshll.u32 s30, $0x3;
	[sflag:s31] =	ssyncset.done $0x0  }
0x5f: {  	s25 =	sand.u32 $0x7FFFFF80, s25;
	[sflag:s31] =	ssyncadd.s32 $0xFFFFE000  }
0x60: {  	v1 =	vld [tilespmem:s25+$0x3400]  }
0x61: {  	v2 =	vld [tilespmem:s25+$0x3410]  }
0x62: {  	v3 =	vld [tilespmem:s25+$0x3420]  }
0x63: {  	v7 =	vld [tilespmem:s25+$0x3470]  }
0x64: {  	v4 =	vld [tilespmem:s25+$0x3430]  }
0x65: {  	v5 =	vld [tilespmem:s25+$0x3440]  }
0x66: {  	v6 =	vld [tilespmem:s25+$0x3450]  }
0x67: {  	s28 =	simm.s32 $0x400;
	v0 =	vld [tilespmem:s25+$0x3460];
	s25 =	simm.s32 $0x0  }
.LBB2_6:
0x68: {  	p0 =	sne.s32 s28, $0x7C00;
	[tilespmem:s25+$0x98F0] =	vst.add.f32.msk $0xffff, v7  }
0x69: {  	[tilespmem:s25+$0x9800] =	vst.add.f32.msk $0xffff, v1  }
0x6a: {  	[tilespmem:s25+$0x9810] =	vst.add.f32.msk $0xffff, v2  }
0x6b: {  	[tilespmem:s25+$0x9820] =	vst.add.f32.msk $0xffff, v3  }
0x6c: {  	[tilespmem:s25+$0x9830] =	vst.add.f32.msk $0xffff, v4  }
0x6d: {  	[tilespmem:s25+$0x9840] =	vst.add.f32.msk $0xffff, v5  }
0x6e: {  	[tilespmem:s25+$0x9850] =	vst.add.f32.msk $0xffff, v6  }
0x6f: {  	[tilespmem:s25+$0x9860] =	vst.add.f32.msk $0xffff, v0  }
0x70: {  	[tilespmem:s25+$0x9870] =	vst.add.f32.msk $0xffff, v7  }
0x71: {  	[tilespmem:s25+$0x9880] =	vst.add.f32.msk $0xffff, v1  }
0x72: {  	[tilespmem:s25+$0x9890] =	vst.add.f32.msk $0xffff, v2  }
.Ltmp2:
0x73: {  	[tilespmem:s25+$0x98A0] =	vst.add.f32.msk $0xffff, v3;
	(pc) =	sbr.rel @p0 .LBB2_6-.Ltmp2, $4  }
0x74: {  	[tilespmem:s25+$0x98B0] =	vst.add.f32.msk $0xffff, v4  }
0x75: {  	[tilespmem:s25+$0x98C0] =	vst.add.f32.msk $0xffff, v5  }
0x76: {  	[tilespmem:s25+$0x98D0] =	vst.add.f32.msk $0xffff, v6  }
0x77: {  	[tilespmem:s25+$0x98E0] =	vst.add.f32.msk $0xffff, v0;
	s25 =	sshra.s32 s28, $0x2;
	s28 =	sadd.s32 $0x400, s28  }
0x78: {  	[tilespmem:s25+$0x98F0] =	vst.add.f32.msk $0xffff, v7  }
0x79: {  	[tilespmem:s25+$0x9800] =	vst.add.f32.msk $0xffff, v1  }
0x7a: {  	[tilespmem:s25+$0x9810] =	vst.add.f32.msk $0xffff, v2  }
0x7b: {  	[tilespmem:s25+$0x9820] =	vst.add.f32.msk $0xffff, v3  }
0x7c: {  	[tilespmem:s25+$0x9830] =	vst.add.f32.msk $0xffff, v4  }
0x7d: {  	[tilespmem:s25+$0x9840] =	vst.add.f32.msk $0xffff, v5  }
0x7e: {  	[tilespmem:s25+$0x9850] =	vst.add.f32.msk $0xffff, v6  }
0x7f: {  	[tilespmem:s25+$0x9860] =	vst.add.f32.msk $0xffff, v0  }
0x80: {  	[tilespmem:s25+$0x9870] =	vst.add.f32.msk $0xffff, v7  }
0x81: {  	[tilespmem:s25+$0x9880] =	vst.add.f32.msk $0xffff, v1  }
0x82: {  	[tilespmem:s25+$0x9890] =	vst.add.f32.msk $0xffff, v2  }
0x83: {  	[tilespmem:s25+$0x98A0] =	vst.add.f32.msk $0xffff, v3  }
0x84: {  	[tilespmem:s25+$0x98B0] =	vst.add.f32.msk $0xffff, v4  }
0x85: {  	[tilespmem:s25+$0x98C0] =	vst.add.f32.msk $0xffff, v5  }
0x86: {  	[tilespmem:s25+$0x98D0] =	vst.add.f32.msk $0xffff, v6;
	s28 =	sshll.u32 s30, $0xA  }
0x87: {  	[tilespmem:s25+$0x98E0] =	vst.add.f32.msk $0xffff, v0;
	s30 =	simm.s32 $0x9800;
	s25 =	sadd.s32 s3, s28;
	s28 =	simm.s32 $0x0  }
0x88: {  	[hbm4b:s25+s28] =	stream.linear.scatter [tilespmem:s30], [sflag:$0xB], $0x2000, $0x38;
	[tilespmem:$0x1D800] =	vst v63  }
0x89: {  	s23 =	sadd.s32 s7, s23;
	_ =	swait.ge [sflag:s0], $0x2000  }
0x8a: {  	s25 =	sshll.u32 s23, $0x3;
	[sflag:s0] =	ssyncset.done $0x0  }
0x8b: {  	s25 =	sand.u32 $0x7FFFFF80, s25;
	[sflag:s0] =	ssyncadd.s32 $0xFFFFE000  }
0x8c: {  	v2 =	vld [tilespmem:s25+$0x3400]  }
0x8d: {  	v3 =	vld [tilespmem:s25+$0x3410]  }
0x8e: {  	v4 =	vld [tilespmem:s25+$0x3420]  }
0x8f: {  	v7 =	vld [tilespmem:s25+$0x3470]  }
0x90: {  	v5 =	vld [tilespmem:s25+$0x3430]  }
0x91: {  	v6 =	vld [tilespmem:s25+$0x3440]  }
0x92: {  	v1 =	vld [tilespmem:s25+$0x3450]  }
0x93: {  	s28 =	simm.s32 $0x9800;
	s30 =	simm.s32 $0x0;
	v0 =	vld [tilespmem:s25+$0x3460];
	s25 =	simm.s32 $0x400  }
.LBB2_8:
0x94: {  	p0 =	sne.s32 s25, $0x7C00;
	[tilespmem:s30+$0xB8F0] =	vst.add.f32.msk $0xffff, v7  }
0x95: {  	[tilespmem:s30+$0xB800] =	vst.add.f32.msk $0xffff, v2  }
0x96: {  	[tilespmem:s30+$0xB810] =	vst.add.f32.msk $0xffff, v3  }
0x97: {  	[tilespmem:s30+$0xB820] =	vst.add.f32.msk $0xffff, v4  }
0x98: {  	[tilespmem:s30+$0xB830] =	vst.add.f32.msk $0xffff, v5  }
0x99: {  	[tilespmem:s30+$0xB840] =	vst.add.f32.msk $0xffff, v6  }
0x9a: {  	[tilespmem:s30+$0xB850] =	vst.add.f32.msk $0xffff, v1  }
0x9b: {  	[tilespmem:s30+$0xB860] =	vst.add.f32.msk $0xffff, v0  }
0x9c: {  	[tilespmem:s30+$0xB870] =	vst.add.f32.msk $0xffff, v7  }
0x9d: {  	[tilespmem:s30+$0xB880] =	vst.add.f32.msk $0xffff, v2  }
0x9e: {  	[tilespmem:s30+$0xB890] =	vst.add.f32.msk $0xffff, v3  }
.Ltmp3:
0x9f: {  	[tilespmem:s30+$0xB8A0] =	vst.add.f32.msk $0xffff, v4;
	(pc) =	sbr.rel @p0 .LBB2_8-.Ltmp3, $4  }
0xa0: {  	[tilespmem:s30+$0xB8B0] =	vst.add.f32.msk $0xffff, v5  }
0xa1: {  	[tilespmem:s30+$0xB8C0] =	vst.add.f32.msk $0xffff, v6  }
0xa2: {  	[tilespmem:s30+$0xB8D0] =	vst.add.f32.msk $0xffff, v1  }
0xa3: {  	[tilespmem:s30+$0xB8E0] =	vst.add.f32.msk $0xffff, v0;
	s30 =	sshra.s32 s25, $0x2;
	s25 =	sadd.s32 $0x400, s25  }
0xa4: {  	[tilespmem:s30+$0xB8F0] =	vst.add.f32.msk $0xffff, v7  }
0xa5: {  	[tilespmem:s30+$0xB800] =	vst.add.f32.msk $0xffff, v2  }
0xa6: {  	[tilespmem:s30+$0xB810] =	vst.add.f32.msk $0xffff, v3  }
0xa7: {  	[tilespmem:s30+$0xB820] =	vst.add.f32.msk $0xffff, v4  }
0xa8: {  	[tilespmem:s30+$0xB830] =	vst.add.f32.msk $0xffff, v5  }
0xa9: {  	[tilespmem:s30+$0xB840] =	vst.add.f32.msk $0xffff, v6  }
0xaa: {  	[tilespmem:s30+$0xB850] =	vst.add.f32.msk $0xffff, v1  }
0xab: {  	[tilespmem:s30+$0xB860] =	vst.add.f32.msk $0xffff, v0  }
0xac: {  	[tilespmem:s30+$0xB870] =	vst.add.f32.msk $0xffff, v7  }
0xad: {  	[tilespmem:s30+$0xB880] =	vst.add.f32.msk $0xffff, v2  }
0xae: {  	[tilespmem:s30+$0xB890] =	vst.add.f32.msk $0xffff, v3  }
0xaf: {  	[tilespmem:s30+$0xB8A0] =	vst.add.f32.msk $0xffff, v4  }
0xb0: {  	[tilespmem:s30+$0xB8B0] =	vst.add.f32.msk $0xffff, v5  }
0xb1: {  	[tilespmem:s30+$0xB8C0] =	vst.add.f32.msk $0xffff, v6;
	s23 =	sshll.u32 s23, $0xA  }
0xb2: {  	[tilespmem:s30+$0xB8D0] =	vst.add.f32.msk $0xffff, v1;
	s23 =	sand.u32 $0x1FFFFC00, s23  }
0xb3: {  	[tilespmem:s30+$0xB8E0] =	vst.add.f32.msk $0xffff, v0;
	s25 =	simm.s32 $0x0;
	s30 =	simm.s32 $0xB800;
	s23 =	sadd.s32 s3, s23  }
0xb4: {  	[hbm4b:s23+s25] =	stream.linear.scatter [tilespmem:s30], [sflag:$0xC], $0x2000, $0x38;
	[tilespmem:$0x1D800] =	vst v63  }
0xb5: {  	s23 =	sadd.s32 s7, s29;
	_ =	swait.ge [sflag:s1], $0x2000  }
0xb6: {  	s30 =	sshll.u32 s23, $0x3;
	[sflag:s1] =	ssyncset.done $0x0  }
0xb7: {  	s25 =	sand.u32 $0x7FFFFF80, s30;
	[sflag:s1] =	ssyncadd.s32 $0xFFFFE000  }
0xb8: {  	v2 =	vld [tilespmem:s25+$0x3400]  }
0xb9: {  	v3 =	vld [tilespmem:s25+$0x3410]  }
0xba: {  	v4 =	vld [tilespmem:s25+$0x3420]  }
0xbb: {  	v7 =	vld [tilespmem:s25+$0x3470]  }
0xbc: {  	v5 =	vld [tilespmem:s25+$0x3430]  }
0xbd: {  	v6 =	vld [tilespmem:s25+$0x3440]  }
0xbe: {  	v1 =	vld [tilespmem:s25+$0x3450]  }
0xbf: {  	s29 =	simm.s32 $0x0;
	v0 =	vld [tilespmem:s25+$0x3460];
	s25 =	simm.s32 $0x400  }
.LBB2_10:
0xc0: {  	p0 =	sne.s32 s25, $0x7C00;
	[tilespmem:s29+$0xD8F0] =	vst.add.f32.msk $0xffff, v7  }
0xc1: {  	[tilespmem:s29+$0xD800] =	vst.add.f32.msk $0xffff, v2  }
0xc2: {  	[tilespmem:s29+$0xD810] =	vst.add.f32.msk $0xffff, v3  }
0xc3: {  	[tilespmem:s29+$0xD820] =	vst.add.f32.msk $0xffff, v4  }
0xc4: {  	[tilespmem:s29+$0xD830] =	vst.add.f32.msk $0xffff, v5  }
0xc5: {  	[tilespmem:s29+$0xD840] =	vst.add.f32.msk $0xffff, v6  }
0xc6: {  	[tilespmem:s29+$0xD850] =	vst.add.f32.msk $0xffff, v1  }
0xc7: {  	[tilespmem:s29+$0xD860] =	vst.add.f32.msk $0xffff, v0  }
0xc8: {  	[tilespmem:s29+$0xD870] =	vst.add.f32.msk $0xffff, v7  }
0xc9: {  	[tilespmem:s29+$0xD880] =	vst.add.f32.msk $0xffff, v2  }
0xca: {  	[tilespmem:s29+$0xD890] =	vst.add.f32.msk $0xffff, v3  }
.Ltmp4:
0xcb: {  	[tilespmem:s29+$0xD8A0] =	vst.add.f32.msk $0xffff, v4;
	(pc) =	sbr.rel @p0 .LBB2_10-.Ltmp4, $4  }
0xcc: {  	[tilespmem:s29+$0xD8B0] =	vst.add.f32.msk $0xffff, v5  }
0xcd: {  	[tilespmem:s29+$0xD8C0] =	vst.add.f32.msk $0xffff, v6  }
0xce: {  	[tilespmem:s29+$0xD8D0] =	vst.add.f32.msk $0xffff, v1  }
0xcf: {  	[tilespmem:s29+$0xD8E0] =	vst.add.f32.msk $0xffff, v0;
	s29 =	sshra.s32 s25, $0x2;
	s25 =	sadd.s32 $0x400, s25  }
0xd0: {  	[tilespmem:s29+$0xD8F0] =	vst.add.f32.msk $0xffff, v7  }
0xd1: {  	[tilespmem:s29+$0xD800] =	vst.add.f32.msk $0xffff, v2  }
0xd2: {  	[tilespmem:s29+$0xD810] =	vst.add.f32.msk $0xffff, v3  }
0xd3: {  	[tilespmem:s29+$0xD820] =	vst.add.f32.msk $0xffff, v4  }
0xd4: {  	[tilespmem:s29+$0xD830] =	vst.add.f32.msk $0xffff, v5  }
0xd5: {  	[tilespmem:s29+$0xD840] =	vst.add.f32.msk $0xffff, v6  }
0xd6: {  	[tilespmem:s29+$0xD850] =	vst.add.f32.msk $0xffff, v1  }
0xd7: {  	[tilespmem:s29+$0xD860] =	vst.add.f32.msk $0xffff, v0  }
0xd8: {  	[tilespmem:s29+$0xD870] =	vst.add.f32.msk $0xffff, v7  }
0xd9: {  	[tilespmem:s29+$0xD880] =	vst.add.f32.msk $0xffff, v2  }
0xda: {  	[tilespmem:s29+$0xD890] =	vst.add.f32.msk $0xffff, v3  }
0xdb: {  	[tilespmem:s29+$0xD8A0] =	vst.add.f32.msk $0xffff, v4  }
0xdc: {  	[tilespmem:s29+$0xD8B0] =	vst.add.f32.msk $0xffff, v5  }
0xdd: {  	[tilespmem:s29+$0xD8C0] =	vst.add.f32.msk $0xffff, v6;
	s23 =	sshll.u32 s23, $0xA  }
0xde: {  	[tilespmem:s29+$0xD8D0] =	vst.add.f32.msk $0xffff, v1;
	s23 =	sand.u32 $0x1FFFF800, s23  }
0xdf: {  	[tilespmem:s29+$0xD8E0] =	vst.add.f32.msk $0xffff, v0;
	s25 =	simm.s32 $0x0;
	s30 =	simm.s32 $0xD800;
	s23 =	sadd.s32 s3, s23  }
0xe0: {  	[hbm4b:s23+s25] =	stream.linear.scatter [tilespmem:s30], [sflag:$0xD], $0x2000, $0x38;
	[tilespmem:$0x1D800] =	vst v63  }
0xe1: {  	s21 =	sadd.s32 s7, s21;
	_ =	swait.ge [sflag:s10], $0x2000  }
0xe2: {  	s30 =	sshll.u32 s21, $0x3;
	[sflag:s10] =	ssyncset.done $0x0  }
0xe3: {  	s23 =	sand.u32 $0x7FFFFF80, s30;
	[sflag:s10] =	ssyncadd.s32 $0xFFFFE000  }
0xe4: {  	v2 =	vld [tilespmem:s23+$0x3400]  }
0xe5: {  	v3 =	vld [tilespmem:s23+$0x3410]  }
0xe6: {  	v4 =	vld [tilespmem:s23+$0x3420]  }
0xe7: {  	v7 =	vld [tilespmem:s23+$0x3470]  }
0xe8: {  	v5 =	vld [tilespmem:s23+$0x3430]  }
0xe9: {  	v6 =	vld [tilespmem:s23+$0x3440]  }
0xea: {  	v1 =	vld [tilespmem:s23+$0x3450]  }
0xeb: {  	s25 =	simm.s32 $0x400;
	v0 =	vld [tilespmem:s23+$0x3460];
	s23 =	simm.s32 $0x0  }
.LBB2_12:
0xec: {  	p0 =	sne.s32 s25, $0x7C00;
	[tilespmem:s23+$0xF8F0] =	vst.add.f32.msk $0xffff, v7  }
0xed: {  	[tilespmem:s23+$0xF800] =	vst.add.f32.msk $0xffff, v2  }
0xee: {  	[tilespmem:s23+$0xF810] =	vst.add.f32.msk $0xffff, v3  }
0xef: {  	[tilespmem:s23+$0xF820] =	vst.add.f32.msk $0xffff, v4  }
0xf0: {  	[tilespmem:s23+$0xF830] =	vst.add.f32.msk $0xffff, v5  }
0xf1: {  	[tilespmem:s23+$0xF840] =	vst.add.f32.msk $0xffff, v6  }
0xf2: {  	[tilespmem:s23+$0xF850] =	vst.add.f32.msk $0xffff, v1  }
0xf3: {  	[tilespmem:s23+$0xF860] =	vst.add.f32.msk $0xffff, v0  }
0xf4: {  	[tilespmem:s23+$0xF870] =	vst.add.f32.msk $0xffff, v7  }
0xf5: {  	[tilespmem:s23+$0xF880] =	vst.add.f32.msk $0xffff, v2  }
0xf6: {  	[tilespmem:s23+$0xF890] =	vst.add.f32.msk $0xffff, v3  }
.Ltmp5:
0xf7: {  	[tilespmem:s23+$0xF8A0] =	vst.add.f32.msk $0xffff, v4;
	(pc) =	sbr.rel @p0 .LBB2_12-.Ltmp5, $4  }
0xf8: {  	[tilespmem:s23+$0xF8B0] =	vst.add.f32.msk $0xffff, v5  }
0xf9: {  	[tilespmem:s23+$0xF8C0] =	vst.add.f32.msk $0xffff, v6  }
0xfa: {  	[tilespmem:s23+$0xF8D0] =	vst.add.f32.msk $0xffff, v1  }
0xfb: {  	[tilespmem:s23+$0xF8E0] =	vst.add.f32.msk $0xffff, v0;
	s23 =	sshra.s32 s25, $0x2;
	s25 =	sadd.s32 $0x400, s25  }
0xfc: {  	[tilespmem:s23+$0xF8F0] =	vst.add.f32.msk $0xffff, v7  }
0xfd: {  	[tilespmem:s23+$0xF800] =	vst.add.f32.msk $0xffff, v2  }
0xfe: {  	[tilespmem:s23+$0xF810] =	vst.add.f32.msk $0xffff, v3  }
0xff: {  	[tilespmem:s23+$0xF820] =	vst.add.f32.msk $0xffff, v4  }
0x100: {  	[tilespmem:s23+$0xF830] =	vst.add.f32.msk $0xffff, v5  }
0x101: {  	[tilespmem:s23+$0xF840] =	vst.add.f32.msk $0xffff, v6  }
0x102: {  	[tilespmem:s23+$0xF850] =	vst.add.f32.msk $0xffff, v1  }
0x103: {  	[tilespmem:s23+$0xF860] =	vst.add.f32.msk $0xffff, v0  }
0x104: {  	[tilespmem:s23+$0xF870] =	vst.add.f32.msk $0xffff, v7  }
0x105: {  	[tilespmem:s23+$0xF880] =	vst.add.f32.msk $0xffff, v2  }
0x106: {  	[tilespmem:s23+$0xF890] =	vst.add.f32.msk $0xffff, v3  }
0x107: {  	[tilespmem:s23+$0xF8A0] =	vst.add.f32.msk $0xffff, v4  }
0x108: {  	[tilespmem:s23+$0xF8B0] =	vst.add.f32.msk $0xffff, v5  }
0x109: {  	[tilespmem:s23+$0xF8C0] =	vst.add.f32.msk $0xffff, v6;
	s21 =	sshll.u32 s21, $0xA  }
0x10a: {  	[tilespmem:s23+$0xF8D0] =	vst.add.f32.msk $0xffff, v1;
	s21 =	sand.u32 $0x1FFFFC00, s21  }
0x10b: {  	[tilespmem:s23+$0xF8E0] =	vst.add.f32.msk $0xffff, v0;
	s29 =	simm.s32 $0x0;
	s25 =	simm.s32 $0xF800;
	s21 =	sadd.s32 s3, s21  }
0x10c: {  	[hbm4b:s21+s29] =	stream.linear.scatter [tilespmem:s25], [sflag:$0xE], $0x2000, $0x38;
	[tilespmem:$0x1D800] =	vst v63  }
0x10d: {  	s19 =	sadd.s32 s7, s19;
	_ =	swait.ge [sflag:s5], $0x2000  }
0x10e: {  	s30 =	sshll.u32 s19, $0x3;
	[sflag:s5] =	ssyncset.done $0x0  }
0x10f: {  	s21 =	sand.u32 $0x7FFFFF80, s30;
	[sflag:s5] =	ssyncadd.s32 $0xFFFFE000  }
0x110: {  	v2 =	vld [tilespmem:s21+$0x3400]  }
0x111: {  	v3 =	vld [tilespmem:s21+$0x3410]  }
0x112: {  	v4 =	vld [tilespmem:s21+$0x3420]  }
0x113: {  	v7 =	vld [tilespmem:s21+$0x3470]  }
0x114: {  	v5 =	vld [tilespmem:s21+$0x3430]  }
0x115: {  	v6 =	vld [tilespmem:s21+$0x3440]  }
0x116: {  	v1 =	vld [tilespmem:s21+$0x3450]  }
0x117: {  	s23 =	simm.s32 $0x400;
	v0 =	vld [tilespmem:s21+$0x3460];
	s21 =	simm.s32 $0x0  }
.LBB2_14:
0x118: {  	p0 =	sne.s32 s23, $0x7C00;
	[tilespmem:s21+$0x118F0] =	vst.add.f32.msk $0xffff, v7  }
0x119: {  	[tilespmem:s21+$0x11800] =	vst.add.f32.msk $0xffff, v2  }
0x11a: {  	[tilespmem:s21+$0x11810] =	vst.add.f32.msk $0xffff, v3  }
0x11b: {  	[tilespmem:s21+$0x11820] =	vst.add.f32.msk $0xffff, v4  }
0x11c: {  	[tilespmem:s21+$0x11830] =	vst.add.f32.msk $0xffff, v5  }
0x11d: {  	[tilespmem:s21+$0x11840] =	vst.add.f32.msk $0xffff, v6  }
0x11e: {  	[tilespmem:s21+$0x11850] =	vst.add.f32.msk $0xffff, v1  }
0x11f: {  	[tilespmem:s21+$0x11860] =	vst.add.f32.msk $0xffff, v0  }
0x120: {  	[tilespmem:s21+$0x11870] =	vst.add.f32.msk $0xffff, v7  }
0x121: {  	[tilespmem:s21+$0x11880] =	vst.add.f32.msk $0xffff, v2  }
0x122: {  	[tilespmem:s21+$0x11890] =	vst.add.f32.msk $0xffff, v3  }
.Ltmp6:
0x123: {  	[tilespmem:s21+$0x118A0] =	vst.add.f32.msk $0xffff, v4;
	(pc) =	sbr.rel @p0 .LBB2_14-.Ltmp6, $4  }
0x124: {  	[tilespmem:s21+$0x118B0] =	vst.add.f32.msk $0xffff, v5  }
0x125: {  	[tilespmem:s21+$0x118C0] =	vst.add.f32.msk $0xffff, v6  }
0x126: {  	[tilespmem:s21+$0x118D0] =	vst.add.f32.msk $0xffff, v1  }
0x127: {  	[tilespmem:s21+$0x118E0] =	vst.add.f32.msk $0xffff, v0;
	s21 =	sshra.s32 s23, $0x2;
	s23 =	sadd.s32 $0x400, s23  }
0x128: {  	[tilespmem:s21+$0x118F0] =	vst.add.f32.msk $0xffff, v7  }
0x129: {  	[tilespmem:s21+$0x11800] =	vst.add.f32.msk $0xffff, v2  }
0x12a: {  	[tilespmem:s21+$0x11810] =	vst.add.f32.msk $0xffff, v3  }
0x12b: {  	[tilespmem:s21+$0x11820] =	vst.add.f32.msk $0xffff, v4  }
0x12c: {  	[tilespmem:s21+$0x11830] =	vst.add.f32.msk $0xffff, v5  }
0x12d: {  	[tilespmem:s21+$0x11840] =	vst.add.f32.msk $0xffff, v6  }
0x12e: {  	[tilespmem:s21+$0x11850] =	vst.add.f32.msk $0xffff, v1  }
0x12f: {  	[tilespmem:s21+$0x11860] =	vst.add.f32.msk $0xffff, v0  }
0x130: {  	[tilespmem:s21+$0x11870] =	vst.add.f32.msk $0xffff, v7  }
0x131: {  	[tilespmem:s21+$0x11880] =	vst.add.f32.msk $0xffff, v2  }
0x132: {  	[tilespmem:s21+$0x11890] =	vst.add.f32.msk $0xffff, v3  }
0x133: {  	[tilespmem:s21+$0x118A0] =	vst.add.f32.msk $0xffff, v4  }
0x134: {  	[tilespmem:s21+$0x118B0] =	vst.add.f32.msk $0xffff, v5  }
0x135: {  	[tilespmem:s21+$0x118C0] =	vst.add.f32.msk $0xffff, v6;
	s19 =	sshll.u32 s19, $0xA  }
0x136: {  	[tilespmem:s21+$0x118D0] =	vst.add.f32.msk $0xffff, v1;
	s19 =	sand.u32 $0x1FFFF800, s19  }
0x137: {  	[tilespmem:s21+$0x118E0] =	vst.add.f32.msk $0xffff, v0;
	s29 =	simm.s32 $0x0;
	s23 =	simm.s32 $0x11800;
	s19 =	sadd.s32 s3, s19  }
0x138: {  	[hbm4b:s19+s29] =	stream.linear.scatter [tilespmem:s23], [sflag:$0xF], $0x2000, $0x38;
	[tilespmem:$0x1D800] =	vst v63  }
0x139: {  	s19 =	sadd.s32 s7, s26;
	_ =	swait.ge [sflag:s6], $0x2000  }
0x13a: {  	s30 =	sshll.u32 s19, $0x3;
	[sflag:s6] =	ssyncset.done $0x0  }
0x13b: {  	s21 =	sand.u32 $0x7FFFFF80, s30;
	[sflag:s6] =	ssyncadd.s32 $0xFFFFE000  }
0x13c: {  	v2 =	vld [tilespmem:s21+$0x3400]  }
0x13d: {  	v3 =	vld [tilespmem:s21+$0x3410]  }
0x13e: {  	v4 =	vld [tilespmem:s21+$0x3420]  }
0x13f: {  	v7 =	vld [tilespmem:s21+$0x3470]  }
0x140: {  	v5 =	vld [tilespmem:s21+$0x3430]  }
0x141: {  	v6 =	vld [tilespmem:s21+$0x3440]  }
0x142: {  	v1 =	vld [tilespmem:s21+$0x3450]  }
0x143: {  	s23 =	simm.s32 $0x400;
	v0 =	vld [tilespmem:s21+$0x3460];
	s21 =	simm.s32 $0x0  }
.LBB2_16:
0x144: {  	p0 =	sne.s32 s23, $0x7C00;
	[tilespmem:s21+$0x138F0] =	vst.add.f32.msk $0xffff, v7  }
0x145: {  	[tilespmem:s21+$0x13800] =	vst.add.f32.msk $0xffff, v2  }
0x146: {  	[tilespmem:s21+$0x13810] =	vst.add.f32.msk $0xffff, v3  }
0x147: {  	[tilespmem:s21+$0x13820] =	vst.add.f32.msk $0xffff, v4  }
0x148: {  	[tilespmem:s21+$0x13830] =	vst.add.f32.msk $0xffff, v5  }
0x149: {  	[tilespmem:s21+$0x13840] =	vst.add.f32.msk $0xffff, v6  }
0x14a: {  	[tilespmem:s21+$0x13850] =	vst.add.f32.msk $0xffff, v1  }
0x14b: {  	[tilespmem:s21+$0x13860] =	vst.add.f32.msk $0xffff, v0  }
0x14c: {  	[tilespmem:s21+$0x13870] =	vst.add.f32.msk $0xffff, v7  }
0x14d: {  	[tilespmem:s21+$0x13880] =	vst.add.f32.msk $0xffff, v2  }
0x14e: {  	[tilespmem:s21+$0x13890] =	vst.add.f32.msk $0xffff, v3  }
.Ltmp7:
0x14f: {  	[tilespmem:s21+$0x138A0] =	vst.add.f32.msk $0xffff, v4;
	(pc) =	sbr.rel @p0 .LBB2_16-.Ltmp7, $4  }
0x150: {  	[tilespmem:s21+$0x138B0] =	vst.add.f32.msk $0xffff, v5  }
0x151: {  	[tilespmem:s21+$0x138C0] =	vst.add.f32.msk $0xffff, v6  }
0x152: {  	[tilespmem:s21+$0x138D0] =	vst.add.f32.msk $0xffff, v1  }
0x153: {  	[tilespmem:s21+$0x138E0] =	vst.add.f32.msk $0xffff, v0;
	s21 =	sshra.s32 s23, $0x2;
	s23 =	sadd.s32 $0x400, s23  }
0x154: {  	[tilespmem:s21+$0x138F0] =	vst.add.f32.msk $0xffff, v7  }
0x155: {  	[tilespmem:s21+$0x13800] =	vst.add.f32.msk $0xffff, v2  }
0x156: {  	[tilespmem:s21+$0x13810] =	vst.add.f32.msk $0xffff, v3  }
0x157: {  	[tilespmem:s21+$0x13820] =	vst.add.f32.msk $0xffff, v4  }
0x158: {  	[tilespmem:s21+$0x13830] =	vst.add.f32.msk $0xffff, v5  }
0x159: {  	[tilespmem:s21+$0x13840] =	vst.add.f32.msk $0xffff, v6  }
0x15a: {  	[tilespmem:s21+$0x13850] =	vst.add.f32.msk $0xffff, v1  }
0x15b: {  	[tilespmem:s21+$0x13860] =	vst.add.f32.msk $0xffff, v0  }
0x15c: {  	[tilespmem:s21+$0x13870] =	vst.add.f32.msk $0xffff, v7  }
0x15d: {  	[tilespmem:s21+$0x13880] =	vst.add.f32.msk $0xffff, v2  }
0x15e: {  	[tilespmem:s21+$0x13890] =	vst.add.f32.msk $0xffff, v3  }
0x15f: {  	[tilespmem:s21+$0x138A0] =	vst.add.f32.msk $0xffff, v4  }
0x160: {  	[tilespmem:s21+$0x138B0] =	vst.add.f32.msk $0xffff, v5  }
0x161: {  	[tilespmem:s21+$0x138C0] =	vst.add.f32.msk $0xffff, v6;
	s19 =	sshll.u32 s19, $0xA  }
0x162: {  	[tilespmem:s21+$0x138D0] =	vst.add.f32.msk $0xffff, v1;
	s19 =	sand.u32 $0x1FFFFC00, s19  }
0x163: {  	[tilespmem:s21+$0x138E0] =	vst.add.f32.msk $0xffff, v0;
	s29 =	simm.s32 $0x0;
	s23 =	simm.s32 $0x13800;
	s19 =	sadd.s32 s3, s19  }
0x164: {  	[hbm4b:s19+s29] =	stream.linear.scatter [tilespmem:s23], [sflag:$0x10], $0x2000, $0x38;
	[tilespmem:$0x1D800] =	vst v63  }
0x165: {  	s17 =	sadd.s32 s7, s17;
	_ =	swait.ge [sflag:s8], $0x2000  }
0x166: {  	s30 =	sshll.u32 s17, $0x3;
	[sflag:s8] =	ssyncset.done $0x0  }
0x167: {  	s19 =	sand.u32 $0x7FFFFF80, s30;
	[sflag:s8] =	ssyncadd.s32 $0xFFFFE000  }
0x168: {  	v2 =	vld [tilespmem:s19+$0x3400]  }
0x169: {  	v3 =	vld [tilespmem:s19+$0x3410]  }
0x16a: {  	v4 =	vld [tilespmem:s19+$0x3420]  }
0x16b: {  	v7 =	vld [tilespmem:s19+$0x3470]  }
0x16c: {  	v5 =	vld [tilespmem:s19+$0x3430]  }
0x16d: {  	v6 =	vld [tilespmem:s19+$0x3440]  }
0x16e: {  	v1 =	vld [tilespmem:s19+$0x3450]  }
0x16f: {  	s21 =	simm.s32 $0x400;
	v0 =	vld [tilespmem:s19+$0x3460];
	s19 =	simm.s32 $0x0  }
.LBB2_18:
0x170: {  	p0 =	sne.s32 s21, $0x7C00;
	[tilespmem:s19+$0x158F0] =	vst.add.f32.msk $0xffff, v7  }
0x171: {  	[tilespmem:s19+$0x15800] =	vst.add.f32.msk $0xffff, v2  }
0x172: {  	[tilespmem:s19+$0x15810] =	vst.add.f32.msk $0xffff, v3  }
0x173: {  	[tilespmem:s19+$0x15820] =	vst.add.f32.msk $0xffff, v4  }
0x174: {  	[tilespmem:s19+$0x15830] =	vst.add.f32.msk $0xffff, v5  }
0x175: {  	[tilespmem:s19+$0x15840] =	vst.add.f32.msk $0xffff, v6  }
0x176: {  	[tilespmem:s19+$0x15850] =	vst.add.f32.msk $0xffff, v1  }
0x177: {  	[tilespmem:s19+$0x15860] =	vst.add.f32.msk $0xffff, v0  }
0x178: {  	[tilespmem:s19+$0x15870] =	vst.add.f32.msk $0xffff, v7  }
0x179: {  	[tilespmem:s19+$0x15880] =	vst.add.f32.msk $0xffff, v2  }
0x17a: {  	[tilespmem:s19+$0x15890] =	vst.add.f32.msk $0xffff, v3  }
.Ltmp8:
0x17b: {  	[tilespmem:s19+$0x158A0] =	vst.add.f32.msk $0xffff, v4;
	(pc) =	sbr.rel @p0 .LBB2_18-.Ltmp8, $4  }
0x17c: {  	[tilespmem:s19+$0x158B0] =	vst.add.f32.msk $0xffff, v5  }
0x17d: {  	[tilespmem:s19+$0x158C0] =	vst.add.f32.msk $0xffff, v6  }
0x17e: {  	[tilespmem:s19+$0x158D0] =	vst.add.f32.msk $0xffff, v1  }
0x17f: {  	[tilespmem:s19+$0x158E0] =	vst.add.f32.msk $0xffff, v0;
	s19 =	sshra.s32 s21, $0x2;
	s21 =	sadd.s32 $0x400, s21  }
0x180: {  	[tilespmem:s19+$0x158F0] =	vst.add.f32.msk $0xffff, v7  }
0x181: {  	[tilespmem:s19+$0x15800] =	vst.add.f32.msk $0xffff, v2  }
0x182: {  	[tilespmem:s19+$0x15810] =	vst.add.f32.msk $0xffff, v3  }
0x183: {  	[tilespmem:s19+$0x15820] =	vst.add.f32.msk $0xffff, v4  }
0x184: {  	[tilespmem:s19+$0x15830] =	vst.add.f32.msk $0xffff, v5  }
0x185: {  	[tilespmem:s19+$0x15840] =	vst.add.f32.msk $0xffff, v6  }
0x186: {  	[tilespmem:s19+$0x15850] =	vst.add.f32.msk $0xffff, v1  }
0x187: {  	[tilespmem:s19+$0x15860] =	vst.add.f32.msk $0xffff, v0  }
0x188: {  	[tilespmem:s19+$0x15870] =	vst.add.f32.msk $0xffff, v7  }
0x189: {  	[tilespmem:s19+$0x15880] =	vst.add.f32.msk $0xffff, v2  }
0x18a: {  	[tilespmem:s19+$0x15890] =	vst.add.f32.msk $0xffff, v3  }
0x18b: {  	[tilespmem:s19+$0x158A0] =	vst.add.f32.msk $0xffff, v4  }
0x18c: {  	[tilespmem:s19+$0x158B0] =	vst.add.f32.msk $0xffff, v5  }
0x18d: {  	[tilespmem:s19+$0x158C0] =	vst.add.f32.msk $0xffff, v6;
	s17 =	sshll.u32 s17, $0xA  }
0x18e: {  	[tilespmem:s19+$0x158D0] =	vst.add.f32.msk $0xffff, v1;
	s17 =	sand.u32 $0x1FFFF800, s17  }
0x18f: {  	[tilespmem:s19+$0x158E0] =	vst.add.f32.msk $0xffff, v0;
	s29 =	simm.s32 $0x0;
	s21 =	simm.s32 $0x15800;
	s17 =	sadd.s32 s3, s17  }
0x190: {  	[hbm4b:s17+s29] =	stream.linear.scatter [tilespmem:s21], [sflag:$0x11], $0x2000, $0x38;
	[tilespmem:$0x1D800] =	vst v63  }
0x191: {  	s17 =	sadd.s32 s7, s24;
	_ =	swait.ge [sflag:s9], $0x2000  }
0x192: {  	s30 =	sshll.u32 s17, $0x3;
	[sflag:s9] =	ssyncset.done $0x0  }
0x193: {  	s19 =	sand.u32 $0x7FFFFF80, s30;
	[sflag:s9] =	ssyncadd.s32 $0xFFFFE000  }
0x194: {  	v2 =	vld [tilespmem:s19+$0x3400]  }
0x195: {  	v3 =	vld [tilespmem:s19+$0x3410]  }
0x196: {  	v4 =	vld [tilespmem:s19+$0x3420]  }
0x197: {  	v7 =	vld [tilespmem:s19+$0x3470]  }
0x198: {  	v5 =	vld [tilespmem:s19+$0x3430]  }
0x199: {  	v6 =	vld [tilespmem:s19+$0x3440]  }
0x19a: {  	v1 =	vld [tilespmem:s19+$0x3450]  }
0x19b: {  	s21 =	simm.s32 $0x400;
	v0 =	vld [tilespmem:s19+$0x3460];
	s19 =	simm.s32 $0x0  }
.LBB2_20:
0x19c: {  	p0 =	sne.s32 s21, $0x7C00;
	[tilespmem:s19+$0x178F0] =	vst.add.f32.msk $0xffff, v7  }
0x19d: {  	[tilespmem:s19+$0x17800] =	vst.add.f32.msk $0xffff, v2  }
0x19e: {  	[tilespmem:s19+$0x17810] =	vst.add.f32.msk $0xffff, v3  }
0x19f: {  	[tilespmem:s19+$0x17820] =	vst.add.f32.msk $0xffff, v4  }
0x1a0: {  	[tilespmem:s19+$0x17830] =	vst.add.f32.msk $0xffff, v5  }
0x1a1: {  	[tilespmem:s19+$0x17840] =	vst.add.f32.msk $0xffff, v6  }
0x1a2: {  	[tilespmem:s19+$0x17850] =	vst.add.f32.msk $0xffff, v1  }
0x1a3: {  	[tilespmem:s19+$0x17860] =	vst.add.f32.msk $0xffff, v0  }
0x1a4: {  	[tilespmem:s19+$0x17870] =	vst.add.f32.msk $0xffff, v7  }
0x1a5: {  	[tilespmem:s19+$0x17880] =	vst.add.f32.msk $0xffff, v2  }
0x1a6: {  	[tilespmem:s19+$0x17890] =	vst.add.f32.msk $0xffff, v3  }
.Ltmp9:
0x1a7: {  	[tilespmem:s19+$0x178A0] =	vst.add.f32.msk $0xffff, v4;
	(pc) =	sbr.rel @p0 .LBB2_20-.Ltmp9, $4  }
0x1a8: {  	[tilespmem:s19+$0x178B0] =	vst.add.f32.msk $0xffff, v5  }
0x1a9: {  	[tilespmem:s19+$0x178C0] =	vst.add.f32.msk $0xffff, v6  }
0x1aa: {  	[tilespmem:s19+$0x178D0] =	vst.add.f32.msk $0xffff, v1  }
0x1ab: {  	[tilespmem:s19+$0x178E0] =	vst.add.f32.msk $0xffff, v0;
	s19 =	sshra.s32 s21, $0x2;
	s21 =	sadd.s32 $0x400, s21  }
0x1ac: {  	[tilespmem:s19+$0x178F0] =	vst.add.f32.msk $0xffff, v7  }
0x1ad: {  	[tilespmem:s19+$0x17800] =	vst.add.f32.msk $0xffff, v2  }
0x1ae: {  	[tilespmem:s19+$0x17810] =	vst.add.f32.msk $0xffff, v3  }
0x1af: {  	[tilespmem:s19+$0x17820] =	vst.add.f32.msk $0xffff, v4  }
0x1b0: {  	[tilespmem:s19+$0x17830] =	vst.add.f32.msk $0xffff, v5  }
0x1b1: {  	[tilespmem:s19+$0x17840] =	vst.add.f32.msk $0xffff, v6  }
0x1b2: {  	[tilespmem:s19+$0x17850] =	vst.add.f32.msk $0xffff, v1  }
0x1b3: {  	[tilespmem:s19+$0x17860] =	vst.add.f32.msk $0xffff, v0  }
0x1b4: {  	[tilespmem:s19+$0x17870] =	vst.add.f32.msk $0xffff, v7  }
0x1b5: {  	[tilespmem:s19+$0x17880] =	vst.add.f32.msk $0xffff, v2  }
0x1b6: {  	[tilespmem:s19+$0x17890] =	vst.add.f32.msk $0xffff, v3  }
0x1b7: {  	[tilespmem:s19+$0x178A0] =	vst.add.f32.msk $0xffff, v4  }
0x1b8: {  	[tilespmem:s19+$0x178B0] =	vst.add.f32.msk $0xffff, v5  }
0x1b9: {  	[tilespmem:s19+$0x178C0] =	vst.add.f32.msk $0xffff, v6;
	s17 =	sshll.u32 s17, $0xA  }
0x1ba: {  	[tilespmem:s19+$0x178D0] =	vst.add.f32.msk $0xffff, v1;
	s17 =	sand.u32 $0x1FFFFC00, s17  }
0x1bb: {  	[tilespmem:s19+$0x178E0] =	vst.add.f32.msk $0xffff, v0;
	s29 =	simm.s32 $0x0;
	s21 =	simm.s32 $0x17800;
	s17 =	sadd.s32 s3, s17  }
0x1bc: {  	[hbm4b:s17+s29] =	stream.linear.scatter [tilespmem:s21], [sflag:$0x12], $0x2000, $0x38;
	[tilespmem:$0x1D800] =	vst v63  }
0x1bd: {  	s17 =	sadd.s32 s7, s22;
	_ =	swait.ge [sflag:s13], $0x2000  }
0x1be: {  	s30 =	sshll.u32 s17, $0x3;
	[sflag:s13] =	ssyncset.done $0x0  }
0x1bf: {  	s19 =	sand.u32 $0x7FFFFF80, s30;
	[sflag:s13] =	ssyncadd.s32 $0xFFFFE000  }
0x1c0: {  	v2 =	vld [tilespmem:s19+$0x3400]  }
0x1c1: {  	v3 =	vld [tilespmem:s19+$0x3410]  }
0x1c2: {  	v4 =	vld [tilespmem:s19+$0x3420]  }
0x1c3: {  	v7 =	vld [tilespmem:s19+$0x3470]  }
0x1c4: {  	v5 =	vld [tilespmem:s19+$0x3430]  }
0x1c5: {  	v6 =	vld [tilespmem:s19+$0x3440]  }
0x1c6: {  	v1 =	vld [tilespmem:s19+$0x3450]  }
0x1c7: {  	s21 =	simm.s32 $0x400;
	v0 =	vld [tilespmem:s19+$0x3460];
	s19 =	simm.s32 $0x0  }
.LBB2_22:
0x1c8: {  	p0 =	sne.s32 s21, $0x7C00;
	[tilespmem:s19+$0x198F0] =	vst.add.f32.msk $0xffff, v7  }
0x1c9: {  	[tilespmem:s19+$0x19800] =	vst.add.f32.msk $0xffff, v2  }
0x1ca: {  	[tilespmem:s19+$0x19810] =	vst.add.f32.msk $0xffff, v3  }
0x1cb: {  	[tilespmem:s19+$0x19820] =	vst.add.f32.msk $0xffff, v4  }
0x1cc: {  	[tilespmem:s19+$0x19830] =	vst.add.f32.msk $0xffff, v5  }
0x1cd: {  	[tilespmem:s19+$0x19840] =	vst.add.f32.msk $0xffff, v6  }
0x1ce: {  	[tilespmem:s19+$0x19850] =	vst.add.f32.msk $0xffff, v1  }
0x1cf: {  	[tilespmem:s19+$0x19860] =	vst.add.f32.msk $0xffff, v0  }
0x1d0: {  	[tilespmem:s19+$0x19870] =	vst.add.f32.msk $0xffff, v7  }
0x1d1: {  	[tilespmem:s19+$0x19880] =	vst.add.f32.msk $0xffff, v2  }
0x1d2: {  	[tilespmem:s19+$0x19890] =	vst.add.f32.msk $0xffff, v3  }
.Ltmp10:
0x1d3: {  	[tilespmem:s19+$0x198A0] =	vst.add.f32.msk $0xffff, v4;
	(pc) =	sbr.rel @p0 .LBB2_22-.Ltmp10, $4  }
0x1d4: {  	[tilespmem:s19+$0x198B0] =	vst.add.f32.msk $0xffff, v5  }
0x1d5: {  	[tilespmem:s19+$0x198C0] =	vst.add.f32.msk $0xffff, v6  }
0x1d6: {  	[tilespmem:s19+$0x198D0] =	vst.add.f32.msk $0xffff, v1  }
0x1d7: {  	[tilespmem:s19+$0x198E0] =	vst.add.f32.msk $0xffff, v0;
	s19 =	sshra.s32 s21, $0x2;
	s21 =	sadd.s32 $0x400, s21  }
0x1d8: {  	[tilespmem:s19+$0x198F0] =	vst.add.f32.msk $0xffff, v7  }
0x1d9: {  	[tilespmem:s19+$0x19800] =	vst.add.f32.msk $0xffff, v2  }
0x1da: {  	[tilespmem:s19+$0x19810] =	vst.add.f32.msk $0xffff, v3  }
0x1db: {  	[tilespmem:s19+$0x19820] =	vst.add.f32.msk $0xffff, v4  }
0x1dc: {  	[tilespmem:s19+$0x19830] =	vst.add.f32.msk $0xffff, v5  }
0x1dd: {  	[tilespmem:s19+$0x19840] =	vst.add.f32.msk $0xffff, v6  }
0x1de: {  	[tilespmem:s19+$0x19850] =	vst.add.f32.msk $0xffff, v1  }
0x1df: {  	[tilespmem:s19+$0x19860] =	vst.add.f32.msk $0xffff, v0  }
0x1e0: {  	[tilespmem:s19+$0x19870] =	vst.add.f32.msk $0xffff, v7  }
0x1e1: {  	[tilespmem:s19+$0x19880] =	vst.add.f32.msk $0xffff, v2  }
0x1e2: {  	[tilespmem:s19+$0x19890] =	vst.add.f32.msk $0xffff, v3  }
0x1e3: {  	[tilespmem:s19+$0x198A0] =	vst.add.f32.msk $0xffff, v4  }
0x1e4: {  	[tilespmem:s19+$0x198B0] =	vst.add.f32.msk $0xffff, v5  }
0x1e5: {  	[tilespmem:s19+$0x198C0] =	vst.add.f32.msk $0xffff, v6;
	s17 =	sshll.u32 s17, $0xA  }
0x1e6: {  	[tilespmem:s19+$0x198D0] =	vst.add.f32.msk $0xffff, v1;
	s17 =	sand.u32 $0x1FFFF800, s17  }
0x1e7: {  	[tilespmem:s19+$0x198E0] =	vst.add.f32.msk $0xffff, v0;
	s29 =	simm.s32 $0x0;
	s21 =	simm.s32 $0x19800;
	s17 =	sadd.s32 s3, s17  }
0x1e8: {  	[hbm4b:s17+s29] =	stream.linear.scatter [tilespmem:s21], [sflag:$0x13], $0x2000, $0x38;
	[tilespmem:$0x1D800] =	vst v63  }
0x1e9: {  	s17 =	sadd.s32 s7, s20;
	_ =	swait.ge [sflag:s15], $0x2000  }
0x1ea: {  	s30 =	sshll.u32 s17, $0x3;
	[sflag:s15] =	ssyncset.done $0x0  }
0x1eb: {  	s19 =	sand.u32 $0x7FFFFF80, s30;
	[sflag:s15] =	ssyncadd.s32 $0xFFFFE000  }
0x1ec: {  	v2 =	vld [tilespmem:s19+$0x3400]  }
0x1ed: {  	v3 =	vld [tilespmem:s19+$0x3410]  }
0x1ee: {  	v4 =	vld [tilespmem:s19+$0x3420]  }
0x1ef: {  	v7 =	vld [tilespmem:s19+$0x3470]  }
0x1f0: {  	v5 =	vld [tilespmem:s19+$0x3430]  }
0x1f1: {  	v6 =	vld [tilespmem:s19+$0x3440]  }
0x1f2: {  	v1 =	vld [tilespmem:s19+$0x3450]  }
0x1f3: {  	s20 =	simm.s32 $0x400;
	v0 =	vld [tilespmem:s19+$0x3460];
	s19 =	simm.s32 $0x0  }
.LBB2_24:
0x1f4: {  	p0 =	sne.s32 s20, $0x7C00;
	[tilespmem:s19+$0x1B8F0] =	vst.add.f32.msk $0xffff, v7  }
0x1f5: {  	[tilespmem:s19+$0x1B800] =	vst.add.f32.msk $0xffff, v2  }
0x1f6: {  	[tilespmem:s19+$0x1B810] =	vst.add.f32.msk $0xffff, v3  }
0x1f7: {  	[tilespmem:s19+$0x1B820] =	vst.add.f32.msk $0xffff, v4  }
0x1f8: {  	[tilespmem:s19+$0x1B830] =	vst.add.f32.msk $0xffff, v5  }
0x1f9: {  	[tilespmem:s19+$0x1B840] =	vst.add.f32.msk $0xffff, v6  }
0x1fa: {  	[tilespmem:s19+$0x1B850] =	vst.add.f32.msk $0xffff, v1  }
0x1fb: {  	[tilespmem:s19+$0x1B860] =	vst.add.f32.msk $0xffff, v0  }
0x1fc: {  	[tilespmem:s19+$0x1B870] =	vst.add.f32.msk $0xffff, v7  }
0x1fd: {  	[tilespmem:s19+$0x1B880] =	vst.add.f32.msk $0xffff, v2  }
0x1fe: {  	[tilespmem:s19+$0x1B890] =	vst.add.f32.msk $0xffff, v3  }
.Ltmp11:
0x1ff: {  	[tilespmem:s19+$0x1B8A0] =	vst.add.f32.msk $0xffff, v4;
	(pc) =	sbr.rel @p0 .LBB2_24-.Ltmp11, $4  }
0x200: {  	[tilespmem:s19+$0x1B8B0] =	vst.add.f32.msk $0xffff, v5  }
0x201: {  	[tilespmem:s19+$0x1B8C0] =	vst.add.f32.msk $0xffff, v6  }
0x202: {  	[tilespmem:s19+$0x1B8D0] =	vst.add.f32.msk $0xffff, v1  }
0x203: {  	[tilespmem:s19+$0x1B8E0] =	vst.add.f32.msk $0xffff, v0;
	s19 =	sshra.s32 s20, $0x2;
	s20 =	sadd.s32 $0x400, s20  }
0x204: {  	[tilespmem:s19+$0x1B8F0] =	vst.add.f32.msk $0xffff, v7  }
0x205: {  	[tilespmem:s19+$0x1B800] =	vst.add.f32.msk $0xffff, v2  }
0x206: {  	[tilespmem:s19+$0x1B810] =	vst.add.f32.msk $0xffff, v3  }
0x207: {  	[tilespmem:s19+$0x1B820] =	vst.add.f32.msk $0xffff, v4  }
0x208: {  	[tilespmem:s19+$0x1B830] =	vst.add.f32.msk $0xffff, v5  }
0x209: {  	[tilespmem:s19+$0x1B840] =	vst.add.f32.msk $0xffff, v6  }
0x20a: {  	[tilespmem:s19+$0x1B850] =	vst.add.f32.msk $0xffff, v1  }
0x20b: {  	[tilespmem:s19+$0x1B860] =	vst.add.f32.msk $0xffff, v0  }
0x20c: {  	[tilespmem:s19+$0x1B870] =	vst.add.f32.msk $0xffff, v7  }
0x20d: {  	[tilespmem:s19+$0x1B880] =	vst.add.f32.msk $0xffff, v2  }
0x20e: {  	[tilespmem:s19+$0x1B890] =	vst.add.f32.msk $0xffff, v3;
	s18 =	sadd.s32 $0x1, s18  }
0x20f: {  	[tilespmem:s19+$0x1B8A0] =	vst.add.f32.msk $0xffff, v4;
	p0 =	sne.s32 s18, $0xA  }
.Ltmp12:
0x210: {  	[tilespmem:s19+$0x1B8B0] =	vst.add.f32.msk $0xffff, v5;
	(pc) =	sbr.rel @p0 .LBB2_2-.Ltmp12, $4  }
0x211: {  	[tilespmem:s19+$0x1B8C0] =	vst.add.f32.msk $0xffff, v6;
	s17 =	sshll.u32 s17, $0xA  }
0x212: {  	[tilespmem:s19+$0x1B8D0] =	vst.add.f32.msk $0xffff, v1;
	s17 =	sand.u32 $0x1FFFFC00, s17  }
0x213: {  	[tilespmem:s19+$0x1B8E0] =	vst.add.f32.msk $0xffff, v0;
	s30 =	simm.s32 $0x0;
	s20 =	simm.s32 $0x1B800;
	s17 =	sadd.s32 s3, s17  }
0x214: {  	[hbm4b:s17+s30] =	stream.linear.scatter [tilespmem:s20], [sflag:$0x14], $0x2000, $0x38;
	[tilespmem:$0x1D800] =	vst v63  }
0x215: {  	s17 =	simm.s32 $0xB  }
0x216: {  	_ =	swait.ge [sflag:s17], $0x2000  }
0x217: {  	[sflag:s17] =	ssyncset.done $0x0  }
0x218: {  	s22 =	simm.s32 $0xC;
	[sflag:s17] =	ssyncadd.s32 $0xFFFFE000  }
0x219: {  	_ =	swait.ge [sflag:s22], $0x2000  }
0x21a: {  	[sflag:s22] =	ssyncset.done $0x0  }
0x21b: {  	s23 =	simm.s32 $0xD;
	[sflag:s22] =	ssyncadd.s32 $0xFFFFE000  }
0x21c: {  	_ =	swait.ge [sflag:s23], $0x2000  }
0x21d: {  	[sflag:s23] =	ssyncset.done $0x0  }
0x21e: {  	s24 =	simm.s32 $0xE;
	[sflag:s23] =	ssyncadd.s32 $0xFFFFE000  }
0x21f: {  	_ =	swait.ge [sflag:s24], $0x2000  }
0x220: {  	[sflag:s24] =	ssyncset.done $0x0  }
0x221: {  	s26 =	simm.s32 $0xF;
	[sflag:s24] =	ssyncadd.s32 $0xFFFFE000  }
0x222: {  	_ =	swait.ge [sflag:s26], $0x2000  }
0x223: {  	[sflag:s26] =	ssyncset.done $0x0  }
0x224: {  	s29 =	simm.s32 $0x10;
	[sflag:s26] =	ssyncadd.s32 $0xFFFFE000  }
0x225: {  	_ =	swait.ge [sflag:s29], $0x2000  }
0x226: {  	[sflag:s29] =	ssyncset.done $0x0  }
0x227: {  	[sflag:s29] =	ssyncadd.s32 $0xFFFFE000  }
0x228: {  	_ =	swait.ge [sflag:s4], $0x2000  }
0x229: {  	[sflag:s4] =	ssyncset.done $0x0  }
0x22a: {  	[sflag:s4] =	ssyncadd.s32 $0xFFFFE000  }
0x22b: {  	_ =	swait.ge [sflag:s12], $0x2000  }
0x22c: {  	[sflag:s12] =	ssyncset.done $0x0  }
0x22d: {  	[sflag:s12] =	ssyncadd.s32 $0xFFFFE000  }
0x22e: {  	_ =	swait.ge [sflag:s14], $0x2000  }
0x22f: {  	[sflag:s14] =	ssyncset.done $0x0  }
0x230: {  	[sflag:s14] =	ssyncadd.s32 $0xFFFFE000  }
0x231: {  	_ =	swait.ge [sflag:s16], $0x2000  }
0x232: {  	s18 =	rddreg [dreg:$0x7]  }
0x233: {  	s30 =	rddreg [dreg:$0x6];
	s18 =	sadd.s32 $0x1, s18  }
0x234: {  	p0 =	sne.s32 s18, s30  }
.Ltmp13:
0x235: {  	_ = 	snop;
	(pc) =	sbr.rel @p0 .LBB2_1-.Ltmp13, $3  }
0x236: {  	_ =	sdelay $0x1  }
0x237: {  	[sflag:s16] =	ssyncset.done $0x0  }
0x238: {  	[sflag:s16] =	ssyncadd.s32 $0xFFFFE000  }
0x239: {  	_ =	sfence.sel $0x180000  }
0x23a: {  	[bflag:$0x0] =	sbarrier.arrive $0xFFFF  }
0x23b: {  	_ =	strace $0x90000047  }
0x23c: {  	s0 =	stileid.u32;
	[bflag:$0x2] =	sbarrier.arrive $0xFFFF  }
0x23d: {  	p0 =	sne.s32 s0, $0x0;
	s0 =	rddreg [dreg:$0x3]  }
0x23e: {  	s0 =	sadd.s32 @!p0 $0x100000, s0  }
0x23f: {  	[sflag:s0] =	ssyncadd.tile.s32 @!p0 $0x1;
	_ =	shalt  }
.Lfunc_end2:
_tile_overlayer_lowered:
.L_overlay_start_2:
0x240: {  	(tag) =	ssettag $0x2  }
0x241: {  	s0 =	rddreg [dreg:$0x0];
	s2 =	stileid.u32  }
0x242: {  	s1 =	rddreg [dreg:$0x1];
	p0 =	sne.s32 s2, $0x0  }
0x243: {  	s3 =	rddreg [dreg:$0x2];
	[bflag:$0x3] =	sbarrier.arrive $0xFFFF;
	s2 =	simm.s32 @!p0 $0x1C15  }
0x244: {  	[timem:s3], [sflag:s2] =	dma.local @!p0 [hbm:s0], s1  }
0x245: {  	s0 =	simm.s32 @!p0 $0x15  }
0x246: {  	_ =	swait.ge @!p0 [sflag:s0], s1  }
0x247: {  	s1 =	ssub.s32 @!p0 $0x0, s1;
	[sflag:s0] =	ssyncset.done @!p0 $0x0  }
0x248: {  	[sflag:s0] =	ssyncadd.s32 @!p0 s1  }
0x249: {  	[bflag:$0x3] =	sbarrier.arrive $0xFFFF  }
0x24a: {  	_ =	shalt  }

</sc_bundles>
